<compile_context>
chip_gen: v7x
topology: tpu7x:2x2x1
jax: 0.10.2.dev20260603
libtpu: 0.0.44.dev20260713+nightly
codegen_flags: <defaults>
</compile_context>

<pallas_src>
import functools

import jax
import jax.numpy as jnp
import numpy as np
from jax import lax
from jax.experimental import pallas as pl
from jax.experimental.pallas import tpu as pltpu
from jax.experimental.pallas import tpu_sc as plsc

N = 10000
D = 128
E = 320000
NUM_R = 3
NC, NS, LANES = 2, 16, 16
NW = NC * NS
EPW = 10240
E_PAD = NW * EPW
CHUNK = 128
NCHUNK = EPW // CHUNK
NPAIR = NCHUNK // 2
NPAD = 10240
RPT = NPAD // NS
SPT = NPAD // NS

_SIGMA = np.empty((D,), np.int32)
for _l in range(4):
    for _m in range(16):
        _SIGMA[32 * _l + _m] = 32 * _l + 2 * _m
        _SIGMA[32 * _l + 16 + _m] = 32 * _l + 2 * _m + 1

_mesh = plsc.VectorSubcoreMesh(core_axis_name="c", subcore_axis_name="s")


@functools.partial(
    pl.kernel,
    out_type=(jax.ShapeDtypeStruct((NC, NPAD, D), jnp.float32),
              jax.ShapeDtypeStruct((NC, NPAD), jnp.float32)),
    mesh=_mesh,
    compiler_params=pltpu.CompilerParams(needs_layout_passes=False,
                                         use_tc_tiling_on_sc=False),
    scratch_types=[
        pltpu.VMEM_SHARED((NPAD, D), jnp.float32),
        pltpu.VMEM_SHARED((NPAD,), jnp.float32),
        [pltpu.VMEM((1, 128), jnp.int32)] * 2,
        [pltpu.VMEM((1, 128), jnp.int32)] * 2,
        [pltpu.VMEM((CHUNK,), jnp.float32)] * 2,
        [pltpu.VMEM((CHUNK, D), jnp.bfloat16)] * 2,
        pltpu.VMEM((CHUNK, D), jnp.float32),
        [pltpu.SemaphoreType.DMA] * 2,
        [pltpu.SemaphoreType.DMA] * 2,
    ],
)
def _sc_spmm(x_hbm, src_hbm, dst_hbm, vals_hbm, zrow_hbm, zvec_hbm,
             out_hbm, osum_hbm,
             acc_sh, sacc_sh, src_v, dst_v, vals_v, gbuf, sbuf, gsem, msem):
    c = lax.axis_index("c")
    s = lax.axis_index("s")
    r0 = s * RPT
    q0 = s * SPT
    pltpu.sync_copy(zrow_hbm.at[pl.ds(r0, RPT)], acc_sh.at[pl.ds(r0, RPT)])
    pltpu.sync_copy(zvec_hbm.at[pl.ds(q0, SPT)], sacc_sh.at[pl.ds(q0, SPT)])
    plsc.subcore_barrier()

    wid = c * NS + s
    row_base = wid * (EPW // 128)

    def meta_start(k, b):
        cps = (pltpu.async_copy(src_hbm.at[pl.ds(row_base + k, 1)],
                                src_v[b], msem[b]),
               pltpu.async_copy(dst_hbm.at[pl.ds(row_base + k, 1)],
                                dst_v[b], msem[b]),
               pltpu.async_copy(vals_hbm.at[pl.ds((row_base + k) * 128, CHUNK)],
                                vals_v[b], msem[b]))
        return cps

    def meta_wait(cps):
        for cp in cps:
            cp.wait()

    def gather_start(b):
        return pltpu.async_copy(x_hbm.at[src_v[b].at[0]], gbuf[b], gsem[b])

    def gather_wait(b):
        pltpu.make_async_copy(x_hbm.at[src_v[b].at[0]], gbuf[b],
                              gsem[b]).wait()

    mask_hi = jnp.full((LANES,), 0xFFFF0000, dtype=jnp.uint32)

    def scale(b):
        @functools.partial(plsc.parallel_loop, 0, CHUNK, unroll=8)
        def edge_body(t):
            vs = plsc.load_gather(vals_v[b], [lax.broadcast(t, (LANES,))])
            for l in range(4):
                g = gbuf[b][t, pl.ds(l * 32, 32)]
                raw = plsc.bitcast(g, jnp.uint32)
                f_lo = plsc.bitcast(raw << 16, jnp.float32)
                f_hi = plsc.bitcast(raw & mask_hi, jnp.float32)
                sbuf[t, pl.ds(l * 32, 16)] = f_lo * vs
                sbuf[t, pl.ds(l * 32 + 16, 16)] = f_hi * vs

    def scatter(b):
        pltpu.sync_copy(sbuf, acc_sh.at[dst_v[b].at[0]], add=True)
        pltpu.sync_copy(vals_v[b], sacc_sh.at[dst_v[b].at[0]], add=True)

    meta_wait(meta_start(0, 0))
    gather_start(0)

    def pair_body(kk, carry):
        ka = 2 * kk
        mb = meta_start(ka + 1, 1)
        gather_wait(0)
        meta_wait(mb)
        gather_start(1)
        scale(0)
        scatter(0)
        knext = lax.rem(ka + 2, NCHUNK)
        ma = meta_start(knext, 0)
        gather_wait(1)
        meta_wait(ma)
        gather_start(0)
        scale(1)
        scatter(1)
        return carry

    lax.fori_loop(0, NPAIR, pair_body, 0)
    gather_wait(0)
    plsc.subcore_barrier()
    pltpu.sync_copy(acc_sh.at[pl.ds(r0, RPT)], out_hbm.at[c, pl.ds(r0, RPT)])
    pltpu.sync_copy(sacc_sh.at[pl.ds(q0, SPT)], osum_hbm.at[c, pl.ds(q0, SPT)])


_B = 1000


def _update_body(x_ref, p0_ref, p1_ref, s0_ref, s1_ref, wproj_ref, wr_ref,
                 out_ref, outbf_ref):
    p = p0_ref[...] + p1_ref[...]
    agg = jnp.dot(p, wr_ref[...], preferred_element_type=jnp.float32)
    div = 1.0 / (s0_ref[...] + s1_ref[...] + 1.0)
    res = (jnp.dot(x_ref[...], wproj_ref[...],
                   preferred_element_type=jnp.float32) + agg * div)
    out_ref[...] = res
    outbf_ref[...] = res.astype(jnp.bfloat16)


def _tc_update(x, p, psum, wproj, wr_perm):
    s0 = psum[0, :N].reshape(N, 1)
    s1 = psum[1, :N].reshape(N, 1)
    p0 = p[0, :N]
    p1 = p[1, :N]
    blk = lambda i: (i, 0)
    return pl.pallas_call(
        _update_body,
        grid=(N // _B,),
        in_specs=[
            pl.BlockSpec((_B, D), blk),
            pl.BlockSpec((_B, D), blk),
            pl.BlockSpec((_B, D), blk),
            pl.BlockSpec((_B, 1), blk),
            pl.BlockSpec((_B, 1), blk),
            pl.BlockSpec((D, D), lambda i: (0, 0)),
            pl.BlockSpec((D, D), lambda i: (0, 0)),
        ],
        out_specs=[pl.BlockSpec((_B, D), blk), pl.BlockSpec((_B, D), blk)],
        out_shape=(jax.ShapeDtypeStruct((N, D), jnp.float32),
                   jax.ShapeDtypeStruct((N, D), jnp.bfloat16)),
    )(x, p0, p1, s0, s1, wproj, wr_perm)


def _leaky_body(u_ref, i_ref, uo_ref, io_ref):
    u = u_ref[...]
    i = i_ref[...]
    uo_ref[...] = jnp.where(u >= 0, u, 0.01 * u)
    io_ref[...] = jnp.where(i >= 0, i, 0.01 * i)


def _tc_leaky(u, i):
    blk = lambda k: (k, 0)
    return pl.pallas_call(
        _leaky_body,
        grid=(N // _B,),
        in_specs=[pl.BlockSpec((_B, D), blk), pl.BlockSpec((_B, D), blk)],
        out_specs=[pl.BlockSpec((_B, D), blk), pl.BlockSpec((_B, D), blk)],
        out_shape=(jax.ShapeDtypeStruct((N, D), jnp.float32),
                   jax.ShapeDtypeStruct((N, D), jnp.float32)),
    )(u, i)


def _pack_edges(a, two_d=True):
    a = a.reshape(NW, E // NW)
    pad = jnp.zeros((NW, EPW - E // NW), a.dtype)
    out = jnp.concatenate([a, pad], axis=1)
    return out.reshape(-1, 128) if two_d else out.reshape(-1)


def kernel(u_emb, i_emb, W_proj, Ws, rows_0, cols_0, vals_0,
           rows_1, cols_1, vals_1, rows_2, cols_2, vals_2):
    rows = [rows_0, rows_1, rows_2]
    cols = [cols_0, cols_1, cols_2]
    vals = [vals_0, vals_1, vals_2]
    rows2d = [_pack_edges(r.astype(jnp.int32)) for r in rows]
    cols2d = [_pack_edges(c.astype(jnp.int32)) for c in cols]
    vals2d = [_pack_edges(v, two_d=False) for v in vals]
    zrow = jnp.zeros((NPAD, D), jnp.float32)
    zvec = jnp.zeros((NPAD,), jnp.float32)
    sigma = jnp.asarray(_SIGMA)

    i_bf = i_emb.astype(jnp.bfloat16)
    for r in range(NUM_R):
        wr_perm = Ws[r][sigma, :]
        p, ps = _sc_spmm(i_bf, cols2d[r], rows2d[r], vals2d[r], zrow, zvec)
        u_emb, u_bf = _tc_update(u_emb, p, ps, W_proj, wr_perm)
        q, qs = _sc_spmm(u_bf, rows2d[r], cols2d[r], vals2d[r], zrow, zvec)
        i_emb, i_bf = _tc_update(i_emb, q, qs, W_proj, wr_perm)
    return _tc_leaky(u_emb, i_emb)

# --- scband reference (transcript-rebuilt; emitter-appended) ---
"""Pipeline reference for scband-rgcnconv-24790551233453 (READ-ONLY COPY).

The authoritative reference and input builder live on the scoring server;
editing this copy changes nothing except your own understanding.
"""

import jax, jax.numpy as jnp
import numpy as np

N_U = 10000
N_I = 10000
D = 128
NUM_R = 3
E = 320000


def setup_inputs(seed: int = 0) -> dict:
    key = jax.random.key(seed)
    ks = jax.random.split(key, 4 + 3 * NUM_R)
    inp = {}
    inp['u_emb'] = jax.random.normal(ks[0], (N_U, D), dtype=jnp.float32)
    inp['i_emb'] = jax.random.normal(ks[1], (N_I, D), dtype=jnp.float32)
    # learned params: project Linear (no bias) and NUM_R relation Linears (no bias)
    # stored as [in, out] so forward is x @ W (equivalent to torch x @ W.T layout)
    inp['W_proj'] = jax.random.normal(ks[2], (D, D), dtype=jnp.float32) / np.sqrt(D)
    inp['Ws'] = jax.random.normal(ks[3], (NUM_R, D, D), dtype=jnp.float32) / np.sqrt(D)
    for r in range(NUM_R):
        inp[f'rows_{r}'] = jax.random.randint(ks[4 + 3 * r], (E,), 0, N_U, dtype=jnp.int64 if jax.config.jax_enable_x64 else jnp.int32)
        inp[f'cols_{r}'] = jax.random.randint(ks[5 + 3 * r], (E,), 0, N_I, dtype=jnp.int64 if jax.config.jax_enable_x64 else jnp.int32)
        inp[f'vals_{r}'] = jax.random.uniform(ks[6 + 3 * r], (E,), dtype=jnp.float32)
    return inp


def _leaky_relu(x):
    return jnp.where(x >= 0, x, 0.01 * x)


def reference(u_emb, i_emb, W_proj, Ws,
              rows_0, cols_0, vals_0,
              rows_1, cols_1, vals_1,
              rows_2, cols_2, vals_2):
    rows = [rows_0, rows_1, rows_2]
    cols = [cols_0, cols_1, cols_2]
    vals = [vals_0, vals_1, vals_2]
    for r in range(NUM_R):
        # div_ = 1 / (sparse row-sum of mats[r] + 1)
        row_sum = jax.ops.segment_sum(vals[r], rows[r], num_segments=N_U)
        div_u = 1.0 / (row_sum[:, None] + 1.0)
        # sparse_mm(mats[r], Ws[r](i_emb)) via gather + segment_sum
        i_proj = i_emb @ Ws[r]
        msg_u = i_proj[cols[r]] * vals[r][:, None]
        agg_u = jax.ops.segment_sum(msg_u, rows[r], num_segments=N_U)
        u_emb = u_emb @ W_proj + agg_u * div_u
        # transpose direction
        col_sum = jax.ops.segment_sum(vals[r], cols[r], num_segments=N_I)
        div_i = 1.0 / (col_sum[:, None] + 1.0)
        u_proj = u_emb @ Ws[r]
        msg_i = u_proj[rows[r]] * vals[r][:, None]
        agg_i = jax.ops.segment_sum(msg_i, cols[r], num_segments=N_I)
        i_emb = i_emb @ W_proj + agg_i * div_i
    return (_leaky_relu(u_emb), _leaky_relu(i_emb))

if __name__ == "__main__":
    import jax
    _d = setup_inputs()
    print(jax.jit(kernel)(*tuple(_d.values())))

</pallas_src>

<mosaic_0001>
#map = affine_map<(d0, d1) -> (0, 0)>
#map1 = affine_map<(d0, d1) -> (0)>
#map2 = affine_map<(d0, d1) -> (0, 0, 0)>
module attributes {stable_mosaic.version = 14 : i64} {
  func.func @_sc_spmm(%arg0: i32, %arg1: i32, %arg2: memref<10000x128xbf16, #tpu.memory_space<hbm>>, %arg3: memref<2560x128xi32, #tpu.memory_space<hbm>>, %arg4: memref<2560x128xi32, #tpu.memory_space<hbm>>, %arg5: memref<327680xf32, #tpu.memory_space<hbm>>, %arg6: memref<10240x128xf32, #tpu.memory_space<hbm>>, %arg7: memref<10240xf32, #tpu.memory_space<hbm>>, %arg8: memref<2x10240x128xf32, #tpu.memory_space<hbm>>, %arg9: memref<2x10240xf32, #tpu.memory_space<hbm>>, %arg10: memref<10240x128xf32, #tpu.memory_space<vmem_shared>>, %arg11: memref<10240xf32, #tpu.memory_space<vmem_shared>>, %arg12: memref<1x128xi32, #tpu.memory_space<vmem>>, %arg13: memref<1x128xi32, #tpu.memory_space<vmem>>, %arg14: memref<1x128xi32, #tpu.memory_space<vmem>>, %arg15: memref<1x128xi32, #tpu.memory_space<vmem>>, %arg16: memref<128xf32, #tpu.memory_space<vmem>>, %arg17: memref<128xf32, #tpu.memory_space<vmem>>, %arg18: memref<128x128xbf16, #tpu.memory_space<vmem>>, %arg19: memref<128x128xbf16, #tpu.memory_space<vmem>>, %arg20: memref<128x128xf32, #tpu.memory_space<vmem>>, %arg21: memref<!tpu.dma_semaphore, #tpu.memory_space<semaphore_mem>>, %arg22: memref<!tpu.dma_semaphore, #tpu.memory_space<semaphore_mem>>, %arg23: memref<!tpu.dma_semaphore, #tpu.memory_space<semaphore_mem>>, %arg24: memref<!tpu.dma_semaphore, #tpu.memory_space<semaphore_mem>>) attributes {dimension_semantics = [#tpu.dimension_semantics<core_parallel>, #tpu.dimension_semantics<subcore_parallel>], iteration_bounds = array<i64: 2, 16>, scalar_prefetch = 0 : i64, scratch_operands = 15 : i64, tpu.core_type = #tpu.core_type<sc_vector_subcore>, window_params = [{transform_indices = #map}, {transform_indices = #map}, {transform_indices = #map}, {transform_indices = #map1}, {transform_indices = #map}, {transform_indices = #map1}, {transform_indices = #map2}, {transform_indices = #map}]} {
    %mul3A = arith.constant 640 : i32
    %mul3A_0 = arith.muli %arg1, %mul3A : i32
    %mul3A_1 = arith.constant 640 : i32
    %mul3A_2 = arith.muli %arg1, %mul3A_1 : i32
    "tpu.region"() ({
      %run_scoped3A = tpu.sem_alloc : memref<!tpu.dma_semaphore, #tpu.memory_space<semaphore_mem>>
      %dma_start3A_54 = arith.constant 0 : i32
      %dma_start3A_55 = tpu.memref_slice %arg10[%mul3A_0, %dma_start3A_54] : memref<10240x128xf32, #tpu.memory_space<vmem_shared>> -> memref<640x128xf32, #tpu.memory_space<vmem_shared>>
      %dma_start3A_56 = arith.constant 0 : i32
      %dma_start3A_57 = tpu.memref_slice %arg6[%mul3A_0, %dma_start3A_56] : memref<10240x128xf32, #tpu.memory_space<hbm>> -> memref<640x128xf32, #tpu.memory_space<hbm>>
      tpu.enqueue_dma source(%dma_start3A_57 : memref<640x128xf32, #tpu.memory_space<hbm>>) target(%dma_start3A_55 : memref<640x128xf32, #tpu.memory_space<vmem_shared>>) target_semaphore(%run_scoped3A : memref<!tpu.dma_semaphore, #tpu.memory_space<semaphore_mem>>)
      %dma_wait3A_58 = arith.constant 0 : i32
      %dma_wait3A_59 = tpu.memref_slice %arg10[%mul3A_0, %dma_wait3A_58] : memref<10240x128xf32, #tpu.memory_space<vmem_shared>> -> memref<640x128xf32, #tpu.memory_space<vmem_shared>>
      %dma_wait3A_60 = arith.constant 0 : i32
      %dma_wait3A_61 = tpu.memref_slice %arg6[%mul3A_0, %dma_wait3A_60] : memref<10240x128xf32, #tpu.memory_space<hbm>> -> memref<640x128xf32, #tpu.memory_space<hbm>>
      tpu.wait_dma2 semaphore(%run_scoped3A : memref<!tpu.dma_semaphore, #tpu.memory_space<semaphore_mem>>) src(%dma_wait3A_61 : memref<640x128xf32, #tpu.memory_space<hbm>>) dst(%dma_wait3A_59 : memref<640x128xf32, #tpu.memory_space<vmem_shared>>)
      tpu.yield
    }) : () -> ()
    "tpu.region"() ({
      %run_scoped3A = tpu.sem_alloc : memref<!tpu.dma_semaphore, #tpu.memory_space<semaphore_mem>>
      %dma_start3A_54 = tpu.memref_slice %arg11[%mul3A_2] : memref<10240xf32, #tpu.memory_space<vmem_shared>> -> memref<640xf32, #tpu.memory_space<vmem_shared>>
      %dma_start3A_55 = tpu.memref_slice %arg7[%mul3A_2] : memref<10240xf32, #tpu.memory_space<hbm>> -> memref<640xf32, #tpu.memory_space<hbm>>
      tpu.enqueue_dma source(%dma_start3A_55 : memref<640xf32, #tpu.memory_space<hbm>>) target(%dma_start3A_54 : memref<640xf32, #tpu.memory_space<vmem_shared>>) target_semaphore(%run_scoped3A : memref<!tpu.dma_semaphore, #tpu.memory_space<semaphore_mem>>)
      %dma_wait3A_56 = tpu.memref_slice %arg11[%mul3A_2] : memref<10240xf32, #tpu.memory_space<vmem_shared>> -> memref<640xf32, #tpu.memory_space<vmem_shared>>
      %dma_wait3A_57 = tpu.memref_slice %arg7[%mul3A_2] : memref<10240xf32, #tpu.memory_space<hbm>> -> memref<640xf32, #tpu.memory_space<hbm>>
      tpu.wait_dma2 semaphore(%run_scoped3A : memref<!tpu.dma_semaphore, #tpu.memory_space<semaphore_mem>>) src(%dma_wait3A_57 : memref<640xf32, #tpu.memory_space<hbm>>) dst(%dma_wait3A_56 : memref<640xf32, #tpu.memory_space<vmem_shared>>)
      tpu.yield
    }) : () -> ()
    %barrier3A = arith.constant 0 : index
    tpu.barrier barrier_id(%barrier3A)
    %mul3A_3 = arith.constant 16 : i32
    %mul3A_4 = arith.muli %arg0, %mul3A_3 : i32
    %add3A = arith.addi %mul3A_4, %arg1 : i32
    %mul3A_5 = arith.constant 80 : i32
    %mul3A_6 = arith.muli %add3A, %mul3A_5 : i32
    %broadcast_in_dim3A = arith.constant -65536 : i32
    %broadcast_in_dim3A_7 = vector.broadcast %broadcast_in_dim3A : i32 to vector<16xi32>
    %add3A_8 = arith.constant 0 : i32
    %add3A_9 = arith.addi %mul3A_6, %add3A_8 : i32
    %dma_start3A = arith.constant 0 : i32
    %dma_start3A_10 = tpu.memref_slice %arg3[%add3A_9, %dma_start3A] : memref<2560x128xi32, #tpu.memory_space<hbm>> -> memref<1x128xi32, #tpu.memory_space<hbm>>
    %dma_start3A_11 = arith.constant 0 : i32
    %dma_start3A_12 = tpu.memref_slice %arg3[%add3A_9, %dma_start3A_11] : memref<2560x128xi32, #tpu.memory_space<hbm>> -> memref<1x128xi32, #tpu.memory_space<hbm>>
    tpu.enqueue_dma source(%dma_start3A_12 : memref<1x128xi32, #tpu.memory_space<hbm>>) target(%arg12 : memref<1x128xi32, #tpu.memory_space<vmem>>) target_semaphore(%arg23 : memref<!tpu.dma_semaphore, #tpu.memory_space<semaphore_mem>>)
    %add3A_13 = arith.constant 0 : i32
    %add3A_14 = arith.addi %mul3A_6, %add3A_13 : i32
    %dma_start3A_15 = arith.constant 0 : i32
    %dma_start3A_16 = tpu.memref_slice %arg4[%add3A_14, %dma_start3A_15] : memref<2560x128xi32, #tpu.memory_space<hbm>> -> memref<1x128xi32, #tpu.memory_space<hbm>>
    %dma_start3A_17 = arith.constant 0 : i32
    %dma_start3A_18 = tpu.memref_slice %arg4[%add3A_14, %dma_start3A_17] : memref<2560x128xi32, #tpu.memory_space<hbm>> -> memref<1x128xi32, #tpu.memory_space<hbm>>
    tpu.enqueue_dma source(%dma_start3A_18 : memref<1x128xi32, #tpu.memory_space<hbm>>) target(%arg14 : memref<1x128xi32, #tpu.memory_space<vmem>>) target_semaphore(%arg23 : memref<!tpu.dma_semaphore, #tpu.memory_space<semaphore_mem>>)
    %add3A_19 = arith.constant 0 : i32
    %add3A_20 = arith.addi %mul3A_6, %add3A_19 : i32
    %mul3A_21 = arith.constant 128 : i32
    %mul3A_22 = arith.muli %add3A_20, %mul3A_21 : i32
    %dma_start3A_23 = tpu.memref_slice %arg5[%mul3A_22] : memref<327680xf32, #tpu.memory_space<hbm>> -> memref<128xf32, #tpu.memory_space<hbm>>
    %dma_start3A_24 = tpu.memref_slice %arg5[%mul3A_22] : memref<327680xf32, #tpu.memory_space<hbm>> -> memref<128xf32, #tpu.memory_space<hbm>>
    tpu.enqueue_dma source(%dma_start3A_24 : memref<128xf32, #tpu.memory_space<hbm>>) target(%arg16 : memref<128xf32, #tpu.memory_space<vmem>>) target_semaphore(%arg23 : memref<!tpu.dma_semaphore, #tpu.memory_space<semaphore_mem>>)
    %dma_wait3A = arith.constant 0 : i32
    %dma_wait3A_25 = tpu.memref_slice %arg3[%add3A_9, %dma_wait3A] : memref<2560x128xi32, #tpu.memory_space<hbm>> -> memref<1x128xi32, #tpu.memory_space<hbm>>
    %dma_wait3A_26 = arith.constant 0 : i32
    %dma_wait3A_27 = tpu.memref_slice %arg3[%add3A_9, %dma_wait3A_26] : memref<2560x128xi32, #tpu.memory_space<hbm>> -> memref<1x128xi32, #tpu.memory_space<hbm>>
    tpu.wait_dma2 semaphore(%arg23 : memref<!tpu.dma_semaphore, #tpu.memory_space<semaphore_mem>>) src(%dma_wait3A_27 : memref<1x128xi32, #tpu.memory_space<hbm>>) dst(%arg12 : memref<1x128xi32, #tpu.memory_space<vmem>>)
    %dma_wait3A_28 = arith.constant 0 : i32
    %dma_wait3A_29 = tpu.memref_slice %arg4[%add3A_14, %dma_wait3A_28] : memref<2560x128xi32, #tpu.memory_space<hbm>> -> memref<1x128xi32, #tpu.memory_space<hbm>>
    %dma_wait3A_30 = arith.constant 0 : i32
    %dma_wait3A_31 = tpu.memref_slice %arg4[%add3A_14, %dma_wait3A_30] : memref<2560x128xi32, #tpu.memory_space<hbm>> -> memref<1x128xi32, #tpu.memory_space<hbm>>
    tpu.wait_dma2 semaphore(%arg23 : memref<!tpu.dma_semaphore, #tpu.memory_space<semaphore_mem>>) src(%dma_wait3A_31 : memref<1x128xi32, #tpu.memory_space<hbm>>) dst(%arg14 : memref<1x128xi32, #tpu.memory_space<vmem>>)
    %dma_wait3A_32 = tpu.memref_slice %arg5[%mul3A_22] : memref<327680xf32, #tpu.memory_space<hbm>> -> memref<128xf32, #tpu.memory_space<hbm>>
    %dma_wait3A_33 = tpu.memref_slice %arg5[%mul3A_22] : memref<327680xf32, #tpu.memory_space<hbm>> -> memref<128xf32, #tpu.memory_space<hbm>>
    tpu.wait_dma2 semaphore(%arg23 : memref<!tpu.dma_semaphore, #tpu.memory_space<semaphore_mem>>) src(%dma_wait3A_33 : memref<128xf32, #tpu.memory_space<hbm>>) dst(%arg16 : memref<128xf32, #tpu.memory_space<vmem>>)
    %dma_start3A_34 = arith.constant 0 : i32
    %dma_start3A_35 = arith.constant 0 : i32
    %dma_start3A_36 = tpu.memref_slice %arg12[%dma_start3A_34, %dma_start3A_35] : memref<1x128xi32, #tpu.memory_space<vmem>> -> memref<1x128xi32, #tpu.memory_space<vmem>>
    %dma_start3A_37 = tpu.memref_squeeze %dma_start3A_36 : memref<1x128xi32, #tpu.memory_space<vmem>> -> memref<128xi32, #tpu.memory_space<vmem>>
    %dma_start3A_38 = arith.constant 0 : i32
    %dma_start3A_39 = arith.constant 0 : i32
    %dma_start3A_40 = tpu.memref_slice %arg2[%dma_start3A_38, %dma_start3A_39] : memref<10000x128xbf16, #tpu.memory_space<hbm>> -> memref<10000x128xbf16, #tpu.memory_space<hbm>>
    tpu.enqueue_indirect_dma source(%dma_start3A_40 : memref<10000x128xbf16, #tpu.memory_space<hbm>>) target(%arg18 : memref<128x128xbf16, #tpu.memory_space<vmem>>) offsets(%dma_start3A_37 : memref<128xi32, #tpu.memory_space<vmem>>) semaphore(%arg21 : memref<!tpu.dma_semaphore, #tpu.memory_space<semaphore_mem>>)
    %scan3A = arith.constant 0 : i32
    %scan3A_41 = arith.constant 0 : i32
    %scan3A_42 = arith.constant 40 : i32
    %scan3A_43 = arith.addi %scan3A_41, %scan3A_42 : i32
    %scan3A_44 = arith.constant 1 : i32
    scf.for %scan3A_54 = %scan3A_41 to %scan3A_43 step %scan3A_44  : i32 {
      %mul3A_55 = arith.constant 2 : i32
      %mul3A_56 = arith.muli %mul3A_55, %scan3A_54 : i32
      %add3A_57 = arith.constant 1 : i32
      %add3A_58 = arith.addi %mul3A_56, %add3A_57 : i32
      %add3A_59 = arith.addi %mul3A_6, %add3A_58 : i32
      %dma_start3A_60 = arith.constant 0 : i32
      %dma_start3A_61 = tpu.memref_slice %arg3[%add3A_59, %dma_start3A_60] : memref<2560x128xi32, #tpu.memory_space<hbm>> -> memref<1x128xi32, #tpu.memory_space<hbm>>
      %dma_start3A_62 = arith.constant 0 : i32
      %dma_start3A_63 = tpu.memref_slice %arg3[%add3A_59, %dma_start3A_62] : memref<2560x128xi32, #tpu.memory_space<hbm>> -> memref<1x128xi32, #tpu.memory_space<hbm>>
      tpu.enqueue_dma source(%dma_start3A_63 : memref<1x128xi32, #tpu.memory_space<hbm>>) target(%arg13 : memref<1x128xi32, #tpu.memory_space<vmem>>) target_semaphore(%arg24 : memref<!tpu.dma_semaphore, #tpu.memory_space<semaphore_mem>>)
      %add3A_64 = arith.addi %mul3A_6, %add3A_58 : i32
      %dma_start3A_65 = arith.constant 0 : i32
      %dma_start3A_66 = tpu.memref_slice %arg4[%add3A_64, %dma_start3A_65] : memref<2560x128xi32, #tpu.memory_space<hbm>> -> memref<1x128xi32, #tpu.memory_space<hbm>>
      %dma_start3A_67 = arith.constant 0 : i32
      %dma_start3A_68 = tpu.memref_slice %arg4[%add3A_64, %dma_start3A_67] : memref<2560x128xi32, #tpu.memory_space<hbm>> -> memref<1x128xi32, #tpu.memory_space<hbm>>
      tpu.enqueue_dma source(%dma_start3A_68 : memref<1x128xi32, #tpu.memory_space<hbm>>) target(%arg15 : memref<1x128xi32, #tpu.memory_space<vmem>>) target_semaphore(%arg24 : memref<!tpu.dma_semaphore, #tpu.memory_space<semaphore_mem>>)
      %add3A_69 = arith.addi %mul3A_6, %add3A_58 : i32
      %mul3A_70 = arith.constant 128 : i32
      %mul3A_71 = arith.muli %add3A_69, %mul3A_70 : i32
      %dma_start3A_72 = tpu.memref_slice %arg5[%mul3A_71] : memref<327680xf32, #tpu.memory_space<hbm>> -> memref<128xf32, #tpu.memory_space<hbm>>
      %dma_start3A_73 = tpu.memref_slice %arg5[%mul3A_71] : memref<327680xf32, #tpu.memory_space<hbm>> -> memref<128xf32, #tpu.memory_space<hbm>>
      tpu.enqueue_dma source(%dma_start3A_73 : memref<128xf32, #tpu.memory_space<hbm>>) target(%arg17 : memref<128xf32, #tpu.memory_space<vmem>>) target_semaphore(%arg24 : memref<!tpu.dma_semaphore, #tpu.memory_space<semaphore_mem>>)
      %dma_wait3A_74 = arith.constant 0 : i32
      %dma_wait3A_75 = arith.constant 0 : i32
      %dma_wait3A_76 = tpu.memref_slice %arg12[%dma_wait3A_74, %dma_wait3A_75] : memref<1x128xi32, #tpu.memory_space<vmem>> -> memref<1x128xi32, #tpu.memory_space<vmem>>
      %dma_wait3A_77 = tpu.memref_squeeze %dma_wait3A_76 : memref<1x128xi32, #tpu.memory_space<vmem>> -> memref<128xi32, #tpu.memory_space<vmem>>
      %dma_wait3A_78 = arith.constant 0 : i32
      %dma_wait3A_79 = arith.constant 0 : i32
      %dma_wait3A_80 = tpu.memref_slice %arg2[%dma_wait3A_78, %dma_wait3A_79] : memref<10000x128xbf16, #tpu.memory_space<hbm>> -> memref<10000x128xbf16, #tpu.memory_space<hbm>>
      tpu.wait_indirect_dma semaphore(%arg21 : memref<!tpu.dma_semaphore, #tpu.memory_space<semaphore_mem>>) src(%dma_wait3A_80 : memref<10000x128xbf16, #tpu.memory_space<hbm>>) dst(%arg18 : memref<128x128xbf16, #tpu.memory_space<vmem>>)
      %dma_wait3A_81 = arith.constant 0 : i32
      %dma_wait3A_82 = tpu.memref_slice %arg3[%add3A_59, %dma_wait3A_81] : memref<2560x128xi32, #tpu.memory_space<hbm>> -> memref<1x128xi32, #tpu.memory_space<hbm>>
      %dma_wait3A_83 = arith.constant 0 : i32
      %dma_wait3A_84 = tpu.memref_slice %arg3[%add3A_59, %dma_wait3A_83] : memref<2560x128xi32, #tpu.memory_space<hbm>> -> memref<1x128xi32, #tpu.memory_space<hbm>>
      tpu.wait_dma2 semaphore(%arg24 : memref<!tpu.dma_semaphore, #tpu.memory_space<semaphore_mem>>) src(%dma_wait3A_84 : memref<1x128xi32, #tpu.memory_space<hbm>>) dst(%arg13 : memref<1x128xi32, #tpu.memory_space<vmem>>)
      %dma_wait3A_85 = arith.constant 0 : i32
      %dma_wait3A_86 = tpu.memref_slice %arg4[%add3A_64, %dma_wait3A_85] : memref<2560x128xi32, #tpu.memory_space<hbm>> -> memref<1x128xi32, #tpu.memory_space<hbm>>
      %dma_wait3A_87 = arith.constant 0 : i32
      %dma_wait3A_88 = tpu.memref_slice %arg4[%add3A_64, %dma_wait3A_87] : memref<2560x128xi32, #tpu.memory_space<hbm>> -> memref<1x128xi32, #tpu.memory_space<hbm>>
      tpu.wait_dma2 semaphore(%arg24 : memref<!tpu.dma_semaphore, #tpu.memory_space<semaphore_mem>>) src(%dma_wait3A_88 : memref<1x128xi32, #tpu.memory_space<hbm>>) dst(%arg15 : memref<1x128xi32, #tpu.memory_space<vmem>>)
      %dma_wait3A_89 = tpu.memref_slice %arg5[%mul3A_71] : memref<327680xf32, #tpu.memory_space<hbm>> -> memref<128xf32, #tpu.memory_space<hbm>>
      %dma_wait3A_90 = tpu.memref_slice %arg5[%mul3A_71] : memref<327680xf32, #tpu.memory_space<hbm>> -> memref<128xf32, #tpu.memory_space<hbm>>
      tpu.wait_dma2 semaphore(%arg24 : memref<!tpu.dma_semaphore, #tpu.memory_space<semaphore_mem>>) src(%dma_wait3A_90 : memref<128xf32, #tpu.memory_space<hbm>>) dst(%arg17 : memref<128xf32, #tpu.memory_space<vmem>>)
      %dma_start3A_91 = arith.constant 0 : i32
      %dma_start3A_92 = arith.constant 0 : i32
      %dma_start3A_93 = tpu.memref_slice %arg13[%dma_start3A_91, %dma_start3A_92] : memref<1x128xi32, #tpu.memory_space<vmem>> -> memref<1x128xi32, #tpu.memory_space<vmem>>
      %dma_start3A_94 = tpu.memref_squeeze %dma_start3A_93 : memref<1x128xi32, #tpu.memory_space<vmem>> -> memref<128xi32, #tpu.memory_space<vmem>>
      %dma_start3A_95 = arith.constant 0 : i32
      %dma_start3A_96 = arith.constant 0 : i32
      %dma_start3A_97 = tpu.memref_slice %arg2[%dma_start3A_95, %dma_start3A_96] : memref<10000x128xbf16, #tpu.memory_space<hbm>> -> memref<10000x128xbf16, #tpu.memory_space<hbm>>
      tpu.enqueue_indirect_dma source(%dma_start3A_97 : memref<10000x128xbf16, #tpu.memory_space<hbm>>) target(%arg19 : memref<128x128xbf16, #tpu.memory_space<vmem>>) offsets(%dma_start3A_94 : memref<128xi32, #tpu.memory_space<vmem>>) semaphore(%arg22 : memref<!tpu.dma_semaphore, #tpu.memory_space<semaphore_mem>>)
      %run_scoped3A = arith.constant 0 : i32
      "tpu.region"() ({
        %run_scoped3A_143 = tpu.sem_alloc : memref<!tpu.dma_semaphore, #tpu.memory_space<semaphore_mem>>
        %dma_start3A_144 = arith.constant 0 : i32
        %dma_start3A_145 = tpu.memref_slice %arg14[%run_scoped3A, %dma_start3A_144] : memref<1x128xi32, #tpu.memory_space<vmem>> -> memref<1x128xi32, #tpu.memory_space<vmem>>
        %dma_start3A_146 = tpu.memref_squeeze %dma_start3A_145 : memref<1x128xi32, #tpu.memory_space<vmem>> -> memref<128xi32, #tpu.memory_space<vmem>>
        %dma_start3A_147 = arith.constant 0 : i32
        %dma_start3A_148 = arith.constant 0 : i32
        %dma_start3A_149 = tpu.memref_slice %arg10[%dma_start3A_147, %dma_start3A_148] : memref<10240x128xf32, #tpu.memory_space<vmem_shared>> -> memref<10240x128xf32, #tpu.memory_space<vmem_shared>>
        tpu.enqueue_indirect_dma source(%arg20 : memref<128x128xf32, #tpu.memory_space<vmem>>) target(%dma_start3A_149 : memref<10240x128xf32, #tpu.memory_space<vmem_shared>>) offsets(%dma_start3A_146 : memref<128xi32, #tpu.memory_space<vmem>>) semaphore(%run_scoped3A_143 : memref<!tpu.dma_semaphore, #tpu.memory_space<semaphore_mem>>) {add = true}
        %dma_wait3A_150 = arith.constant 0 : i32
        %dma_wait3A_151 = tpu.memref_slice %arg14[%run_scoped3A, %dma_wait3A_150] : memref<1x128xi32, #tpu.memory_space<vmem>> -> memref<1x128xi32, #tpu.memory_space<vmem>>
        %dma_wait3A_152 = tpu.memref_squeeze %dma_wait3A_151 : memref<1x128xi32, #tpu.memory_space<vmem>> -> memref<128xi32, #tpu.memory_space<vmem>>
        %dma_wait3A_153 = arith.constant 0 : i32
        %dma_wait3A_154 = arith.constant 0 : i32
        %dma_wait3A_155 = tpu.memref_slice %arg10[%dma_wait3A_153, %dma_wait3A_154] : memref<10240x128xf32, #tpu.memory_space<vmem_shared>> -> memref<10240x128xf32, #tpu.memory_space<vmem_shared>>
        tpu.wait_indirect_dma semaphore(%run_scoped3A_143 : memref<!tpu.dma_semaphore, #tpu.memory_space<semaphore_mem>>) src(%arg20 : memref<128x128xf32, #tpu.memory_space<vmem>>) dst(%dma_wait3A_155 : memref<10240x128xf32, #tpu.memory_space<vmem_shared>>)
        tpu.yield
      }) : () -> ()
      %run_scoped3A_98 = arith.constant 0 : i32
      "tpu.region"() ({
        %run_scoped3A_143 = tpu.sem_alloc : memref<!tpu.dma_semaphore, #tpu.memory_space<semaphore_mem>>
        %dma_start3A_144 = arith.constant 0 : i32
        %dma_start3A_145 = tpu.memref_slice %arg14[%run_scoped3A_98, %dma_start3A_144] : memref<1x128xi32, #tpu.memory_space<vmem>> -> memref<1x128xi32, #tpu.memory_space<vmem>>
        %dma_start3A_146 = tpu.memref_squeeze %dma_start3A_145 : memref<1x128xi32, #tpu.memory_space<vmem>> -> memref<128xi32, #tpu.memory_space<vmem>>
        %dma_start3A_147 = arith.constant 0 : i32
        %dma_start3A_148 = tpu.memref_slice %arg11[%dma_start3A_147] : memref<10240xf32, #tpu.memory_space<vmem_shared>> -> memref<10240xf32, #tpu.memory_space<vmem_shared>>
        tpu.enqueue_indirect_dma source(%arg16 : memref<128xf32, #tpu.memory_space<vmem>>) target(%dma_start3A_148 : memref<10240xf32, #tpu.memory_space<vmem_shared>>) offsets(%dma_start3A_146 : memref<128xi32, #tpu.memory_space<vmem>>) semaphore(%run_scoped3A_143 : memref<!tpu.dma_semaphore, #tpu.memory_space<semaphore_mem>>) {add = true}
        %dma_wait3A_149 = arith.constant 0 : i32
        %dma_wait3A_150 = tpu.memref_slice %arg14[%run_scoped3A_98, %dma_wait3A_149] : memref<1x128xi32, #tpu.memory_space<vmem>> -> memref<1x128xi32, #tpu.memory_space<vmem>>
        %dma_wait3A_151 = tpu.memref_squeeze %dma_wait3A_150 : memref<1x128xi32, #tpu.memory_space<vmem>> -> memref<128xi32, #tpu.memory_space<vmem>>
        %dma_wait3A_152 = arith.constant 0 : i32
        %dma_wait3A_153 = tpu.memref_slice %arg11[%dma_wait3A_152] : memref<10240xf32, #tpu.memory_space<vmem_shared>> -> memref<10240xf32, #tpu.memory_space<vmem_shared>>
        tpu.wait_indirect_dma semaphore(%run_scoped3A_143 : memref<!tpu.dma_semaphore, #tpu.memory_space<semaphore_mem>>) src(%arg16 : memref<128xf32, #tpu.memory_space<vmem>>) dst(%dma_wait3A_153 : memref<10240xf32, #tpu.memory_space<vmem_shared>>)
        tpu.yield
      }) : () -> ()
      %add3A_99 = arith.constant 2 : i32
      %add3A_100 = arith.addi %mul3A_56, %add3A_99 : i32
      %rem3A = arith.constant 80 : i32
      %rem3A_101 = arith.remsi %add3A_100, %rem3A : i32
      %add3A_102 = arith.addi %mul3A_6, %rem3A_101 : i32
      %dma_start3A_103 = arith.constant 0 : i32
      %dma_start3A_104 = tpu.memref_slice %arg3[%add3A_102, %dma_start3A_103] : memref<2560x128xi32, #tpu.memory_space<hbm>> -> memref<1x128xi32, #tpu.memory_space<hbm>>
      %dma_start3A_105 = arith.constant 0 : i32
      %dma_start3A_106 = tpu.memref_slice %arg3[%add3A_102, %dma_start3A_105] : memref<2560x128xi32, #tpu.memory_space<hbm>> -> memref<1x128xi32, #tpu.memory_space<hbm>>
      tpu.enqueue_dma source(%dma_start3A_106 : memref<1x128xi32, #tpu.memory_space<hbm>>) target(%arg12 : memref<1x128xi32, #tpu.memory_space<vmem>>) target_semaphore(%arg23 : memref<!tpu.dma_semaphore, #tpu.memory_space<semaphore_mem>>)
      %add3A_107 = arith.addi %mul3A_6, %rem3A_101 : i32
      %dma_start3A_108 = arith.constant 0 : i32
      %dma_start3A_109 = tpu.memref_slice %arg4[%add3A_107, %dma_start3A_108] : memref<2560x128xi32, #tpu.memory_space<hbm>> -> memref<1x128xi32, #tpu.memory_space<hbm>>
      %dma_start3A_110 = arith.constant 0 : i32
      %dma_start3A_111 = tpu.memref_slice %arg4[%add3A_107, %dma_start3A_110] : memref<2560x128xi32, #tpu.memory_space<hbm>> -> memref<1x128xi32, #tpu.memory_space<hbm>>
      tpu.enqueue_dma source(%dma_start3A_111 : memref<1x128xi32, #tpu.memory_space<hbm>>) target(%arg14 : memref<1x128xi32, #tpu.memory_space<vmem>>) target_semaphore(%arg23 : memref<!tpu.dma_semaphore, #tpu.memory_space<semaphore_mem>>)
      %add3A_112 = arith.addi %mul3A_6, %rem3A_101 : i32
      %mul3A_113 = arith.constant 128 : i32
      %mul3A_114 = arith.muli %add3A_112, %mul3A_113 : i32
      %dma_start3A_115 = tpu.memref_slice %arg5[%mul3A_114] : memref<327680xf32, #tpu.memory_space<hbm>> -> memref<128xf32, #tpu.memory_space<hbm>>
      %dma_start3A_116 = tpu.memref_slice %arg5[%mul3A_114] : memref<327680xf32, #tpu.memory_space<hbm>> -> memref<128xf32, #tpu.memory_space<hbm>>
      tpu.enqueue_dma source(%dma_start3A_116 : memref<128xf32, #tpu.memory_space<hbm>>) target(%arg16 : memref<128xf32, #tpu.memory_space<vmem>>) target_semaphore(%arg23 : memref<!tpu.dma_semaphore, #tpu.memory_space<semaphore_mem>>)
      %dma_wait3A_117 = arith.constant 0 : i32
      %dma_wait3A_118 = arith.constant 0 : i32
      %dma_wait3A_119 = tpu.memref_slice %arg13[%dma_wait3A_117, %dma_wait3A_118] : memref<1x128xi32, #tpu.memory_space<vmem>> -> memref<1x128xi32, #tpu.memory_space<vmem>>
      %dma_wait3A_120 = tpu.memref_squeeze %dma_wait3A_119 : memref<1x128xi32, #tpu.memory_space<vmem>> -> memref<128xi32, #tpu.memory_space<vmem>>
      %dma_wait3A_121 = arith.constant 0 : i32
      %dma_wait3A_122 = arith.constant 0 : i32
      %dma_wait3A_123 = tpu.memref_slice %arg2[%dma_wait3A_121, %dma_wait3A_122] : memref<10000x128xbf16, #tpu.memory_space<hbm>> -> memref<10000x128xbf16, #tpu.memory_space<hbm>>
      tpu.wait_indirect_dma semaphore(%arg22 : memref<!tpu.dma_semaphore, #tpu.memory_space<semaphore_mem>>) src(%dma_wait3A_123 : memref<10000x128xbf16, #tpu.memory_space<hbm>>) dst(%arg19 : memref<128x128xbf16, #tpu.memory_space<vmem>>)
      %dma_wait3A_124 = arith.constant 0 : i32
      %dma_wait3A_125 = tpu.memref_slice %arg3[%add3A_102, %dma_wait3A_124] : memref<2560x128xi32, #tpu.memory_space<hbm>> -> memref<1x128xi32, #tpu.memory_space<hbm>>
      %dma_wait3A_126 = arith.constant 0 : i32
      %dma_wait3A_127 = tpu.memref_slice %arg3[%add3A_102, %dma_wait3A_126] : memref<2560x128xi32, #tpu.memory_space<hbm>> -> memref<1x128xi32, #tpu.memory_space<hbm>>
      tpu.wait_dma2 semaphore(%arg23 : memref<!tpu.dma_semaphore, #tpu.memory_space<semaphore_mem>>) src(%dma_wait3A_127 : memref<1x128xi32, #tpu.memory_space<hbm>>) dst(%arg12 : memref<1x128xi32, #tpu.memory_space<vmem>>)
      %dma_wait3A_128 = arith.constant 0 : i32
      %dma_wait3A_129 = tpu.memref_slice %arg4[%add3A_107, %dma_wait3A_128] : memref<2560x128xi32, #tpu.memory_space<hbm>> -> memref<1x128xi32, #tpu.memory_space<hbm>>
      %dma_wait3A_130 = arith.constant 0 : i32
      %dma_wait3A_131 = tpu.memref_slice %arg4[%add3A_107, %dma_wait3A_130] : memref<2560x128xi32, #tpu.memory_space<hbm>> -> memref<1x128xi32, #tpu.memory_space<hbm>>
      tpu.wait_dma2 semaphore(%arg23 : memref<!tpu.dma_semaphore, #tpu.memory_space<semaphore_mem>>) src(%dma_wait3A_131 : memref<1x128xi32, #tpu.memory_space<hbm>>) dst(%arg14 : memref<1x128xi32, #tpu.memory_space<vmem>>)
      %dma_wait3A_132 = tpu.memref_slice %arg5[%mul3A_114] : memref<327680xf32, #tpu.memory_space<hbm>> -> memref<128xf32, #tpu.memory_space<hbm>>
      %dma_wait3A_133 = tpu.memref_slice %arg5[%mul3A_114] : memref<327680xf32, #tpu.memory_space<hbm>> -> memref<128xf32, #tpu.memory_space<hbm>>
      tpu.wait_dma2 semaphore(%arg23 : memref<!tpu.dma_semaphore, #tpu.memory_space<semaphore_mem>>) src(%dma_wait3A_133 : memref<128xf32, #tpu.memory_space<hbm>>) dst(%arg16 : memref<128xf32, #tpu.memory_space<vmem>>)
      %dma_start3A_134 = arith.constant 0 : i32
      %dma_start3A_135 = arith.constant 0 : i32
      %dma_start3A_136 = tpu.memref_slice %arg12[%dma_start3A_134, %dma_start3A_135] : memref<1x128xi32, #tpu.memory_space<vmem>> -> memref<1x128xi32, #tpu.memory_space<vmem>>
      %dma_start3A_137 = tpu.memref_squeeze %dma_start3A_136 : memref<1x128xi32, #tpu.memory_space<vmem>> -> memref<128xi32, #tpu.memory_space<vmem>>
      %dma_start3A_138 = arith.constant 0 : i32
      %dma_start3A_139 = arith.constant 0 : i32
      %dma_start3A_140 = tpu.memref_slice %arg2[%dma_start3A_138, %dma_start3A_139] : memref<10000x128xbf16, #tpu.memory_space<hbm>> -> memref<10000x128xbf16, #tpu.memory_space<hbm>>
      tpu.enqueue_indirect_dma source(%dma_start3A_140 : memref<10000x128xbf16, #tpu.memory_space<hbm>>) target(%arg18 : memref<128x128xbf16, #tpu.memory_space<vmem>>) offsets(%dma_start3A_137 : memref<128xi32, #tpu.memory_space<vmem>>) semaphore(%arg21 : memref<!tpu.dma_semaphore, #tpu.memory_space<semaphore_mem>>)
      %run_scoped3A_141 = arith.constant 0 : i32
      "tpu.region"() ({
        %run_scoped3A_143 = tpu.sem_alloc : memref<!tpu.dma_semaphore, #tpu.memory_space<semaphore_mem>>
        %dma_start3A_144 = arith.constant 0 : i32
        %dma_start3A_145 = tpu.memref_slice %arg15[%run_scoped3A_141, %dma_start3A_144] : memref<1x128xi32, #tpu.memory_space<vmem>> -> memref<1x128xi32, #tpu.memory_space<vmem>>
        %dma_start3A_146 = tpu.memref_squeeze %dma_start3A_145 : memref<1x128xi32, #tpu.memory_space<vmem>> -> memref<128xi32, #tpu.memory_space<vmem>>
        %dma_start3A_147 = arith.constant 0 : i32
        %dma_start3A_148 = arith.constant 0 : i32
        %dma_start3A_149 = tpu.memref_slice %arg10[%dma_start3A_147, %dma_start3A_148] : memref<10240x128xf32, #tpu.memory_space<vmem_shared>> -> memref<10240x128xf32, #tpu.memory_space<vmem_shared>>
        tpu.enqueue_indirect_dma source(%arg20 : memref<128x128xf32, #tpu.memory_space<vmem>>) target(%dma_start3A_149 : memref<10240x128xf32, #tpu.memory_space<vmem_shared>>) offsets(%dma_start3A_146 : memref<128xi32, #tpu.memory_space<vmem>>) semaphore(%run_scoped3A_143 : memref<!tpu.dma_semaphore, #tpu.memory_space<semaphore_mem>>) {add = true}
        %dma_wait3A_150 = arith.constant 0 : i32
        %dma_wait3A_151 = tpu.memref_slice %arg15[%run_scoped3A_141, %dma_wait3A_150] : memref<1x128xi32, #tpu.memory_space<vmem>> -> memref<1x128xi32, #tpu.memory_space<vmem>>
        %dma_wait3A_152 = tpu.memref_squeeze %dma_wait3A_151 : memref<1x128xi32, #tpu.memory_space<vmem>> -> memref<128xi32, #tpu.memory_space<vmem>>
        %dma_wait3A_153 = arith.constant 0 : i32
        %dma_wait3A_154 = arith.constant 0 : i32
        %dma_wait3A_155 = tpu.memref_slice %arg10[%dma_wait3A_153, %dma_wait3A_154] : memref<10240x128xf32, #tpu.memory_space<vmem_shared>> -> memref<10240x128xf32, #tpu.memory_space<vmem_shared>>
        tpu.wait_indirect_dma semaphore(%run_scoped3A_143 : memref<!tpu.dma_semaphore, #tpu.memory_space<semaphore_mem>>) src(%arg20 : memref<128x128xf32, #tpu.memory_space<vmem>>) dst(%dma_wait3A_155 : memref<10240x128xf32, #tpu.memory_space<vmem_shared>>)
        tpu.yield
      }) : () -> ()
      %run_scoped3A_142 = arith.constant 0 : i32
      "tpu.region"() ({
        %run_scoped3A_143 = tpu.sem_alloc : memref<!tpu.dma_semaphore, #tpu.memory_space<semaphore_mem>>
        %dma_start3A_144 = arith.constant 0 : i32
        %dma_start3A_145 = tpu.memref_slice %arg15[%run_scoped3A_142, %dma_start3A_144] : memref<1x128xi32, #tpu.memory_space<vmem>> -> memref<1x128xi32, #tpu.memory_space<vmem>>
        %dma_start3A_146 = tpu.memref_squeeze %dma_start3A_145 : memref<1x128xi32, #tpu.memory_space<vmem>> -> memref<128xi32, #tpu.memory_space<vmem>>
        %dma_start3A_147 = arith.constant 0 : i32
        %dma_start3A_148 = tpu.memref_slice %arg11[%dma_start3A_147] : memref<10240xf32, #tpu.memory_space<vmem_shared>> -> memref<10240xf32, #tpu.memory_space<vmem_shared>>
        tpu.enqueue_indirect_dma source(%arg17 : memref<128xf32, #tpu.memory_space<vmem>>) target(%dma_start3A_148 : memref<10240xf32, #tpu.memory_space<vmem_shared>>) offsets(%dma_start3A_146 : memref<128xi32, #tpu.memory_space<vmem>>) semaphore(%run_scoped3A_143 : memref<!tpu.dma_semaphore, #tpu.memory_space<semaphore_mem>>) {add = true}
        %dma_wait3A_149 = arith.constant 0 : i32
        %dma_wait3A_150 = tpu.memref_slice %arg15[%run_scoped3A_142, %dma_wait3A_149] : memref<1x128xi32, #tpu.memory_space<vmem>> -> memref<1x128xi32, #tpu.memory_space<vmem>>
        %dma_wait3A_151 = tpu.memref_squeeze %dma_wait3A_150 : memref<1x128xi32, #tpu.memory_space<vmem>> -> memref<128xi32, #tpu.memory_space<vmem>>
        %dma_wait3A_152 = arith.constant 0 : i32
        %dma_wait3A_153 = tpu.memref_slice %arg11[%dma_wait3A_152] : memref<10240xf32, #tpu.memory_space<vmem_shared>> -> memref<10240xf32, #tpu.memory_space<vmem_shared>>
        tpu.wait_indirect_dma semaphore(%run_scoped3A_143 : memref<!tpu.dma_semaphore, #tpu.memory_space<semaphore_mem>>) src(%arg17 : memref<128xf32, #tpu.memory_space<vmem>>) dst(%dma_wait3A_153 : memref<10240xf32, #tpu.memory_space<vmem_shared>>)
        tpu.yield
      }) : () -> ()
    }
    %scan3A_45 = arith.constant 40 : i32
    %dma_wait3A_46 = arith.constant 0 : i32
    %dma_wait3A_47 = arith.constant 0 : i32
    %dma_wait3A_48 = tpu.memref_slice %arg12[%dma_wait3A_46, %dma_wait3A_47] : memref<1x128xi32, #tpu.memory_space<vmem>> -> memref<1x128xi32, #tpu.memory_space<vmem>>
    %dma_wait3A_49 = tpu.memref_squeeze %dma_wait3A_48 : memref<1x128xi32, #tpu.memory_space<vmem>> -> memref<128xi32, #tpu.memory_space<vmem>>
    %dma_wait3A_50 = arith.constant 0 : i32
    %dma_wait3A_51 = arith.constant 0 : i32
    %dma_wait3A_52 = tpu.memref_slice %arg2[%dma_wait3A_50, %dma_wait3A_51] : memref<10000x128xbf16, #tpu.memory_space<hbm>> -> memref<10000x128xbf16, #tpu.memory_space<hbm>>
    tpu.wait_indirect_dma semaphore(%arg21 : memref<!tpu.dma_semaphore, #tpu.memory_space<semaphore_mem>>) src(%dma_wait3A_52 : memref<10000x128xbf16, #tpu.memory_space<hbm>>) dst(%arg18 : memref<128x128xbf16, #tpu.memory_space<vmem>>)
    %barrier3A_53 = arith.constant 0 : index
    tpu.barrier barrier_id(%barrier3A_53)
    "tpu.region"() ({
      %run_scoped3A = tpu.sem_alloc : memref<!tpu.dma_semaphore, #tpu.memory_space<semaphore_mem>>
      %dma_start3A_54 = arith.constant 0 : i32
      %dma_start3A_55 = tpu.memref_slice %arg8[%arg0, %mul3A_0, %dma_start3A_54] : memref<2x10240x128xf32, #tpu.memory_space<hbm>> -> memref<1x640x128xf32, #tpu.memory_space<hbm>>
      %dma_start3A_56 = tpu.memref_squeeze %dma_start3A_55 : memref<1x640x128xf32, #tpu.memory_space<hbm>> -> memref<640x128xf32, #tpu.memory_space<hbm>>
      %dma_start3A_57 = arith.constant 0 : i32
      %dma_start3A_58 = tpu.memref_slice %arg10[%mul3A_0, %dma_start3A_57] : memref<10240x128xf32, #tpu.memory_space<vmem_shared>> -> memref<640x128xf32, #tpu.memory_space<vmem_shared>>
      tpu.enqueue_dma source(%dma_start3A_58 : memref<640x128xf32, #tpu.memory_space<vmem_shared>>) target(%dma_start3A_56 : memref<640x128xf32, #tpu.memory_space<hbm>>) target_semaphore(%run_scoped3A : memref<!tpu.dma_semaphore, #tpu.memory_space<semaphore_mem>>)
      %dma_wait3A_59 = arith.constant 0 : i32
      %dma_wait3A_60 = tpu.memref_slice %arg8[%arg0, %mul3A_0, %dma_wait3A_59] : memref<2x10240x128xf32, #tpu.memory_space<hbm>> -> memref<1x640x128xf32, #tpu.memory_space<hbm>>
      %dma_wait3A_61 = tpu.memref_squeeze %dma_wait3A_60 : memref<1x640x128xf32, #tpu.memory_space<hbm>> -> memref<640x128xf32, #tpu.memory_space<hbm>>
      %dma_wait3A_62 = arith.constant 0 : i32
      %dma_wait3A_63 = tpu.memref_slice %arg10[%mul3A_0, %dma_wait3A_62] : memref<10240x128xf32, #tpu.memory_space<vmem_shared>> -> memref<640x128xf32, #tpu.memory_space<vmem_shared>>
      tpu.wait_dma2 semaphore(%run_scoped3A : memref<!tpu.dma_semaphore, #tpu.memory_space<semaphore_mem>>) src(%dma_wait3A_63 : memref<640x128xf32, #tpu.memory_space<vmem_shared>>) dst(%dma_wait3A_61 : memref<640x128xf32, #tpu.memory_space<hbm>>)
      tpu.yield
    }) : () -> ()
    "tpu.region"() ({
      %run_scoped3A = tpu.sem_alloc : memref<!tpu.dma_semaphore, #tpu.memory_space<semaphore_mem>>
      %dma_start3A_54 = tpu.memref_slice %arg9[%arg0, %mul3A_2] : memref<2x10240xf32, #tpu.memory_space<hbm>> -> memref<1x640xf32, #tpu.memory_space<hbm>>
      %dma_start3A_55 = tpu.memref_squeeze %dma_start3A_54 : memref<1x640xf32, #tpu.memory_space<hbm>> -> memref<640xf32, #tpu.memory_space<hbm>>
      %dma_start3A_56 = tpu.memref_slice %arg11[%mul3A_2] : memref<10240xf32, #tpu.memory_space<vmem_shared>> -> memref<640xf32, #tpu.memory_space<vmem_shared>>
      tpu.enqueue_dma source(%dma_start3A_56 : memref<640xf32, #tpu.memory_space<vmem_shared>>) target(%dma_start3A_55 : memref<640xf32, #tpu.memory_space<hbm>>) target_semaphore(%run_scoped3A : memref<!tpu.dma_semaphore, #tpu.memory_space<semaphore_mem>>)
      %dma_wait3A_57 = tpu.memref_slice %arg9[%arg0, %mul3A_2] : memref<2x10240xf32, #tpu.memory_space<hbm>> -> memref<1x640xf32, #tpu.memory_space<hbm>>
      %dma_wait3A_58 = tpu.memref_squeeze %dma_wait3A_57 : memref<1x640xf32, #tpu.memory_space<hbm>> -> memref<640xf32, #tpu.memory_space<hbm>>
      %dma_wait3A_59 = tpu.memref_slice %arg11[%mul3A_2] : memref<10240xf32, #tpu.memory_space<vmem_shared>> -> memref<640xf32, #tpu.memory_space<vmem_shared>>
      tpu.wait_dma2 semaphore(%run_scoped3A : memref<!tpu.dma_semaphore, #tpu.memory_space<semaphore_mem>>) src(%dma_wait3A_59 : memref<640xf32, #tpu.memory_space<vmem_shared>>) dst(%dma_wait3A_58 : memref<640xf32, #tpu.memory_space<hbm>>)
      tpu.yield
    }) : () -> ()
    return
  }
}

#map = affine_map<(d0, d1) -> (0, 0)>
#map1 = affine_map<(d0, d1) -> (0)>
#map2 = affine_map<(d0, d1) -> (0, 0, 0)>
module attributes {stable_mosaic.version = 14 : i64} {
  func.func @_sc_spmm(%arg0: i32, %arg1: i32, %arg2: memref<10000x128xbf16, #tpu.memory_space<hbm>>, %arg3: memref<2560x128xi32, #tpu.memory_space<hbm>>, %arg4: memref<2560x128xi32, #tpu.memory_space<hbm>>, %arg5: memref<327680xf32, #tpu.memory_space<hbm>>, %arg6: memref<10240x128xf32, #tpu.memory_space<hbm>>, %arg7: memref<10240xf32, #tpu.memory_space<hbm>>, %arg8: memref<2x10240x128xf32, #tpu.memory_space<hbm>>, %arg9: memref<2x10240xf32, #tpu.memory_space<hbm>>, %arg10: memref<10240x128xf32, #tpu.memory_space<vmem_shared>>, %arg11: memref<10240xf32, #tpu.memory_space<vmem_shared>>, %arg12: memref<1x128xi32, #tpu.memory_space<vmem>>, %arg13: memref<1x128xi32, #tpu.memory_space<vmem>>, %arg14: memref<1x128xi32, #tpu.memory_space<vmem>>, %arg15: memref<1x128xi32, #tpu.memory_space<vmem>>, %arg16: memref<128xf32, #tpu.memory_space<vmem>>, %arg17: memref<128xf32, #tpu.memory_space<vmem>>, %arg18: memref<128x128xbf16, #tpu.memory_space<vmem>>, %arg19: memref<128x128xbf16, #tpu.memory_space<vmem>>, %arg20: memref<128x128xf32, #tpu.memory_space<vmem>>, %arg21: memref<!tpu.dma_semaphore, #tpu.memory_space<semaphore_mem>>, %arg22: memref<!tpu.dma_semaphore, #tpu.memory_space<semaphore_mem>>, %arg23: memref<!tpu.dma_semaphore, #tpu.memory_space<semaphore_mem>>, %arg24: memref<!tpu.dma_semaphore, #tpu.memory_space<semaphore_mem>>) attributes {dimension_semantics = [#tpu.dimension_semantics<core_parallel>, #tpu.dimension_semantics<subcore_parallel>], iteration_bounds = array<i64: 2, 16>, scalar_prefetch = 0 : i64, scratch_operands = 15 : i64, tpu.core_type = #tpu.core_type<sc_vector_subcore>, window_params = [{transform_indices = #map}, {transform_indices = #map}, {transform_indices = #map}, {transform_indices = #map1}, {transform_indices = #map}, {transform_indices = #map1}, {transform_indices = #map2}, {transform_indices = #map}]} {
    %mul3A = arith.constant 640 : i32
    %mul3A_0 = arith.muli %arg1, %mul3A : i32
    %mul3A_1 = arith.constant 640 : i32
    %mul3A_2 = arith.muli %arg1, %mul3A_1 : i32
    "tpu.region"() ({
      %run_scoped3A = tpu.sem_alloc : memref<!tpu.dma_semaphore, #tpu.memory_space<semaphore_mem>>
      %dma_start3A_54 = arith.constant 0 : i32
      %dma_start3A_55 = tpu.memref_slice %arg10[%mul3A_0, %dma_start3A_54] : memref<10240x128xf32, #tpu.memory_space<vmem_shared>> -> memref<640x128xf32, #tpu.memory_space<vmem_shared>>
      %dma_start3A_56 = arith.constant 0 : i32
      %dma_start3A_57 = tpu.memref_slice %arg6[%mul3A_0, %dma_start3A_56] : memref<10240x128xf32, #tpu.memory_space<hbm>> -> memref<640x128xf32, #tpu.memory_space<hbm>>
      tpu.enqueue_dma source(%dma_start3A_57 : memref<640x128xf32, #tpu.memory_space<hbm>>) target(%dma_start3A_55 : memref<640x128xf32, #tpu.memory_space<vmem_shared>>) target_semaphore(%run_scoped3A : memref<!tpu.dma_semaphore, #tpu.memory_space<semaphore_mem>>)
      %dma_wait3A_58 = arith.constant 0 : i32
      %dma_wait3A_59 = tpu.memref_slice %arg10[%mul3A_0, %dma_wait3A_58] : memref<10240x128xf32, #tpu.memory_space<vmem_shared>> -> memref<640x128xf32, #tpu.memory_space<vmem_shared>>
      %dma_wait3A_60 = arith.constant 0 : i32
      %dma_wait3A_61 = tpu.memref_slice %arg6[%mul3A_0, %dma_wait3A_60] : memref<10240x128xf32, #tpu.memory_space<hbm>> -> memref<640x128xf32, #tpu.memory_space<hbm>>
      tpu.wait_dma2 semaphore(%run_scoped3A : memref<!tpu.dma_semaphore, #tpu.memory_space<semaphore_mem>>) src(%dma_wait3A_61 : memref<640x128xf32, #tpu.memory_space<hbm>>) dst(%dma_wait3A_59 : memref<640x128xf32, #tpu.memory_space<vmem_shared>>)
      tpu.yield
    }) : () -> ()
    "tpu.region"() ({
      %run_scoped3A = tpu.sem_alloc : memref<!tpu.dma_semaphore, #tpu.memory_space<semaphore_mem>>
      %dma_start3A_54 = tpu.memref_slice %arg11[%mul3A_2] : memref<10240xf32, #tpu.memory_space<vmem_shared>> -> memref<640xf32, #tpu.memory_space<vmem_shared>>
      %dma_start3A_55 = tpu.memref_slice %arg7[%mul3A_2] : memref<10240xf32, #tpu.memory_space<hbm>> -> memref<640xf32, #tpu.memory_space<hbm>>
      tpu.enqueue_dma source(%dma_start3A_55 : memref<640xf32, #tpu.memory_space<hbm>>) target(%dma_start3A_54 : memref<640xf32, #tpu.memory_space<vmem_shared>>) target_semaphore(%run_scoped3A : memref<!tpu.dma_semaphore, #tpu.memory_space<semaphore_mem>>)
      %dma_wait3A_56 = tpu.memref_slice %arg11[%mul3A_2] : memref<10240xf32, #tpu.memory_space<vmem_shared>> -> memref<640xf32, #tpu.memory_space<vmem_shared>>
      %dma_wait3A_57 = tpu.memref_slice %arg7[%mul3A_2] : memref<10240xf32, #tpu.memory_space<hbm>> -> memref<640xf32, #tpu.memory_space<hbm>>
      tpu.wait_dma2 semaphore(%run_scoped3A : memref<!tpu.dma_semaphore, #tpu.memory_space<semaphore_mem>>) src(%dma_wait3A_57 : memref<640xf32, #tpu.memory_space<hbm>>) dst(%dma_wait3A_56 : memref<640xf32, #tpu.memory_space<vmem_shared>>)
      tpu.yield
    }) : () -> ()
    %barrier3A = arith.constant 0 : index
    tpu.barrier barrier_id(%barrier3A)
    %mul3A_3 = arith.constant 16 : i32
    %mul3A_4 = arith.muli %arg0, %mul3A_3 : i32
    %add3A = arith.addi %mul3A_4, %arg1 : i32
    %mul3A_5 = arith.constant 80 : i32
    %mul3A_6 = arith.muli %add3A, %mul3A_5 : i32
    %broadcast_in_dim3A = arith.constant -65536 : i32
    %broadcast_in_dim3A_7 = vector.broadcast %broadcast_in_dim3A : i32 to vector<16xi32>
    %add3A_8 = arith.constant 0 : i32
    %add3A_9 = arith.addi %mul3A_6, %add3A_8 : i32
    %dma_start3A = arith.constant 0 : i32
    %dma_start3A_10 = tpu.memref_slice %arg3[%add3A_9, %dma_start3A] : memref<2560x128xi32, #tpu.memory_space<hbm>> -> memref<1x128xi32, #tpu.memory_space<hbm>>
    %dma_start3A_11 = arith.constant 0 : i32
    %dma_start3A_12 = tpu.memref_slice %arg3[%add3A_9, %dma_start3A_11] : memref<2560x128xi32, #tpu.memory_space<hbm>> -> memref<1x128xi32, #tpu.memory_space<hbm>>
    tpu.enqueue_dma source(%dma_start3A_12 : memref<1x128xi32, #tpu.memory_space<hbm>>) target(%arg12 : memref<1x128xi32, #tpu.memory_space<vmem>>) target_semaphore(%arg23 : memref<!tpu.dma_semaphore, #tpu.memory_space<semaphore_mem>>)
    %add3A_13 = arith.constant 0 : i32
    %add3A_14 = arith.addi %mul3A_6, %add3A_13 : i32
    %dma_start3A_15 = arith.constant 0 : i32
    %dma_start3A_16 = tpu.memref_slice %arg4[%add3A_14, %dma_start3A_15] : memref<2560x128xi32, #tpu.memory_space<hbm>> -> memref<1x128xi32, #tpu.memory_space<hbm>>
    %dma_start3A_17 = arith.constant 0 : i32
    %dma_start3A_18 = tpu.memref_slice %arg4[%add3A_14, %dma_start3A_17] : memref<2560x128xi32, #tpu.memory_space<hbm>> -> memref<1x128xi32, #tpu.memory_space<hbm>>
    tpu.enqueue_dma source(%dma_start3A_18 : memref<1x128xi32, #tpu.memory_space<hbm>>) target(%arg14 : memref<1x128xi32, #tpu.memory_space<vmem>>) target_semaphore(%arg23 : memref<!tpu.dma_semaphore, #tpu.memory_space<semaphore_mem>>)
    %add3A_19 = arith.constant 0 : i32
    %add3A_20 = arith.addi %mul3A_6, %add3A_19 : i32
    %mul3A_21 = arith.constant 128 : i32
    %mul3A_22 = arith.muli %add3A_20, %mul3A_21 : i32
    %dma_start3A_23 = tpu.memref_slice %arg5[%mul3A_22] : memref<327680xf32, #tpu.memory_space<hbm>> -> memref<128xf32, #tpu.memory_space<hbm>>
    %dma_start3A_24 = tpu.memref_slice %arg5[%mul3A_22] : memref<327680xf32, #tpu.memory_space<hbm>> -> memref<128xf32, #tpu.memory_space<hbm>>
    tpu.enqueue_dma source(%dma_start3A_24 : memref<128xf32, #tpu.memory_space<hbm>>) target(%arg16 : memref<128xf32, #tpu.memory_space<vmem>>) target_semaphore(%arg23 : memref<!tpu.dma_semaphore, #tpu.memory_space<semaphore_mem>>)
    %dma_wait3A = arith.constant 0 : i32
    %dma_wait3A_25 = tpu.memref_slice %arg3[%add3A_9, %dma_wait3A] : memref<2560x128xi32, #tpu.memory_space<hbm>> -> memref<1x128xi32, #tpu.memory_space<hbm>>
    %dma_wait3A_26 = arith.constant 0 : i32
    %dma_wait3A_27 = tpu.memref_slice %arg3[%add3A_9, %dma_wait3A_26] : memref<2560x128xi32, #tpu.memory_space<hbm>> -> memref<1x128xi32, #tpu.memory_space<hbm>>
    tpu.wait_dma2 semaphore(%arg23 : memref<!tpu.dma_semaphore, #tpu.memory_space<semaphore_mem>>) src(%dma_wait3A_27 : memref<1x128xi32, #tpu.memory_space<hbm>>) dst(%arg12 : memref<1x128xi32, #tpu.memory_space<vmem>>)
    %dma_wait3A_28 = arith.constant 0 : i32
    %dma_wait3A_29 = tpu.memref_slice %arg4[%add3A_14, %dma_wait3A_28] : memref<2560x128xi32, #tpu.memory_space<hbm>> -> memref<1x128xi32, #tpu.memory_space<hbm>>
    %dma_wait3A_30 = arith.constant 0 : i32
    %dma_wait3A_31 = tpu.memref_slice %arg4[%add3A_14, %dma_wait3A_30] : memref<2560x128xi32, #tpu.memory_space<hbm>> -> memref<1x128xi32, #tpu.memory_space<hbm>>
    tpu.wait_dma2 semaphore(%arg23 : memref<!tpu.dma_semaphore, #tpu.memory_space<semaphore_mem>>) src(%dma_wait3A_31 : memref<1x128xi32, #tpu.memory_space<hbm>>) dst(%arg14 : memref<1x128xi32, #tpu.memory_space<vmem>>)
    %dma_wait3A_32 = tpu.memref_slice %arg5[%mul3A_22] : memref<327680xf32, #tpu.memory_space<hbm>> -> memref<128xf32, #tpu.memory_space<hbm>>
    %dma_wait3A_33 = tpu.memref_slice %arg5[%mul3A_22] : memref<327680xf32, #tpu.memory_space<hbm>> -> memref<128xf32, #tpu.memory_space<hbm>>
    tpu.wait_dma2 semaphore(%arg23 : memref<!tpu.dma_semaphore, #tpu.memory_space<semaphore_mem>>) src(%dma_wait3A_33 : memref<128xf32, #tpu.memory_space<hbm>>) dst(%arg16 : memref<128xf32, #tpu.memory_space<vmem>>)
    %dma_start3A_34 = arith.constant 0 : i32
    %dma_start3A_35 = arith.constant 0 : i32
    %dma_start3A_36 = tpu.memref_slice %arg12[%dma_start3A_34, %dma_start3A_35] : memref<1x128xi32, #tpu.memory_space<vmem>> -> memref<1x128xi32, #tpu.memory_space<vmem>>
    %dma_start3A_37 = tpu.memref_squeeze %dma_start3A_36 : memref<1x128xi32, #tpu.memory_space<vmem>> -> memref<128xi32, #tpu.memory_space<vmem>>
    %dma_start3A_38 = arith.constant 0 : i32
    %dma_start3A_39 = arith.constant 0 : i32
    %dma_start3A_40 = tpu.memref_slice %arg2[%dma_start3A_38, %dma_start3A_39] : memref<10000x128xbf16, #tpu.memory_space<hbm>> -> memref<10000x128xbf16, #tpu.memory_space<hbm>>
    tpu.enqueue_indirect_dma source(%dma_start3A_40 : memref<10000x128xbf16, #tpu.memory_space<hbm>>) target(%arg18 : memref<128x128xbf16, #tpu.memory_space<vmem>>) offsets(%dma_start3A_37 : memref<128xi32, #tpu.memory_space<vmem>>) semaphore(%arg21 : memref<!tpu.dma_semaphore, #tpu.memory_space<semaphore_mem>>)
    %scan3A = arith.constant 0 : i32
    %scan3A_41 = arith.constant 0 : i32
    %scan3A_42 = arith.constant 40 : i32
    %scan3A_43 = arith.addi %scan3A_41, %scan3A_42 : i32
    %scan3A_44 = arith.constant 1 : i32
    scf.for %scan3A_54 = %scan3A_41 to %scan3A_43 step %scan3A_44  : i32 {
      %mul3A_55 = arith.constant 2 : i32
      %mul3A_56 = arith.muli %mul3A_55, %scan3A_54 : i32
      %add3A_57 = arith.constant 1 : i32
      %add3A_58 = arith.addi %mul3A_56, %add3A_57 : i32
      %add3A_59 = arith.addi %mul3A_6, %add3A_58 : i32
      %dma_start3A_60 = arith.constant 0 : i32
      %dma_start3A_61 = tpu.memref_slice %arg3[%add3A_59, %dma_start3A_60] : memref<2560x128xi32, #tpu.memory_space<hbm>> -> memref<1x128xi32, #tpu.memory_space<hbm>>
      %dma_start3A_62 = arith.constant 0 : i32
      %dma_start3A_63 = tpu.memref_slice %arg3[%add3A_59, %dma_start3A_62] : memref<2560x128xi32, #tpu.memory_space<hbm>> -> memref<1x128xi32, #tpu.memory_space<hbm>>
      tpu.enqueue_dma source(%dma_start3A_63 : memref<1x128xi32, #tpu.memory_space<hbm>>) target(%arg13 : memref<1x128xi32, #tpu.memory_space<vmem>>) target_semaphore(%arg24 : memref<!tpu.dma_semaphore, #tpu.memory_space<semaphore_mem>>)
      %add3A_64 = arith.addi %mul3A_6, %add3A_58 : i32
      %dma_start3A_65 = arith.constant 0 : i32
      %dma_start3A_66 = tpu.memref_slice %arg4[%add3A_64, %dma_start3A_65] : memref<2560x128xi32, #tpu.memory_space<hbm>> -> memref<1x128xi32, #tpu.memory_space<hbm>>
      %dma_start3A_67 = arith.constant 0 : i32
      %dma_start3A_68 = tpu.memref_slice %arg4[%add3A_64, %dma_start3A_67] : memref<2560x128xi32, #tpu.memory_space<hbm>> -> memref<1x128xi32, #tpu.memory_space<hbm>>
      tpu.enqueue_dma source(%dma_start3A_68 : memref<1x128xi32, #tpu.memory_space<hbm>>) target(%arg15 : memref<1x128xi32, #tpu.memory_space<vmem>>) target_semaphore(%arg24 : memref<!tpu.dma_semaphore, #tpu.memory_space<semaphore_mem>>)
      %add3A_69 = arith.addi %mul3A_6, %add3A_58 : i32
      %mul3A_70 = arith.constant 128 : i32
      %mul3A_71 = arith.muli %add3A_69, %mul3A_70 : i32
      %dma_start3A_72 = tpu.memref_slice %arg5[%mul3A_71] : memref<327680xf32, #tpu.memory_space<hbm>> -> memref<128xf32, #tpu.memory_space<hbm>>
      %dma_start3A_73 = tpu.memref_slice %arg5[%mul3A_71] : memref<327680xf32, #tpu.memory_space<hbm>> -> memref<128xf32, #tpu.memory_space<hbm>>
      tpu.enqueue_dma source(%dma_start3A_73 : memref<128xf32, #tpu.memory_space<hbm>>) target(%arg17 : memref<128xf32, #tpu.memory_space<vmem>>) target_semaphore(%arg24 : memref<!tpu.dma_semaphore, #tpu.memory_space<semaphore_mem>>)
      %dma_wait3A_74 = arith.constant 0 : i32
      %dma_wait3A_75 = arith.constant 0 : i32
      %dma_wait3A_76 = tpu.memref_slice %arg12[%dma_wait3A_74, %dma_wait3A_75] : memref<1x128xi32, #tpu.memory_space<vmem>> -> memref<1x128xi32, #tpu.memory_space<vmem>>
      %dma_wait3A_77 = tpu.memref_squeeze %dma_wait3A_76 : memref<1x128xi32, #tpu.memory_space<vmem>> -> memref<128xi32, #tpu.memory_space<vmem>>
      %dma_wait3A_78 = arith.constant 0 : i32
      %dma_wait3A_79 = arith.constant 0 : i32
      %dma_wait3A_80 = tpu.memref_slice %arg2[%dma_wait3A_78, %dma_wait3A_79] : memref<10000x128xbf16, #tpu.memory_space<hbm>> -> memref<10000x128xbf16, #tpu.memory_space<hbm>>
      tpu.wait_indirect_dma semaphore(%arg21 : memref<!tpu.dma_semaphore, #tpu.memory_space<semaphore_mem>>) src(%dma_wait3A_80 : memref<10000x128xbf16, #tpu.memory_space<hbm>>) dst(%arg18 : memref<128x128xbf16, #tpu.memory_space<vmem>>)
      %dma_wait3A_81 = arith.constant 0 : i32
      %dma_wait3A_82 = tpu.memref_slice %arg3[%add3A_59, %dma_wait3A_81] : memref<2560x128xi32, #tpu.memory_space<hbm>> -> memref<1x128xi32, #tpu.memory_space<hbm>>
      %dma_wait3A_83 = arith.constant 0 : i32
      %dma_wait3A_84 = tpu.memref_slice %arg3[%add3A_59, %dma_wait3A_83] : memref<2560x128xi32, #tpu.memory_space<hbm>> -> memref<1x128xi32, #tpu.memory_space<hbm>>
      tpu.wait_dma2 semaphore(%arg24 : memref<!tpu.dma_semaphore, #tpu.memory_space<semaphore_mem>>) src(%dma_wait3A_84 : memref<1x128xi32, #tpu.memory_space<hbm>>) dst(%arg13 : memref<1x128xi32, #tpu.memory_space<vmem>>)
      %dma_wait3A_85 = arith.constant 0 : i32
      %dma_wait3A_86 = tpu.memref_slice %arg4[%add3A_64, %dma_wait3A_85] : memref<2560x128xi32, #tpu.memory_space<hbm>> -> memref<1x128xi32, #tpu.memory_space<hbm>>
      %dma_wait3A_87 = arith.constant 0 : i32
      %dma_wait3A_88 = tpu.memref_slice %arg4[%add3A_64, %dma_wait3A_87] : memref<2560x128xi32, #tpu.memory_space<hbm>> -> memref<1x128xi32, #tpu.memory_space<hbm>>
      tpu.wait_dma2 semaphore(%arg24 : memref<!tpu.dma_semaphore, #tpu.memory_space<semaphore_mem>>) src(%dma_wait3A_88 : memref<1x128xi32, #tpu.memory_space<hbm>>) dst(%arg15 : memref<1x128xi32, #tpu.memory_space<vmem>>)
      %dma_wait3A_89 = tpu.memref_slice %arg5[%mul3A_71] : memref<327680xf32, #tpu.memory_space<hbm>> -> memref<128xf32, #tpu.memory_space<hbm>>
      %dma_wait3A_90 = tpu.memref_slice %arg5[%mul3A_71] : memref<327680xf32, #tpu.memory_space<hbm>> -> memref<128xf32, #tpu.memory_space<hbm>>
      tpu.wait_dma2 semaphore(%arg24 : memref<!tpu.dma_semaphore, #tpu.memory_space<semaphore_mem>>) src(%dma_wait3A_90 : memref<128xf32, #tpu.memory_space<hbm>>) dst(%arg17 : memref<128xf32, #tpu.memory_space<vmem>>)
      %dma_start3A_91 = arith.constant 0 : i32
      %dma_start3A_92 = arith.constant 0 : i32
      %dma_start3A_93 = tpu.memref_slice %arg13[%dma_start3A_91, %dma_start3A_92] : memref<1x128xi32, #tpu.memory_space<vmem>> -> memref<1x128xi32, #tpu.memory_space<vmem>>
      %dma_start3A_94 = tpu.memref_squeeze %dma_start3A_93 : memref<1x128xi32, #tpu.memory_space<vmem>> -> memref<128xi32, #tpu.memory_space<vmem>>
      %dma_start3A_95 = arith.constant 0 : i32
      %dma_start3A_96 = arith.constant 0 : i32
      %dma_start3A_97 = tpu.memref_slice %arg2[%dma_start3A_95, %dma_start3A_96] : memref<10000x128xbf16, #tpu.memory_space<hbm>> -> memref<10000x128xbf16, #tpu.memory_space<hbm>>
      tpu.enqueue_indirect_dma source(%dma_start3A_97 : memref<10000x128xbf16, #tpu.memory_space<hbm>>) target(%arg19 : memref<128x128xbf16, #tpu.memory_space<vmem>>) offsets(%dma_start3A_94 : memref<128xi32, #tpu.memory_space<vmem>>) semaphore(%arg22 : memref<!tpu.dma_semaphore, #tpu.memory_space<semaphore_mem>>)
      %run_scoped3A = arith.constant 0 : i32
      "tpu.region"() ({
        %run_scoped3A_143 = tpu.sem_alloc : memref<!tpu.dma_semaphore, #tpu.memory_space<semaphore_mem>>
        %dma_start3A_144 = arith.constant 0 : i32
        %dma_start3A_145 = tpu.memref_slice %arg14[%run_scoped3A, %dma_start3A_144] : memref<1x128xi32, #tpu.memory_space<vmem>> -> memref<1x128xi32, #tpu.memory_space<vmem>>
        %dma_start3A_146 = tpu.memref_squeeze %dma_start3A_145 : memref<1x128xi32, #tpu.memory_space<vmem>> -> memref<128xi32, #tpu.memory_space<vmem>>
        %dma_start3A_147 = arith.constant 0 : i32
        %dma_start3A_148 = arith.constant 0 : i32
        %dma_start3A_149 = tpu.memref_slice %arg10[%dma_start3A_147, %dma_start3A_148] : memref<10240x128xf32, #tpu.memory_space<vmem_shared>> -> memref<10240x128xf32, #tpu.memory_space<vmem_shared>>
        tpu.enqueue_indirect_dma source(%arg20 : memref<128x128xf32, #tpu.memory_space<vmem>>) target(%dma_start3A_149 : memref<10240x128xf32, #tpu.memory_space<vmem_shared>>) offsets(%dma_start3A_146 : memref<128xi32, #tpu.memory_space<vmem>>) semaphore(%run_scoped3A_143 : memref<!tpu.dma_semaphore, #tpu.memory_space<semaphore_mem>>) {add = true}
        %dma_wait3A_150 = arith.constant 0 : i32
        %dma_wait3A_151 = tpu.memref_slice %arg14[%run_scoped3A, %dma_wait3A_150] : memref<1x128xi32, #tpu.memory_space<vmem>> -> memref<1x128xi32, #tpu.memory_space<vmem>>
        %dma_wait3A_152 = tpu.memref_squeeze %dma_wait3A_151 : memref<1x128xi32, #tpu.memory_space<vmem>> -> memref<128xi32, #tpu.memory_space<vmem>>
        %dma_wait3A_153 = arith.constant 0 : i32
        %dma_wait3A_154 = arith.constant 0 : i32
        %dma_wait3A_155 = tpu.memref_slice %arg10[%dma_wait3A_153, %dma_wait3A_154] : memref<10240x128xf32, #tpu.memory_space<vmem_shared>> -> memref<10240x128xf32, #tpu.memory_space<vmem_shared>>
        tpu.wait_indirect_dma semaphore(%run_scoped3A_143 : memref<!tpu.dma_semaphore, #tpu.memory_space<semaphore_mem>>) src(%arg20 : memref<128x128xf32, #tpu.memory_space<vmem>>) dst(%dma_wait3A_155 : memref<10240x128xf32, #tpu.memory_space<vmem_shared>>)
        tpu.yield
      }) : () -> ()
      %run_scoped3A_98 = arith.constant 0 : i32
      "tpu.region"() ({
        %run_scoped3A_143 = tpu.sem_alloc : memref<!tpu.dma_semaphore, #tpu.memory_space<semaphore_mem>>
        %dma_start3A_144 = arith.constant 0 : i32
        %dma_start3A_145 = tpu.memref_slice %arg14[%run_scoped3A_98, %dma_start3A_144] : memref<1x128xi32, #tpu.memory_space<vmem>> -> memref<1x128xi32, #tpu.memory_space<vmem>>
        %dma_start3A_146 = tpu.memref_squeeze %dma_start3A_145 : memref<1x128xi32, #tpu.memory_space<vmem>> -> memref<128xi32, #tpu.memory_space<vmem>>
        %dma_start3A_147 = arith.constant 0 : i32
        %dma_start3A_148 = tpu.memref_slice %arg11[%dma_start3A_147] : memref<10240xf32, #tpu.memory_space<vmem_shared>> -> memref<10240xf32, #tpu.memory_space<vmem_shared>>
        tpu.enqueue_indirect_dma source(%arg16 : memref<128xf32, #tpu.memory_space<vmem>>) target(%dma_start3A_148 : memref<10240xf32, #tpu.memory_space<vmem_shared>>) offsets(%dma_start3A_146 : memref<128xi32, #tpu.memory_space<vmem>>) semaphore(%run_scoped3A_143 : memref<!tpu.dma_semaphore, #tpu.memory_space<semaphore_mem>>) {add = true}
        %dma_wait3A_149 = arith.constant 0 : i32
        %dma_wait3A_150 = tpu.memref_slice %arg14[%run_scoped3A_98, %dma_wait3A_149] : memref<1x128xi32, #tpu.memory_space<vmem>> -> memref<1x128xi32, #tpu.memory_space<vmem>>
        %dma_wait3A_151 = tpu.memref_squeeze %dma_wait3A_150 : memref<1x128xi32, #tpu.memory_space<vmem>> -> memref<128xi32, #tpu.memory_space<vmem>>
        %dma_wait3A_152 = arith.constant 0 : i32
        %dma_wait3A_153 = tpu.memref_slice %arg11[%dma_wait3A_152] : memref<10240xf32, #tpu.memory_space<vmem_shared>> -> memref<10240xf32, #tpu.memory_space<vmem_shared>>
        tpu.wait_indirect_dma semaphore(%run_scoped3A_143 : memref<!tpu.dma_semaphore, #tpu.memory_space<semaphore_mem>>) src(%arg16 : memref<128xf32, #tpu.memory_space<vmem>>) dst(%dma_wait3A_153 : memref<10240xf32, #tpu.memory_space<vmem_shared>>)
        tpu.yield
      }) : () -> ()
      %add3A_99 = arith.constant 2 : i32
      %add3A_100 = arith.addi %mul3A_56, %add3A_99 : i32
      %rem3A = arith.constant 80 : i32
      %rem3A_101 = arith.remsi %add3A_100, %rem3A : i32
      %add3A_102 = arith.addi %mul3A_6, %rem3A_101 : i32
      %dma_start3A_103 = arith.constant 0 : i32
      %dma_start3A_104 = tpu.memref_slice %arg3[%add3A_102, %dma_start3A_103] : memref<2560x128xi32, #tpu.memory_space<hbm>> -> memref<1x128xi32, #tpu.memory_space<hbm>>
      %dma_start3A_105 = arith.constant 0 : i32
      %dma_start3A_106 = tpu.memref_slice %arg3[%add3A_102, %dma_start3A_105] : memref<2560x128xi32, #tpu.memory_space<hbm>> -> memref<1x128xi32, #tpu.memory_space<hbm>>
      tpu.enqueue_dma source(%dma_start3A_106 : memref<1x128xi32, #tpu.memory_space<hbm>>) target(%arg12 : memref<1x128xi32, #tpu.memory_space<vmem>>) target_semaphore(%arg23 : memref<!tpu.dma_semaphore, #tpu.memory_space<semaphore_mem>>)
      %add3A_107 = arith.addi %mul3A_6, %rem3A_101 : i32
      %dma_start3A_108 = arith.constant 0 : i32
      %dma_start3A_109 = tpu.memref_slice %arg4[%add3A_107, %dma_start3A_108] : memref<2560x128xi32, #tpu.memory_space<hbm>> -> memref<1x128xi32, #tpu.memory_space<hbm>>
      %dma_start3A_110 = arith.constant 0 : i32
      %dma_start3A_111 = tpu.memref_slice %arg4[%add3A_107, %dma_start3A_110] : memref<2560x128xi32, #tpu.memory_space<hbm>> -> memref<1x128xi32, #tpu.memory_space<hbm>>
      tpu.enqueue_dma source(%dma_start3A_111 : memref<1x128xi32, #tpu.memory_space<hbm>>) target(%arg14 : memref<1x128xi32, #tpu.memory_space<vmem>>) target_semaphore(%arg23 : memref<!tpu.dma_semaphore, #tpu.memory_space<semaphore_mem>>)
      %add3A_112 = arith.addi %mul3A_6, %rem3A_101 : i32
      %mul3A_113 = arith.constant 128 : i32
      %mul3A_114 = arith.muli %add3A_112, %mul3A_113 : i32
      %dma_start3A_115 = tpu.memref_slice %arg5[%mul3A_114] : memref<327680xf32, #tpu.memory_space<hbm>> -> memref<128xf32, #tpu.memory_space<hbm>>
      %dma_start3A_116 = tpu.memref_slice %arg5[%mul3A_114] : memref<327680xf32, #tpu.memory_space<hbm>> -> memref<128xf32, #tpu.memory_space<hbm>>
      tpu.enqueue_dma source(%dma_start3A_116 : memref<128xf32, #tpu.memory_space<hbm>>) target(%arg16 : memref<128xf32, #tpu.memory_space<vmem>>) target_semaphore(%arg23 : memref<!tpu.dma_semaphore, #tpu.memory_space<semaphore_mem>>)
      %dma_wait3A_117 = arith.constant 0 : i32
      %dma_wait3A_118 = arith.constant 0 : i32
      %dma_wait3A_119 = tpu.memref_slice %arg13[%dma_wait3A_117, %dma_wait3A_118] : memref<1x128xi32, #tpu.memory_space<vmem>> -> memref<1x128xi32, #tpu.memory_space<vmem>>
      %dma_wait3A_120 = tpu.memref_squeeze %dma_wait3A_119 : memref<1x128xi32, #tpu.memory_space<vmem>> -> memref<128xi32, #tpu.memory_space<vmem>>
      %dma_wait3A_121 = arith.constant 0 : i32
      %dma_wait3A_122 = arith.constant 0 : i32
      %dma_wait3A_123 = tpu.memref_slice %arg2[%dma_wait3A_121, %dma_wait3A_122] : memref<10000x128xbf16, #tpu.memory_space<hbm>> -> memref<10000x128xbf16, #tpu.memory_space<hbm>>
      tpu.wait_indirect_dma semaphore(%arg22 : memref<!tpu.dma_semaphore, #tpu.memory_space<semaphore_mem>>) src(%dma_wait3A_123 : memref<10000x128xbf16, #tpu.memory_space<hbm>>) dst(%arg19 : memref<128x128xbf16, #tpu.memory_space<vmem>>)
      %dma_wait3A_124 = arith.constant 0 : i32
      %dma_wait3A_125 = tpu.memref_slice %arg3[%add3A_102, %dma_wait3A_124] : memref<2560x128xi32, #tpu.memory_space<hbm>> -> memref<1x128xi32, #tpu.memory_space<hbm>>
      %dma_wait3A_126 = arith.constant 0 : i32
      %dma_wait3A_127 = tpu.memref_slice %arg3[%add3A_102, %dma_wait3A_126] : memref<2560x128xi32, #tpu.memory_space<hbm>> -> memref<1x128xi32, #tpu.memory_space<hbm>>
      tpu.wait_dma2 semaphore(%arg23 : memref<!tpu.dma_semaphore, #tpu.memory_space<semaphore_mem>>) src(%dma_wait3A_127 : memref<1x128xi32, #tpu.memory_space<hbm>>) dst(%arg12 : memref<1x128xi32, #tpu.memory_space<vmem>>)
      %dma_wait3A_128 = arith.constant 0 : i32
      %dma_wait3A_129 = tpu.memref_slice %arg4[%add3A_107, %dma_wait3A_128] : memref<2560x128xi32, #tpu.memory_space<hbm>> -> memref<1x128xi32, #tpu.memory_space<hbm>>
      %dma_wait3A_130 = arith.constant 0 : i32
      %dma_wait3A_131 = tpu.memref_slice %arg4[%add3A_107, %dma_wait3A_130] : memref<2560x128xi32, #tpu.memory_space<hbm>> -> memref<1x128xi32, #tpu.memory_space<hbm>>
      tpu.wait_dma2 semaphore(%arg23 : memref<!tpu.dma_semaphore, #tpu.memory_space<semaphore_mem>>) src(%dma_wait3A_131 : memref<1x128xi32, #tpu.memory_space<hbm>>) dst(%arg14 : memref<1x128xi32, #tpu.memory_space<vmem>>)
      %dma_wait3A_132 = tpu.memref_slice %arg5[%mul3A_114] : memref<327680xf32, #tpu.memory_space<hbm>> -> memref<128xf32, #tpu.memory_space<hbm>>
      %dma_wait3A_133 = tpu.memref_slice %arg5[%mul3A_114] : memref<327680xf32, #tpu.memory_space<hbm>> -> memref<128xf32, #tpu.memory_space<hbm>>
      tpu.wait_dma2 semaphore(%arg23 : memref<!tpu.dma_semaphore, #tpu.memory_space<semaphore_mem>>) src(%dma_wait3A_133 : memref<128xf32, #tpu.memory_space<hbm>>) dst(%arg16 : memref<128xf32, #tpu.memory_space<vmem>>)
      %dma_start3A_134 = arith.constant 0 : i32
      %dma_start3A_135 = arith.constant 0 : i32
      %dma_start3A_136 = tpu.memref_slice %arg12[%dma_start3A_134, %dma_start3A_135] : memref<1x128xi32, #tpu.memory_space<vmem>> -> memref<1x128xi32, #tpu.memory_space<vmem>>
      %dma_start3A_137 = tpu.memref_squeeze %dma_start3A_136 : memref<1x128xi32, #tpu.memory_space<vmem>> -> memref<128xi32, #tpu.memory_space<vmem>>
      %dma_start3A_138 = arith.constant 0 : i32
      %dma_start3A_139 = arith.constant 0 : i32
      %dma_start3A_140 = tpu.memref_slice %arg2[%dma_start3A_138, %dma_start3A_139] : memref<10000x128xbf16, #tpu.memory_space<hbm>> -> memref<10000x128xbf16, #tpu.memory_space<hbm>>
      tpu.enqueue_indirect_dma source(%dma_start3A_140 : memref<10000x128xbf16, #tpu.memory_space<hbm>>) target(%arg18 : memref<128x128xbf16, #tpu.memory_space<vmem>>) offsets(%dma_start3A_137 : memref<128xi32, #tpu.memory_space<vmem>>) semaphore(%arg21 : memref<!tpu.dma_semaphore, #tpu.memory_space<semaphore_mem>>)
      %run_scoped3A_141 = arith.constant 0 : i32
      "tpu.region"() ({
        %run_scoped3A_143 = tpu.sem_alloc : memref<!tpu.dma_semaphore, #tpu.memory_space<semaphore_mem>>
        %dma_start3A_144 = arith.constant 0 : i32
        %dma_start3A_145 = tpu.memref_slice %arg15[%run_scoped3A_141, %dma_start3A_144] : memref<1x128xi32, #tpu.memory_space<vmem>> -> memref<1x128xi32, #tpu.memory_space<vmem>>
        %dma_start3A_146 = tpu.memref_squeeze %dma_start3A_145 : memref<1x128xi32, #tpu.memory_space<vmem>> -> memref<128xi32, #tpu.memory_space<vmem>>
        %dma_start3A_147 = arith.constant 0 : i32
        %dma_start3A_148 = arith.constant 0 : i32
        %dma_start3A_149 = tpu.memref_slice %arg10[%dma_start3A_147, %dma_start3A_148] : memref<10240x128xf32, #tpu.memory_space<vmem_shared>> -> memref<10240x128xf32, #tpu.memory_space<vmem_shared>>
        tpu.enqueue_indirect_dma source(%arg20 : memref<128x128xf32, #tpu.memory_space<vmem>>) target(%dma_start3A_149 : memref<10240x128xf32, #tpu.memory_space<vmem_shared>>) offsets(%dma_start3A_146 : memref<128xi32, #tpu.memory_space<vmem>>) semaphore(%run_scoped3A_143 : memref<!tpu.dma_semaphore, #tpu.memory_space<semaphore_mem>>) {add = true}
        %dma_wait3A_150 = arith.constant 0 : i32
        %dma_wait3A_151 = tpu.memref_slice %arg15[%run_scoped3A_141, %dma_wait3A_150] : memref<1x128xi32, #tpu.memory_space<vmem>> -> memref<1x128xi32, #tpu.memory_space<vmem>>
        %dma_wait3A_152 = tpu.memref_squeeze %dma_wait3A_151 : memref<1x128xi32, #tpu.memory_space<vmem>> -> memref<128xi32, #tpu.memory_space<vmem>>
        %dma_wait3A_153 = arith.constant 0 : i32
        %dma_wait3A_154 = arith.constant 0 : i32
        %dma_wait3A_155 = tpu.memref_slice %arg10[%dma_wait3A_153, %dma_wait3A_154] : memref<10240x128xf32, #tpu.memory_space<vmem_shared>> -> memref<10240x128xf32, #tpu.memory_space<vmem_shared>>
        tpu.wait_indirect_dma semaphore(%run_scoped3A_143 : memref<!tpu.dma_semaphore, #tpu.memory_space<semaphore_mem>>) src(%arg20 : memref<128x128xf32, #tpu.memory_space<vmem>>) dst(%dma_wait3A_155 : memref<10240x128xf32, #tpu.memory_space<vmem_shared>>)
        tpu.yield
      }) : () -> ()
      %run_scoped3A_142 = arith.constant 0 : i32
      "tpu.region"() ({
        %run_scoped3A_143 = tpu.sem_alloc : memref<!tpu.dma_semaphore, #tpu.memory_space<semaphore_mem>>
        %dma_start3A_144 = arith.constant 0 : i32
        %dma_start3A_145 = tpu.memref_slice %arg15[%run_scoped3A_142, %dma_start3A_144] : memref<1x128xi32, #tpu.memory_space<vmem>> -> memref<1x128xi32, #tpu.memory_space<vmem>>
        %dma_start3A_146 = tpu.memref_squeeze %dma_start3A_145 : memref<1x128xi32, #tpu.memory_space<vmem>> -> memref<128xi32, #tpu.memory_space<vmem>>
        %dma_start3A_147 = arith.constant 0 : i32
        %dma_start3A_148 = tpu.memref_slice %arg11[%dma_start3A_147] : memref<10240xf32, #tpu.memory_space<vmem_shared>> -> memref<10240xf32, #tpu.memory_space<vmem_shared>>
        tpu.enqueue_indirect_dma source(%arg17 : memref<128xf32, #tpu.memory_space<vmem>>) target(%dma_start3A_148 : memref<10240xf32, #tpu.memory_space<vmem_shared>>) offsets(%dma_start3A_146 : memref<128xi32, #tpu.memory_space<vmem>>) semaphore(%run_scoped3A_143 : memref<!tpu.dma_semaphore, #tpu.memory_space<semaphore_mem>>) {add = true}
        %dma_wait3A_149 = arith.constant 0 : i32
        %dma_wait3A_150 = tpu.memref_slice %arg15[%run_scoped3A_142, %dma_wait3A_149] : memref<1x128xi32, #tpu.memory_space<vmem>> -> memref<1x128xi32, #tpu.memory_space<vmem>>
        %dma_wait3A_151 = tpu.memref_squeeze %dma_wait3A_150 : memref<1x128xi32, #tpu.memory_space<vmem>> -> memref<128xi32, #tpu.memory_space<vmem>>
        %dma_wait3A_152 = arith.constant 0 : i32
        %dma_wait3A_153 = tpu.memref_slice %arg11[%dma_wait3A_152] : memref<10240xf32, #tpu.memory_space<vmem_shared>> -> memref<10240xf32, #tpu.memory_space<vmem_shared>>
        tpu.wait_indirect_dma semaphore(%run_scoped3A_143 : memref<!tpu.dma_semaphore, #tpu.memory_space<semaphore_mem>>) src(%arg17 : memref<128xf32, #tpu.memory_space<vmem>>) dst(%dma_wait3A_153 : memref<10240xf32, #tpu.memory_space<vmem_shared>>)
        tpu.yield
      }) : () -> ()
    }
    %scan3A_45 = arith.constant 40 : i32
    %dma_wait3A_46 = arith.constant 0 : i32
    %dma_wait3A_47 = arith.constant 0 : i32
    %dma_wait3A_48 = tpu.memref_slice %arg12[%dma_wait3A_46, %dma_wait3A_47] : memref<1x128xi32, #tpu.memory_space<vmem>> -> memref<1x128xi32, #tpu.memory_space<vmem>>
    %dma_wait3A_49 = tpu.memref_squeeze %dma_wait3A_48 : memref<1x128xi32, #tpu.memory_space<vmem>> -> memref<128xi32, #tpu.memory_space<vmem>>
    %dma_wait3A_50 = arith.constant 0 : i32
    %dma_wait3A_51 = arith.constant 0 : i32
    %dma_wait3A_52 = tpu.memref_slice %arg2[%dma_wait3A_50, %dma_wait3A_51] : memref<10000x128xbf16, #tpu.memory_space<hbm>> -> memref<10000x128xbf16, #tpu.memory_space<hbm>>
    tpu.wait_indirect_dma semaphore(%arg21 : memref<!tpu.dma_semaphore, #tpu.memory_space<semaphore_mem>>) src(%dma_wait3A_52 : memref<10000x128xbf16, #tpu.memory_space<hbm>>) dst(%arg18 : memref<128x128xbf16, #tpu.memory_space<vmem>>)
    %barrier3A_53 = arith.constant 0 : index
    tpu.barrier barrier_id(%barrier3A_53)
    "tpu.region"() ({
      %run_scoped3A = tpu.sem_alloc : memref<!tpu.dma_semaphore, #tpu.memory_space<semaphore_mem>>
      %dma_start3A_54 = arith.constant 0 : i32
      %dma_start3A_55 = tpu.memref_slice %arg8[%arg0, %mul3A_0, %dma_start3A_54] : memref<2x10240x128xf32, #tpu.memory_space<hbm>> -> memref<1x640x128xf32, #tpu.memory_space<hbm>>
      %dma_start3A_56 = tpu.memref_squeeze %dma_start3A_55 : memref<1x640x128xf32, #tpu.memory_space<hbm>> -> memref<640x128xf32, #tpu.memory_space<hbm>>
      %dma_start3A_57 = arith.constant 0 : i32
      %dma_start3A_58 = tpu.memref_slice %arg10[%mul3A_0, %dma_start3A_57] : memref<10240x128xf32, #tpu.memory_space<vmem_shared>> -> memref<640x128xf32, #tpu.memory_space<vmem_shared>>
      tpu.enqueue_dma source(%dma_start3A_58 : memref<640x128xf32, #tpu.memory_space<vmem_shared>>) target(%dma_start3A_56 : memref<640x128xf32, #tpu.memory_space<hbm>>) target_semaphore(%run_scoped3A : memref<!tpu.dma_semaphore, #tpu.memory_space<semaphore_mem>>)
      %dma_wait3A_59 = arith.constant 0 : i32
      %dma_wait3A_60 = tpu.memref_slice %arg8[%arg0, %mul3A_0, %dma_wait3A_59] : memref<2x10240x128xf32, #tpu.memory_space<hbm>> -> memref<1x640x128xf32, #tpu.memory_space<hbm>>
      %dma_wait3A_61 = tpu.memref_squeeze %dma_wait3A_60 : memref<1x640x128xf32, #tpu.memory_space<hbm>> -> memref<640x128xf32, #tpu.memory_space<hbm>>
      %dma_wait3A_62 = arith.constant 0 : i32
      %dma_wait3A_63 = tpu.memref_slice %arg10[%mul3A_0, %dma_wait3A_62] : memref<10240x128xf32, #tpu.memory_space<vmem_shared>> -> memref<640x128xf32, #tpu.memory_space<vmem_shared>>
      tpu.wait_dma2 semaphore(%run_scoped3A : memref<!tpu.dma_semaphore, #tpu.memory_space<semaphore_mem>>) src(%dma_wait3A_63 : memref<640x128xf32, #tpu.memory_space<vmem_shared>>) dst(%dma_wait3A_61 : memref<640x128xf32, #tpu.memory_space<hbm>>)
      tpu.yield
    }) : () -> ()
    "tpu.region"() ({
      %run_scoped3A = tpu.sem_alloc : memref<!tpu.dma_semaphore, #tpu.memory_space<semaphore_mem>>
      %dma_start3A_54 = tpu.memref_slice %arg9[%arg0, %mul3A_2] : memref<2x10240xf32, #tpu.memory_space<hbm>> -> memref<1x640xf32, #tpu.memory_space<hbm>>
      %dma_start3A_55 = tpu.memref_squeeze %dma_start3A_54 : memref<1x640xf32, #tpu.memory_space<hbm>> -> memref<640xf32, #tpu.memory_space<hbm>>
      %dma_start3A_56 = tpu.memref_slice %arg11[%mul3A_2] : memref<10240xf32, #tpu.memory_space<vmem_shared>> -> memref<640xf32, #tpu.memory_space<vmem_shared>>
      tpu.enqueue_dma source(%dma_start3A_56 : memref<640xf32, #tpu.memory_space<vmem_shared>>) target(%dma_start3A_55 : memref<640xf32, #tpu.memory_space<hbm>>) target_semaphore(%run_scoped3A : memref<!tpu.dma_semaphore, #tpu.memory_space<semaphore_mem>>)
      %dma_wait3A_57 = tpu.memref_slice %arg9[%arg0, %mul3A_2] : memref<2x10240xf32, #tpu.memory_space<hbm>> -> memref<1x640xf32, #tpu.memory_space<hbm>>
      %dma_wait3A_58 = tpu.memref_squeeze %dma_wait3A_57 : memref<1x640xf32, #tpu.memory_space<hbm>> -> memref<640xf32, #tpu.memory_space<hbm>>
      %dma_wait3A_59 = tpu.memref_slice %arg11[%mul3A_2] : memref<10240xf32, #tpu.memory_space<vmem_shared>> -> memref<640xf32, #tpu.memory_space<vmem_shared>>
      tpu.wait_dma2 semaphore(%run_scoped3A : memref<!tpu.dma_semaphore, #tpu.memory_space<semaphore_mem>>) src(%dma_wait3A_59 : memref<640xf32, #tpu.memory_space<vmem_shared>>) dst(%dma_wait3A_58 : memref<640xf32, #tpu.memory_space<hbm>>)
      tpu.yield
    }) : () -> ()
    return
  }
}

#map = affine_map<(d0, d1) -> (0, 0)>
#map1 = affine_map<(d0, d1) -> (0)>
#map2 = affine_map<(d0, d1) -> (0, 0, 0)>
module attributes {stable_mosaic.version = 14 : i64} {
  func.func @_sc_spmm(%arg0: i32, %arg1: i32, %arg2: memref<10000x128xbf16, #tpu.memory_space<hbm>>, %arg3: memref<2560x128xi32, #tpu.memory_space<hbm>>, %arg4: memref<2560x128xi32, #tpu.memory_space<hbm>>, %arg5: memref<327680xf32, #tpu.memory_space<hbm>>, %arg6: memref<10240x128xf32, #tpu.memory_space<hbm>>, %arg7: memref<10240xf32, #tpu.memory_space<hbm>>, %arg8: memref<2x10240x128xf32, #tpu.memory_space<hbm>>, %arg9: memref<2x10240xf32, #tpu.memory_space<hbm>>, %arg10: memref<10240x128xf32, #tpu.memory_space<vmem_shared>>, %arg11: memref<10240xf32, #tpu.memory_space<vmem_shared>>, %arg12: memref<1x128xi32, #tpu.memory_space<vmem>>, %arg13: memref<1x128xi32, #tpu.memory_space<vmem>>, %arg14: memref<1x128xi32, #tpu.memory_space<vmem>>, %arg15: memref<1x128xi32, #tpu.memory_space<vmem>>, %arg16: memref<128xf32, #tpu.memory_space<vmem>>, %arg17: memref<128xf32, #tpu.memory_space<vmem>>, %arg18: memref<128x128xbf16, #tpu.memory_space<vmem>>, %arg19: memref<128x128xbf16, #tpu.memory_space<vmem>>, %arg20: memref<128x128xf32, #tpu.memory_space<vmem>>, %arg21: memref<!tpu.dma_semaphore, #tpu.memory_space<semaphore_mem>>, %arg22: memref<!tpu.dma_semaphore, #tpu.memory_space<semaphore_mem>>, %arg23: memref<!tpu.dma_semaphore, #tpu.memory_space<semaphore_mem>>, %arg24: memref<!tpu.dma_semaphore, #tpu.memory_space<semaphore_mem>>) attributes {dimension_semantics = [#tpu.dimension_semantics<core_parallel>, #tpu.dimension_semantics<subcore_parallel>], iteration_bounds = array<i64: 2, 16>, scalar_prefetch = 0 : i64, scratch_operands = 15 : i64, tpu.core_type = #tpu.core_type<sc_vector_subcore>, window_params = [{transform_indices = #map}, {transform_indices = #map}, {transform_indices = #map}, {transform_indices = #map1}, {transform_indices = #map}, {transform_indices = #map1}, {transform_indices = #map2}, {transform_indices = #map}]} {
    %mul3A = arith.constant 640 : i32
    %mul3A_0 = arith.muli %arg1, %mul3A : i32
    %mul3A_1 = arith.constant 640 : i32
    %mul3A_2 = arith.muli %arg1, %mul3A_1 : i32
    "tpu.region"() ({
      %run_scoped3A = tpu.sem_alloc : memref<!tpu.dma_semaphore, #tpu.memory_space<semaphore_mem>>
      %dma_start3A_54 = arith.constant 0 : i32
      %dma_start3A_55 = tpu.memref_slice %arg10[%mul3A_0, %dma_start3A_54] : memref<10240x128xf32, #tpu.memory_space<vmem_shared>> -> memref<640x128xf32, #tpu.memory_space<vmem_shared>>
      %dma_start3A_56 = arith.constant 0 : i32
      %dma_start3A_57 = tpu.memref_slice %arg6[%mul3A_0, %dma_start3A_56] : memref<10240x128xf32, #tpu.memory_space<hbm>> -> memref<640x128xf32, #tpu.memory_space<hbm>>
      tpu.enqueue_dma source(%dma_start3A_57 : memref<640x128xf32, #tpu.memory_space<hbm>>) target(%dma_start3A_55 : memref<640x128xf32, #tpu.memory_space<vmem_shared>>) target_semaphore(%run_scoped3A : memref<!tpu.dma_semaphore, #tpu.memory_space<semaphore_mem>>)
      %dma_wait3A_58 = arith.constant 0 : i32
      %dma_wait3A_59 = tpu.memref_slice %arg10[%mul3A_0, %dma_wait3A_58] : memref<10240x128xf32, #tpu.memory_space<vmem_shared>> -> memref<640x128xf32, #tpu.memory_space<vmem_shared>>
      %dma_wait3A_60 = arith.constant 0 : i32
      %dma_wait3A_61 = tpu.memref_slice %arg6[%mul3A_0, %dma_wait3A_60] : memref<10240x128xf32, #tpu.memory_space<hbm>> -> memref<640x128xf32, #tpu.memory_space<hbm>>
      tpu.wait_dma2 semaphore(%run_scoped3A : memref<!tpu.dma_semaphore, #tpu.memory_space<semaphore_mem>>) src(%dma_wait3A_61 : memref<640x128xf32, #tpu.memory_space<hbm>>) dst(%dma_wait3A_59 : memref<640x128xf32, #tpu.memory_space<vmem_shared>>)
      tpu.yield
    }) : () -> ()
    "tpu.region"() ({
      %run_scoped3A = tpu.sem_alloc : memref<!tpu.dma_semaphore, #tpu.memory_space<semaphore_mem>>
      %dma_start3A_54 = tpu.memref_slice %arg11[%mul3A_2] : memref<10240xf32, #tpu.memory_space<vmem_shared>> -> memref<640xf32, #tpu.memory_space<vmem_shared>>
      %dma_start3A_55 = tpu.memref_slice %arg7[%mul3A_2] : memref<10240xf32, #tpu.memory_space<hbm>> -> memref<640xf32, #tpu.memory_space<hbm>>
      tpu.enqueue_dma source(%dma_start3A_55 : memref<640xf32, #tpu.memory_space<hbm>>) target(%dma_start3A_54 : memref<640xf32, #tpu.memory_space<vmem_shared>>) target_semaphore(%run_scoped3A : memref<!tpu.dma_semaphore, #tpu.memory_space<semaphore_mem>>)
      %dma_wait3A_56 = tpu.memref_slice %arg11[%mul3A_2] : memref<10240xf32, #tpu.memory_space<vmem_shared>> -> memref<640xf32, #tpu.memory_space<vmem_shared>>
      %dma_wait3A_57 = tpu.memref_slice %arg7[%mul3A_2] : memref<10240xf32, #tpu.memory_space<hbm>> -> memref<640xf32, #tpu.memory_space<hbm>>
      tpu.wait_dma2 semaphore(%run_scoped3A : memref<!tpu.dma_semaphore, #tpu.memory_space<semaphore_mem>>) src(%dma_wait3A_57 : memref<640xf32, #tpu.memory_space<hbm>>) dst(%dma_wait3A_56 : memref<640xf32, #tpu.memory_space<vmem_shared>>)
      tpu.yield
    }) : () -> ()
    %barrier3A = arith.constant 0 : index
    tpu.barrier barrier_id(%barrier3A)
    %mul3A_3 = arith.constant 16 : i32
    %mul3A_4 = arith.muli %arg0, %mul3A_3 : i32
    %add3A = arith.addi %mul3A_4, %arg1 : i32
    %mul3A_5 = arith.constant 80 : i32
    %mul3A_6 = arith.muli %add3A, %mul3A_5 : i32
    %broadcast_in_dim3A = arith.constant -65536 : i32
    %broadcast_in_dim3A_7 = vector.broadcast %broadcast_in_dim3A : i32 to vector<16xi32>
    %add3A_8 = arith.constant 0 : i32
    %add3A_9 = arith.addi %mul3A_6, %add3A_8 : i32
    %dma_start3A = arith.constant 0 : i32
    %dma_start3A_10 = tpu.memref_slice %arg3[%add3A_9, %dma_start3A] : memref<2560x128xi32, #tpu.memory_space<hbm>> -> memref<1x128xi32, #tpu.memory_space<hbm>>
    %dma_start3A_11 = arith.constant 0 : i32
    %dma_start3A_12 = tpu.memref_slice %arg3[%add3A_9, %dma_start3A_11] : memref<2560x128xi32, #tpu.memory_space<hbm>> -> memref<1x128xi32, #tpu.memory_space<hbm>>
    tpu.enqueue_dma source(%dma_start3A_12 : memref<1x128xi32, #tpu.memory_space<hbm>>) target(%arg12 : memref<1x128xi32, #tpu.memory_space<vmem>>) target_semaphore(%arg23 : memref<!tpu.dma_semaphore, #tpu.memory_space<semaphore_mem>>)
    %add3A_13 = arith.constant 0 : i32
    %add3A_14 = arith.addi %mul3A_6, %add3A_13 : i32
    %dma_start3A_15 = arith.constant 0 : i32
    %dma_start3A_16 = tpu.memref_slice %arg4[%add3A_14, %dma_start3A_15] : memref<2560x128xi32, #tpu.memory_space<hbm>> -> memref<1x128xi32, #tpu.memory_space<hbm>>
    %dma_start3A_17 = arith.constant 0 : i32
    %dma_start3A_18 = tpu.memref_slice %arg4[%add3A_14, %dma_start3A_17] : memref<2560x128xi32, #tpu.memory_space<hbm>> -> memref<1x128xi32, #tpu.memory_space<hbm>>
    tpu.enqueue_dma source(%dma_start3A_18 : memref<1x128xi32, #tpu.memory_space<hbm>>) target(%arg14 : memref<1x128xi32, #tpu.memory_space<vmem>>) target_semaphore(%arg23 : memref<!tpu.dma_semaphore, #tpu.memory_space<semaphore_mem>>)
    %add3A_19 = arith.constant 0 : i32
    %add3A_20 = arith.addi %mul3A_6, %add3A_19 : i32
    %mul3A_21 = arith.constant 128 : i32
    %mul3A_22 = arith.muli %add3A_20, %mul3A_21 : i32
    %dma_start3A_23 = tpu.memref_slice %arg5[%mul3A_22] : memref<327680xf32, #tpu.memory_space<hbm>> -> memref<128xf32, #tpu.memory_space<hbm>>
    %dma_start3A_24 = tpu.memref_slice %arg5[%mul3A_22] : memref<327680xf32, #tpu.memory_space<hbm>> -> memref<128xf32, #tpu.memory_space<hbm>>
    tpu.enqueue_dma source(%dma_start3A_24 : memref<128xf32, #tpu.memory_space<hbm>>) target(%arg16 : memref<128xf32, #tpu.memory_space<vmem>>) target_semaphore(%arg23 : memref<!tpu.dma_semaphore, #tpu.memory_space<semaphore_mem>>)
    %dma_wait3A = arith.constant 0 : i32
    %dma_wait3A_25 = tpu.memref_slice %arg3[%add3A_9, %dma_wait3A] : memref<2560x128xi32, #tpu.memory_space<hbm>> -> memref<1x128xi32, #tpu.memory_space<hbm>>
    %dma_wait3A_26 = arith.constant 0 : i32
    %dma_wait3A_27 = tpu.memref_slice %arg3[%add3A_9, %dma_wait3A_26] : memref<2560x128xi32, #tpu.memory_space<hbm>> -> memref<1x128xi32, #tpu.memory_space<hbm>>
    tpu.wait_dma2 semaphore(%arg23 : memref<!tpu.dma_semaphore, #tpu.memory_space<semaphore_mem>>) src(%dma_wait3A_27 : memref<1x128xi32, #tpu.memory_space<hbm>>) dst(%arg12 : memref<1x128xi32, #tpu.memory_space<vmem>>)
    %dma_wait3A_28 = arith.constant 0 : i32
    %dma_wait3A_29 = tpu.memref_slice %arg4[%add3A_14, %dma_wait3A_28] : memref<2560x128xi32, #tpu.memory_space<hbm>> -> memref<1x128xi32, #tpu.memory_space<hbm>>
    %dma_wait3A_30 = arith.constant 0 : i32
    %dma_wait3A_31 = tpu.memref_slice %arg4[%add3A_14, %dma_wait3A_30] : memref<2560x128xi32, #tpu.memory_space<hbm>> -> memref<1x128xi32, #tpu.memory_space<hbm>>
    tpu.wait_dma2 semaphore(%arg23 : memref<!tpu.dma_semaphore, #tpu.memory_space<semaphore_mem>>) src(%dma_wait3A_31 : memref<1x128xi32, #tpu.memory_space<hbm>>) dst(%arg14 : memref<1x128xi32, #tpu.memory_space<vmem>>)
    %dma_wait3A_32 = tpu.memref_slice %arg5[%mul3A_22] : memref<327680xf32, #tpu.memory_space<hbm>> -> memref<128xf32, #tpu.memory_space<hbm>>
    %dma_wait3A_33 = tpu.memref_slice %arg5[%mul3A_22] : memref<327680xf32, #tpu.memory_space<hbm>> -> memref<128xf32, #tpu.memory_space<hbm>>
    tpu.wait_dma2 semaphore(%arg23 : memref<!tpu.dma_semaphore, #tpu.memory_space<semaphore_mem>>) src(%dma_wait3A_33 : memref<128xf32, #tpu.memory_space<hbm>>) dst(%arg16 : memref<128xf32, #tpu.memory_space<vmem>>)
    %dma_start3A_34 = arith.constant 0 : i32
    %dma_start3A_35 = arith.constant 0 : i32
    %dma_start3A_36 = tpu.memref_slice %arg12[%dma_start3A_34, %dma_start3A_35] : memref<1x128xi32, #tpu.memory_space<vmem>> -> memref<1x128xi32, #tpu.memory_space<vmem>>
    %dma_start3A_37 = tpu.memref_squeeze %dma_start3A_36 : memref<1x128xi32, #tpu.memory_space<vmem>> -> memref<128xi32, #tpu.memory_space<vmem>>
    %dma_start3A_38 = arith.constant 0 : i32
    %dma_start3A_39 = arith.constant 0 : i32
    %dma_start3A_40 = tpu.memref_slice %arg2[%dma_start3A_38, %dma_start3A_39] : memref<10000x128xbf16, #tpu.memory_space<hbm>> -> memref<10000x128xbf16, #tpu.memory_space<hbm>>
    tpu.enqueue_indirect_dma source(%dma_start3A_40 : memref<10000x128xbf16, #tpu.memory_space<hbm>>) target(%arg18 : memref<128x128xbf16, #tpu.memory_space<vmem>>) offsets(%dma_start3A_37 : memref<128xi32, #tpu.memory_space<vmem>>) semaphore(%arg21 : memref<!tpu.dma_semaphore, #tpu.memory_space<semaphore_mem>>)
    %scan3A = arith.constant 0 : i32
    %scan3A_41 = arith.constant 0 : i32
    %scan3A_42 = arith.constant 40 : i32
    %scan3A_43 = arith.addi %scan3A_41, %scan3A_42 : i32
    %scan3A_44 = arith.constant 1 : i32
    scf.for %scan3A_54 = %scan3A_41 to %scan3A_43 step %scan3A_44  : i32 {
      %mul3A_55 = arith.constant 2 : i32
      %mul3A_56 = arith.muli %mul3A_55, %scan3A_54 : i32
      %add3A_57 = arith.constant 1 : i32
      %add3A_58 = arith.addi %mul3A_56, %add3A_57 : i32
      %add3A_59 = arith.addi %mul3A_6, %add3A_58 : i32
      %dma_start3A_60 = arith.constant 0 : i32
      %dma_start3A_61 = tpu.memref_slice %arg3[%add3A_59, %dma_start3A_60] : memref<2560x128xi32, #tpu.memory_space<hbm>> -> memref<1x128xi32, #tpu.memory_space<hbm>>
      %dma_start3A_62 = arith.constant 0 : i32
      %dma_start3A_63 = tpu.memref_slice %arg3[%add3A_59, %dma_start3A_62] : memref<2560x128xi32, #tpu.memory_space<hbm>> -> memref<1x128xi32, #tpu.memory_space<hbm>>
      tpu.enqueue_dma source(%dma_start3A_63 : memref<1x128xi32, #tpu.memory_space<hbm>>) target(%arg13 : memref<1x128xi32, #tpu.memory_space<vmem>>) target_semaphore(%arg24 : memref<!tpu.dma_semaphore, #tpu.memory_space<semaphore_mem>>)
      %add3A_64 = arith.addi %mul3A_6, %add3A_58 : i32
      %dma_start3A_65 = arith.constant 0 : i32
      %dma_start3A_66 = tpu.memref_slice %arg4[%add3A_64, %dma_start3A_65] : memref<2560x128xi32, #tpu.memory_space<hbm>> -> memref<1x128xi32, #tpu.memory_space<hbm>>
      %dma_start3A_67 = arith.constant 0 : i32
      %dma_start3A_68 = tpu.memref_slice %arg4[%add3A_64, %dma_start3A_67] : memref<2560x128xi32, #tpu.memory_space<hbm>> -> memref<1x128xi32, #tpu.memory_space<hbm>>
      tpu.enqueue_dma source(%dma_start3A_68 : memref<1x128xi32, #tpu.memory_space<hbm>>) target(%arg15 : memref<1x128xi32, #tpu.memory_space<vmem>>) target_semaphore(%arg24 : memref<!tpu.dma_semaphore, #tpu.memory_space<semaphore_mem>>)
      %add3A_69 = arith.addi %mul3A_6, %add3A_58 : i32
      %mul3A_70 = arith.constant 128 : i32
      %mul3A_71 = arith.muli %add3A_69, %mul3A_70 : i32
      %dma_start3A_72 = tpu.memref_slice %arg5[%mul3A_71] : memref<327680xf32, #tpu.memory_space<hbm>> -> memref<128xf32, #tpu.memory_space<hbm>>
      %dma_start3A_73 = tpu.memref_slice %arg5[%mul3A_71] : memref<327680xf32, #tpu.memory_space<hbm>> -> memref<128xf32, #tpu.memory_space<hbm>>
      tpu.enqueue_dma source(%dma_start3A_73 : memref<128xf32, #tpu.memory_space<hbm>>) target(%arg17 : memref<128xf32, #tpu.memory_space<vmem>>) target_semaphore(%arg24 : memref<!tpu.dma_semaphore, #tpu.memory_space<semaphore_mem>>)
      %dma_wait3A_74 = arith.constant 0 : i32
      %dma_wait3A_75 = arith.constant 0 : i32
      %dma_wait3A_76 = tpu.memref_slice %arg12[%dma_wait3A_74, %dma_wait3A_75] : memref<1x128xi32, #tpu.memory_space<vmem>> -> memref<1x128xi32, #tpu.memory_space<vmem>>
      %dma_wait3A_77 = tpu.memref_squeeze %dma_wait3A_76 : memref<1x128xi32, #tpu.memory_space<vmem>> -> memref<128xi32, #tpu.memory_space<vmem>>
      %dma_wait3A_78 = arith.constant 0 : i32
      %dma_wait3A_79 = arith.constant 0 : i32
      %dma_wait3A_80 = tpu.memref_slice %arg2[%dma_wait3A_78, %dma_wait3A_79] : memref<10000x128xbf16, #tpu.memory_space<hbm>> -> memref<10000x128xbf16, #tpu.memory_space<hbm>>
      tpu.wait_indirect_dma semaphore(%arg21 : memref<!tpu.dma_semaphore, #tpu.memory_space<semaphore_mem>>) src(%dma_wait3A_80 : memref<10000x128xbf16, #tpu.memory_space<hbm>>) dst(%arg18 : memref<128x128xbf16, #tpu.memory_space<vmem>>)
      %dma_wait3A_81 = arith.constant 0 : i32
      %dma_wait3A_82 = tpu.memref_slice %arg3[%add3A_59, %dma_wait3A_81] : memref<2560x128xi32, #tpu.memory_space<hbm>> -> memref<1x128xi32, #tpu.memory_space<hbm>>
      %dma_wait3A_83 = arith.constant 0 : i32
      %dma_wait3A_84 = tpu.memref_slice %arg3[%add3A_59, %dma_wait3A_83] : memref<2560x128xi32, #tpu.memory_space<hbm>> -> memref<1x128xi32, #tpu.memory_space<hbm>>
      tpu.wait_dma2 semaphore(%arg24 : memref<!tpu.dma_semaphore, #tpu.memory_space<semaphore_mem>>) src(%dma_wait3A_84 : memref<1x128xi32, #tpu.memory_space<hbm>>) dst(%arg13 : memref<1x128xi32, #tpu.memory_space<vmem>>)
      %dma_wait3A_85 = arith.constant 0 : i32
      %dma_wait3A_86 = tpu.memref_slice %arg4[%add3A_64, %dma_wait3A_85] : memref<2560x128xi32, #tpu.memory_space<hbm>> -> memref<1x128xi32, #tpu.memory_space<hbm>>
      %dma_wait3A_87 = arith.constant 0 : i32
      %dma_wait3A_88 = tpu.memref_slice %arg4[%add3A_64, %dma_wait3A_87] : memref<2560x128xi32, #tpu.memory_space<hbm>> -> memref<1x128xi32, #tpu.memory_space<hbm>>
      tpu.wait_dma2 semaphore(%arg24 : memref<!tpu.dma_semaphore, #tpu.memory_space<semaphore_mem>>) src(%dma_wait3A_88 : memref<1x128xi32, #tpu.memory_space<hbm>>) dst(%arg15 : memref<1x128xi32, #tpu.memory_space<vmem>>)
      %dma_wait3A_89 = tpu.memref_slice %arg5[%mul3A_71] : memref<327680xf32, #tpu.memory_space<hbm>> -> memref<128xf32, #tpu.memory_space<hbm>>
      %dma_wait3A_90 = tpu.memref_slice %arg5[%mul3A_71] : memref<327680xf32, #tpu.memory_space<hbm>> -> memref<128xf32, #tpu.memory_space<hbm>>
      tpu.wait_dma2 semaphore(%arg24 : memref<!tpu.dma_semaphore, #tpu.memory_space<semaphore_mem>>) src(%dma_wait3A_90 : memref<128xf32, #tpu.memory_space<hbm>>) dst(%arg17 : memref<128xf32, #tpu.memory_space<vmem>>)
      %dma_start3A_91 = arith.constant 0 : i32
      %dma_start3A_92 = arith.constant 0 : i32
      %dma_start3A_93 = tpu.memref_slice %arg13[%dma_start3A_91, %dma_start3A_92] : memref<1x128xi32, #tpu.memory_space<vmem>> -> memref<1x128xi32, #tpu.memory_space<vmem>>
      %dma_start3A_94 = tpu.memref_squeeze %dma_start3A_93 : memref<1x128xi32, #tpu.memory_space<vmem>> -> memref<128xi32, #tpu.memory_space<vmem>>
      %dma_start3A_95 = arith.constant 0 : i32
      %dma_start3A_96 = arith.constant 0 : i32
      %dma_start3A_97 = tpu.memref_slice %arg2[%dma_start3A_95, %dma_start3A_96] : memref<10000x128xbf16, #tpu.memory_space<hbm>> -> memref<10000x128xbf16, #tpu.memory_space<hbm>>
      tpu.enqueue_indirect_dma source(%dma_start3A_97 : memref<10000x128xbf16, #tpu.memory_space<hbm>>) target(%arg19 : memref<128x128xbf16, #tpu.memory_space<vmem>>) offsets(%dma_start3A_94 : memref<128xi32, #tpu.memory_space<vmem>>) semaphore(%arg22 : memref<!tpu.dma_semaphore, #tpu.memory_space<semaphore_mem>>)
      %run_scoped3A = arith.constant 0 : i32
      "tpu.region"() ({
        %run_scoped3A_143 = tpu.sem_alloc : memref<!tpu.dma_semaphore, #tpu.memory_space<semaphore_mem>>
        %dma_start3A_144 = arith.constant 0 : i32
        %dma_start3A_145 = tpu.memref_slice %arg14[%run_scoped3A, %dma_start3A_144] : memref<1x128xi32, #tpu.memory_space<vmem>> -> memref<1x128xi32, #tpu.memory_space<vmem>>
        %dma_start3A_146 = tpu.memref_squeeze %dma_start3A_145 : memref<1x128xi32, #tpu.memory_space<vmem>> -> memref<128xi32, #tpu.memory_space<vmem>>
        %dma_start3A_147 = arith.constant 0 : i32
        %dma_start3A_148 = arith.constant 0 : i32
        %dma_start3A_149 = tpu.memref_slice %arg10[%dma_start3A_147, %dma_start3A_148] : memref<10240x128xf32, #tpu.memory_space<vmem_shared>> -> memref<10240x128xf32, #tpu.memory_space<vmem_shared>>
        tpu.enqueue_indirect_dma source(%arg20 : memref<128x128xf32, #tpu.memory_space<vmem>>) target(%dma_start3A_149 : memref<10240x128xf32, #tpu.memory_space<vmem_shared>>) offsets(%dma_start3A_146 : memref<128xi32, #tpu.memory_space<vmem>>) semaphore(%run_scoped3A_143 : memref<!tpu.dma_semaphore, #tpu.memory_space<semaphore_mem>>) {add = true}
        %dma_wait3A_150 = arith.constant 0 : i32
        %dma_wait3A_151 = tpu.memref_slice %arg14[%run_scoped3A, %dma_wait3A_150] : memref<1x128xi32, #tpu.memory_space<vmem>> -> memref<1x128xi32, #tpu.memory_space<vmem>>
        %dma_wait3A_152 = tpu.memref_squeeze %dma_wait3A_151 : memref<1x128xi32, #tpu.memory_space<vmem>> -> memref<128xi32, #tpu.memory_space<vmem>>
        %dma_wait3A_153 = arith.constant 0 : i32
        %dma_wait3A_154 = arith.constant 0 : i32
        %dma_wait3A_155 = tpu.memref_slice %arg10[%dma_wait3A_153, %dma_wait3A_154] : memref<10240x128xf32, #tpu.memory_space<vmem_shared>> -> memref<10240x128xf32, #tpu.memory_space<vmem_shared>>
        tpu.wait_indirect_dma semaphore(%run_scoped3A_143 : memref<!tpu.dma_semaphore, #tpu.memory_space<semaphore_mem>>) src(%arg20 : memref<128x128xf32, #tpu.memory_space<vmem>>) dst(%dma_wait3A_155 : memref<10240x128xf32, #tpu.memory_space<vmem_shared>>)
        tpu.yield
      }) : () -> ()
      %run_scoped3A_98 = arith.constant 0 : i32
      "tpu.region"() ({
        %run_scoped3A_143 = tpu.sem_alloc : memref<!tpu.dma_semaphore, #tpu.memory_space<semaphore_mem>>
        %dma_start3A_144 = arith.constant 0 : i32
        %dma_start3A_145 = tpu.memref_slice %arg14[%run_scoped3A_98, %dma_start3A_144] : memref<1x128xi32, #tpu.memory_space<vmem>> -> memref<1x128xi32, #tpu.memory_space<vmem>>
        %dma_start3A_146 = tpu.memref_squeeze %dma_start3A_145 : memref<1x128xi32, #tpu.memory_space<vmem>> -> memref<128xi32, #tpu.memory_space<vmem>>
        %dma_start3A_147 = arith.constant 0 : i32
        %dma_start3A_148 = tpu.memref_slice %arg11[%dma_start3A_147] : memref<10240xf32, #tpu.memory_space<vmem_shared>> -> memref<10240xf32, #tpu.memory_space<vmem_shared>>
        tpu.enqueue_indirect_dma source(%arg16 : memref<128xf32, #tpu.memory_space<vmem>>) target(%dma_start3A_148 : memref<10240xf32, #tpu.memory_space<vmem_shared>>) offsets(%dma_start3A_146 : memref<128xi32, #tpu.memory_space<vmem>>) semaphore(%run_scoped3A_143 : memref<!tpu.dma_semaphore, #tpu.memory_space<semaphore_mem>>) {add = true}
        %dma_wait3A_149 = arith.constant 0 : i32
        %dma_wait3A_150 = tpu.memref_slice %arg14[%run_scoped3A_98, %dma_wait3A_149] : memref<1x128xi32, #tpu.memory_space<vmem>> -> memref<1x128xi32, #tpu.memory_space<vmem>>
        %dma_wait3A_151 = tpu.memref_squeeze %dma_wait3A_150 : memref<1x128xi32, #tpu.memory_space<vmem>> -> memref<128xi32, #tpu.memory_space<vmem>>
        %dma_wait3A_152 = arith.constant 0 : i32
        %dma_wait3A_153 = tpu.memref_slice %arg11[%dma_wait3A_152] : memref<10240xf32, #tpu.memory_space<vmem_shared>> -> memref<10240xf32, #tpu.memory_space<vmem_shared>>
        tpu.wait_indirect_dma semaphore(%run_scoped3A_143 : memref<!tpu.dma_semaphore, #tpu.memory_space<semaphore_mem>>) src(%arg16 : memref<128xf32, #tpu.memory_space<vmem>>) dst(%dma_wait3A_153 : memref<10240xf32, #tpu.memory_space<vmem_shared>>)
        tpu.yield
      }) : () -> ()
      %add3A_99 = arith.constant 2 : i32
      %add3A_100 = arith.addi %mul3A_56, %add3A_99 : i32
      %rem3A = arith.constant 80 : i32
      %rem3A_101 = arith.remsi %add3A_100, %rem3A : i32
      %add3A_102 = arith.addi %mul3A_6, %rem3A_101 : i32
      %dma_start3A_103 = arith.constant 0 : i32
      %dma_start3A_104 = tpu.memref_slice %arg3[%add3A_102, %dma_start3A_103] : memref<2560x128xi32, #tpu.memory_space<hbm>> -> memref<1x128xi32, #tpu.memory_space<hbm>>
      %dma_start3A_105 = arith.constant 0 : i32
      %dma_start3A_106 = tpu.memref_slice %arg3[%add3A_102, %dma_start3A_105] : memref<2560x128xi32, #tpu.memory_space<hbm>> -> memref<1x128xi32, #tpu.memory_space<hbm>>
      tpu.enqueue_dma source(%dma_start3A_106 : memref<1x128xi32, #tpu.memory_space<hbm>>) target(%arg12 : memref<1x128xi32, #tpu.memory_space<vmem>>) target_semaphore(%arg23 : memref<!tpu.dma_semaphore, #tpu.memory_space<semaphore_mem>>)
      %add3A_107 = arith.addi %mul3A_6, %rem3A_101 : i32
      %dma_start3A_108 = arith.constant 0 : i32
      %dma_start3A_109 = tpu.memref_slice %arg4[%add3A_107, %dma_start3A_108] : memref<2560x128xi32, #tpu.memory_space<hbm>> -> memref<1x128xi32, #tpu.memory_space<hbm>>
      %dma_start3A_110 = arith.constant 0 : i32
      %dma_start3A_111 = tpu.memref_slice %arg4[%add3A_107, %dma_start3A_110] : memref<2560x128xi32, #tpu.memory_space<hbm>> -> memref<1x128xi32, #tpu.memory_space<hbm>>
      tpu.enqueue_dma source(%dma_start3A_111 : memref<1x128xi32, #tpu.memory_space<hbm>>) target(%arg14 : memref<1x128xi32, #tpu.memory_space<vmem>>) target_semaphore(%arg23 : memref<!tpu.dma_semaphore, #tpu.memory_space<semaphore_mem>>)
      %add3A_112 = arith.addi %mul3A_6, %rem3A_101 : i32
      %mul3A_113 = arith.constant 128 : i32
      %mul3A_114 = arith.muli %add3A_112, %mul3A_113 : i32
      %dma_start3A_115 = tpu.memref_slice %arg5[%mul3A_114] : memref<327680xf32, #tpu.memory_space<hbm>> -> memref<128xf32, #tpu.memory_space<hbm>>
      %dma_start3A_116 = tpu.memref_slice %arg5[%mul3A_114] : memref<327680xf32, #tpu.memory_space<hbm>> -> memref<128xf32, #tpu.memory_space<hbm>>
      tpu.enqueue_dma source(%dma_start3A_116 : memref<128xf32, #tpu.memory_space<hbm>>) target(%arg16 : memref<128xf32, #tpu.memory_space<vmem>>) target_semaphore(%arg23 : memref<!tpu.dma_semaphore, #tpu.memory_space<semaphore_mem>>)
      %dma_wait3A_117 = arith.constant 0 : i32
      %dma_wait3A_118 = arith.constant 0 : i32
      %dma_wait3A_119 = tpu.memref_slice %arg13[%dma_wait3A_117, %dma_wait3A_118] : memref<1x128xi32, #tpu.memory_space<vmem>> -> memref<1x128xi32, #tpu.memory_space<vmem>>
      %dma_wait3A_120 = tpu.memref_squeeze %dma_wait3A_119 : memref<1x128xi32, #tpu.memory_space<vmem>> -> memref<128xi32, #tpu.memory_space<vmem>>
      %dma_wait3A_121 = arith.constant 0 : i32
      %dma_wait3A_122 = arith.constant 0 : i32
      %dma_wait3A_123 = tpu.memref_slice %arg2[%dma_wait3A_121, %dma_wait3A_122] : memref<10000x128xbf16, #tpu.memory_space<hbm>> -> memref<10000x128xbf16, #tpu.memory_space<hbm>>
      tpu.wait_indirect_dma semaphore(%arg22 : memref<!tpu.dma_semaphore, #tpu.memory_space<semaphore_mem>>) src(%dma_wait3A_123 : memref<10000x128xbf16, #tpu.memory_space<hbm>>) dst(%arg19 : memref<128x128xbf16, #tpu.memory_space<vmem>>)
      %dma_wait3A_124 = arith.constant 0 : i32
      %dma_wait3A_125 = tpu.memref_slice %arg3[%add3A_102, %dma_wait3A_124] : memref<2560x128xi32, #tpu.memory_space<hbm>> -> memref<1x128xi32, #tpu.memory_space<hbm>>
      %dma_wait3A_126 = arith.constant 0 : i32
      %dma_wait3A_127 = tpu.memref_slice %arg3[%add3A_102, %dma_wait3A_126] : memref<2560x128xi32, #tpu.memory_space<hbm>> -> memref<1x128xi32, #tpu.memory_space<hbm>>
      tpu.wait_dma2 semaphore(%arg23 : memref<!tpu.dma_semaphore, #tpu.memory_space<semaphore_mem>>) src(%dma_wait3A_127 : memref<1x128xi32, #tpu.memory_space<hbm>>) dst(%arg12 : memref<1x128xi32, #tpu.memory_space<vmem>>)
      %dma_wait3A_128 = arith.constant 0 : i32
      %dma_wait3A_129 = tpu.memref_slice %arg4[%add3A_107, %dma_wait3A_128] : memref<2560x128xi32, #tpu.memory_space<hbm>> -> memref<1x128xi32, #tpu.memory_space<hbm>>
      %dma_wait3A_130 = arith.constant 0 : i32
      %dma_wait3A_131 = tpu.memref_slice %arg4[%add3A_107, %dma_wait3A_130] : memref<2560x128xi32, #tpu.memory_space<hbm>> -> memref<1x128xi32, #tpu.memory_space<hbm>>
      tpu.wait_dma2 semaphore(%arg23 : memref<!tpu.dma_semaphore, #tpu.memory_space<semaphore_mem>>) src(%dma_wait3A_131 : memref<1x128xi32, #tpu.memory_space<hbm>>) dst(%arg14 : memref<1x128xi32, #tpu.memory_space<vmem>>)
      %dma_wait3A_132 = tpu.memref_slice %arg5[%mul3A_114] : memref<327680xf32, #tpu.memory_space<hbm>> -> memref<128xf32, #tpu.memory_space<hbm>>
      %dma_wait3A_133 = tpu.memref_slice %arg5[%mul3A_114] : memref<327680xf32, #tpu.memory_space<hbm>> -> memref<128xf32, #tpu.memory_space<hbm>>
      tpu.wait_dma2 semaphore(%arg23 : memref<!tpu.dma_semaphore, #tpu.memory_space<semaphore_mem>>) src(%dma_wait3A_133 : memref<128xf32, #tpu.memory_space<hbm>>) dst(%arg16 : memref<128xf32, #tpu.memory_space<vmem>>)
      %dma_start3A_134 = arith.constant 0 : i32
      %dma_start3A_135 = arith.constant 0 : i32
      %dma_start3A_136 = tpu.memref_slice %arg12[%dma_start3A_134, %dma_start3A_135] : memref<1x128xi32, #tpu.memory_space<vmem>> -> memref<1x128xi32, #tpu.memory_space<vmem>>
      %dma_start3A_137 = tpu.memref_squeeze %dma_start3A_136 : memref<1x128xi32, #tpu.memory_space<vmem>> -> memref<128xi32, #tpu.memory_space<vmem>>
      %dma_start3A_138 = arith.constant 0 : i32
      %dma_start3A_139 = arith.constant 0 : i32
      %dma_start3A_140 = tpu.memref_slice %arg2[%dma_start3A_138, %dma_start3A_139] : memref<10000x128xbf16, #tpu.memory_space<hbm>> -> memref<10000x128xbf16, #tpu.memory_space<hbm>>
      tpu.enqueue_indirect_dma source(%dma_start3A_140 : memref<10000x128xbf16, #tpu.memory_space<hbm>>) target(%arg18 : memref<128x128xbf16, #tpu.memory_space<vmem>>) offsets(%dma_start3A_137 : memref<128xi32, #tpu.memory_space<vmem>>) semaphore(%arg21 : memref<!tpu.dma_semaphore, #tpu.memory_space<semaphore_mem>>)
      %run_scoped3A_141 = arith.constant 0 : i32
      "tpu.region"() ({
        %run_scoped3A_143 = tpu.sem_alloc : memref<!tpu.dma_semaphore, #tpu.memory_space<semaphore_mem>>
        %dma_start3A_144 = arith.constant 0 : i32
        %dma_start3A_145 = tpu.memref_slice %arg15[%run_scoped3A_141, %dma_start3A_144] : memref<1x128xi32, #tpu.memory_space<vmem>> -> memref<1x128xi32, #tpu.memory_space<vmem>>
        %dma_start3A_146 = tpu.memref_squeeze %dma_start3A_145 : memref<1x128xi32, #tpu.memory_space<vmem>> -> memref<128xi32, #tpu.memory_space<vmem>>
        %dma_start3A_147 = arith.constant 0 : i32
        %dma_start3A_148 = arith.constant 0 : i32
        %dma_start3A_149 = tpu.memref_slice %arg10[%dma_start3A_147, %dma_start3A_148] : memref<10240x128xf32, #tpu.memory_space<vmem_shared>> -> memref<10240x128xf32, #tpu.memory_space<vmem_shared>>
        tpu.enqueue_indirect_dma source(%arg20 : memref<128x128xf32, #tpu.memory_space<vmem>>) target(%dma_start3A_149 : memref<10240x128xf32, #tpu.memory_space<vmem_shared>>) offsets(%dma_start3A_146 : memref<128xi32, #tpu.memory_space<vmem>>) semaphore(%run_scoped3A_143 : memref<!tpu.dma_semaphore, #tpu.memory_space<semaphore_mem>>) {add = true}
        %dma_wait3A_150 = arith.constant 0 : i32
        %dma_wait3A_151 = tpu.memref_slice %arg15[%run_scoped3A_141, %dma_wait3A_150] : memref<1x128xi32, #tpu.memory_space<vmem>> -> memref<1x128xi32, #tpu.memory_space<vmem>>
        %dma_wait3A_152 = tpu.memref_squeeze %dma_wait3A_151 : memref<1x128xi32, #tpu.memory_space<vmem>> -> memref<128xi32, #tpu.memory_space<vmem>>
        %dma_wait3A_153 = arith.constant 0 : i32
        %dma_wait3A_154 = arith.constant 0 : i32
        %dma_wait3A_155 = tpu.memref_slice %arg10[%dma_wait3A_153, %dma_wait3A_154] : memref<10240x128xf32, #tpu.memory_space<vmem_shared>> -> memref<10240x128xf32, #tpu.memory_space<vmem_shared>>
        tpu.wait_indirect_dma semaphore(%run_scoped3A_143 : memref<!tpu.dma_semaphore, #tpu.memory_space<semaphore_mem>>) src(%arg20 : memref<128x128xf32, #tpu.memory_space<vmem>>) dst(%dma_wait3A_155 : memref<10240x128xf32, #tpu.memory_space<vmem_shared>>)
        tpu.yield
      }) : () -> ()
      %run_scoped3A_142 = arith.constant 0 : i32
      "tpu.region"() ({
        %run_scoped3A_143 = tpu.sem_alloc : memref<!tpu.dma_semaphore, #tpu.memory_space<semaphore_mem>>
        %dma_start3A_144 = arith.constant 0 : i32
        %dma_start3A_145 = tpu.memref_slice %arg15[%run_scoped3A_142, %dma_start3A_144] : memref<1x128xi32, #tpu.memory_space<vmem>> -> memref<1x128xi32, #tpu.memory_space<vmem>>
        %dma_start3A_146 = tpu.memref_squeeze %dma_start3A_145 : memref<1x128xi32, #tpu.memory_space<vmem>> -> memref<128xi32, #tpu.memory_space<vmem>>
        %dma_start3A_147 = arith.constant 0 : i32
        %dma_start3A_148 = tpu.memref_slice %arg11[%dma_start3A_147] : memref<10240xf32, #tpu.memory_space<vmem_shared>> -> memref<10240xf32, #tpu.memory_space<vmem_shared>>
        tpu.enqueue_indirect_dma source(%arg17 : memref<128xf32, #tpu.memory_space<vmem>>) target(%dma_start3A_148 : memref<10240xf32, #tpu.memory_space<vmem_shared>>) offsets(%dma_start3A_146 : memref<128xi32, #tpu.memory_space<vmem>>) semaphore(%run_scoped3A_143 : memref<!tpu.dma_semaphore, #tpu.memory_space<semaphore_mem>>) {add = true}
        %dma_wait3A_149 = arith.constant 0 : i32
        %dma_wait3A_150 = tpu.memref_slice %arg15[%run_scoped3A_142, %dma_wait3A_149] : memref<1x128xi32, #tpu.memory_space<vmem>> -> memref<1x128xi32, #tpu.memory_space<vmem>>
        %dma_wait3A_151 = tpu.memref_squeeze %dma_wait3A_150 : memref<1x128xi32, #tpu.memory_space<vmem>> -> memref<128xi32, #tpu.memory_space<vmem>>
        %dma_wait3A_152 = arith.constant 0 : i32
        %dma_wait3A_153 = tpu.memref_slice %arg11[%dma_wait3A_152] : memref<10240xf32, #tpu.memory_space<vmem_shared>> -> memref<10240xf32, #tpu.memory_space<vmem_shared>>
        tpu.wait_indirect_dma semaphore(%run_scoped3A_143 : memref<!tpu.dma_semaphore, #tpu.memory_space<semaphore_mem>>) src(%arg17 : memref<128xf32, #tpu.memory_space<vmem>>) dst(%dma_wait3A_153 : memref<10240xf32, #tpu.memory_space<vmem_shared>>)
        tpu.yield
      }) : () -> ()
    }
    %scan3A_45 = arith.constant 40 : i32
    %dma_wait3A_46 = arith.constant 0 : i32
    %dma_wait3A_47 = arith.constant 0 : i32
    %dma_wait3A_48 = tpu.memref_slice %arg12[%dma_wait3A_46, %dma_wait3A_47] : memref<1x128xi32, #tpu.memory_space<vmem>> -> memref<1x128xi32, #tpu.memory_space<vmem>>
    %dma_wait3A_49 = tpu.memref_squeeze %dma_wait3A_48 : memref<1x128xi32, #tpu.memory_space<vmem>> -> memref<128xi32, #tpu.memory_space<vmem>>
    %dma_wait3A_50 = arith.constant 0 : i32
    %dma_wait3A_51 = arith.constant 0 : i32
    %dma_wait3A_52 = tpu.memref_slice %arg2[%dma_wait3A_50, %dma_wait3A_51] : memref<10000x128xbf16, #tpu.memory_space<hbm>> -> memref<10000x128xbf16, #tpu.memory_space<hbm>>
    tpu.wait_indirect_dma semaphore(%arg21 : memref<!tpu.dma_semaphore, #tpu.memory_space<semaphore_mem>>) src(%dma_wait3A_52 : memref<10000x128xbf16, #tpu.memory_space<hbm>>) dst(%arg18 : memref<128x128xbf16, #tpu.memory_space<vmem>>)
    %barrier3A_53 = arith.constant 0 : index
    tpu.barrier barrier_id(%barrier3A_53)
    "tpu.region"() ({
      %run_scoped3A = tpu.sem_alloc : memref<!tpu.dma_semaphore, #tpu.memory_space<semaphore_mem>>
      %dma_start3A_54 = arith.constant 0 : i32
      %dma_start3A_55 = tpu.memref_slice %arg8[%arg0, %mul3A_0, %dma_start3A_54] : memref<2x10240x128xf32, #tpu.memory_space<hbm>> -> memref<1x640x128xf32, #tpu.memory_space<hbm>>
      %dma_start3A_56 = tpu.memref_squeeze %dma_start3A_55 : memref<1x640x128xf32, #tpu.memory_space<hbm>> -> memref<640x128xf32, #tpu.memory_space<hbm>>
      %dma_start3A_57 = arith.constant 0 : i32
      %dma_start3A_58 = tpu.memref_slice %arg10[%mul3A_0, %dma_start3A_57] : memref<10240x128xf32, #tpu.memory_space<vmem_shared>> -> memref<640x128xf32, #tpu.memory_space<vmem_shared>>
      tpu.enqueue_dma source(%dma_start3A_58 : memref<640x128xf32, #tpu.memory_space<vmem_shared>>) target(%dma_start3A_56 : memref<640x128xf32, #tpu.memory_space<hbm>>) target_semaphore(%run_scoped3A : memref<!tpu.dma_semaphore, #tpu.memory_space<semaphore_mem>>)
      %dma_wait3A_59 = arith.constant 0 : i32
      %dma_wait3A_60 = tpu.memref_slice %arg8[%arg0, %mul3A_0, %dma_wait3A_59] : memref<2x10240x128xf32, #tpu.memory_space<hbm>> -> memref<1x640x128xf32, #tpu.memory_space<hbm>>
      %dma_wait3A_61 = tpu.memref_squeeze %dma_wait3A_60 : memref<1x640x128xf32, #tpu.memory_space<hbm>> -> memref<640x128xf32, #tpu.memory_space<hbm>>
      %dma_wait3A_62 = arith.constant 0 : i32
      %dma_wait3A_63 = tpu.memref_slice %arg10[%mul3A_0, %dma_wait3A_62] : memref<10240x128xf32, #tpu.memory_space<vmem_shared>> -> memref<640x128xf32, #tpu.memory_space<vmem_shared>>
      tpu.wait_dma2 semaphore(%run_scoped3A : memref<!tpu.dma_semaphore, #tpu.memory_space<semaphore_mem>>) src(%dma_wait3A_63 : memref<640x128xf32, #tpu.memory_space<vmem_shared>>) dst(%dma_wait3A_61 : memref<640x128xf32, #tpu.memory_space<hbm>>)
      tpu.yield
    }) : () -> ()
    "tpu.region"() ({
      %run_scoped3A = tpu.sem_alloc : memref<!tpu.dma_semaphore, #tpu.memory_space<semaphore_mem>>
      %dma_start3A_54 = tpu.memref_slice %arg9[%arg0, %mul3A_2] : memref<2x10240xf32, #tpu.memory_space<hbm>> -> memref<1x640xf32, #tpu.memory_space<hbm>>
      %dma_start3A_55 = tpu.memref_squeeze %dma_start3A_54 : memref<1x640xf32, #tpu.memory_space<hbm>> -> memref<640xf32, #tpu.memory_space<hbm>>
      %dma_start3A_56 = tpu.memref_slice %arg11[%mul3A_2] : memref<10240xf32, #tpu.memory_space<vmem_shared>> -> memref<640xf32, #tpu.memory_space<vmem_shared>>
      tpu.enqueue_dma source(%dma_start3A_56 : memref<640xf32, #tpu.memory_space<vmem_shared>>) target(%dma_start3A_55 : memref<640xf32, #tpu.memory_space<hbm>>) target_semaphore(%run_scoped3A : memref<!tpu.dma_semaphore, #tpu.memory_space<semaphore_mem>>)
      %dma_wait3A_57 = tpu.memref_slice %arg9[%arg0, %mul3A_2] : memref<2x10240xf32, #tpu.memory_space<hbm>> -> memref<1x640xf32, #tpu.memory_space<hbm>>
      %dma_wait3A_58 = tpu.memref_squeeze %dma_wait3A_57 : memref<1x640xf32, #tpu.memory_space<hbm>> -> memref<640xf32, #tpu.memory_space<hbm>>
      %dma_wait3A_59 = tpu.memref_slice %arg11[%mul3A_2] : memref<10240xf32, #tpu.memory_space<vmem_shared>> -> memref<640xf32, #tpu.memory_space<vmem_shared>>
      tpu.wait_dma2 semaphore(%run_scoped3A : memref<!tpu.dma_semaphore, #tpu.memory_space<semaphore_mem>>) src(%dma_wait3A_59 : memref<640xf32, #tpu.memory_space<vmem_shared>>) dst(%dma_wait3A_58 : memref<640xf32, #tpu.memory_space<hbm>>)
      tpu.yield
    }) : () -> ()
    return
  }
}

#map = affine_map<(d0, d1) -> (0, 0)>
#map1 = affine_map<(d0, d1) -> (0)>
#map2 = affine_map<(d0, d1) -> (0, 0, 0)>
module attributes {stable_mosaic.version = 14 : i64} {
  func.func @_sc_spmm(%arg0: i32, %arg1: i32, %arg2: memref<10000x128xbf16, #tpu.memory_space<hbm>>, %arg3: memref<2560x128xi32, #tpu.memory_space<hbm>>, %arg4: memref<2560x128xi32, #tpu.memory_space<hbm>>, %arg5: memref<327680xf32, #tpu.memory_space<hbm>>, %arg6: memref<10240x128xf32, #tpu.memory_space<hbm>>, %arg7: memref<10240xf32, #tpu.memory_space<hbm>>, %arg8: memref<2x10240x128xf32, #tpu.memory_space<hbm>>, %arg9: memref<2x10240xf32, #tpu.memory_space<hbm>>, %arg10: memref<10240x128xf32, #tpu.memory_space<vmem_shared>>, %arg11: memref<10240xf32, #tpu.memory_space<vmem_shared>>, %arg12: memref<1x128xi32, #tpu.memory_space<vmem>>, %arg13: memref<1x128xi32, #tpu.memory_space<vmem>>, %arg14: memref<1x128xi32, #tpu.memory_space<vmem>>, %arg15: memref<1x128xi32, #tpu.memory_space<vmem>>, %arg16: memref<128xf32, #tpu.memory_space<vmem>>, %arg17: memref<128xf32, #tpu.memory_space<vmem>>, %arg18: memref<128x128xbf16, #tpu.memory_space<vmem>>, %arg19: memref<128x128xbf16, #tpu.memory_space<vmem>>, %arg20: memref<128x128xf32, #tpu.memory_space<vmem>>, %arg21: memref<!tpu.dma_semaphore, #tpu.memory_space<semaphore_mem>>, %arg22: memref<!tpu.dma_semaphore, #tpu.memory_space<semaphore_mem>>, %arg23: memref<!tpu.dma_semaphore, #tpu.memory_space<semaphore_mem>>, %arg24: memref<!tpu.dma_semaphore, #tpu.memory_space<semaphore_mem>>) attributes {dimension_semantics = [#tpu.dimension_semantics<core_parallel>, #tpu.dimension_semantics<subcore_parallel>], iteration_bounds = array<i64: 2, 16>, scalar_prefetch = 0 : i64, scratch_operands = 15 : i64, tpu.core_type = #tpu.core_type<sc_vector_subcore>, window_params = [{transform_indices = #map}, {transform_indices = #map}, {transform_indices = #map}, {transform_indices = #map1}, {transform_indices = #map}, {transform_indices = #map1}, {transform_indices = #map2}, {transform_indices = #map}]} {
    %mul3A = arith.constant 640 : i32
    %mul3A_0 = arith.muli %arg1, %mul3A : i32
    %mul3A_1 = arith.constant 640 : i32
    %mul3A_2 = arith.muli %arg1, %mul3A_1 : i32
    "tpu.region"() ({
      %run_scoped3A = tpu.sem_alloc : memref<!tpu.dma_semaphore, #tpu.memory_space<semaphore_mem>>
      %dma_start3A_54 = arith.constant 0 : i32
      %dma_start3A_55 = tpu.memref_slice %arg10[%mul3A_0, %dma_start3A_54] : memref<10240x128xf32, #tpu.memory_space<vmem_shared>> -> memref<640x128xf32, #tpu.memory_space<vmem_shared>>
      %dma_start3A_56 = arith.constant 0 : i32
      %dma_start3A_57 = tpu.memref_slice %arg6[%mul3A_0, %dma_start3A_56] : memref<10240x128xf32, #tpu.memory_space<hbm>> -> memref<640x128xf32, #tpu.memory_space<hbm>>
      tpu.enqueue_dma source(%dma_start3A_57 : memref<640x128xf32, #tpu.memory_space<hbm>>) target(%dma_start3A_55 : memref<640x128xf32, #tpu.memory_space<vmem_shared>>) target_semaphore(%run_scoped3A : memref<!tpu.dma_semaphore, #tpu.memory_space<semaphore_mem>>)
      %dma_wait3A_58 = arith.constant 0 : i32
      %dma_wait3A_59 = tpu.memref_slice %arg10[%mul3A_0, %dma_wait3A_58] : memref<10240x128xf32, #tpu.memory_space<vmem_shared>> -> memref<640x128xf32, #tpu.memory_space<vmem_shared>>
      %dma_wait3A_60 = arith.constant 0 : i32
      %dma_wait3A_61 = tpu.memref_slice %arg6[%mul3A_0, %dma_wait3A_60] : memref<10240x128xf32, #tpu.memory_space<hbm>> -> memref<640x128xf32, #tpu.memory_space<hbm>>
      tpu.wait_dma2 semaphore(%run_scoped3A : memref<!tpu.dma_semaphore, #tpu.memory_space<semaphore_mem>>) src(%dma_wait3A_61 : memref<640x128xf32, #tpu.memory_space<hbm>>) dst(%dma_wait3A_59 : memref<640x128xf32, #tpu.memory_space<vmem_shared>>)
      tpu.yield
    }) : () -> ()
    "tpu.region"() ({
      %run_scoped3A = tpu.sem_alloc : memref<!tpu.dma_semaphore, #tpu.memory_space<semaphore_mem>>
      %dma_start3A_54 = tpu.memref_slice %arg11[%mul3A_2] : memref<10240xf32, #tpu.memory_space<vmem_shared>> -> memref<640xf32, #tpu.memory_space<vmem_shared>>
      %dma_start3A_55 = tpu.memref_slice %arg7[%mul3A_2] : memref<10240xf32, #tpu.memory_space<hbm>> -> memref<640xf32, #tpu.memory_space<hbm>>
      tpu.enqueue_dma source(%dma_start3A_55 : memref<640xf32, #tpu.memory_space<hbm>>) target(%dma_start3A_54 : memref<640xf32, #tpu.memory_space<vmem_shared>>) target_semaphore(%run_scoped3A : memref<!tpu.dma_semaphore, #tpu.memory_space<semaphore_mem>>)
      %dma_wait3A_56 = tpu.memref_slice %arg11[%mul3A_2] : memref<10240xf32, #tpu.memory_space<vmem_shared>> -> memref<640xf32, #tpu.memory_space<vmem_shared>>
      %dma_wait3A_57 = tpu.memref_slice %arg7[%mul3A_2] : memref<10240xf32, #tpu.memory_space<hbm>> -> memref<640xf32, #tpu.memory_space<hbm>>
      tpu.wait_dma2 semaphore(%run_scoped3A : memref<!tpu.dma_semaphore, #tpu.memory_space<semaphore_mem>>) src(%dma_wait3A_57 : memref<640xf32, #tpu.memory_space<hbm>>) dst(%dma_wait3A_56 : memref<640xf32, #tpu.memory_space<vmem_shared>>)
      tpu.yield
    }) : () -> ()
    %barrier3A = arith.constant 0 : index
    tpu.barrier barrier_id(%barrier3A)
    %mul3A_3 = arith.constant 16 : i32
    %mul3A_4 = arith.muli %arg0, %mul3A_3 : i32
    %add3A = arith.addi %mul3A_4, %arg1 : i32
    %mul3A_5 = arith.constant 80 : i32
    %mul3A_6 = arith.muli %add3A, %mul3A_5 : i32
    %broadcast_in_dim3A = arith.constant -65536 : i32
    %broadcast_in_dim3A_7 = vector.broadcast %broadcast_in_dim3A : i32 to vector<16xi32>
    %add3A_8 = arith.constant 0 : i32
    %add3A_9 = arith.addi %mul3A_6, %add3A_8 : i32
    %dma_start3A = arith.constant 0 : i32
    %dma_start3A_10 = tpu.memref_slice %arg3[%add3A_9, %dma_start3A] : memref<2560x128xi32, #tpu.memory_space<hbm>> -> memref<1x128xi32, #tpu.memory_space<hbm>>
    %dma_start3A_11 = arith.constant 0 : i32
    %dma_start3A_12 = tpu.memref_slice %arg3[%add3A_9, %dma_start3A_11] : memref<2560x128xi32, #tpu.memory_space<hbm>> -> memref<1x128xi32, #tpu.memory_space<hbm>>
    tpu.enqueue_dma source(%dma_start3A_12 : memref<1x128xi32, #tpu.memory_space<hbm>>) target(%arg12 : memref<1x128xi32, #tpu.memory_space<vmem>>) target_semaphore(%arg23 : memref<!tpu.dma_semaphore, #tpu.memory_space<semaphore_mem>>)
    %add3A_13 = arith.constant 0 : i32
    %add3A_14 = arith.addi %mul3A_6, %add3A_13 : i32
    %dma_start3A_15 = arith.constant 0 : i32
    %dma_start3A_16 = tpu.memref_slice %arg4[%add3A_14, %dma_start3A_15] : memref<2560x128xi32, #tpu.memory_space<hbm>> -> memref<1x128xi32, #tpu.memory_space<hbm>>
    %dma_start3A_17 = arith.constant 0 : i32
    %dma_start3A_18 = tpu.memref_slice %arg4[%add3A_14, %dma_start3A_17] : memref<2560x128xi32, #tpu.memory_space<hbm>> -> memref<1x128xi32, #tpu.memory_space<hbm>>
    tpu.enqueue_dma source(%dma_start3A_18 : memref<1x128xi32, #tpu.memory_space<hbm>>) target(%arg14 : memref<1x128xi32, #tpu.memory_space<vmem>>) target_semaphore(%arg23 : memref<!tpu.dma_semaphore, #tpu.memory_space<semaphore_mem>>)
    %add3A_19 = arith.constant 0 : i32
    %add3A_20 = arith.addi %mul3A_6, %add3A_19 : i32
    %mul3A_21 = arith.constant 128 : i32
    %mul3A_22 = arith.muli %add3A_20, %mul3A_21 : i32
    %dma_start3A_23 = tpu.memref_slice %arg5[%mul3A_22] : memref<327680xf32, #tpu.memory_space<hbm>> -> memref<128xf32, #tpu.memory_space<hbm>>
    %dma_start3A_24 = tpu.memref_slice %arg5[%mul3A_22] : memref<327680xf32, #tpu.memory_space<hbm>> -> memref<128xf32, #tpu.memory_space<hbm>>
    tpu.enqueue_dma source(%dma_start3A_24 : memref<128xf32, #tpu.memory_space<hbm>>) target(%arg16 : memref<128xf32, #tpu.memory_space<vmem>>) target_semaphore(%arg23 : memref<!tpu.dma_semaphore, #tpu.memory_space<semaphore_mem>>)
    %dma_wait3A = arith.constant 0 : i32
    %dma_wait3A_25 = tpu.memref_slice %arg3[%add3A_9, %dma_wait3A] : memref<2560x128xi32, #tpu.memory_space<hbm>> -> memref<1x128xi32, #tpu.memory_space<hbm>>
    %dma_wait3A_26 = arith.constant 0 : i32
    %dma_wait3A_27 = tpu.memref_slice %arg3[%add3A_9, %dma_wait3A_26] : memref<2560x128xi32, #tpu.memory_space<hbm>> -> memref<1x128xi32, #tpu.memory_space<hbm>>
    tpu.wait_dma2 semaphore(%arg23 : memref<!tpu.dma_semaphore, #tpu.memory_space<semaphore_mem>>) src(%dma_wait3A_27 : memref<1x128xi32, #tpu.memory_space<hbm>>) dst(%arg12 : memref<1x128xi32, #tpu.memory_space<vmem>>)
    %dma_wait3A_28 = arith.constant 0 : i32
    %dma_wait3A_29 = tpu.memref_slice %arg4[%add3A_14, %dma_wait3A_28] : memref<2560x128xi32, #tpu.memory_space<hbm>> -> memref<1x128xi32, #tpu.memory_space<hbm>>
    %dma_wait3A_30 = arith.constant 0 : i32
    %dma_wait3A_31 = tpu.memref_slice %arg4[%add3A_14, %dma_wait3A_30] : memref<2560x128xi32, #tpu.memory_space<hbm>> -> memref<1x128xi32, #tpu.memory_space<hbm>>
    tpu.wait_dma2 semaphore(%arg23 : memref<!tpu.dma_semaphore, #tpu.memory_space<semaphore_mem>>) src(%dma_wait3A_31 : memref<1x128xi32, #tpu.memory_space<hbm>>) dst(%arg14 : memref<1x128xi32, #tpu.memory_space<vmem>>)
    %dma_wait3A_32 = tpu.memref_slice %arg5[%mul3A_22] : memref<327680xf32, #tpu.memory_space<hbm>> -> memref<128xf32, #tpu.memory_space<hbm>>
    %dma_wait3A_33 = tpu.memref_slice %arg5[%mul3A_22] : memref<327680xf32, #tpu.memory_space<hbm>> -> memref<128xf32, #tpu.memory_space<hbm>>
    tpu.wait_dma2 semaphore(%arg23 : memref<!tpu.dma_semaphore, #tpu.memory_space<semaphore_mem>>) src(%dma_wait3A_33 : memref<128xf32, #tpu.memory_space<hbm>>) dst(%arg16 : memref<128xf32, #tpu.memory_space<vmem>>)
    %dma_start3A_34 = arith.constant 0 : i32
    %dma_start3A_35 = arith.constant 0 : i32
    %dma_start3A_36 = tpu.memref_slice %arg12[%dma_start3A_34, %dma_start3A_35] : memref<1x128xi32, #tpu.memory_space<vmem>> -> memref<1x128xi32, #tpu.memory_space<vmem>>
    %dma_start3A_37 = tpu.memref_squeeze %dma_start3A_36 : memref<1x128xi32, #tpu.memory_space<vmem>> -> memref<128xi32, #tpu.memory_space<vmem>>
    %dma_start3A_38 = arith.constant 0 : i32
    %dma_start3A_39 = arith.constant 0 : i32
    %dma_start3A_40 = tpu.memref_slice %arg2[%dma_start3A_38, %dma_start3A_39] : memref<10000x128xbf16, #tpu.memory_space<hbm>> -> memref<10000x128xbf16, #tpu.memory_space<hbm>>
    tpu.enqueue_indirect_dma source(%dma_start3A_40 : memref<10000x128xbf16, #tpu.memory_space<hbm>>) target(%arg18 : memref<128x128xbf16, #tpu.memory_space<vmem>>) offsets(%dma_start3A_37 : memref<128xi32, #tpu.memory_space<vmem>>) semaphore(%arg21 : memref<!tpu.dma_semaphore, #tpu.memory_space<semaphore_mem>>)
    %scan3A = arith.constant 0 : i32
    %scan3A_41 = arith.constant 0 : i32
    %scan3A_42 = arith.constant 40 : i32
    %scan3A_43 = arith.addi %scan3A_41, %scan3A_42 : i32
    %scan3A_44 = arith.constant 1 : i32
    scf.for %scan3A_54 = %scan3A_41 to %scan3A_43 step %scan3A_44  : i32 {
      %mul3A_55 = arith.constant 2 : i32
      %mul3A_56 = arith.muli %mul3A_55, %scan3A_54 : i32
      %add3A_57 = arith.constant 1 : i32
      %add3A_58 = arith.addi %mul3A_56, %add3A_57 : i32
      %add3A_59 = arith.addi %mul3A_6, %add3A_58 : i32
      %dma_start3A_60 = arith.constant 0 : i32
      %dma_start3A_61 = tpu.memref_slice %arg3[%add3A_59, %dma_start3A_60] : memref<2560x128xi32, #tpu.memory_space<hbm>> -> memref<1x128xi32, #tpu.memory_space<hbm>>
      %dma_start3A_62 = arith.constant 0 : i32
      %dma_start3A_63 = tpu.memref_slice %arg3[%add3A_59, %dma_start3A_62] : memref<2560x128xi32, #tpu.memory_space<hbm>> -> memref<1x128xi32, #tpu.memory_space<hbm>>
      tpu.enqueue_dma source(%dma_start3A_63 : memref<1x128xi32, #tpu.memory_space<hbm>>) target(%arg13 : memref<1x128xi32, #tpu.memory_space<vmem>>) target_semaphore(%arg24 : memref<!tpu.dma_semaphore, #tpu.memory_space<semaphore_mem>>)
      %add3A_64 = arith.addi %mul3A_6, %add3A_58 : i32
      %dma_start3A_65 = arith.constant 0 : i32
      %dma_start3A_66 = tpu.memref_slice %arg4[%add3A_64, %dma_start3A_65] : memref<2560x128xi32, #tpu.memory_space<hbm>> -> memref<1x128xi32, #tpu.memory_space<hbm>>
      %dma_start3A_67 = arith.constant 0 : i32
      %dma_start3A_68 = tpu.memref_slice %arg4[%add3A_64, %dma_start3A_67] : memref<2560x128xi32, #tpu.memory_space<hbm>> -> memref<1x128xi32, #tpu.memory_space<hbm>>
      tpu.enqueue_dma source(%dma_start3A_68 : memref<1x128xi32, #tpu.memory_space<hbm>>) target(%arg15 : memref<1x128xi32, #tpu.memory_space<vmem>>) target_semaphore(%arg24 : memref<!tpu.dma_semaphore, #tpu.memory_space<semaphore_mem>>)
      %add3A_69 = arith.addi %mul3A_6, %add3A_58 : i32
      %mul3A_70 = arith.constant 128 : i32
      %mul3A_71 = arith.muli %add3A_69, %mul3A_70 : i32
      %dma_start3A_72 = tpu.memref_slice %arg5[%mul3A_71] : memref<327680xf32, #tpu.memory_space<hbm>> -> memref<128xf32, #tpu.memory_space<hbm>>
      %dma_start3A_73 = tpu.memref_slice %arg5[%mul3A_71] : memref<327680xf32, #tpu.memory_space<hbm>> -> memref<128xf32, #tpu.memory_space<hbm>>
      tpu.enqueue_dma source(%dma_start3A_73 : memref<128xf32, #tpu.memory_space<hbm>>) target(%arg17 : memref<128xf32, #tpu.memory_space<vmem>>) target_semaphore(%arg24 : memref<!tpu.dma_semaphore, #tpu.memory_space<semaphore_mem>>)
      %dma_wait3A_74 = arith.constant 0 : i32
      %dma_wait3A_75 = arith.constant 0 : i32
      %dma_wait3A_76 = tpu.memref_slice %arg12[%dma_wait3A_74, %dma_wait3A_75] : memref<1x128xi32, #tpu.memory_space<vmem>> -> memref<1x128xi32, #tpu.memory_space<vmem>>
      %dma_wait3A_77 = tpu.memref_squeeze %dma_wait3A_76 : memref<1x128xi32, #tpu.memory_space<vmem>> -> memref<128xi32, #tpu.memory_space<vmem>>
      %dma_wait3A_78 = arith.constant 0 : i32
      %dma_wait3A_79 = arith.constant 0 : i32
      %dma_wait3A_80 = tpu.memref_slice %arg2[%dma_wait3A_78, %dma_wait3A_79] : memref<10000x128xbf16, #tpu.memory_space<hbm>> -> memref<10000x128xbf16, #tpu.memory_space<hbm>>
      tpu.wait_indirect_dma semaphore(%arg21 : memref<!tpu.dma_semaphore, #tpu.memory_space<semaphore_mem>>) src(%dma_wait3A_80 : memref<10000x128xbf16, #tpu.memory_space<hbm>>) dst(%arg18 : memref<128x128xbf16, #tpu.memory_space<vmem>>)
      %dma_wait3A_81 = arith.constant 0 : i32
      %dma_wait3A_82 = tpu.memref_slice %arg3[%add3A_59, %dma_wait3A_81] : memref<2560x128xi32, #tpu.memory_space<hbm>> -> memref<1x128xi32, #tpu.memory_space<hbm>>
      %dma_wait3A_83 = arith.constant 0 : i32
      %dma_wait3A_84 = tpu.memref_slice %arg3[%add3A_59, %dma_wait3A_83] : memref<2560x128xi32, #tpu.memory_space<hbm>> -> memref<1x128xi32, #tpu.memory_space<hbm>>
      tpu.wait_dma2 semaphore(%arg24 : memref<!tpu.dma_semaphore, #tpu.memory_space<semaphore_mem>>) src(%dma_wait3A_84 : memref<1x128xi32, #tpu.memory_space<hbm>>) dst(%arg13 : memref<1x128xi32, #tpu.memory_space<vmem>>)
      %dma_wait3A_85 = arith.constant 0 : i32
      %dma_wait3A_86 = tpu.memref_slice %arg4[%add3A_64, %dma_wait3A_85] : memref<2560x128xi32, #tpu.memory_space<hbm>> -> memref<1x128xi32, #tpu.memory_space<hbm>>
      %dma_wait3A_87 = arith.constant 0 : i32
      %dma_wait3A_88 = tpu.memref_slice %arg4[%add3A_64, %dma_wait3A_87] : memref<2560x128xi32, #tpu.memory_space<hbm>> -> memref<1x128xi32, #tpu.memory_space<hbm>>
      tpu.wait_dma2 semaphore(%arg24 : memref<!tpu.dma_semaphore, #tpu.memory_space<semaphore_mem>>) src(%dma_wait3A_88 : memref<1x128xi32, #tpu.memory_space<hbm>>) dst(%arg15 : memref<1x128xi32, #tpu.memory_space<vmem>>)
      %dma_wait3A_89 = tpu.memref_slice %arg5[%mul3A_71] : memref<327680xf32, #tpu.memory_space<hbm>> -> memref<128xf32, #tpu.memory_space<hbm>>
      %dma_wait3A_90 = tpu.memref_slice %arg5[%mul3A_71] : memref<327680xf32, #tpu.memory_space<hbm>> -> memref<128xf32, #tpu.memory_space<hbm>>
      tpu.wait_dma2 semaphore(%arg24 : memref<!tpu.dma_semaphore, #tpu.memory_space<semaphore_mem>>) src(%dma_wait3A_90 : memref<128xf32, #tpu.memory_space<hbm>>) dst(%arg17 : memref<128xf32, #tpu.memory_space<vmem>>)
      %dma_start3A_91 = arith.constant 0 : i32
      %dma_start3A_92 = arith.constant 0 : i32
      %dma_start3A_93 = tpu.memref_slice %arg13[%dma_start3A_91, %dma_start3A_92] : memref<1x128xi32, #tpu.memory_space<vmem>> -> memref<1x128xi32, #tpu.memory_space<vmem>>
      %dma_start3A_94 = tpu.memref_squeeze %dma_start3A_93 : memref<1x128xi32, #tpu.memory_space<vmem>> -> memref<128xi32, #tpu.memory_space<vmem>>
      %dma_start3A_95 = arith.constant 0 : i32
      %dma_start3A_96 = arith.constant 0 : i32
      %dma_start3A_97 = tpu.memref_slice %arg2[%dma_start3A_95, %dma_start3A_96] : memref<10000x128xbf16, #tpu.memory_space<hbm>> -> memref<10000x128xbf16, #tpu.memory_space<hbm>>
      tpu.enqueue_indirect_dma source(%dma_start3A_97 : memref<10000x128xbf16, #tpu.memory_space<hbm>>) target(%arg19 : memref<128x128xbf16, #tpu.memory_space<vmem>>) offsets(%dma_start3A_94 : memref<128xi32, #tpu.memory_space<vmem>>) semaphore(%arg22 : memref<!tpu.dma_semaphore, #tpu.memory_space<semaphore_mem>>)
      %run_scoped3A = arith.constant 0 : i32
      "tpu.region"() ({
        %run_scoped3A_143 = tpu.sem_alloc : memref<!tpu.dma_semaphore, #tpu.memory_space<semaphore_mem>>
        %dma_start3A_144 = arith.constant 0 : i32
        %dma_start3A_145 = tpu.memref_slice %arg14[%run_scoped3A, %dma_start3A_144] : memref<1x128xi32, #tpu.memory_space<vmem>> -> memref<1x128xi32, #tpu.memory_space<vmem>>
        %dma_start3A_146 = tpu.memref_squeeze %dma_start3A_145 : memref<1x128xi32, #tpu.memory_space<vmem>> -> memref<128xi32, #tpu.memory_space<vmem>>
        %dma_start3A_147 = arith.constant 0 : i32
        %dma_start3A_148 = arith.constant 0 : i32
        %dma_start3A_149 = tpu.memref_slice %arg10[%dma_start3A_147, %dma_start3A_148] : memref<10240x128xf32, #tpu.memory_space<vmem_shared>> -> memref<10240x128xf32, #tpu.memory_space<vmem_shared>>
        tpu.enqueue_indirect_dma source(%arg20 : memref<128x128xf32, #tpu.memory_space<vmem>>) target(%dma_start3A_149 : memref<10240x128xf32, #tpu.memory_space<vmem_shared>>) offsets(%dma_start3A_146 : memref<128xi32, #tpu.memory_space<vmem>>) semaphore(%run_scoped3A_143 : memref<!tpu.dma_semaphore, #tpu.memory_space<semaphore_mem>>) {add = true}
        %dma_wait3A_150 = arith.constant 0 : i32
        %dma_wait3A_151 = tpu.memref_slice %arg14[%run_scoped3A, %dma_wait3A_150] : memref<1x128xi32, #tpu.memory_space<vmem>> -> memref<1x128xi32, #tpu.memory_space<vmem>>
        %dma_wait3A_152 = tpu.memref_squeeze %dma_wait3A_151 : memref<1x128xi32, #tpu.memory_space<vmem>> -> memref<128xi32, #tpu.memory_space<vmem>>
        %dma_wait3A_153 = arith.constant 0 : i32
        %dma_wait3A_154 = arith.constant 0 : i32
        %dma_wait3A_155 = tpu.memref_slice %arg10[%dma_wait3A_153, %dma_wait3A_154] : memref<10240x128xf32, #tpu.memory_space<vmem_shared>> -> memref<10240x128xf32, #tpu.memory_space<vmem_shared>>
        tpu.wait_indirect_dma semaphore(%run_scoped3A_143 : memref<!tpu.dma_semaphore, #tpu.memory_space<semaphore_mem>>) src(%arg20 : memref<128x128xf32, #tpu.memory_space<vmem>>) dst(%dma_wait3A_155 : memref<10240x128xf32, #tpu.memory_space<vmem_shared>>)
        tpu.yield
      }) : () -> ()
      %run_scoped3A_98 = arith.constant 0 : i32
      "tpu.region"() ({
        %run_scoped3A_143 = tpu.sem_alloc : memref<!tpu.dma_semaphore, #tpu.memory_space<semaphore_mem>>
        %dma_start3A_144 = arith.constant 0 : i32
        %dma_start3A_145 = tpu.memref_slice %arg14[%run_scoped3A_98, %dma_start3A_144] : memref<1x128xi32, #tpu.memory_space<vmem>> -> memref<1x128xi32, #tpu.memory_space<vmem>>
        %dma_start3A_146 = tpu.memref_squeeze %dma_start3A_145 : memref<1x128xi32, #tpu.memory_space<vmem>> -> memref<128xi32, #tpu.memory_space<vmem>>
        %dma_start3A_147 = arith.constant 0 : i32
        %dma_start3A_148 = tpu.memref_slice %arg11[%dma_start3A_147] : memref<10240xf32, #tpu.memory_space<vmem_shared>> -> memref<10240xf32, #tpu.memory_space<vmem_shared>>
        tpu.enqueue_indirect_dma source(%arg16 : memref<128xf32, #tpu.memory_space<vmem>>) target(%dma_start3A_148 : memref<10240xf32, #tpu.memory_space<vmem_shared>>) offsets(%dma_start3A_146 : memref<128xi32, #tpu.memory_space<vmem>>) semaphore(%run_scoped3A_143 : memref<!tpu.dma_semaphore, #tpu.memory_space<semaphore_mem>>) {add = true}
        %dma_wait3A_149 = arith.constant 0 : i32
        %dma_wait3A_150 = tpu.memref_slice %arg14[%run_scoped3A_98, %dma_wait3A_149] : memref<1x128xi32, #tpu.memory_space<vmem>> -> memref<1x128xi32, #tpu.memory_space<vmem>>
        %dma_wait3A_151 = tpu.memref_squeeze %dma_wait3A_150 : memref<1x128xi32, #tpu.memory_space<vmem>> -> memref<128xi32, #tpu.memory_space<vmem>>
        %dma_wait3A_152 = arith.constant 0 : i32
        %dma_wait3A_153 = tpu.memref_slice %arg11[%dma_wait3A_152] : memref<10240xf32, #tpu.memory_space<vmem_shared>> -> memref<10240xf32, #tpu.memory_space<vmem_shared>>
        tpu.wait_indirect_dma semaphore(%run_scoped3A_143 : memref<!tpu.dma_semaphore, #tpu.memory_space<semaphore_mem>>) src(%arg16 : memref<128xf32, #tpu.memory_space<vmem>>) dst(%dma_wait3A_153 : memref<10240xf32, #tpu.memory_space<vmem_shared>>)
        tpu.yield
      }) : () -> ()
      %add3A_99 = arith.constant 2 : i32
      %add3A_100 = arith.addi %mul3A_56, %add3A_99 : i32
      %rem3A = arith.constant 80 : i32
      %rem3A_101 = arith.remsi %add3A_100, %rem3A : i32
      %add3A_102 = arith.addi %mul3A_6, %rem3A_101 : i32
      %dma_start3A_103 = arith.constant 0 : i32
      %dma_start3A_104 = tpu.memref_slice %arg3[%add3A_102, %dma_start3A_103] : memref<2560x128xi32, #tpu.memory_space<hbm>> -> memref<1x128xi32, #tpu.memory_space<hbm>>
      %dma_start3A_105 = arith.constant 0 : i32
      %dma_start3A_106 = tpu.memref_slice %arg3[%add3A_102, %dma_start3A_105] : memref<2560x128xi32, #tpu.memory_space<hbm>> -> memref<1x128xi32, #tpu.memory_space<hbm>>
      tpu.enqueue_dma source(%dma_start3A_106 : memref<1x128xi32, #tpu.memory_space<hbm>>) target(%arg12 : memref<1x128xi32, #tpu.memory_space<vmem>>) target_semaphore(%arg23 : memref<!tpu.dma_semaphore, #tpu.memory_space<semaphore_mem>>)
      %add3A_107 = arith.addi %mul3A_6, %rem3A_101 : i32
      %dma_start3A_108 = arith.constant 0 : i32
      %dma_start3A_109 = tpu.memref_slice %arg4[%add3A_107, %dma_start3A_108] : memref<2560x128xi32, #tpu.memory_space<hbm>> -> memref<1x128xi32, #tpu.memory_space<hbm>>
      %dma_start3A_110 = arith.constant 0 : i32
      %dma_start3A_111 = tpu.memref_slice %arg4[%add3A_107, %dma_start3A_110] : memref<2560x128xi32, #tpu.memory_space<hbm>> -> memref<1x128xi32, #tpu.memory_space<hbm>>
      tpu.enqueue_dma source(%dma_start3A_111 : memref<1x128xi32, #tpu.memory_space<hbm>>) target(%arg14 : memref<1x128xi32, #tpu.memory_space<vmem>>) target_semaphore(%arg23 : memref<!tpu.dma_semaphore, #tpu.memory_space<semaphore_mem>>)
      %add3A_112 = arith.addi %mul3A_6, %rem3A_101 : i32
      %mul3A_113 = arith.constant 128 : i32
      %mul3A_114 = arith.muli %add3A_112, %mul3A_113 : i32
      %dma_start3A_115 = tpu.memref_slice %arg5[%mul3A_114] : memref<327680xf32, #tpu.memory_space<hbm>> -> memref<128xf32, #tpu.memory_space<hbm>>
      %dma_start3A_116 = tpu.memref_slice %arg5[%mul3A_114] : memref<327680xf32, #tpu.memory_space<hbm>> -> memref<128xf32, #tpu.memory_space<hbm>>
      tpu.enqueue_dma source(%dma_start3A_116 : memref<128xf32, #tpu.memory_space<hbm>>) target(%arg16 : memref<128xf32, #tpu.memory_space<vmem>>) target_semaphore(%arg23 : memref<!tpu.dma_semaphore, #tpu.memory_space<semaphore_mem>>)
      %dma_wait3A_117 = arith.constant 0 : i32
      %dma_wait3A_118 = arith.constant 0 : i32
      %dma_wait3A_119 = tpu.memref_slice %arg13[%dma_wait3A_117, %dma_wait3A_118] : memref<1x128xi32, #tpu.memory_space<vmem>> -> memref<1x128xi32, #tpu.memory_space<vmem>>
      %dma_wait3A_120 = tpu.memref_squeeze %dma_wait3A_119 : memref<1x128xi32, #tpu.memory_space<vmem>> -> memref<128xi32, #tpu.memory_space<vmem>>
      %dma_wait3A_121 = arith.constant 0 : i32
      %dma_wait3A_122 = arith.constant 0 : i32
      %dma_wait3A_123 = tpu.memref_slice %arg2[%dma_wait3A_121, %dma_wait3A_122] : memref<10000x128xbf16, #tpu.memory_space<hbm>> -> memref<10000x128xbf16, #tpu.memory_space<hbm>>
      tpu.wait_indirect_dma semaphore(%arg22 : memref<!tpu.dma_semaphore, #tpu.memory_space<semaphore_mem>>) src(%dma_wait3A_123 : memref<10000x128xbf16, #tpu.memory_space<hbm>>) dst(%arg19 : memref<128x128xbf16, #tpu.memory_space<vmem>>)
      %dma_wait3A_124 = arith.constant 0 : i32
      %dma_wait3A_125 = tpu.memref_slice %arg3[%add3A_102, %dma_wait3A_124] : memref<2560x128xi32, #tpu.memory_space<hbm>> -> memref<1x128xi32, #tpu.memory_space<hbm>>
      %dma_wait3A_126 = arith.constant 0 : i32
      %dma_wait3A_127 = tpu.memref_slice %arg3[%add3A_102, %dma_wait3A_126] : memref<2560x128xi32, #tpu.memory_space<hbm>> -> memref<1x128xi32, #tpu.memory_space<hbm>>
      tpu.wait_dma2 semaphore(%arg23 : memref<!tpu.dma_semaphore, #tpu.memory_space<semaphore_mem>>) src(%dma_wait3A_127 : memref<1x128xi32, #tpu.memory_space<hbm>>) dst(%arg12 : memref<1x128xi32, #tpu.memory_space<vmem>>)
      %dma_wait3A_128 = arith.constant 0 : i32
      %dma_wait3A_129 = tpu.memref_slice %arg4[%add3A_107, %dma_wait3A_128] : memref<2560x128xi32, #tpu.memory_space<hbm>> -> memref<1x128xi32, #tpu.memory_space<hbm>>
      %dma_wait3A_130 = arith.constant 0 : i32
      %dma_wait3A_131 = tpu.memref_slice %arg4[%add3A_107, %dma_wait3A_130] : memref<2560x128xi32, #tpu.memory_space<hbm>> -> memref<1x128xi32, #tpu.memory_space<hbm>>
      tpu.wait_dma2 semaphore(%arg23 : memref<!tpu.dma_semaphore, #tpu.memory_space<semaphore_mem>>) src(%dma_wait3A_131 : memref<1x128xi32, #tpu.memory_space<hbm>>) dst(%arg14 : memref<1x128xi32, #tpu.memory_space<vmem>>)
      %dma_wait3A_132 = tpu.memref_slice %arg5[%mul3A_114] : memref<327680xf32, #tpu.memory_space<hbm>> -> memref<128xf32, #tpu.memory_space<hbm>>
      %dma_wait3A_133 = tpu.memref_slice %arg5[%mul3A_114] : memref<327680xf32, #tpu.memory_space<hbm>> -> memref<128xf32, #tpu.memory_space<hbm>>
      tpu.wait_dma2 semaphore(%arg23 : memref<!tpu.dma_semaphore, #tpu.memory_space<semaphore_mem>>) src(%dma_wait3A_133 : memref<128xf32, #tpu.memory_space<hbm>>) dst(%arg16 : memref<128xf32, #tpu.memory_space<vmem>>)
      %dma_start3A_134 = arith.constant 0 : i32
      %dma_start3A_135 = arith.constant 0 : i32
      %dma_start3A_136 = tpu.memref_slice %arg12[%dma_start3A_134, %dma_start3A_135] : memref<1x128xi32, #tpu.memory_space<vmem>> -> memref<1x128xi32, #tpu.memory_space<vmem>>
      %dma_start3A_137 = tpu.memref_squeeze %dma_start3A_136 : memref<1x128xi32, #tpu.memory_space<vmem>> -> memref<128xi32, #tpu.memory_space<vmem>>
      %dma_start3A_138 = arith.constant 0 : i32
      %dma_start3A_139 = arith.constant 0 : i32
      %dma_start3A_140 = tpu.memref_slice %arg2[%dma_start3A_138, %dma_start3A_139] : memref<10000x128xbf16, #tpu.memory_space<hbm>> -> memref<10000x128xbf16, #tpu.memory_space<hbm>>
      tpu.enqueue_indirect_dma source(%dma_start3A_140 : memref<10000x128xbf16, #tpu.memory_space<hbm>>) target(%arg18 : memref<128x128xbf16, #tpu.memory_space<vmem>>) offsets(%dma_start3A_137 : memref<128xi32, #tpu.memory_space<vmem>>) semaphore(%arg21 : memref<!tpu.dma_semaphore, #tpu.memory_space<semaphore_mem>>)
      %run_scoped3A_141 = arith.constant 0 : i32
      "tpu.region"() ({
        %run_scoped3A_143 = tpu.sem_alloc : memref<!tpu.dma_semaphore, #tpu.memory_space<semaphore_mem>>
        %dma_start3A_144 = arith.constant 0 : i32
        %dma_start3A_145 = tpu.memref_slice %arg15[%run_scoped3A_141, %dma_start3A_144] : memref<1x128xi32, #tpu.memory_space<vmem>> -> memref<1x128xi32, #tpu.memory_space<vmem>>
        %dma_start3A_146 = tpu.memref_squeeze %dma_start3A_145 : memref<1x128xi32, #tpu.memory_space<vmem>> -> memref<128xi32, #tpu.memory_space<vmem>>
        %dma_start3A_147 = arith.constant 0 : i32
        %dma_start3A_148 = arith.constant 0 : i32
        %dma_start3A_149 = tpu.memref_slice %arg10[%dma_start3A_147, %dma_start3A_148] : memref<10240x128xf32, #tpu.memory_space<vmem_shared>> -> memref<10240x128xf32, #tpu.memory_space<vmem_shared>>
        tpu.enqueue_indirect_dma source(%arg20 : memref<128x128xf32, #tpu.memory_space<vmem>>) target(%dma_start3A_149 : memref<10240x128xf32, #tpu.memory_space<vmem_shared>>) offsets(%dma_start3A_146 : memref<128xi32, #tpu.memory_space<vmem>>) semaphore(%run_scoped3A_143 : memref<!tpu.dma_semaphore, #tpu.memory_space<semaphore_mem>>) {add = true}
        %dma_wait3A_150 = arith.constant 0 : i32
        %dma_wait3A_151 = tpu.memref_slice %arg15[%run_scoped3A_141, %dma_wait3A_150] : memref<1x128xi32, #tpu.memory_space<vmem>> -> memref<1x128xi32, #tpu.memory_space<vmem>>
        %dma_wait3A_152 = tpu.memref_squeeze %dma_wait3A_151 : memref<1x128xi32, #tpu.memory_space<vmem>> -> memref<128xi32, #tpu.memory_space<vmem>>
        %dma_wait3A_153 = arith.constant 0 : i32
        %dma_wait3A_154 = arith.constant 0 : i32
        %dma_wait3A_155 = tpu.memref_slice %arg10[%dma_wait3A_153, %dma_wait3A_154] : memref<10240x128xf32, #tpu.memory_space<vmem_shared>> -> memref<10240x128xf32, #tpu.memory_space<vmem_shared>>
        tpu.wait_indirect_dma semaphore(%run_scoped3A_143 : memref<!tpu.dma_semaphore, #tpu.memory_space<semaphore_mem>>) src(%arg20 : memref<128x128xf32, #tpu.memory_space<vmem>>) dst(%dma_wait3A_155 : memref<10240x128xf32, #tpu.memory_space<vmem_shared>>)
        tpu.yield
      }) : () -> ()
      %run_scoped3A_142 = arith.constant 0 : i32
      "tpu.region"() ({
        %run_scoped3A_143 = tpu.sem_alloc : memref<!tpu.dma_semaphore, #tpu.memory_space<semaphore_mem>>
        %dma_start3A_144 = arith.constant 0 : i32
        %dma_start3A_145 = tpu.memref_slice %arg15[%run_scoped3A_142, %dma_start3A_144] : memref<1x128xi32, #tpu.memory_space<vmem>> -> memref<1x128xi32, #tpu.memory_space<vmem>>
        %dma_start3A_146 = tpu.memref_squeeze %dma_start3A_145 : memref<1x128xi32, #tpu.memory_space<vmem>> -> memref<128xi32, #tpu.memory_space<vmem>>
        %dma_start3A_147 = arith.constant 0 : i32
        %dma_start3A_148 = tpu.memref_slice %arg11[%dma_start3A_147] : memref<10240xf32, #tpu.memory_space<vmem_shared>> -> memref<10240xf32, #tpu.memory_space<vmem_shared>>
        tpu.enqueue_indirect_dma source(%arg17 : memref<128xf32, #tpu.memory_space<vmem>>) target(%dma_start3A_148 : memref<10240xf32, #tpu.memory_space<vmem_shared>>) offsets(%dma_start3A_146 : memref<128xi32, #tpu.memory_space<vmem>>) semaphore(%run_scoped3A_143 : memref<!tpu.dma_semaphore, #tpu.memory_space<semaphore_mem>>) {add = true}
        %dma_wait3A_149 = arith.constant 0 : i32
        %dma_wait3A_150 = tpu.memref_slice %arg15[%run_scoped3A_142, %dma_wait3A_149] : memref<1x128xi32, #tpu.memory_space<vmem>> -> memref<1x128xi32, #tpu.memory_space<vmem>>
        %dma_wait3A_151 = tpu.memref_squeeze %dma_wait3A_150 : memref<1x128xi32, #tpu.memory_space<vmem>> -> memref<128xi32, #tpu.memory_space<vmem>>
        %dma_wait3A_152 = arith.constant 0 : i32
        %dma_wait3A_153 = tpu.memref_slice %arg11[%dma_wait3A_152] : memref<10240xf32, #tpu.memory_space<vmem_shared>> -> memref<10240xf32, #tpu.memory_space<vmem_shared>>
        tpu.wait_indirect_dma semaphore(%run_scoped3A_143 : memref<!tpu.dma_semaphore, #tpu.memory_space<semaphore_mem>>) src(%arg17 : memref<128xf32, #tpu.memory_space<vmem>>) dst(%dma_wait3A_153 : memref<10240xf32, #tpu.memory_space<vmem_shared>>)
        tpu.yield
      }) : () -> ()
    }
    %scan3A_45 = arith.constant 40 : i32
    %dma_wait3A_46 = arith.constant 0 : i32
    %dma_wait3A_47 = arith.constant 0 : i32
    %dma_wait3A_48 = tpu.memref_slice %arg12[%dma_wait3A_46, %dma_wait3A_47] : memref<1x128xi32, #tpu.memory_space<vmem>> -> memref<1x128xi32, #tpu.memory_space<vmem>>
    %dma_wait3A_49 = tpu.memref_squeeze %dma_wait3A_48 : memref<1x128xi32, #tpu.memory_space<vmem>> -> memref<128xi32, #tpu.memory_space<vmem>>
    %dma_wait3A_50 = arith.constant 0 : i32
    %dma_wait3A_51 = arith.constant 0 : i32
    %dma_wait3A_52 = tpu.memref_slice %arg2[%dma_wait3A_50, %dma_wait3A_51] : memref<10000x128xbf16, #tpu.memory_space<hbm>> -> memref<10000x128xbf16, #tpu.memory_space<hbm>>
    tpu.wait_indirect_dma semaphore(%arg21 : memref<!tpu.dma_semaphore, #tpu.memory_space<semaphore_mem>>) src(%dma_wait3A_52 : memref<10000x128xbf16, #tpu.memory_space<hbm>>) dst(%arg18 : memref<128x128xbf16, #tpu.memory_space<vmem>>)
    %barrier3A_53 = arith.constant 0 : index
    tpu.barrier barrier_id(%barrier3A_53)
    "tpu.region"() ({
      %run_scoped3A = tpu.sem_alloc : memref<!tpu.dma_semaphore, #tpu.memory_space<semaphore_mem>>
      %dma_start3A_54 = arith.constant 0 : i32
      %dma_start3A_55 = tpu.memref_slice %arg8[%arg0, %mul3A_0, %dma_start3A_54] : memref<2x10240x128xf32, #tpu.memory_space<hbm>> -> memref<1x640x128xf32, #tpu.memory_space<hbm>>
      %dma_start3A_56 = tpu.memref_squeeze %dma_start3A_55 : memref<1x640x128xf32, #tpu.memory_space<hbm>> -> memref<640x128xf32, #tpu.memory_space<hbm>>
      %dma_start3A_57 = arith.constant 0 : i32
      %dma_start3A_58 = tpu.memref_slice %arg10[%mul3A_0, %dma_start3A_57] : memref<10240x128xf32, #tpu.memory_space<vmem_shared>> -> memref<640x128xf32, #tpu.memory_space<vmem_shared>>
      tpu.enqueue_dma source(%dma_start3A_58 : memref<640x128xf32, #tpu.memory_space<vmem_shared>>) target(%dma_start3A_56 : memref<640x128xf32, #tpu.memory_space<hbm>>) target_semaphore(%run_scoped3A : memref<!tpu.dma_semaphore, #tpu.memory_space<semaphore_mem>>)
      %dma_wait3A_59 = arith.constant 0 : i32
      %dma_wait3A_60 = tpu.memref_slice %arg8[%arg0, %mul3A_0, %dma_wait3A_59] : memref<2x10240x128xf32, #tpu.memory_space<hbm>> -> memref<1x640x128xf32, #tpu.memory_space<hbm>>
      %dma_wait3A_61 = tpu.memref_squeeze %dma_wait3A_60 : memref<1x640x128xf32, #tpu.memory_space<hbm>> -> memref<640x128xf32, #tpu.memory_space<hbm>>
      %dma_wait3A_62 = arith.constant 0 : i32
      %dma_wait3A_63 = tpu.memref_slice %arg10[%mul3A_0, %dma_wait3A_62] : memref<10240x128xf32, #tpu.memory_space<vmem_shared>> -> memref<640x128xf32, #tpu.memory_space<vmem_shared>>
      tpu.wait_dma2 semaphore(%run_scoped3A : memref<!tpu.dma_semaphore, #tpu.memory_space<semaphore_mem>>) src(%dma_wait3A_63 : memref<640x128xf32, #tpu.memory_space<vmem_shared>>) dst(%dma_wait3A_61 : memref<640x128xf32, #tpu.memory_space<hbm>>)
      tpu.yield
    }) : () -> ()
    "tpu.region"() ({
      %run_scoped3A = tpu.sem_alloc : memref<!tpu.dma_semaphore, #tpu.memory_space<semaphore_mem>>
      %dma_start3A_54 = tpu.memref_slice %arg9[%arg0, %mul3A_2] : memref<2x10240xf32, #tpu.memory_space<hbm>> -> memref<1x640xf32, #tpu.memory_space<hbm>>
      %dma_start3A_55 = tpu.memref_squeeze %dma_start3A_54 : memref<1x640xf32, #tpu.memory_space<hbm>> -> memref<640xf32, #tpu.memory_space<hbm>>
      %dma_start3A_56 = tpu.memref_slice %arg11[%mul3A_2] : memref<10240xf32, #tpu.memory_space<vmem_shared>> -> memref<640xf32, #tpu.memory_space<vmem_shared>>
      tpu.enqueue_dma source(%dma_start3A_56 : memref<640xf32, #tpu.memory_space<vmem_shared>>) target(%dma_start3A_55 : memref<640xf32, #tpu.memory_space<hbm>>) target_semaphore(%run_scoped3A : memref<!tpu.dma_semaphore, #tpu.memory_space<semaphore_mem>>)
      %dma_wait3A_57 = tpu.memref_slice %arg9[%arg0, %mul3A_2] : memref<2x10240xf32, #tpu.memory_space<hbm>> -> memref<1x640xf32, #tpu.memory_space<hbm>>
      %dma_wait3A_58 = tpu.memref_squeeze %dma_wait3A_57 : memref<1x640xf32, #tpu.memory_space<hbm>> -> memref<640xf32, #tpu.memory_space<hbm>>
      %dma_wait3A_59 = tpu.memref_slice %arg11[%mul3A_2] : memref<10240xf32, #tpu.memory_space<vmem_shared>> -> memref<640xf32, #tpu.memory_space<vmem_shared>>
      tpu.wait_dma2 semaphore(%run_scoped3A : memref<!tpu.dma_semaphore, #tpu.memory_space<semaphore_mem>>) src(%dma_wait3A_59 : memref<640xf32, #tpu.memory_space<vmem_shared>>) dst(%dma_wait3A_58 : memref<640xf32, #tpu.memory_space<hbm>>)
      tpu.yield
    }) : () -> ()
    return
  }
}

#map = affine_map<(d0, d1) -> (0, 0)>
#map1 = affine_map<(d0, d1) -> (0)>
#map2 = affine_map<(d0, d1) -> (0, 0, 0)>
module attributes {stable_mosaic.version = 14 : i64} {
  func.func @_sc_spmm(%arg0: i32, %arg1: i32, %arg2: memref<10000x128xbf16, #tpu.memory_space<hbm>>, %arg3: memref<2560x128xi32, #tpu.memory_space<hbm>>, %arg4: memref<2560x128xi32, #tpu.memory_space<hbm>>, %arg5: memref<327680xf32, #tpu.memory_space<hbm>>, %arg6: memref<10240x128xf32, #tpu.memory_space<hbm>>, %arg7: memref<10240xf32, #tpu.memory_space<hbm>>, %arg8: memref<2x10240x128xf32, #tpu.memory_space<hbm>>, %arg9: memref<2x10240xf32, #tpu.memory_space<hbm>>, %arg10: memref<10240x128xf32, #tpu.memory_space<vmem_shared>>, %arg11: memref<10240xf32, #tpu.memory_space<vmem_shared>>, %arg12: memref<1x128xi32, #tpu.memory_space<vmem>>, %arg13: memref<1x128xi32, #tpu.memory_space<vmem>>, %arg14: memref<1x128xi32, #tpu.memory_space<vmem>>, %arg15: memref<1x128xi32, #tpu.memory_space<vmem>>, %arg16: memref<128xf32, #tpu.memory_space<vmem>>, %arg17: memref<128xf32, #tpu.memory_space<vmem>>, %arg18: memref<128x128xbf16, #tpu.memory_space<vmem>>, %arg19: memref<128x128xbf16, #tpu.memory_space<vmem>>, %arg20: memref<128x128xf32, #tpu.memory_space<vmem>>, %arg21: memref<!tpu.dma_semaphore, #tpu.memory_space<semaphore_mem>>, %arg22: memref<!tpu.dma_semaphore, #tpu.memory_space<semaphore_mem>>, %arg23: memref<!tpu.dma_semaphore, #tpu.memory_space<semaphore_mem>>, %arg24: memref<!tpu.dma_semaphore, #tpu.memory_space<semaphore_mem>>) attributes {dimension_semantics = [#tpu.dimension_semantics<core_parallel>, #tpu.dimension_semantics<subcore_parallel>], iteration_bounds = array<i64: 2, 16>, scalar_prefetch = 0 : i64, scratch_operands = 15 : i64, tpu.core_type = #tpu.core_type<sc_vector_subcore>, window_params = [{transform_indices = #map}, {transform_indices = #map}, {transform_indices = #map}, {transform_indices = #map1}, {transform_indices = #map}, {transform_indices = #map1}, {transform_indices = #map2}, {transform_indices = #map}]} {
    %mul3A = arith.constant 640 : i32
    %mul3A_0 = arith.muli %arg1, %mul3A : i32
    %mul3A_1 = arith.constant 640 : i32
    %mul3A_2 = arith.muli %arg1, %mul3A_1 : i32
    "tpu.region"() ({
      %run_scoped3A = tpu.sem_alloc : memref<!tpu.dma_semaphore, #tpu.memory_space<semaphore_mem>>
      %dma_start3A_54 = arith.constant 0 : i32
      %dma_start3A_55 = tpu.memref_slice %arg10[%mul3A_0, %dma_start3A_54] : memref<10240x128xf32, #tpu.memory_space<vmem_shared>> -> memref<640x128xf32, #tpu.memory_space<vmem_shared>>
      %dma_start3A_56 = arith.constant 0 : i32
      %dma_start3A_57 = tpu.memref_slice %arg6[%mul3A_0, %dma_start3A_56] : memref<10240x128xf32, #tpu.memory_space<hbm>> -> memref<640x128xf32, #tpu.memory_space<hbm>>
      tpu.enqueue_dma source(%dma_start3A_57 : memref<640x128xf32, #tpu.memory_space<hbm>>) target(%dma_start3A_55 : memref<640x128xf32, #tpu.memory_space<vmem_shared>>) target_semaphore(%run_scoped3A : memref<!tpu.dma_semaphore, #tpu.memory_space<semaphore_mem>>)
      %dma_wait3A_58 = arith.constant 0 : i32
      %dma_wait3A_59 = tpu.memref_slice %arg10[%mul3A_0, %dma_wait3A_58] : memref<10240x128xf32, #tpu.memory_space<vmem_shared>> -> memref<640x128xf32, #tpu.memory_space<vmem_shared>>
      %dma_wait3A_60 = arith.constant 0 : i32
      %dma_wait3A_61 = tpu.memref_slice %arg6[%mul3A_0, %dma_wait3A_60] : memref<10240x128xf32, #tpu.memory_space<hbm>> -> memref<640x128xf32, #tpu.memory_space<hbm>>
      tpu.wait_dma2 semaphore(%run_scoped3A : memref<!tpu.dma_semaphore, #tpu.memory_space<semaphore_mem>>) src(%dma_wait3A_61 : memref<640x128xf32, #tpu.memory_space<hbm>>) dst(%dma_wait3A_59 : memref<640x128xf32, #tpu.memory_space<vmem_shared>>)
      tpu.yield
    }) : () -> ()
    "tpu.region"() ({
      %run_scoped3A = tpu.sem_alloc : memref<!tpu.dma_semaphore, #tpu.memory_space<semaphore_mem>>
      %dma_start3A_54 = tpu.memref_slice %arg11[%mul3A_2] : memref<10240xf32, #tpu.memory_space<vmem_shared>> -> memref<640xf32, #tpu.memory_space<vmem_shared>>
      %dma_start3A_55 = tpu.memref_slice %arg7[%mul3A_2] : memref<10240xf32, #tpu.memory_space<hbm>> -> memref<640xf32, #tpu.memory_space<hbm>>
      tpu.enqueue_dma source(%dma_start3A_55 : memref<640xf32, #tpu.memory_space<hbm>>) target(%dma_start3A_54 : memref<640xf32, #tpu.memory_space<vmem_shared>>) target_semaphore(%run_scoped3A : memref<!tpu.dma_semaphore, #tpu.memory_space<semaphore_mem>>)
      %dma_wait3A_56 = tpu.memref_slice %arg11[%mul3A_2] : memref<10240xf32, #tpu.memory_space<vmem_shared>> -> memref<640xf32, #tpu.memory_space<vmem_shared>>
      %dma_wait3A_57 = tpu.memref_slice %arg7[%mul3A_2] : memref<10240xf32, #tpu.memory_space<hbm>> -> memref<640xf32, #tpu.memory_space<hbm>>
      tpu.wait_dma2 semaphore(%run_scoped3A : memref<!tpu.dma_semaphore, #tpu.memory_space<semaphore_mem>>) src(%dma_wait3A_57 : memref<640xf32, #tpu.memory_space<hbm>>) dst(%dma_wait3A_56 : memref<640xf32, #tpu.memory_space<vmem_shared>>)
      tpu.yield
    }) : () -> ()
    %barrier3A = arith.constant 0 : index
    tpu.barrier barrier_id(%barrier3A)
    %mul3A_3 = arith.constant 16 : i32
    %mul3A_4 = arith.muli %arg0, %mul3A_3 : i32
    %add3A = arith.addi %mul3A_4, %arg1 : i32
    %mul3A_5 = arith.constant 80 : i32
    %mul3A_6 = arith.muli %add3A, %mul3A_5 : i32
    %broadcast_in_dim3A = arith.constant -65536 : i32
    %broadcast_in_dim3A_7 = vector.broadcast %broadcast_in_dim3A : i32 to vector<16xi32>
    %add3A_8 = arith.constant 0 : i32
    %add3A_9 = arith.addi %mul3A_6, %add3A_8 : i32
    %dma_start3A = arith.constant 0 : i32
    %dma_start3A_10 = tpu.memref_slice %arg3[%add3A_9, %dma_start3A] : memref<2560x128xi32, #tpu.memory_space<hbm>> -> memref<1x128xi32, #tpu.memory_space<hbm>>
    %dma_start3A_11 = arith.constant 0 : i32
    %dma_start3A_12 = tpu.memref_slice %arg3[%add3A_9, %dma_start3A_11] : memref<2560x128xi32, #tpu.memory_space<hbm>> -> memref<1x128xi32, #tpu.memory_space<hbm>>
    tpu.enqueue_dma source(%dma_start3A_12 : memref<1x128xi32, #tpu.memory_space<hbm>>) target(%arg12 : memref<1x128xi32, #tpu.memory_space<vmem>>) target_semaphore(%arg23 : memref<!tpu.dma_semaphore, #tpu.memory_space<semaphore_mem>>)
    %add3A_13 = arith.constant 0 : i32
    %add3A_14 = arith.addi %mul3A_6, %add3A_13 : i32
    %dma_start3A_15 = arith.constant 0 : i32
    %dma_start3A_16 = tpu.memref_slice %arg4[%add3A_14, %dma_start3A_15] : memref<2560x128xi32, #tpu.memory_space<hbm>> -> memref<1x128xi32, #tpu.memory_space<hbm>>
    %dma_start3A_17 = arith.constant 0 : i32
    %dma_start3A_18 = tpu.memref_slice %arg4[%add3A_14, %dma_start3A_17] : memref<2560x128xi32, #tpu.memory_space<hbm>> -> memref<1x128xi32, #tpu.memory_space<hbm>>
    tpu.enqueue_dma source(%dma_start3A_18 : memref<1x128xi32, #tpu.memory_space<hbm>>) target(%arg14 : memref<1x128xi32, #tpu.memory_space<vmem>>) target_semaphore(%arg23 : memref<!tpu.dma_semaphore, #tpu.memory_space<semaphore_mem>>)
    %add3A_19 = arith.constant 0 : i32
    %add3A_20 = arith.addi %mul3A_6, %add3A_19 : i32
    %mul3A_21 = arith.constant 128 : i32
    %mul3A_22 = arith.muli %add3A_20, %mul3A_21 : i32
    %dma_start3A_23 = tpu.memref_slice %arg5[%mul3A_22] : memref<327680xf32, #tpu.memory_space<hbm>> -> memref<128xf32, #tpu.memory_space<hbm>>
    %dma_start3A_24 = tpu.memref_slice %arg5[%mul3A_22] : memref<327680xf32, #tpu.memory_space<hbm>> -> memref<128xf32, #tpu.memory_space<hbm>>
    tpu.enqueue_dma source(%dma_start3A_24 : memref<128xf32, #tpu.memory_space<hbm>>) target(%arg16 : memref<128xf32, #tpu.memory_space<vmem>>) target_semaphore(%arg23 : memref<!tpu.dma_semaphore, #tpu.memory_space<semaphore_mem>>)
    %dma_wait3A = arith.constant 0 : i32
    %dma_wait3A_25 = tpu.memref_slice %arg3[%add3A_9, %dma_wait3A] : memref<2560x128xi32, #tpu.memory_space<hbm>> -> memref<1x128xi32, #tpu.memory_space<hbm>>
    %dma_wait3A_26 = arith.constant 0 : i32
    %dma_wait3A_27 = tpu.memref_slice %arg3[%add3A_9, %dma_wait3A_26] : memref<2560x128xi32, #tpu.memory_space<hbm>> -> memref<1x128xi32, #tpu.memory_space<hbm>>
    tpu.wait_dma2 semaphore(%arg23 : memref<!tpu.dma_semaphore, #tpu.memory_space<semaphore_mem>>) src(%dma_wait3A_27 : memref<1x128xi32, #tpu.memory_space<hbm>>) dst(%arg12 : memref<1x128xi32, #tpu.memory_space<vmem>>)
    %dma_wait3A_28 = arith.constant 0 : i32
    %dma_wait3A_29 = tpu.memref_slice %arg4[%add3A_14, %dma_wait3A_28] : memref<2560x128xi32, #tpu.memory_space<hbm>> -> memref<1x128xi32, #tpu.memory_space<hbm>>
    %dma_wait3A_30 = arith.constant 0 : i32
    %dma_wait3A_31 = tpu.memref_slice %arg4[%add3A_14, %dma_wait3A_30] : memref<2560x128xi32, #tpu.memory_space<hbm>> -> memref<1x128xi32, #tpu.memory_space<hbm>>
    tpu.wait_dma2 semaphore(%arg23 : memref<!tpu.dma_semaphore, #tpu.memory_space<semaphore_mem>>) src(%dma_wait3A_31 : memref<1x128xi32, #tpu.memory_space<hbm>>) dst(%arg14 : memref<1x128xi32, #tpu.memory_space<vmem>>)
    %dma_wait3A_32 = tpu.memref_slice %arg5[%mul3A_22] : memref<327680xf32, #tpu.memory_space<hbm>> -> memref<128xf32, #tpu.memory_space<hbm>>
    %dma_wait3A_33 = tpu.memref_slice %arg5[%mul3A_22] : memref<327680xf32, #tpu.memory_space<hbm>> -> memref<128xf32, #tpu.memory_space<hbm>>
    tpu.wait_dma2 semaphore(%arg23 : memref<!tpu.dma_semaphore, #tpu.memory_space<semaphore_mem>>) src(%dma_wait3A_33 : memref<128xf32, #tpu.memory_space<hbm>>) dst(%arg16 : memref<128xf32, #tpu.memory_space<vmem>>)
    %dma_start3A_34 = arith.constant 0 : i32
    %dma_start3A_35 = arith.constant 0 : i32
    %dma_start3A_36 = tpu.memref_slice %arg12[%dma_start3A_34, %dma_start3A_35] : memref<1x128xi32, #tpu.memory_space<vmem>> -> memref<1x128xi32, #tpu.memory_space<vmem>>
    %dma_start3A_37 = tpu.memref_squeeze %dma_start3A_36 : memref<1x128xi32, #tpu.memory_space<vmem>> -> memref<128xi32, #tpu.memory_space<vmem>>
    %dma_start3A_38 = arith.constant 0 : i32
    %dma_start3A_39 = arith.constant 0 : i32
    %dma_start3A_40 = tpu.memref_slice %arg2[%dma_start3A_38, %dma_start3A_39] : memref<10000x128xbf16, #tpu.memory_space<hbm>> -> memref<10000x128xbf16, #tpu.memory_space<hbm>>
    tpu.enqueue_indirect_dma source(%dma_start3A_40 : memref<10000x128xbf16, #tpu.memory_space<hbm>>) target(%arg18 : memref<128x128xbf16, #tpu.memory_space<vmem>>) offsets(%dma_start3A_37 : memref<128xi32, #tpu.memory_space<vmem>>) semaphore(%arg21 : memref<!tpu.dma_semaphore, #tpu.memory_space<semaphore_mem>>)
    %scan3A = arith.constant 0 : i32
    %scan3A_41 = arith.constant 0 : i32
    %scan3A_42 = arith.constant 40 : i32
    %scan3A_43 = arith.addi %scan3A_41, %scan3A_42 : i32
    %scan3A_44 = arith.constant 1 : i32
    scf.for %scan3A_54 = %scan3A_41 to %scan3A_43 step %scan3A_44  : i32 {
      %mul3A_55 = arith.constant 2 : i32
      %mul3A_56 = arith.muli %mul3A_55, %scan3A_54 : i32
      %add3A_57 = arith.constant 1 : i32
      %add3A_58 = arith.addi %mul3A_56, %add3A_57 : i32
      %add3A_59 = arith.addi %mul3A_6, %add3A_58 : i32
      %dma_start3A_60 = arith.constant 0 : i32
      %dma_start3A_61 = tpu.memref_slice %arg3[%add3A_59, %dma_start3A_60] : memref<2560x128xi32, #tpu.memory_space<hbm>> -> memref<1x128xi32, #tpu.memory_space<hbm>>
      %dma_start3A_62 = arith.constant 0 : i32
      %dma_start3A_63 = tpu.memref_slice %arg3[%add3A_59, %dma_start3A_62] : memref<2560x128xi32, #tpu.memory_space<hbm>> -> memref<1x128xi32, #tpu.memory_space<hbm>>
      tpu.enqueue_dma source(%dma_start3A_63 : memref<1x128xi32, #tpu.memory_space<hbm>>) target(%arg13 : memref<1x128xi32, #tpu.memory_space<vmem>>) target_semaphore(%arg24 : memref<!tpu.dma_semaphore, #tpu.memory_space<semaphore_mem>>)
      %add3A_64 = arith.addi %mul3A_6, %add3A_58 : i32
      %dma_start3A_65 = arith.constant 0 : i32
      %dma_start3A_66 = tpu.memref_slice %arg4[%add3A_64, %dma_start3A_65] : memref<2560x128xi32, #tpu.memory_space<hbm>> -> memref<1x128xi32, #tpu.memory_space<hbm>>
      %dma_start3A_67 = arith.constant 0 : i32
      %dma_start3A_68 = tpu.memref_slice %arg4[%add3A_64, %dma_start3A_67] : memref<2560x128xi32, #tpu.memory_space<hbm>> -> memref<1x128xi32, #tpu.memory_space<hbm>>
      tpu.enqueue_dma source(%dma_start3A_68 : memref<1x128xi32, #tpu.memory_space<hbm>>) target(%arg15 : memref<1x128xi32, #tpu.memory_space<vmem>>) target_semaphore(%arg24 : memref<!tpu.dma_semaphore, #tpu.memory_space<semaphore_mem>>)
      %add3A_69 = arith.addi %mul3A_6, %add3A_58 : i32
      %mul3A_70 = arith.constant 128 : i32
      %mul3A_71 = arith.muli %add3A_69, %mul3A_70 : i32
      %dma_start3A_72 = tpu.memref_slice %arg5[%mul3A_71] : memref<327680xf32, #tpu.memory_space<hbm>> -> memref<128xf32, #tpu.memory_space<hbm>>
      %dma_start3A_73 = tpu.memref_slice %arg5[%mul3A_71] : memref<327680xf32, #tpu.memory_space<hbm>> -> memref<128xf32, #tpu.memory_space<hbm>>
      tpu.enqueue_dma source(%dma_start3A_73 : memref<128xf32, #tpu.memory_space<hbm>>) target(%arg17 : memref<128xf32, #tpu.memory_space<vmem>>) target_semaphore(%arg24 : memref<!tpu.dma_semaphore, #tpu.memory_space<semaphore_mem>>)
      %dma_wait3A_74 = arith.constant 0 : i32
      %dma_wait3A_75 = arith.constant 0 : i32
      %dma_wait3A_76 = tpu.memref_slice %arg12[%dma_wait3A_74, %dma_wait3A_75] : memref<1x128xi32, #tpu.memory_space<vmem>> -> memref<1x128xi32, #tpu.memory_space<vmem>>
      %dma_wait3A_77 = tpu.memref_squeeze %dma_wait3A_76 : memref<1x128xi32, #tpu.memory_space<vmem>> -> memref<128xi32, #tpu.memory_space<vmem>>
      %dma_wait3A_78 = arith.constant 0 : i32
      %dma_wait3A_79 = arith.constant 0 : i32
      %dma_wait3A_80 = tpu.memref_slice %arg2[%dma_wait3A_78, %dma_wait3A_79] : memref<10000x128xbf16, #tpu.memory_space<hbm>> -> memref<10000x128xbf16, #tpu.memory_space<hbm>>
      tpu.wait_indirect_dma semaphore(%arg21 : memref<!tpu.dma_semaphore, #tpu.memory_space<semaphore_mem>>) src(%dma_wait3A_80 : memref<10000x128xbf16, #tpu.memory_space<hbm>>) dst(%arg18 : memref<128x128xbf16, #tpu.memory_space<vmem>>)
      %dma_wait3A_81 = arith.constant 0 : i32
      %dma_wait3A_82 = tpu.memref_slice %arg3[%add3A_59, %dma_wait3A_81] : memref<2560x128xi32, #tpu.memory_space<hbm>> -> memref<1x128xi32, #tpu.memory_space<hbm>>
      %dma_wait3A_83 = arith.constant 0 : i32
      %dma_wait3A_84 = tpu.memref_slice %arg3[%add3A_59, %dma_wait3A_83] : memref<2560x128xi32, #tpu.memory_space<hbm>> -> memref<1x128xi32, #tpu.memory_space<hbm>>
      tpu.wait_dma2 semaphore(%arg24 : memref<!tpu.dma_semaphore, #tpu.memory_space<semaphore_mem>>) src(%dma_wait3A_84 : memref<1x128xi32, #tpu.memory_space<hbm>>) dst(%arg13 : memref<1x128xi32, #tpu.memory_space<vmem>>)
      %dma_wait3A_85 = arith.constant 0 : i32
      %dma_wait3A_86 = tpu.memref_slice %arg4[%add3A_64, %dma_wait3A_85] : memref<2560x128xi32, #tpu.memory_space<hbm>> -> memref<1x128xi32, #tpu.memory_space<hbm>>
      %dma_wait3A_87 = arith.constant 0 : i32
      %dma_wait3A_88 = tpu.memref_slice %arg4[%add3A_64, %dma_wait3A_87] : memref<2560x128xi32, #tpu.memory_space<hbm>> -> memref<1x128xi32, #tpu.memory_space<hbm>>
      tpu.wait_dma2 semaphore(%arg24 : memref<!tpu.dma_semaphore, #tpu.memory_space<semaphore_mem>>) src(%dma_wait3A_88 : memref<1x128xi32, #tpu.memory_space<hbm>>) dst(%arg15 : memref<1x128xi32, #tpu.memory_space<vmem>>)
      %dma_wait3A_89 = tpu.memref_slice %arg5[%mul3A_71] : memref<327680xf32, #tpu.memory_space<hbm>> -> memref<128xf32, #tpu.memory_space<hbm>>
      %dma_wait3A_90 = tpu.memref_slice %arg5[%mul3A_71] : memref<327680xf32, #tpu.memory_space<hbm>> -> memref<128xf32, #tpu.memory_space<hbm>>
      tpu.wait_dma2 semaphore(%arg24 : memref<!tpu.dma_semaphore, #tpu.memory_space<semaphore_mem>>) src(%dma_wait3A_90 : memref<128xf32, #tpu.memory_space<hbm>>) dst(%arg17 : memref<128xf32, #tpu.memory_space<vmem>>)
      %dma_start3A_91 = arith.constant 0 : i32
      %dma_start3A_92 = arith.constant 0 : i32
      %dma_start3A_93 = tpu.memref_slice %arg13[%dma_start3A_91, %dma_start3A_92] : memref<1x128xi32, #tpu.memory_space<vmem>> -> memref<1x128xi32, #tpu.memory_space<vmem>>
      %dma_start3A_94 = tpu.memref_squeeze %dma_start3A_93 : memref<1x128xi32, #tpu.memory_space<vmem>> -> memref<128xi32, #tpu.memory_space<vmem>>
      %dma_start3A_95 = arith.constant 0 : i32
      %dma_start3A_96 = arith.constant 0 : i32
      %dma_start3A_97 = tpu.memref_slice %arg2[%dma_start3A_95, %dma_start3A_96] : memref<10000x128xbf16, #tpu.memory_space<hbm>> -> memref<10000x128xbf16, #tpu.memory_space<hbm>>
      tpu.enqueue_indirect_dma source(%dma_start3A_97 : memref<10000x128xbf16, #tpu.memory_space<hbm>>) target(%arg19 : memref<128x128xbf16, #tpu.memory_space<vmem>>) offsets(%dma_start3A_94 : memref<128xi32, #tpu.memory_space<vmem>>) semaphore(%arg22 : memref<!tpu.dma_semaphore, #tpu.memory_space<semaphore_mem>>)
      %run_scoped3A = arith.constant 0 : i32
      "tpu.region"() ({
        %run_scoped3A_143 = tpu.sem_alloc : memref<!tpu.dma_semaphore, #tpu.memory_space<semaphore_mem>>
        %dma_start3A_144 = arith.constant 0 : i32
        %dma_start3A_145 = tpu.memref_slice %arg14[%run_scoped3A, %dma_start3A_144] : memref<1x128xi32, #tpu.memory_space<vmem>> -> memref<1x128xi32, #tpu.memory_space<vmem>>
        %dma_start3A_146 = tpu.memref_squeeze %dma_start3A_145 : memref<1x128xi32, #tpu.memory_space<vmem>> -> memref<128xi32, #tpu.memory_space<vmem>>
        %dma_start3A_147 = arith.constant 0 : i32
        %dma_start3A_148 = arith.constant 0 : i32
        %dma_start3A_149 = tpu.memref_slice %arg10[%dma_start3A_147, %dma_start3A_148] : memref<10240x128xf32, #tpu.memory_space<vmem_shared>> -> memref<10240x128xf32, #tpu.memory_space<vmem_shared>>
        tpu.enqueue_indirect_dma source(%arg20 : memref<128x128xf32, #tpu.memory_space<vmem>>) target(%dma_start3A_149 : memref<10240x128xf32, #tpu.memory_space<vmem_shared>>) offsets(%dma_start3A_146 : memref<128xi32, #tpu.memory_space<vmem>>) semaphore(%run_scoped3A_143 : memref<!tpu.dma_semaphore, #tpu.memory_space<semaphore_mem>>) {add = true}
        %dma_wait3A_150 = arith.constant 0 : i32
        %dma_wait3A_151 = tpu.memref_slice %arg14[%run_scoped3A, %dma_wait3A_150] : memref<1x128xi32, #tpu.memory_space<vmem>> -> memref<1x128xi32, #tpu.memory_space<vmem>>
        %dma_wait3A_152 = tpu.memref_squeeze %dma_wait3A_151 : memref<1x128xi32, #tpu.memory_space<vmem>> -> memref<128xi32, #tpu.memory_space<vmem>>
        %dma_wait3A_153 = arith.constant 0 : i32
        %dma_wait3A_154 = arith.constant 0 : i32
        %dma_wait3A_155 = tpu.memref_slice %arg10[%dma_wait3A_153, %dma_wait3A_154] : memref<10240x128xf32, #tpu.memory_space<vmem_shared>> -> memref<10240x128xf32, #tpu.memory_space<vmem_shared>>
        tpu.wait_indirect_dma semaphore(%run_scoped3A_143 : memref<!tpu.dma_semaphore, #tpu.memory_space<semaphore_mem>>) src(%arg20 : memref<128x128xf32, #tpu.memory_space<vmem>>) dst(%dma_wait3A_155 : memref<10240x128xf32, #tpu.memory_space<vmem_shared>>)
        tpu.yield
      }) : () -> ()
      %run_scoped3A_98 = arith.constant 0 : i32
      "tpu.region"() ({
        %run_scoped3A_143 = tpu.sem_alloc : memref<!tpu.dma_semaphore, #tpu.memory_space<semaphore_mem>>
        %dma_start3A_144 = arith.constant 0 : i32
        %dma_start3A_145 = tpu.memref_slice %arg14[%run_scoped3A_98, %dma_start3A_144] : memref<1x128xi32, #tpu.memory_space<vmem>> -> memref<1x128xi32, #tpu.memory_space<vmem>>
        %dma_start3A_146 = tpu.memref_squeeze %dma_start3A_145 : memref<1x128xi32, #tpu.memory_space<vmem>> -> memref<128xi32, #tpu.memory_space<vmem>>
        %dma_start3A_147 = arith.constant 0 : i32
        %dma_start3A_148 = tpu.memref_slice %arg11[%dma_start3A_147] : memref<10240xf32, #tpu.memory_space<vmem_shared>> -> memref<10240xf32, #tpu.memory_space<vmem_shared>>
        tpu.enqueue_indirect_dma source(%arg16 : memref<128xf32, #tpu.memory_space<vmem>>) target(%dma_start3A_148 : memref<10240xf32, #tpu.memory_space<vmem_shared>>) offsets(%dma_start3A_146 : memref<128xi32, #tpu.memory_space<vmem>>) semaphore(%run_scoped3A_143 : memref<!tpu.dma_semaphore, #tpu.memory_space<semaphore_mem>>) {add = true}
        %dma_wait3A_149 = arith.constant 0 : i32
        %dma_wait3A_150 = tpu.memref_slice %arg14[%run_scoped3A_98, %dma_wait3A_149] : memref<1x128xi32, #tpu.memory_space<vmem>> -> memref<1x128xi32, #tpu.memory_space<vmem>>
        %dma_wait3A_151 = tpu.memref_squeeze %dma_wait3A_150 : memref<1x128xi32, #tpu.memory_space<vmem>> -> memref<128xi32, #tpu.memory_space<vmem>>
        %dma_wait3A_152 = arith.constant 0 : i32
        %dma_wait3A_153 = tpu.memref_slice %arg11[%dma_wait3A_152] : memref<10240xf32, #tpu.memory_space<vmem_shared>> -> memref<10240xf32, #tpu.memory_space<vmem_shared>>
        tpu.wait_indirect_dma semaphore(%run_scoped3A_143 : memref<!tpu.dma_semaphore, #tpu.memory_space<semaphore_mem>>) src(%arg16 : memref<128xf32, #tpu.memory_space<vmem>>) dst(%dma_wait3A_153 : memref<10240xf32, #tpu.memory_space<vmem_shared>>)
        tpu.yield
      }) : () -> ()
      %add3A_99 = arith.constant 2 : i32
      %add3A_100 = arith.addi %mul3A_56, %add3A_99 : i32
      %rem3A = arith.constant 80 : i32
      %rem3A_101 = arith.remsi %add3A_100, %rem3A : i32
      %add3A_102 = arith.addi %mul3A_6, %rem3A_101 : i32
      %dma_start3A_103 = arith.constant 0 : i32
      %dma_start3A_104 = tpu.memref_slice %arg3[%add3A_102, %dma_start3A_103] : memref<2560x128xi32, #tpu.memory_space<hbm>> -> memref<1x128xi32, #tpu.memory_space<hbm>>
      %dma_start3A_105 = arith.constant 0 : i32
      %dma_start3A_106 = tpu.memref_slice %arg3[%add3A_102, %dma_start3A_105] : memref<2560x128xi32, #tpu.memory_space<hbm>> -> memref<1x128xi32, #tpu.memory_space<hbm>>
      tpu.enqueue_dma source(%dma_start3A_106 : memref<1x128xi32, #tpu.memory_space<hbm>>) target(%arg12 : memref<1x128xi32, #tpu.memory_space<vmem>>) target_semaphore(%arg23 : memref<!tpu.dma_semaphore, #tpu.memory_space<semaphore_mem>>)
      %add3A_107 = arith.addi %mul3A_6, %rem3A_101 : i32
      %dma_start3A_108 = arith.constant 0 : i32
      %dma_start3A_109 = tpu.memref_slice %arg4[%add3A_107, %dma_start3A_108] : memref<2560x128xi32, #tpu.memory_space<hbm>> -> memref<1x128xi32, #tpu.memory_space<hbm>>
      %dma_start3A_110 = arith.constant 0 : i32
      %dma_start3A_111 = tpu.memref_slice %arg4[%add3A_107, %dma_start3A_110] : memref<2560x128xi32, #tpu.memory_space<hbm>> -> memref<1x128xi32, #tpu.memory_space<hbm>>
      tpu.enqueue_dma source(%dma_start3A_111 : memref<1x128xi32, #tpu.memory_space<hbm>>) target(%arg14 : memref<1x128xi32, #tpu.memory_space<vmem>>) target_semaphore(%arg23 : memref<!tpu.dma_semaphore, #tpu.memory_space<semaphore_mem>>)
      %add3A_112 = arith.addi %mul3A_6, %rem3A_101 : i32
      %mul3A_113 = arith.constant 128 : i32
      %mul3A_114 = arith.muli %add3A_112, %mul3A_113 : i32
      %dma_start3A_115 = tpu.memref_slice %arg5[%mul3A_114] : memref<327680xf32, #tpu.memory_space<hbm>> -> memref<128xf32, #tpu.memory_space<hbm>>
      %dma_start3A_116 = tpu.memref_slice %arg5[%mul3A_114] : memref<327680xf32, #tpu.memory_space<hbm>> -> memref<128xf32, #tpu.memory_space<hbm>>
      tpu.enqueue_dma source(%dma_start3A_116 : memref<128xf32, #tpu.memory_space<hbm>>) target(%arg16 : memref<128xf32, #tpu.memory_space<vmem>>) target_semaphore(%arg23 : memref<!tpu.dma_semaphore, #tpu.memory_space<semaphore_mem>>)
      %dma_wait3A_117 = arith.constant 0 : i32
      %dma_wait3A_118 = arith.constant 0 : i32
      %dma_wait3A_119 = tpu.memref_slice %arg13[%dma_wait3A_117, %dma_wait3A_118] : memref<1x128xi32, #tpu.memory_space<vmem>> -> memref<1x128xi32, #tpu.memory_space<vmem>>
      %dma_wait3A_120 = tpu.memref_squeeze %dma_wait3A_119 : memref<1x128xi32, #tpu.memory_space<vmem>> -> memref<128xi32, #tpu.memory_space<vmem>>
      %dma_wait3A_121 = arith.constant 0 : i32
      %dma_wait3A_122 = arith.constant 0 : i32
      %dma_wait3A_123 = tpu.memref_slice %arg2[%dma_wait3A_121, %dma_wait3A_122] : memref<10000x128xbf16, #tpu.memory_space<hbm>> -> memref<10000x128xbf16, #tpu.memory_space<hbm>>
      tpu.wait_indirect_dma semaphore(%arg22 : memref<!tpu.dma_semaphore, #tpu.memory_space<semaphore_mem>>) src(%dma_wait3A_123 : memref<10000x128xbf16, #tpu.memory_space<hbm>>) dst(%arg19 : memref<128x128xbf16, #tpu.memory_space<vmem>>)
      %dma_wait3A_124 = arith.constant 0 : i32
      %dma_wait3A_125 = tpu.memref_slice %arg3[%add3A_102, %dma_wait3A_124] : memref<2560x128xi32, #tpu.memory_space<hbm>> -> memref<1x128xi32, #tpu.memory_space<hbm>>
      %dma_wait3A_126 = arith.constant 0 : i32
      %dma_wait3A_127 = tpu.memref_slice %arg3[%add3A_102, %dma_wait3A_126] : memref<2560x128xi32, #tpu.memory_space<hbm>> -> memref<1x128xi32, #tpu.memory_space<hbm>>
      tpu.wait_dma2 semaphore(%arg23 : memref<!tpu.dma_semaphore, #tpu.memory_space<semaphore_mem>>) src(%dma_wait3A_127 : memref<1x128xi32, #tpu.memory_space<hbm>>) dst(%arg12 : memref<1x128xi32, #tpu.memory_space<vmem>>)
      %dma_wait3A_128 = arith.constant 0 : i32
      %dma_wait3A_129 = tpu.memref_slice %arg4[%add3A_107, %dma_wait3A_128] : memref<2560x128xi32, #tpu.memory_space<hbm>> -> memref<1x128xi32, #tpu.memory_space<hbm>>
      %dma_wait3A_130 = arith.constant 0 : i32
      %dma_wait3A_131 = tpu.memref_slice %arg4[%add3A_107, %dma_wait3A_130] : memref<2560x128xi32, #tpu.memory_space<hbm>> -> memref<1x128xi32, #tpu.memory_space<hbm>>
      tpu.wait_dma2 semaphore(%arg23 : memref<!tpu.dma_semaphore, #tpu.memory_space<semaphore_mem>>) src(%dma_wait3A_131 : memref<1x128xi32, #tpu.memory_space<hbm>>) dst(%arg14 : memref<1x128xi32, #tpu.memory_space<vmem>>)
      %dma_wait3A_132 = tpu.memref_slice %arg5[%mul3A_114] : memref<327680xf32, #tpu.memory_space<hbm>> -> memref<128xf32, #tpu.memory_space<hbm>>
      %dma_wait3A_133 = tpu.memref_slice %arg5[%mul3A_114] : memref<327680xf32, #tpu.memory_space<hbm>> -> memref<128xf32, #tpu.memory_space<hbm>>
      tpu.wait_dma2 semaphore(%arg23 : memref<!tpu.dma_semaphore, #tpu.memory_space<semaphore_mem>>) src(%dma_wait3A_133 : memref<128xf32, #tpu.memory_space<hbm>>) dst(%arg16 : memref<128xf32, #tpu.memory_space<vmem>>)
      %dma_start3A_134 = arith.constant 0 : i32
      %dma_start3A_135 = arith.constant 0 : i32
      %dma_start3A_136 = tpu.memref_slice %arg12[%dma_start3A_134, %dma_start3A_135] : memref<1x128xi32, #tpu.memory_space<vmem>> -> memref<1x128xi32, #tpu.memory_space<vmem>>
      %dma_start3A_137 = tpu.memref_squeeze %dma_start3A_136 : memref<1x128xi32, #tpu.memory_space<vmem>> -> memref<128xi32, #tpu.memory_space<vmem>>
      %dma_start3A_138 = arith.constant 0 : i32
      %dma_start3A_139 = arith.constant 0 : i32
      %dma_start3A_140 = tpu.memref_slice %arg2[%dma_start3A_138, %dma_start3A_139] : memref<10000x128xbf16, #tpu.memory_space<hbm>> -> memref<10000x128xbf16, #tpu.memory_space<hbm>>
      tpu.enqueue_indirect_dma source(%dma_start3A_140 : memref<10000x128xbf16, #tpu.memory_space<hbm>>) target(%arg18 : memref<128x128xbf16, #tpu.memory_space<vmem>>) offsets(%dma_start3A_137 : memref<128xi32, #tpu.memory_space<vmem>>) semaphore(%arg21 : memref<!tpu.dma_semaphore, #tpu.memory_space<semaphore_mem>>)
      %run_scoped3A_141 = arith.constant 0 : i32
      "tpu.region"() ({
        %run_scoped3A_143 = tpu.sem_alloc : memref<!tpu.dma_semaphore, #tpu.memory_space<semaphore_mem>>
        %dma_start3A_144 = arith.constant 0 : i32
        %dma_start3A_145 = tpu.memref_slice %arg15[%run_scoped3A_141, %dma_start3A_144] : memref<1x128xi32, #tpu.memory_space<vmem>> -> memref<1x128xi32, #tpu.memory_space<vmem>>
        %dma_start3A_146 = tpu.memref_squeeze %dma_start3A_145 : memref<1x128xi32, #tpu.memory_space<vmem>> -> memref<128xi32, #tpu.memory_space<vmem>>
        %dma_start3A_147 = arith.constant 0 : i32
        %dma_start3A_148 = arith.constant 0 : i32
        %dma_start3A_149 = tpu.memref_slice %arg10[%dma_start3A_147, %dma_start3A_148] : memref<10240x128xf32, #tpu.memory_space<vmem_shared>> -> memref<10240x128xf32, #tpu.memory_space<vmem_shared>>
        tpu.enqueue_indirect_dma source(%arg20 : memref<128x128xf32, #tpu.memory_space<vmem>>) target(%dma_start3A_149 : memref<10240x128xf32, #tpu.memory_space<vmem_shared>>) offsets(%dma_start3A_146 : memref<128xi32, #tpu.memory_space<vmem>>) semaphore(%run_scoped3A_143 : memref<!tpu.dma_semaphore, #tpu.memory_space<semaphore_mem>>) {add = true}
        %dma_wait3A_150 = arith.constant 0 : i32
        %dma_wait3A_151 = tpu.memref_slice %arg15[%run_scoped3A_141, %dma_wait3A_150] : memref<1x128xi32, #tpu.memory_space<vmem>> -> memref<1x128xi32, #tpu.memory_space<vmem>>
        %dma_wait3A_152 = tpu.memref_squeeze %dma_wait3A_151 : memref<1x128xi32, #tpu.memory_space<vmem>> -> memref<128xi32, #tpu.memory_space<vmem>>
        %dma_wait3A_153 = arith.constant 0 : i32
        %dma_wait3A_154 = arith.constant 0 : i32
        %dma_wait3A_155 = tpu.memref_slice %arg10[%dma_wait3A_153, %dma_wait3A_154] : memref<10240x128xf32, #tpu.memory_space<vmem_shared>> -> memref<10240x128xf32, #tpu.memory_space<vmem_shared>>
        tpu.wait_indirect_dma semaphore(%run_scoped3A_143 : memref<!tpu.dma_semaphore, #tpu.memory_space<semaphore_mem>>) src(%arg20 : memref<128x128xf32, #tpu.memory_space<vmem>>) dst(%dma_wait3A_155 : memref<10240x128xf32, #tpu.memory_space<vmem_shared>>)
        tpu.yield
      }) : () -> ()
      %run_scoped3A_142 = arith.constant 0 : i32
      "tpu.region"() ({
        %run_scoped3A_143 = tpu.sem_alloc : memref<!tpu.dma_semaphore, #tpu.memory_space<semaphore_mem>>
        %dma_start3A_144 = arith.constant 0 : i32
        %dma_start3A_145 = tpu.memref_slice %arg15[%run_scoped3A_142, %dma_start3A_144] : memref<1x128xi32, #tpu.memory_space<vmem>> -> memref<1x128xi32, #tpu.memory_space<vmem>>
        %dma_start3A_146 = tpu.memref_squeeze %dma_start3A_145 : memref<1x128xi32, #tpu.memory_space<vmem>> -> memref<128xi32, #tpu.memory_space<vmem>>
        %dma_start3A_147 = arith.constant 0 : i32
        %dma_start3A_148 = tpu.memref_slice %arg11[%dma_start3A_147] : memref<10240xf32, #tpu.memory_space<vmem_shared>> -> memref<10240xf32, #tpu.memory_space<vmem_shared>>
        tpu.enqueue_indirect_dma source(%arg17 : memref<128xf32, #tpu.memory_space<vmem>>) target(%dma_start3A_148 : memref<10240xf32, #tpu.memory_space<vmem_shared>>) offsets(%dma_start3A_146 : memref<128xi32, #tpu.memory_space<vmem>>) semaphore(%run_scoped3A_143 : memref<!tpu.dma_semaphore, #tpu.memory_space<semaphore_mem>>) {add = true}
        %dma_wait3A_149 = arith.constant 0 : i32
        %dma_wait3A_150 = tpu.memref_slice %arg15[%run_scoped3A_142, %dma_wait3A_149] : memref<1x128xi32, #tpu.memory_space<vmem>> -> memref<1x128xi32, #tpu.memory_space<vmem>>
        %dma_wait3A_151 = tpu.memref_squeeze %dma_wait3A_150 : memref<1x128xi32, #tpu.memory_space<vmem>> -> memref<128xi32, #tpu.memory_space<vmem>>
        %dma_wait3A_152 = arith.constant 0 : i32
        %dma_wait3A_153 = tpu.memref_slice %arg11[%dma_wait3A_152] : memref<10240xf32, #tpu.memory_space<vmem_shared>> -> memref<10240xf32, #tpu.memory_space<vmem_shared>>
        tpu.wait_indirect_dma semaphore(%run_scoped3A_143 : memref<!tpu.dma_semaphore, #tpu.memory_space<semaphore_mem>>) src(%arg17 : memref<128xf32, #tpu.memory_space<vmem>>) dst(%dma_wait3A_153 : memref<10240xf32, #tpu.memory_space<vmem_shared>>)
        tpu.yield
      }) : () -> ()
    }
    %scan3A_45 = arith.constant 40 : i32
    %dma_wait3A_46 = arith.constant 0 : i32
    %dma_wait3A_47 = arith.constant 0 : i32
    %dma_wait3A_48 = tpu.memref_slice %arg12[%dma_wait3A_46, %dma_wait3A_47] : memref<1x128xi32, #tpu.memory_space<vmem>> -> memref<1x128xi32, #tpu.memory_space<vmem>>
    %dma_wait3A_49 = tpu.memref_squeeze %dma_wait3A_48 : memref<1x128xi32, #tpu.memory_space<vmem>> -> memref<128xi32, #tpu.memory_space<vmem>>
    %dma_wait3A_50 = arith.constant 0 : i32
    %dma_wait3A_51 = arith.constant 0 : i32
    %dma_wait3A_52 = tpu.memref_slice %arg2[%dma_wait3A_50, %dma_wait3A_51] : memref<10000x128xbf16, #tpu.memory_space<hbm>> -> memref<10000x128xbf16, #tpu.memory_space<hbm>>
    tpu.wait_indirect_dma semaphore(%arg21 : memref<!tpu.dma_semaphore, #tpu.memory_space<semaphore_mem>>) src(%dma_wait3A_52 : memref<10000x128xbf16, #tpu.memory_space<hbm>>) dst(%arg18 : memref<128x128xbf16, #tpu.memory_space<vmem>>)
    %barrier3A_53 = arith.constant 0 : index
    tpu.barrier barrier_id(%barrier3A_53)
    "tpu.region"() ({
      %run_scoped3A = tpu.sem_alloc : memref<!tpu.dma_semaphore, #tpu.memory_space<semaphore_mem>>
      %dma_start3A_54 = arith.constant 0 : i32
      %dma_start3A_55 = tpu.memref_slice %arg8[%arg0, %mul3A_0, %dma_start3A_54] : memref<2x10240x128xf32, #tpu.memory_space<hbm>> -> memref<1x640x128xf32, #tpu.memory_space<hbm>>
      %dma_start3A_56 = tpu.memref_squeeze %dma_start3A_55 : memref<1x640x128xf32, #tpu.memory_space<hbm>> -> memref<640x128xf32, #tpu.memory_space<hbm>>
      %dma_start3A_57 = arith.constant 0 : i32
      %dma_start3A_58 = tpu.memref_slice %arg10[%mul3A_0, %dma_start3A_57] : memref<10240x128xf32, #tpu.memory_space<vmem_shared>> -> memref<640x128xf32, #tpu.memory_space<vmem_shared>>
      tpu.enqueue_dma source(%dma_start3A_58 : memref<640x128xf32, #tpu.memory_space<vmem_shared>>) target(%dma_start3A_56 : memref<640x128xf32, #tpu.memory_space<hbm>>) target_semaphore(%run_scoped3A : memref<!tpu.dma_semaphore, #tpu.memory_space<semaphore_mem>>)
      %dma_wait3A_59 = arith.constant 0 : i32
      %dma_wait3A_60 = tpu.memref_slice %arg8[%arg0, %mul3A_0, %dma_wait3A_59] : memref<2x10240x128xf32, #tpu.memory_space<hbm>> -> memref<1x640x128xf32, #tpu.memory_space<hbm>>
      %dma_wait3A_61 = tpu.memref_squeeze %dma_wait3A_60 : memref<1x640x128xf32, #tpu.memory_space<hbm>> -> memref<640x128xf32, #tpu.memory_space<hbm>>
      %dma_wait3A_62 = arith.constant 0 : i32
      %dma_wait3A_63 = tpu.memref_slice %arg10[%mul3A_0, %dma_wait3A_62] : memref<10240x128xf32, #tpu.memory_space<vmem_shared>> -> memref<640x128xf32, #tpu.memory_space<vmem_shared>>
      tpu.wait_dma2 semaphore(%run_scoped3A : memref<!tpu.dma_semaphore, #tpu.memory_space<semaphore_mem>>) src(%dma_wait3A_63 : memref<640x128xf32, #tpu.memory_space<vmem_shared>>) dst(%dma_wait3A_61 : memref<640x128xf32, #tpu.memory_space<hbm>>)
      tpu.yield
    }) : () -> ()
    "tpu.region"() ({
      %run_scoped3A = tpu.sem_alloc : memref<!tpu.dma_semaphore, #tpu.memory_space<semaphore_mem>>
      %dma_start3A_54 = tpu.memref_slice %arg9[%arg0, %mul3A_2] : memref<2x10240xf32, #tpu.memory_space<hbm>> -> memref<1x640xf32, #tpu.memory_space<hbm>>
      %dma_start3A_55 = tpu.memref_squeeze %dma_start3A_54 : memref<1x640xf32, #tpu.memory_space<hbm>> -> memref<640xf32, #tpu.memory_space<hbm>>
      %dma_start3A_56 = tpu.memref_slice %arg11[%mul3A_2] : memref<10240xf32, #tpu.memory_space<vmem_shared>> -> memref<640xf32, #tpu.memory_space<vmem_shared>>
      tpu.enqueue_dma source(%dma_start3A_56 : memref<640xf32, #tpu.memory_space<vmem_shared>>) target(%dma_start3A_55 : memref<640xf32, #tpu.memory_space<hbm>>) target_semaphore(%run_scoped3A : memref<!tpu.dma_semaphore, #tpu.memory_space<semaphore_mem>>)
      %dma_wait3A_57 = tpu.memref_slice %arg9[%arg0, %mul3A_2] : memref<2x10240xf32, #tpu.memory_space<hbm>> -> memref<1x640xf32, #tpu.memory_space<hbm>>
      %dma_wait3A_58 = tpu.memref_squeeze %dma_wait3A_57 : memref<1x640xf32, #tpu.memory_space<hbm>> -> memref<640xf32, #tpu.memory_space<hbm>>
      %dma_wait3A_59 = tpu.memref_slice %arg11[%mul3A_2] : memref<10240xf32, #tpu.memory_space<vmem_shared>> -> memref<640xf32, #tpu.memory_space<vmem_shared>>
      tpu.wait_dma2 semaphore(%run_scoped3A : memref<!tpu.dma_semaphore, #tpu.memory_space<semaphore_mem>>) src(%dma_wait3A_59 : memref<640xf32, #tpu.memory_space<vmem_shared>>) dst(%dma_wait3A_58 : memref<640xf32, #tpu.memory_space<hbm>>)
      tpu.yield
    }) : () -> ()
    return
  }
}

#map = affine_map<(d0, d1) -> (0, 0)>
#map1 = affine_map<(d0, d1) -> (0)>
#map2 = affine_map<(d0, d1) -> (0, 0, 0)>
module attributes {stable_mosaic.version = 14 : i64} {
  func.func @_sc_spmm(%arg0: i32, %arg1: i32, %arg2: memref<10000x128xbf16, #tpu.memory_space<hbm>>, %arg3: memref<2560x128xi32, #tpu.memory_space<hbm>>, %arg4: memref<2560x128xi32, #tpu.memory_space<hbm>>, %arg5: memref<327680xf32, #tpu.memory_space<hbm>>, %arg6: memref<10240x128xf32, #tpu.memory_space<hbm>>, %arg7: memref<10240xf32, #tpu.memory_space<hbm>>, %arg8: memref<2x10240x128xf32, #tpu.memory_space<hbm>>, %arg9: memref<2x10240xf32, #tpu.memory_space<hbm>>, %arg10: memref<10240x128xf32, #tpu.memory_space<vmem_shared>>, %arg11: memref<10240xf32, #tpu.memory_space<vmem_shared>>, %arg12: memref<1x128xi32, #tpu.memory_space<vmem>>, %arg13: memref<1x128xi32, #tpu.memory_space<vmem>>, %arg14: memref<1x128xi32, #tpu.memory_space<vmem>>, %arg15: memref<1x128xi32, #tpu.memory_space<vmem>>, %arg16: memref<128xf32, #tpu.memory_space<vmem>>, %arg17: memref<128xf32, #tpu.memory_space<vmem>>, %arg18: memref<128x128xbf16, #tpu.memory_space<vmem>>, %arg19: memref<128x128xbf16, #tpu.memory_space<vmem>>, %arg20: memref<128x128xf32, #tpu.memory_space<vmem>>, %arg21: memref<!tpu.dma_semaphore, #tpu.memory_space<semaphore_mem>>, %arg22: memref<!tpu.dma_semaphore, #tpu.memory_space<semaphore_mem>>, %arg23: memref<!tpu.dma_semaphore, #tpu.memory_space<semaphore_mem>>, %arg24: memref<!tpu.dma_semaphore, #tpu.memory_space<semaphore_mem>>) attributes {dimension_semantics = [#tpu.dimension_semantics<core_parallel>, #tpu.dimension_semantics<subcore_parallel>], iteration_bounds = array<i64: 2, 16>, scalar_prefetch = 0 : i64, scratch_operands = 15 : i64, tpu.core_type = #tpu.core_type<sc_vector_subcore>, window_params = [{transform_indices = #map}, {transform_indices = #map}, {transform_indices = #map}, {transform_indices = #map1}, {transform_indices = #map}, {transform_indices = #map1}, {transform_indices = #map2}, {transform_indices = #map}]} {
    %mul3A = arith.constant 640 : i32
    %mul3A_0 = arith.muli %arg1, %mul3A : i32
    %mul3A_1 = arith.constant 640 : i32
    %mul3A_2 = arith.muli %arg1, %mul3A_1 : i32
    "tpu.region"() ({
      %run_scoped3A = tpu.sem_alloc : memref<!tpu.dma_semaphore, #tpu.memory_space<semaphore_mem>>
      %dma_start3A_54 = arith.constant 0 : i32
      %dma_start3A_55 = tpu.memref_slice %arg10[%mul3A_0, %dma_start3A_54] : memref<10240x128xf32, #tpu.memory_space<vmem_shared>> -> memref<640x128xf32, #tpu.memory_space<vmem_shared>>
      %dma_start3A_56 = arith.constant 0 : i32
      %dma_start3A_57 = tpu.memref_slice %arg6[%mul3A_0, %dma_start3A_56] : memref<10240x128xf32, #tpu.memory_space<hbm>> -> memref<640x128xf32, #tpu.memory_space<hbm>>
      tpu.enqueue_dma source(%dma_start3A_57 : memref<640x128xf32, #tpu.memory_space<hbm>>) target(%dma_start3A_55 : memref<640x128xf32, #tpu.memory_space<vmem_shared>>) target_semaphore(%run_scoped3A : memref<!tpu.dma_semaphore, #tpu.memory_space<semaphore_mem>>)
      %dma_wait3A_58 = arith.constant 0 : i32
      %dma_wait3A_59 = tpu.memref_slice %arg10[%mul3A_0, %dma_wait3A_58] : memref<10240x128xf32, #tpu.memory_space<vmem_shared>> -> memref<640x128xf32, #tpu.memory_space<vmem_shared>>
      %dma_wait3A_60 = arith.constant 0 : i32
      %dma_wait3A_61 = tpu.memref_slice %arg6[%mul3A_0, %dma_wait3A_60] : memref<10240x128xf32, #tpu.memory_space<hbm>> -> memref<640x128xf32, #tpu.memory_space<hbm>>
      tpu.wait_dma2 semaphore(%run_scoped3A : memref<!tpu.dma_semaphore, #tpu.memory_space<semaphore_mem>>) src(%dma_wait3A_61 : memref<640x128xf32, #tpu.memory_space<hbm>>) dst(%dma_wait3A_59 : memref<640x128xf32, #tpu.memory_space<vmem_shared>>)
      tpu.yield
    }) : () -> ()
    "tpu.region"() ({
      %run_scoped3A = tpu.sem_alloc : memref<!tpu.dma_semaphore, #tpu.memory_space<semaphore_mem>>
      %dma_start3A_54 = tpu.memref_slice %arg11[%mul3A_2] : memref<10240xf32, #tpu.memory_space<vmem_shared>> -> memref<640xf32, #tpu.memory_space<vmem_shared>>
      %dma_start3A_55 = tpu.memref_slice %arg7[%mul3A_2] : memref<10240xf32, #tpu.memory_space<hbm>> -> memref<640xf32, #tpu.memory_space<hbm>>
      tpu.enqueue_dma source(%dma_start3A_55 : memref<640xf32, #tpu.memory_space<hbm>>) target(%dma_start3A_54 : memref<640xf32, #tpu.memory_space<vmem_shared>>) target_semaphore(%run_scoped3A : memref<!tpu.dma_semaphore, #tpu.memory_space<semaphore_mem>>)
      %dma_wait3A_56 = tpu.memref_slice %arg11[%mul3A_2] : memref<10240xf32, #tpu.memory_space<vmem_shared>> -> memref<640xf32, #tpu.memory_space<vmem_shared>>
      %dma_wait3A_57 = tpu.memref_slice %arg7[%mul3A_2] : memref<10240xf32, #tpu.memory_space<hbm>> -> memref<640xf32, #tpu.memory_space<hbm>>
      tpu.wait_dma2 semaphore(%run_scoped3A : memref<!tpu.dma_semaphore, #tpu.memory_space<semaphore_mem>>) src(%dma_wait3A_57 : memref<640xf32, #tpu.memory_space<hbm>>) dst(%dma_wait3A_56 : memref<640xf32, #tpu.memory_space<vmem_shared>>)
      tpu.yield
    }) : () -> ()
    %barrier3A = arith.constant 0 : index
    tpu.barrier barrier_id(%barrier3A)
    %mul3A_3 = arith.constant 16 : i32
    %mul3A_4 = arith.muli %arg0, %mul3A_3 : i32
    %add3A = arith.addi %mul3A_4, %arg1 : i32
    %mul3A_5 = arith.constant 80 : i32
    %mul3A_6 = arith.muli %add3A, %mul3A_5 : i32
    %broadcast_in_dim3A = arith.constant -65536 : i32
    %broadcast_in_dim3A_7 = vector.broadcast %broadcast_in_dim3A : i32 to vector<16xi32>
    %add3A_8 = arith.constant 0 : i32
    %add3A_9 = arith.addi %mul3A_6, %add3A_8 : i32
    %dma_start3A = arith.constant 0 : i32
    %dma_start3A_10 = tpu.memref_slice %arg3[%add3A_9, %dma_start3A] : memref<2560x128xi32, #tpu.memory_space<hbm>> -> memref<1x128xi32, #tpu.memory_space<hbm>>
    %dma_start3A_11 = arith.constant 0 : i32
    %dma_start3A_12 = tpu.memref_slice %arg3[%add3A_9, %dma_start3A_11] : memref<2560x128xi32, #tpu.memory_space<hbm>> -> memref<1x128xi32, #tpu.memory_space<hbm>>
    tpu.enqueue_dma source(%dma_start3A_12 : memref<1x128xi32, #tpu.memory_space<hbm>>) target(%arg12 : memref<1x128xi32, #tpu.memory_space<vmem>>) target_semaphore(%arg23 : memref<!tpu.dma_semaphore, #tpu.memory_space<semaphore_mem>>)
    %add3A_13 = arith.constant 0 : i32
    %add3A_14 = arith.addi %mul3A_6, %add3A_13 : i32
    %dma_start3A_15 = arith.constant 0 : i32
    %dma_start3A_16 = tpu.memref_slice %arg4[%add3A_14, %dma_start3A_15] : memref<2560x128xi32, #tpu.memory_space<hbm>> -> memref<1x128xi32, #tpu.memory_space<hbm>>
    %dma_start3A_17 = arith.constant 0 : i32
    %dma_start3A_18 = tpu.memref_slice %arg4[%add3A_14, %dma_start3A_17] : memref<2560x128xi32, #tpu.memory_space<hbm>> -> memref<1x128xi32, #tpu.memory_space<hbm>>
    tpu.enqueue_dma source(%dma_start3A_18 : memref<1x128xi32, #tpu.memory_space<hbm>>) target(%arg14 : memref<1x128xi32, #tpu.memory_space<vmem>>) target_semaphore(%arg23 : memref<!tpu.dma_semaphore, #tpu.memory_space<semaphore_mem>>)
    %add3A_19 = arith.constant 0 : i32
    %add3A_20 = arith.addi %mul3A_6, %add3A_19 : i32
    %mul3A_21 = arith.constant 128 : i32
    %mul3A_22 = arith.muli %add3A_20, %mul3A_21 : i32
    %dma_start3A_23 = tpu.memref_slice %arg5[%mul3A_22] : memref<327680xf32, #tpu.memory_space<hbm>> -> memref<128xf32, #tpu.memory_space<hbm>>
    %dma_start3A_24 = tpu.memref_slice %arg5[%mul3A_22] : memref<327680xf32, #tpu.memory_space<hbm>> -> memref<128xf32, #tpu.memory_space<hbm>>
    tpu.enqueue_dma source(%dma_start3A_24 : memref<128xf32, #tpu.memory_space<hbm>>) target(%arg16 : memref<128xf32, #tpu.memory_space<vmem>>) target_semaphore(%arg23 : memref<!tpu.dma_semaphore, #tpu.memory_space<semaphore_mem>>)
    %dma_wait3A = arith.constant 0 : i32
    %dma_wait3A_25 = tpu.memref_slice %arg3[%add3A_9, %dma_wait3A] : memref<2560x128xi32, #tpu.memory_space<hbm>> -> memref<1x128xi32, #tpu.memory_space<hbm>>
    %dma_wait3A_26 = arith.constant 0 : i32
    %dma_wait3A_27 = tpu.memref_slice %arg3[%add3A_9, %dma_wait3A_26] : memref<2560x128xi32, #tpu.memory_space<hbm>> -> memref<1x128xi32, #tpu.memory_space<hbm>>
    tpu.wait_dma2 semaphore(%arg23 : memref<!tpu.dma_semaphore, #tpu.memory_space<semaphore_mem>>) src(%dma_wait3A_27 : memref<1x128xi32, #tpu.memory_space<hbm>>) dst(%arg12 : memref<1x128xi32, #tpu.memory_space<vmem>>)
    %dma_wait3A_28 = arith.constant 0 : i32
    %dma_wait3A_29 = tpu.memref_slice %arg4[%add3A_14, %dma_wait3A_28] : memref<2560x128xi32, #tpu.memory_space<hbm>> -> memref<1x128xi32, #tpu.memory_space<hbm>>
    %dma_wait3A_30 = arith.constant 0 : i32
    %dma_wait3A_31 = tpu.memref_slice %arg4[%add3A_14, %dma_wait3A_30] : memref<2560x128xi32, #tpu.memory_space<hbm>> -> memref<1x128xi32, #tpu.memory_space<hbm>>
    tpu.wait_dma2 semaphore(%arg23 : memref<!tpu.dma_semaphore, #tpu.memory_space<semaphore_mem>>) src(%dma_wait3A_31 : memref<1x128xi32, #tpu.memory_space<hbm>>) dst(%arg14 : memref<1x128xi32, #tpu.memory_space<vmem>>)
    %dma_wait3A_32 = tpu.memref_slice %arg5[%mul3A_22] : memref<327680xf32, #tpu.memory_space<hbm>> -> memref<128xf32, #tpu.memory_space<hbm>>
    %dma_wait3A_33 = tpu.memref_slice %arg5[%mul3A_22] : memref<327680xf32, #tpu.memory_space<hbm>> -> memref<128xf32, #tpu.memory_space<hbm>>
    tpu.wait_dma2 semaphore(%arg23 : memref<!tpu.dma_semaphore, #tpu.memory_space<semaphore_mem>>) src(%dma_wait3A_33 : memref<128xf32, #tpu.memory_space<hbm>>) dst(%arg16 : memref<128xf32, #tpu.memory_space<vmem>>)
    %dma_start3A_34 = arith.constant 0 : i32
    %dma_start3A_35 = arith.constant 0 : i32
    %dma_start3A_36 = tpu.memref_slice %arg12[%dma_start3A_34, %dma_start3A_35] : memref<1x128xi32, #tpu.memory_space<vmem>> -> memref<1x128xi32, #tpu.memory_space<vmem>>
    %dma_start3A_37 = tpu.memref_squeeze %dma_start3A_36 : memref<1x128xi32, #tpu.memory_space<vmem>> -> memref<128xi32, #tpu.memory_space<vmem>>
    %dma_start3A_38 = arith.constant 0 : i32
    %dma_start3A_39 = arith.constant 0 : i32
    %dma_start3A_40 = tpu.memref_slice %arg2[%dma_start3A_38, %dma_start3A_39] : memref<10000x128xbf16, #tpu.memory_space<hbm>> -> memref<10000x128xbf16, #tpu.memory_space<hbm>>
    tpu.enqueue_indirect_dma source(%dma_start3A_40 : memref<10000x128xbf16, #tpu.memory_space<hbm>>) target(%arg18 : memref<128x128xbf16, #tpu.memory_space<vmem>>) offsets(%dma_start3A_37 : memref<128xi32, #tpu.memory_space<vmem>>) semaphore(%arg21 : memref<!tpu.dma_semaphore, #tpu.memory_space<semaphore_mem>>)
    %scan3A = arith.constant 0 : i32
    %scan3A_41 = arith.constant 0 : i32
    %scan3A_42 = arith.constant 40 : i32
    %scan3A_43 = arith.addi %scan3A_41, %scan3A_42 : i32
    %scan3A_44 = arith.constant 1 : i32
    scf.for %scan3A_54 = %scan3A_41 to %scan3A_43 step %scan3A_44  : i32 {
      %mul3A_55 = arith.constant 2 : i32
      %mul3A_56 = arith.muli %mul3A_55, %scan3A_54 : i32
      %add3A_57 = arith.constant 1 : i32
      %add3A_58 = arith.addi %mul3A_56, %add3A_57 : i32
      %add3A_59 = arith.addi %mul3A_6, %add3A_58 : i32
      %dma_start3A_60 = arith.constant 0 : i32
      %dma_start3A_61 = tpu.memref_slice %arg3[%add3A_59, %dma_start3A_60] : memref<2560x128xi32, #tpu.memory_space<hbm>> -> memref<1x128xi32, #tpu.memory_space<hbm>>
      %dma_start3A_62 = arith.constant 0 : i32
      %dma_start3A_63 = tpu.memref_slice %arg3[%add3A_59, %dma_start3A_62] : memref<2560x128xi32, #tpu.memory_space<hbm>> -> memref<1x128xi32, #tpu.memory_space<hbm>>
      tpu.enqueue_dma source(%dma_start3A_63 : memref<1x128xi32, #tpu.memory_space<hbm>>) target(%arg13 : memref<1x128xi32, #tpu.memory_space<vmem>>) target_semaphore(%arg24 : memref<!tpu.dma_semaphore, #tpu.memory_space<semaphore_mem>>)
      %add3A_64 = arith.addi %mul3A_6, %add3A_58 : i32
      %dma_start3A_65 = arith.constant 0 : i32
      %dma_start3A_66 = tpu.memref_slice %arg4[%add3A_64, %dma_start3A_65] : memref<2560x128xi32, #tpu.memory_space<hbm>> -> memref<1x128xi32, #tpu.memory_space<hbm>>
      %dma_start3A_67 = arith.constant 0 : i32
      %dma_start3A_68 = tpu.memref_slice %arg4[%add3A_64, %dma_start3A_67] : memref<2560x128xi32, #tpu.memory_space<hbm>> -> memref<1x128xi32, #tpu.memory_space<hbm>>
      tpu.enqueue_dma source(%dma_start3A_68 : memref<1x128xi32, #tpu.memory_space<hbm>>) target(%arg15 : memref<1x128xi32, #tpu.memory_space<vmem>>) target_semaphore(%arg24 : memref<!tpu.dma_semaphore, #tpu.memory_space<semaphore_mem>>)
      %add3A_69 = arith.addi %mul3A_6, %add3A_58 : i32
      %mul3A_70 = arith.constant 128 : i32
      %mul3A_71 = arith.muli %add3A_69, %mul3A_70 : i32
      %dma_start3A_72 = tpu.memref_slice %arg5[%mul3A_71] : memref<327680xf32, #tpu.memory_space<hbm>> -> memref<128xf32, #tpu.memory_space<hbm>>
      %dma_start3A_73 = tpu.memref_slice %arg5[%mul3A_71] : memref<327680xf32, #tpu.memory_space<hbm>> -> memref<128xf32, #tpu.memory_space<hbm>>
      tpu.enqueue_dma source(%dma_start3A_73 : memref<128xf32, #tpu.memory_space<hbm>>) target(%arg17 : memref<128xf32, #tpu.memory_space<vmem>>) target_semaphore(%arg24 : memref<!tpu.dma_semaphore, #tpu.memory_space<semaphore_mem>>)
      %dma_wait3A_74 = arith.constant 0 : i32
      %dma_wait3A_75 = arith.constant 0 : i32
      %dma_wait3A_76 = tpu.memref_slice %arg12[%dma_wait3A_74, %dma_wait3A_75] : memref<1x128xi32, #tpu.memory_space<vmem>> -> memref<1x128xi32, #tpu.memory_space<vmem>>
      %dma_wait3A_77 = tpu.memref_squeeze %dma_wait3A_76 : memref<1x128xi32, #tpu.memory_space<vmem>> -> memref<128xi32, #tpu.memory_space<vmem>>
      %dma_wait3A_78 = arith.constant 0 : i32
      %dma_wait3A_79 = arith.constant 0 : i32
      %dma_wait3A_80 = tpu.memref_slice %arg2[%dma_wait3A_78, %dma_wait3A_79] : memref<10000x128xbf16, #tpu.memory_space<hbm>> -> memref<10000x128xbf16, #tpu.memory_space<hbm>>
      tpu.wait_indirect_dma semaphore(%arg21 : memref<!tpu.dma_semaphore, #tpu.memory_space<semaphore_mem>>) src(%dma_wait3A_80 : memref<10000x128xbf16, #tpu.memory_space<hbm>>) dst(%arg18 : memref<128x128xbf16, #tpu.memory_space<vmem>>)
      %dma_wait3A_81 = arith.constant 0 : i32
      %dma_wait3A_82 = tpu.memref_slice %arg3[%add3A_59, %dma_wait3A_81] : memref<2560x128xi32, #tpu.memory_space<hbm>> -> memref<1x128xi32, #tpu.memory_space<hbm>>
      %dma_wait3A_83 = arith.constant 0 : i32
      %dma_wait3A_84 = tpu.memref_slice %arg3[%add3A_59, %dma_wait3A_83] : memref<2560x128xi32, #tpu.memory_space<hbm>> -> memref<1x128xi32, #tpu.memory_space<hbm>>
      tpu.wait_dma2 semaphore(%arg24 : memref<!tpu.dma_semaphore, #tpu.memory_space<semaphore_mem>>) src(%dma_wait3A_84 : memref<1x128xi32, #tpu.memory_space<hbm>>) dst(%arg13 : memref<1x128xi32, #tpu.memory_space<vmem>>)
      %dma_wait3A_85 = arith.constant 0 : i32
      %dma_wait3A_86 = tpu.memref_slice %arg4[%add3A_64, %dma_wait3A_85] : memref<2560x128xi32, #tpu.memory_space<hbm>> -> memref<1x128xi32, #tpu.memory_space<hbm>>
      %dma_wait3A_87 = arith.constant 0 : i32
      %dma_wait3A_88 = tpu.memref_slice %arg4[%add3A_64, %dma_wait3A_87] : memref<2560x128xi32, #tpu.memory_space<hbm>> -> memref<1x128xi32, #tpu.memory_space<hbm>>
      tpu.wait_dma2 semaphore(%arg24 : memref<!tpu.dma_semaphore, #tpu.memory_space<semaphore_mem>>) src(%dma_wait3A_88 : memref<1x128xi32, #tpu.memory_space<hbm>>) dst(%arg15 : memref<1x128xi32, #tpu.memory_space<vmem>>)
      %dma_wait3A_89 = tpu.memref_slice %arg5[%mul3A_71] : memref<327680xf32, #tpu.memory_space<hbm>> -> memref<128xf32, #tpu.memory_space<hbm>>
      %dma_wait3A_90 = tpu.memref_slice %arg5[%mul3A_71] : memref<327680xf32, #tpu.memory_space<hbm>> -> memref<128xf32, #tpu.memory_space<hbm>>
      tpu.wait_dma2 semaphore(%arg24 : memref<!tpu.dma_semaphore, #tpu.memory_space<semaphore_mem>>) src(%dma_wait3A_90 : memref<128xf32, #tpu.memory_space<hbm>>) dst(%arg17 : memref<128xf32, #tpu.memory_space<vmem>>)
      %dma_start3A_91 = arith.constant 0 : i32
      %dma_start3A_92 = arith.constant 0 : i32
      %dma_start3A_93 = tpu.memref_slice %arg13[%dma_start3A_91, %dma_start3A_92] : memref<1x128xi32, #tpu.memory_space<vmem>> -> memref<1x128xi32, #tpu.memory_space<vmem>>
      %dma_start3A_94 = tpu.memref_squeeze %dma_start3A_93 : memref<1x128xi32, #tpu.memory_space<vmem>> -> memref<128xi32, #tpu.memory_space<vmem>>
      %dma_start3A_95 = arith.constant 0 : i32
      %dma_start3A_96 = arith.constant 0 : i32
      %dma_start3A_97 = tpu.memref_slice %arg2[%dma_start3A_95, %dma_start3A_96] : memref<10000x128xbf16, #tpu.memory_space<hbm>> -> memref<10000x128xbf16, #tpu.memory_space<hbm>>
      tpu.enqueue_indirect_dma source(%dma_start3A_97 : memref<10000x128xbf16, #tpu.memory_space<hbm>>) target(%arg19 : memref<128x128xbf16, #tpu.memory_space<vmem>>) offsets(%dma_start3A_94 : memref<128xi32, #tpu.memory_space<vmem>>) semaphore(%arg22 : memref<!tpu.dma_semaphore, #tpu.memory_space<semaphore_mem>>)
      %run_scoped3A = arith.constant 0 : i32
      "tpu.region"() ({
        %run_scoped3A_143 = tpu.sem_alloc : memref<!tpu.dma_semaphore, #tpu.memory_space<semaphore_mem>>
        %dma_start3A_144 = arith.constant 0 : i32
        %dma_start3A_145 = tpu.memref_slice %arg14[%run_scoped3A, %dma_start3A_144] : memref<1x128xi32, #tpu.memory_space<vmem>> -> memref<1x128xi32, #tpu.memory_space<vmem>>
        %dma_start3A_146 = tpu.memref_squeeze %dma_start3A_145 : memref<1x128xi32, #tpu.memory_space<vmem>> -> memref<128xi32, #tpu.memory_space<vmem>>
        %dma_start3A_147 = arith.constant 0 : i32
        %dma_start3A_148 = arith.constant 0 : i32
        %dma_start3A_149 = tpu.memref_slice %arg10[%dma_start3A_147, %dma_start3A_148] : memref<10240x128xf32, #tpu.memory_space<vmem_shared>> -> memref<10240x128xf32, #tpu.memory_space<vmem_shared>>
        tpu.enqueue_indirect_dma source(%arg20 : memref<128x128xf32, #tpu.memory_space<vmem>>) target(%dma_start3A_149 : memref<10240x128xf32, #tpu.memory_space<vmem_shared>>) offsets(%dma_start3A_146 : memref<128xi32, #tpu.memory_space<vmem>>) semaphore(%run_scoped3A_143 : memref<!tpu.dma_semaphore, #tpu.memory_space<semaphore_mem>>) {add = true}
        %dma_wait3A_150 = arith.constant 0 : i32
        %dma_wait3A_151 = tpu.memref_slice %arg14[%run_scoped3A, %dma_wait3A_150] : memref<1x128xi32, #tpu.memory_space<vmem>> -> memref<1x128xi32, #tpu.memory_space<vmem>>
        %dma_wait3A_152 = tpu.memref_squeeze %dma_wait3A_151 : memref<1x128xi32, #tpu.memory_space<vmem>> -> memref<128xi32, #tpu.memory_space<vmem>>
        %dma_wait3A_153 = arith.constant 0 : i32
        %dma_wait3A_154 = arith.constant 0 : i32
        %dma_wait3A_155 = tpu.memref_slice %arg10[%dma_wait3A_153, %dma_wait3A_154] : memref<10240x128xf32, #tpu.memory_space<vmem_shared>> -> memref<10240x128xf32, #tpu.memory_space<vmem_shared>>
        tpu.wait_indirect_dma semaphore(%run_scoped3A_143 : memref<!tpu.dma_semaphore, #tpu.memory_space<semaphore_mem>>) src(%arg20 : memref<128x128xf32, #tpu.memory_space<vmem>>) dst(%dma_wait3A_155 : memref<10240x128xf32, #tpu.memory_space<vmem_shared>>)
        tpu.yield
      }) : () -> ()
      %run_scoped3A_98 = arith.constant 0 : i32
      "tpu.region"() ({
        %run_scoped3A_143 = tpu.sem_alloc : memref<!tpu.dma_semaphore, #tpu.memory_space<semaphore_mem>>
        %dma_start3A_144 = arith.constant 0 : i32
        %dma_start3A_145 = tpu.memref_slice %arg14[%run_scoped3A_98, %dma_start3A_144] : memref<1x128xi32, #tpu.memory_space<vmem>> -> memref<1x128xi32, #tpu.memory_space<vmem>>
        %dma_start3A_146 = tpu.memref_squeeze %dma_start3A_145 : memref<1x128xi32, #tpu.memory_space<vmem>> -> memref<128xi32, #tpu.memory_space<vmem>>
        %dma_start3A_147 = arith.constant 0 : i32
        %dma_start3A_148 = tpu.memref_slice %arg11[%dma_start3A_147] : memref<10240xf32, #tpu.memory_space<vmem_shared>> -> memref<10240xf32, #tpu.memory_space<vmem_shared>>
        tpu.enqueue_indirect_dma source(%arg16 : memref<128xf32, #tpu.memory_space<vmem>>) target(%dma_start3A_148 : memref<10240xf32, #tpu.memory_space<vmem_shared>>) offsets(%dma_start3A_146 : memref<128xi32, #tpu.memory_space<vmem>>) semaphore(%run_scoped3A_143 : memref<!tpu.dma_semaphore, #tpu.memory_space<semaphore_mem>>) {add = true}
        %dma_wait3A_149 = arith.constant 0 : i32
        %dma_wait3A_150 = tpu.memref_slice %arg14[%run_scoped3A_98, %dma_wait3A_149] : memref<1x128xi32, #tpu.memory_space<vmem>> -> memref<1x128xi32, #tpu.memory_space<vmem>>
        %dma_wait3A_151 = tpu.memref_squeeze %dma_wait3A_150 : memref<1x128xi32, #tpu.memory_space<vmem>> -> memref<128xi32, #tpu.memory_space<vmem>>
        %dma_wait3A_152 = arith.constant 0 : i32
        %dma_wait3A_153 = tpu.memref_slice %arg11[%dma_wait3A_152] : memref<10240xf32, #tpu.memory_space<vmem_shared>> -> memref<10240xf32, #tpu.memory_space<vmem_shared>>
        tpu.wait_indirect_dma semaphore(%run_scoped3A_143 : memref<!tpu.dma_semaphore, #tpu.memory_space<semaphore_mem>>) src(%arg16 : memref<128xf32, #tpu.memory_space<vmem>>) dst(%dma_wait3A_153 : memref<10240xf32, #tpu.memory_space<vmem_shared>>)
        tpu.yield
      }) : () -> ()
      %add3A_99 = arith.constant 2 : i32
      %add3A_100 = arith.addi %mul3A_56, %add3A_99 : i32
      %rem3A = arith.constant 80 : i32
      %rem3A_101 = arith.remsi %add3A_100, %rem3A : i32
      %add3A_102 = arith.addi %mul3A_6, %rem3A_101 : i32
      %dma_start3A_103 = arith.constant 0 : i32
      %dma_start3A_104 = tpu.memref_slice %arg3[%add3A_102, %dma_start3A_103] : memref<2560x128xi32, #tpu.memory_space<hbm>> -> memref<1x128xi32, #tpu.memory_space<hbm>>
      %dma_start3A_105 = arith.constant 0 : i32
      %dma_start3A_106 = tpu.memref_slice %arg3[%add3A_102, %dma_start3A_105] : memref<2560x128xi32, #tpu.memory_space<hbm>> -> memref<1x128xi32, #tpu.memory_space<hbm>>
      tpu.enqueue_dma source(%dma_start3A_106 : memref<1x128xi32, #tpu.memory_space<hbm>>) target(%arg12 : memref<1x128xi32, #tpu.memory_space<vmem>>) target_semaphore(%arg23 : memref<!tpu.dma_semaphore, #tpu.memory_space<semaphore_mem>>)
      %add3A_107 = arith.addi %mul3A_6, %rem3A_101 : i32
      %dma_start3A_108 = arith.constant 0 : i32
      %dma_start3A_109 = tpu.memref_slice %arg4[%add3A_107, %dma_start3A_108] : memref<2560x128xi32, #tpu.memory_space<hbm>> -> memref<1x128xi32, #tpu.memory_space<hbm>>
      %dma_start3A_110 = arith.constant 0 : i32
      %dma_start3A_111 = tpu.memref_slice %arg4[%add3A_107, %dma_start3A_110] : memref<2560x128xi32, #tpu.memory_space<hbm>> -> memref<1x128xi32, #tpu.memory_space<hbm>>
      tpu.enqueue_dma source(%dma_start3A_111 : memref<1x128xi32, #tpu.memory_space<hbm>>) target(%arg14 : memref<1x128xi32, #tpu.memory_space<vmem>>) target_semaphore(%arg23 : memref<!tpu.dma_semaphore, #tpu.memory_space<semaphore_mem>>)
      %add3A_112 = arith.addi %mul3A_6, %rem3A_101 : i32
      %mul3A_113 = arith.constant 128 : i32
      %mul3A_114 = arith.muli %add3A_112, %mul3A_113 : i32
      %dma_start3A_115 = tpu.memref_slice %arg5[%mul3A_114] : memref<327680xf32, #tpu.memory_space<hbm>> -> memref<128xf32, #tpu.memory_space<hbm>>
      %dma_start3A_116 = tpu.memref_slice %arg5[%mul3A_114] : memref<327680xf32, #tpu.memory_space<hbm>> -> memref<128xf32, #tpu.memory_space<hbm>>
      tpu.enqueue_dma source(%dma_start3A_116 : memref<128xf32, #tpu.memory_space<hbm>>) target(%arg16 : memref<128xf32, #tpu.memory_space<vmem>>) target_semaphore(%arg23 : memref<!tpu.dma_semaphore, #tpu.memory_space<semaphore_mem>>)
      %dma_wait3A_117 = arith.constant 0 : i32
      %dma_wait3A_118 = arith.constant 0 : i32
      %dma_wait3A_119 = tpu.memref_slice %arg13[%dma_wait3A_117, %dma_wait3A_118] : memref<1x128xi32, #tpu.memory_space<vmem>> -> memref<1x128xi32, #tpu.memory_space<vmem>>
      %dma_wait3A_120 = tpu.memref_squeeze %dma_wait3A_119 : memref<1x128xi32, #tpu.memory_space<vmem>> -> memref<128xi32, #tpu.memory_space<vmem>>
      %dma_wait3A_121 = arith.constant 0 : i32
      %dma_wait3A_122 = arith.constant 0 : i32
      %dma_wait3A_123 = tpu.memref_slice %arg2[%dma_wait3A_121, %dma_wait3A_122] : memref<10000x128xbf16, #tpu.memory_space<hbm>> -> memref<10000x128xbf16, #tpu.memory_space<hbm>>
      tpu.wait_indirect_dma semaphore(%arg22 : memref<!tpu.dma_semaphore, #tpu.memory_space<semaphore_mem>>) src(%dma_wait3A_123 : memref<10000x128xbf16, #tpu.memory_space<hbm>>) dst(%arg19 : memref<128x128xbf16, #tpu.memory_space<vmem>>)
      %dma_wait3A_124 = arith.constant 0 : i32
      %dma_wait3A_125 = tpu.memref_slice %arg3[%add3A_102, %dma_wait3A_124] : memref<2560x128xi32, #tpu.memory_space<hbm>> -> memref<1x128xi32, #tpu.memory_space<hbm>>
      %dma_wait3A_126 = arith.constant 0 : i32
      %dma_wait3A_127 = tpu.memref_slice %arg3[%add3A_102, %dma_wait3A_126] : memref<2560x128xi32, #tpu.memory_space<hbm>> -> memref<1x128xi32, #tpu.memory_space<hbm>>
      tpu.wait_dma2 semaphore(%arg23 : memref<!tpu.dma_semaphore, #tpu.memory_space<semaphore_mem>>) src(%dma_wait3A_127 : memref<1x128xi32, #tpu.memory_space<hbm>>) dst(%arg12 : memref<1x128xi32, #tpu.memory_space<vmem>>)
      %dma_wait3A_128 = arith.constant 0 : i32
      %dma_wait3A_129 = tpu.memref_slice %arg4[%add3A_107, %dma_wait3A_128] : memref<2560x128xi32, #tpu.memory_space<hbm>> -> memref<1x128xi32, #tpu.memory_space<hbm>>
      %dma_wait3A_130 = arith.constant 0 : i32
      %dma_wait3A_131 = tpu.memref_slice %arg4[%add3A_107, %dma_wait3A_130] : memref<2560x128xi32, #tpu.memory_space<hbm>> -> memref<1x128xi32, #tpu.memory_space<hbm>>
      tpu.wait_dma2 semaphore(%arg23 : memref<!tpu.dma_semaphore, #tpu.memory_space<semaphore_mem>>) src(%dma_wait3A_131 : memref<1x128xi32, #tpu.memory_space<hbm>>) dst(%arg14 : memref<1x128xi32, #tpu.memory_space<vmem>>)
      %dma_wait3A_132 = tpu.memref_slice %arg5[%mul3A_114] : memref<327680xf32, #tpu.memory_space<hbm>> -> memref<128xf32, #tpu.memory_space<hbm>>
      %dma_wait3A_133 = tpu.memref_slice %arg5[%mul3A_114] : memref<327680xf32, #tpu.memory_space<hbm>> -> memref<128xf32, #tpu.memory_space<hbm>>
      tpu.wait_dma2 semaphore(%arg23 : memref<!tpu.dma_semaphore, #tpu.memory_space<semaphore_mem>>) src(%dma_wait3A_133 : memref<128xf32, #tpu.memory_space<hbm>>) dst(%arg16 : memref<128xf32, #tpu.memory_space<vmem>>)
      %dma_start3A_134 = arith.constant 0 : i32
      %dma_start3A_135 = arith.constant 0 : i32
      %dma_start3A_136 = tpu.memref_slice %arg12[%dma_start3A_134, %dma_start3A_135] : memref<1x128xi32, #tpu.memory_space<vmem>> -> memref<1x128xi32, #tpu.memory_space<vmem>>
      %dma_start3A_137 = tpu.memref_squeeze %dma_start3A_136 : memref<1x128xi32, #tpu.memory_space<vmem>> -> memref<128xi32, #tpu.memory_space<vmem>>
      %dma_start3A_138 = arith.constant 0 : i32
      %dma_start3A_139 = arith.constant 0 : i32
      %dma_start3A_140 = tpu.memref_slice %arg2[%dma_start3A_138, %dma_start3A_139] : memref<10000x128xbf16, #tpu.memory_space<hbm>> -> memref<10000x128xbf16, #tpu.memory_space<hbm>>
      tpu.enqueue_indirect_dma source(%dma_start3A_140 : memref<10000x128xbf16, #tpu.memory_space<hbm>>) target(%arg18 : memref<128x128xbf16, #tpu.memory_space<vmem>>) offsets(%dma_start3A_137 : memref<128xi32, #tpu.memory_space<vmem>>) semaphore(%arg21 : memref<!tpu.dma_semaphore, #tpu.memory_space<semaphore_mem>>)
      %run_scoped3A_141 = arith.constant 0 : i32
      "tpu.region"() ({
        %run_scoped3A_143 = tpu.sem_alloc : memref<!tpu.dma_semaphore, #tpu.memory_space<semaphore_mem>>
        %dma_start3A_144 = arith.constant 0 : i32
        %dma_start3A_145 = tpu.memref_slice %arg15[%run_scoped3A_141, %dma_start3A_144] : memref<1x128xi32, #tpu.memory_space<vmem>> -> memref<1x128xi32, #tpu.memory_space<vmem>>
        %dma_start3A_146 = tpu.memref_squeeze %dma_start3A_145 : memref<1x128xi32, #tpu.memory_space<vmem>> -> memref<128xi32, #tpu.memory_space<vmem>>
        %dma_start3A_147 = arith.constant 0 : i32
        %dma_start3A_148 = arith.constant 0 : i32
        %dma_start3A_149 = tpu.memref_slice %arg10[%dma_start3A_147, %dma_start3A_148] : memref<10240x128xf32, #tpu.memory_space<vmem_shared>> -> memref<10240x128xf32, #tpu.memory_space<vmem_shared>>
        tpu.enqueue_indirect_dma source(%arg20 : memref<128x128xf32, #tpu.memory_space<vmem>>) target(%dma_start3A_149 : memref<10240x128xf32, #tpu.memory_space<vmem_shared>>) offsets(%dma_start3A_146 : memref<128xi32, #tpu.memory_space<vmem>>) semaphore(%run_scoped3A_143 : memref<!tpu.dma_semaphore, #tpu.memory_space<semaphore_mem>>) {add = true}
        %dma_wait3A_150 = arith.constant 0 : i32
        %dma_wait3A_151 = tpu.memref_slice %arg15[%run_scoped3A_141, %dma_wait3A_150] : memref<1x128xi32, #tpu.memory_space<vmem>> -> memref<1x128xi32, #tpu.memory_space<vmem>>
        %dma_wait3A_152 = tpu.memref_squeeze %dma_wait3A_151 : memref<1x128xi32, #tpu.memory_space<vmem>> -> memref<128xi32, #tpu.memory_space<vmem>>
        %dma_wait3A_153 = arith.constant 0 : i32
        %dma_wait3A_154 = arith.constant 0 : i32
        %dma_wait3A_155 = tpu.memref_slice %arg10[%dma_wait3A_153, %dma_wait3A_154] : memref<10240x128xf32, #tpu.memory_space<vmem_shared>> -> memref<10240x128xf32, #tpu.memory_space<vmem_shared>>
        tpu.wait_indirect_dma semaphore(%run_scoped3A_143 : memref<!tpu.dma_semaphore, #tpu.memory_space<semaphore_mem>>) src(%arg20 : memref<128x128xf32, #tpu.memory_space<vmem>>) dst(%dma_wait3A_155 : memref<10240x128xf32, #tpu.memory_space<vmem_shared>>)
        tpu.yield
      }) : () -> ()
      %run_scoped3A_142 = arith.constant 0 : i32
      "tpu.region"() ({
        %run_scoped3A_143 = tpu.sem_alloc : memref<!tpu.dma_semaphore, #tpu.memory_space<semaphore_mem>>
        %dma_start3A_144 = arith.constant 0 : i32
        %dma_start3A_145 = tpu.memref_slice %arg15[%run_scoped3A_142, %dma_start3A_144] : memref<1x128xi32, #tpu.memory_space<vmem>> -> memref<1x128xi32, #tpu.memory_space<vmem>>
        %dma_start3A_146 = tpu.memref_squeeze %dma_start3A_145 : memref<1x128xi32, #tpu.memory_space<vmem>> -> memref<128xi32, #tpu.memory_space<vmem>>
        %dma_start3A_147 = arith.constant 0 : i32
        %dma_start3A_148 = tpu.memref_slice %arg11[%dma_start3A_147] : memref<10240xf32, #tpu.memory_space<vmem_shared>> -> memref<10240xf32, #tpu.memory_space<vmem_shared>>
        tpu.enqueue_indirect_dma source(%arg17 : memref<128xf32, #tpu.memory_space<vmem>>) target(%dma_start3A_148 : memref<10240xf32, #tpu.memory_space<vmem_shared>>) offsets(%dma_start3A_146 : memref<128xi32, #tpu.memory_space<vmem>>) semaphore(%run_scoped3A_143 : memref<!tpu.dma_semaphore, #tpu.memory_space<semaphore_mem>>) {add = true}
        %dma_wait3A_149 = arith.constant 0 : i32
        %dma_wait3A_150 = tpu.memref_slice %arg15[%run_scoped3A_142, %dma_wait3A_149] : memref<1x128xi32, #tpu.memory_space<vmem>> -> memref<1x128xi32, #tpu.memory_space<vmem>>
        %dma_wait3A_151 = tpu.memref_squeeze %dma_wait3A_150 : memref<1x128xi32, #tpu.memory_space<vmem>> -> memref<128xi32, #tpu.memory_space<vmem>>
        %dma_wait3A_152 = arith.constant 0 : i32
        %dma_wait3A_153 = tpu.memref_slice %arg11[%dma_wait3A_152] : memref<10240xf32, #tpu.memory_space<vmem_shared>> -> memref<10240xf32, #tpu.memory_space<vmem_shared>>
        tpu.wait_indirect_dma semaphore(%run_scoped3A_143 : memref<!tpu.dma_semaphore, #tpu.memory_space<semaphore_mem>>) src(%arg17 : memref<128xf32, #tpu.memory_space<vmem>>) dst(%dma_wait3A_153 : memref<10240xf32, #tpu.memory_space<vmem_shared>>)
        tpu.yield
      }) : () -> ()
    }
    %scan3A_45 = arith.constant 40 : i32
    %dma_wait3A_46 = arith.constant 0 : i32
    %dma_wait3A_47 = arith.constant 0 : i32
    %dma_wait3A_48 = tpu.memref_slice %arg12[%dma_wait3A_46, %dma_wait3A_47] : memref<1x128xi32, #tpu.memory_space<vmem>> -> memref<1x128xi32, #tpu.memory_space<vmem>>
    %dma_wait3A_49 = tpu.memref_squeeze %dma_wait3A_48 : memref<1x128xi32, #tpu.memory_space<vmem>> -> memref<128xi32, #tpu.memory_space<vmem>>
    %dma_wait3A_50 = arith.constant 0 : i32
    %dma_wait3A_51 = arith.constant 0 : i32
    %dma_wait3A_52 = tpu.memref_slice %arg2[%dma_wait3A_50, %dma_wait3A_51] : memref<10000x128xbf16, #tpu.memory_space<hbm>> -> memref<10000x128xbf16, #tpu.memory_space<hbm>>
    tpu.wait_indirect_dma semaphore(%arg21 : memref<!tpu.dma_semaphore, #tpu.memory_space<semaphore_mem>>) src(%dma_wait3A_52 : memref<10000x128xbf16, #tpu.memory_space<hbm>>) dst(%arg18 : memref<128x128xbf16, #tpu.memory_space<vmem>>)
    %barrier3A_53 = arith.constant 0 : index
    tpu.barrier barrier_id(%barrier3A_53)
    "tpu.region"() ({
      %run_scoped3A = tpu.sem_alloc : memref<!tpu.dma_semaphore, #tpu.memory_space<semaphore_mem>>
      %dma_start3A_54 = arith.constant 0 : i32
      %dma_start3A_55 = tpu.memref_slice %arg8[%arg0, %mul3A_0, %dma_start3A_54] : memref<2x10240x128xf32, #tpu.memory_space<hbm>> -> memref<1x640x128xf32, #tpu.memory_space<hbm>>
      %dma_start3A_56 = tpu.memref_squeeze %dma_start3A_55 : memref<1x640x128xf32, #tpu.memory_space<hbm>> -> memref<640x128xf32, #tpu.memory_space<hbm>>
      %dma_start3A_57 = arith.constant 0 : i32
      %dma_start3A_58 = tpu.memref_slice %arg10[%mul3A_0, %dma_start3A_57] : memref<10240x128xf32, #tpu.memory_space<vmem_shared>> -> memref<640x128xf32, #tpu.memory_space<vmem_shared>>
      tpu.enqueue_dma source(%dma_start3A_58 : memref<640x128xf32, #tpu.memory_space<vmem_shared>>) target(%dma_start3A_56 : memref<640x128xf32, #tpu.memory_space<hbm>>) target_semaphore(%run_scoped3A : memref<!tpu.dma_semaphore, #tpu.memory_space<semaphore_mem>>)
      %dma_wait3A_59 = arith.constant 0 : i32
      %dma_wait3A_60 = tpu.memref_slice %arg8[%arg0, %mul3A_0, %dma_wait3A_59] : memref<2x10240x128xf32, #tpu.memory_space<hbm>> -> memref<1x640x128xf32, #tpu.memory_space<hbm>>
      %dma_wait3A_61 = tpu.memref_squeeze %dma_wait3A_60 : memref<1x640x128xf32, #tpu.memory_space<hbm>> -> memref<640x128xf32, #tpu.memory_space<hbm>>
      %dma_wait3A_62 = arith.constant 0 : i32
      %dma_wait3A_63 = tpu.memref_slice %arg10[%mul3A_0, %dma_wait3A_62] : memref<10240x128xf32, #tpu.memory_space<vmem_shared>> -> memref<640x128xf32, #tpu.memory_space<vmem_shared>>
      tpu.wait_dma2 semaphore(%run_scoped3A : memref<!tpu.dma_semaphore, #tpu.memory_space<semaphore_mem>>) src(%dma_wait3A_63 : memref<640x128xf32, #tpu.memory_space<vmem_shared>>) dst(%dma_wait3A_61 : memref<640x128xf32, #tpu.memory_space<hbm>>)
      tpu.yield
    }) : () -> ()
    "tpu.region"() ({
      %run_scoped3A = tpu.sem_alloc : memref<!tpu.dma_semaphore, #tpu.memory_space<semaphore_mem>>
      %dma_start3A_54 = tpu.memref_slice %arg9[%arg0, %mul3A_2] : memref<2x10240xf32, #tpu.memory_space<hbm>> -> memref<1x640xf32, #tpu.memory_space<hbm>>
      %dma_start3A_55 = tpu.memref_squeeze %dma_start3A_54 : memref<1x640xf32, #tpu.memory_space<hbm>> -> memref<640xf32, #tpu.memory_space<hbm>>
      %dma_start3A_56 = tpu.memref_slice %arg11[%mul3A_2] : memref<10240xf32, #tpu.memory_space<vmem_shared>> -> memref<640xf32, #tpu.memory_space<vmem_shared>>
      tpu.enqueue_dma source(%dma_start3A_56 : memref<640xf32, #tpu.memory_space<vmem_shared>>) target(%dma_start3A_55 : memref<640xf32, #tpu.memory_space<hbm>>) target_semaphore(%run_scoped3A : memref<!tpu.dma_semaphore, #tpu.memory_space<semaphore_mem>>)
      %dma_wait3A_57 = tpu.memref_slice %arg9[%arg0, %mul3A_2] : memref<2x10240xf32, #tpu.memory_space<hbm>> -> memref<1x640xf32, #tpu.memory_space<hbm>>
      %dma_wait3A_58 = tpu.memref_squeeze %dma_wait3A_57 : memref<1x640xf32, #tpu.memory_space<hbm>> -> memref<640xf32, #tpu.memory_space<hbm>>
      %dma_wait3A_59 = tpu.memref_slice %arg11[%mul3A_2] : memref<10240xf32, #tpu.memory_space<vmem_shared>> -> memref<640xf32, #tpu.memory_space<vmem_shared>>
      tpu.wait_dma2 semaphore(%run_scoped3A : memref<!tpu.dma_semaphore, #tpu.memory_space<semaphore_mem>>) src(%dma_wait3A_59 : memref<640xf32, #tpu.memory_space<vmem_shared>>) dst(%dma_wait3A_58 : memref<640xf32, #tpu.memory_space<hbm>>)
      tpu.yield
    }) : () -> ()
    return
  }
}

module attributes {stable_mosaic.version = 14 : i64} {
  func.func @_update_body(%arg0: i32, %arg1: memref<1000x128xf32, #tpu.memory_space<vmem>>, %arg2: memref<1000x128xf32, #tpu.memory_space<vmem>>, %arg3: memref<1000x128xf32, #tpu.memory_space<vmem>>, %arg4: memref<1000x1xf32, #tpu.memory_space<vmem>>, %arg5: memref<1000x1xf32, #tpu.memory_space<vmem>>, %arg6: memref<128x128xf32, #tpu.memory_space<vmem>>, %arg7: memref<128x128xf32, #tpu.memory_space<vmem>>, %arg8: memref<1000x128xf32, #tpu.memory_space<vmem>>, %arg9: memref<1000x128xbf16, #tpu.memory_space<vmem>>) attributes {dimension_semantics = [#tpu.dimension_semantics<arbitrary>], iteration_bounds = array<i64: 10>, scalar_prefetch = 0 : i64, scratch_operands = 0 : i64, tpu.core_type = #tpu.core_type<tc>, window_params = [{transform_indices = @transform_0, window_bounds = array<i64: 1000, 128>}, {transform_indices = @transform_1, window_bounds = array<i64: 1000, 128>}, {transform_indices = @transform_2, window_bounds = array<i64: 1000, 128>}, {transform_indices = @transform_3, window_bounds = array<i64: 1000, 1>}, {transform_indices = @transform_4, window_bounds = array<i64: 1000, 1>}, {pipeline_mode = #tpu.pipeline_mode<synchronous>, transform_indices = @transform_5, window_bounds = array<i64: 128, 128>}, {pipeline_mode = #tpu.pipeline_mode<synchronous>, transform_indices = @transform_6, window_bounds = array<i64: 128, 128>}, {transform_indices = @transform_7, window_bounds = array<i64: 1000, 128>}, {transform_indices = @transform_8, window_bounds = array<i64: 1000, 128>}]} {
    %get3A = arith.constant 0 : index
    %get3A_0 = arith.constant 0 : index
    %get3A_1 = vector.load %arg2[%get3A, %get3A_0] : memref<1000x128xf32, #tpu.memory_space<vmem>>, vector<1000x128xf32>
    %get3A_2 = arith.constant 0 : index
    %get3A_3 = arith.constant 0 : index
    %get3A_4 = vector.load %arg3[%get3A_2, %get3A_3] : memref<1000x128xf32, #tpu.memory_space<vmem>>, vector<1000x128xf32>
    %add3A = arith.addf %get3A_1, %get3A_4 : vector<1000x128xf32>
    %get3A_5 = arith.constant 0 : index
    %get3A_6 = arith.constant 0 : index
    %get3A_7 = vector.load %arg7[%get3A_5, %get3A_6] : memref<128x128xf32, #tpu.memory_space<vmem>>, vector<128x128xf32>
    %dot_general3A = arith.constant dense<0.000000e+00> : vector<1000x128xf32>
    %dot_general3A_8 = tpu.matmul %add3A, %get3A_7, %dot_general3A {dimension_numbers = #tpu.dot_dimension_numbers<[1], [0], [0], [1], [0, 0, 1, 1], [], []>, transpose_lhs_hint = false} : vector<1000x128xf32>, vector<128x128xf32>, vector<1000x128xf32> -> vector<1000x128xf32>
    %get3A_9 = arith.constant 0 : index
    %get3A_10 = arith.constant 0 : index
    %get3A_11 = vector.load %arg4[%get3A_9, %get3A_10] : memref<1000x1xf32, #tpu.memory_space<vmem>>, vector<1000x1xf32>
    %get3A_12 = arith.constant 0 : index
    %get3A_13 = arith.constant 0 : index
    %get3A_14 = vector.load %arg5[%get3A_12, %get3A_13] : memref<1000x1xf32, #tpu.memory_space<vmem>>, vector<1000x1xf32>
    %add3A_15 = arith.addf %get3A_11, %get3A_14 : vector<1000x1xf32>
    %add3A_16 = arith.constant 1.000000e+00 : f32
    %add3A_17 = vector.broadcast %add3A_16 : f32 to vector<1000x1xf32>
    %add3A_18 = arith.addf %add3A_15, %add3A_17 : vector<1000x1xf32>
    %div3A = arith.constant 1.000000e+00 : f32
    %div3A_19 = vector.broadcast %div3A : f32 to vector<1000x1xf32>
    %div3A_20 = arith.divf %div3A_19, %add3A_18 : vector<1000x1xf32>
    %get3A_21 = arith.constant 0 : index
    %get3A_22 = arith.constant 0 : index
    %get3A_23 = vector.load %arg1[%get3A_21, %get3A_22] : memref<1000x128xf32, #tpu.memory_space<vmem>>, vector<1000x128xf32>
    %get3A_24 = arith.constant 0 : index
    %get3A_25 = arith.constant 0 : index
    %get3A_26 = vector.load %arg6[%get3A_24, %get3A_25] : memref<128x128xf32, #tpu.memory_space<vmem>>, vector<128x128xf32>
    %dot_general3A_27 = arith.constant dense<0.000000e+00> : vector<1000x128xf32>
    %dot_general3A_28 = tpu.matmul %get3A_23, %get3A_26, %dot_general3A_27 {dimension_numbers = #tpu.dot_dimension_numbers<[1], [0], [0], [1], [0, 0, 1, 1], [], []>, transpose_lhs_hint = false} : vector<1000x128xf32>, vector<128x128xf32>, vector<1000x128xf32> -> vector<1000x128xf32>
    %mul3A = vector.broadcast %div3A_20 : vector<1000x1xf32> to vector<1000x128xf32>
    %mul3A_29 = arith.mulf %dot_general3A_8, %mul3A : vector<1000x128xf32>
    %add3A_30 = arith.addf %dot_general3A_28, %mul3A_29 : vector<1000x128xf32>
    %swap3A = arith.constant 0 : index
    %swap3A_31 = arith.constant 0 : index
    %swap3A_32 = vector.load %arg8[%swap3A, %swap3A_31] : memref<1000x128xf32, #tpu.memory_space<vmem>>, vector<1000x128xf32>
    tpu.vector_store %arg8[%swap3A, %swap3A_31], %add3A_30 {strides = array<i32>} : memref<1000x128xf32, #tpu.memory_space<vmem>>, vector<1000x128xf32>,
    %convert_element_type3A = arith.truncf %add3A_30 : vector<1000x128xf32> to vector<1000x128xbf16>
    %swap3A_33 = arith.constant 0 : index
    %swap3A_34 = arith.constant 0 : index
    %swap3A_35 = vector.load %arg9[%swap3A_33, %swap3A_34] : memref<1000x128xbf16, #tpu.memory_space<vmem>>, vector<1000x128xbf16>
    tpu.vector_store %arg9[%swap3A_33, %swap3A_34], %convert_element_type3A {strides = array<i32>} : memref<1000x128xbf16, #tpu.memory_space<vmem>>, vector<1000x128xbf16>,
    return
  }
  func.func @transform_0(%arg0: i32) -> (i32, i32) {
    %c0_i32 = arith.constant 0 : i32
    %c0_i32_0 = arith.constant 0 : i32
    return %arg0, %c0_i32 : i32, i32
  }
  func.func @transform_1(%arg0: i32) -> (i32, i32) {
    %c0_i32 = arith.constant 0 : i32
    %c0_i32_0 = arith.constant 0 : i32
    return %arg0, %c0_i32 : i32, i32
  }
  func.func @transform_2(%arg0: i32) -> (i32, i32) {
    %c0_i32 = arith.constant 0 : i32
    %c0_i32_0 = arith.constant 0 : i32
    return %arg0, %c0_i32 : i32, i32
  }
  func.func @transform_3(%arg0: i32) -> (i32, i32) {
    %c0_i32 = arith.constant 0 : i32
    %c0_i32_0 = arith.constant 0 : i32
    return %arg0, %c0_i32 : i32, i32
  }
  func.func @transform_4(%arg0: i32) -> (i32, i32) {
    %c0_i32 = arith.constant 0 : i32
    %c0_i32_0 = arith.constant 0 : i32
    return %arg0, %c0_i32 : i32, i32
  }
  func.func @transform_5(%arg0: i32) -> (i32, i32) {
    %c0_i32 = arith.constant 0 : i32
    %c0_i32_0 = arith.constant 0 : i32
    %c0_i32_1 = arith.constant 0 : i32
    return %c0_i32, %c0_i32_0 : i32, i32
  }
  func.func @transform_6(%arg0: i32) -> (i32, i32) {
    %c0_i32 = arith.constant 0 : i32
    %c0_i32_0 = arith.constant 0 : i32
    %c0_i32_1 = arith.constant 0 : i32
    return %c0_i32, %c0_i32_0 : i32, i32
  }
  func.func @transform_7(%arg0: i32) -> (i32, i32) {
    %c0_i32 = arith.constant 0 : i32
    %c0_i32_0 = arith.constant 0 : i32
    return %arg0, %c0_i32 : i32, i32
  }
  func.func @transform_8(%arg0: i32) -> (i32, i32) {
    %c0_i32 = arith.constant 0 : i32
    %c0_i32_0 = arith.constant 0 : i32
    return %arg0, %c0_i32 : i32, i32
  }
}

module attributes {stable_mosaic.version = 14 : i64} {
  func.func @_update_body(%arg0: i32, %arg1: memref<1000x128xf32, #tpu.memory_space<vmem>>, %arg2: memref<1000x128xf32, #tpu.memory_space<vmem>>, %arg3: memref<1000x128xf32, #tpu.memory_space<vmem>>, %arg4: memref<1000x1xf32, #tpu.memory_space<vmem>>, %arg5: memref<1000x1xf32, #tpu.memory_space<vmem>>, %arg6: memref<128x128xf32, #tpu.memory_space<vmem>>, %arg7: memref<128x128xf32, #tpu.memory_space<vmem>>, %arg8: memref<1000x128xf32, #tpu.memory_space<vmem>>, %arg9: memref<1000x128xbf16, #tpu.memory_space<vmem>>) attributes {dimension_semantics = [#tpu.dimension_semantics<arbitrary>], iteration_bounds = array<i64: 10>, scalar_prefetch = 0 : i64, scratch_operands = 0 : i64, tpu.core_type = #tpu.core_type<tc>, window_params = [{transform_indices = @transform_0, window_bounds = array<i64: 1000, 128>}, {transform_indices = @transform_1, window_bounds = array<i64: 1000, 128>}, {transform_indices = @transform_2, window_bounds = array<i64: 1000, 128>}, {transform_indices = @transform_3, window_bounds = array<i64: 1000, 1>}, {transform_indices = @transform_4, window_bounds = array<i64: 1000, 1>}, {pipeline_mode = #tpu.pipeline_mode<synchronous>, transform_indices = @transform_5, window_bounds = array<i64: 128, 128>}, {pipeline_mode = #tpu.pipeline_mode<synchronous>, transform_indices = @transform_6, window_bounds = array<i64: 128, 128>}, {transform_indices = @transform_7, window_bounds = array<i64: 1000, 128>}, {transform_indices = @transform_8, window_bounds = array<i64: 1000, 128>}]} {
    %get3A = arith.constant 0 : index
    %get3A_0 = arith.constant 0 : index
    %get3A_1 = vector.load %arg2[%get3A, %get3A_0] : memref<1000x128xf32, #tpu.memory_space<vmem>>, vector<1000x128xf32>
    %get3A_2 = arith.constant 0 : index
    %get3A_3 = arith.constant 0 : index
    %get3A_4 = vector.load %arg3[%get3A_2, %get3A_3] : memref<1000x128xf32, #tpu.memory_space<vmem>>, vector<1000x128xf32>
    %add3A = arith.addf %get3A_1, %get3A_4 : vector<1000x128xf32>
    %get3A_5 = arith.constant 0 : index
    %get3A_6 = arith.constant 0 : index
    %get3A_7 = vector.load %arg7[%get3A_5, %get3A_6] : memref<128x128xf32, #tpu.memory_space<vmem>>, vector<128x128xf32>
    %dot_general3A = arith.constant dense<0.000000e+00> : vector<1000x128xf32>
    %dot_general3A_8 = tpu.matmul %add3A, %get3A_7, %dot_general3A {dimension_numbers = #tpu.dot_dimension_numbers<[1], [0], [0], [1], [0, 0, 1, 1], [], []>, transpose_lhs_hint = false} : vector<1000x128xf32>, vector<128x128xf32>, vector<1000x128xf32> -> vector<1000x128xf32>
    %get3A_9 = arith.constant 0 : index
    %get3A_10 = arith.constant 0 : index
    %get3A_11 = vector.load %arg4[%get3A_9, %get3A_10] : memref<1000x1xf32, #tpu.memory_space<vmem>>, vector<1000x1xf32>
    %get3A_12 = arith.constant 0 : index
    %get3A_13 = arith.constant 0 : index
    %get3A_14 = vector.load %arg5[%get3A_12, %get3A_13] : memref<1000x1xf32, #tpu.memory_space<vmem>>, vector<1000x1xf32>
    %add3A_15 = arith.addf %get3A_11, %get3A_14 : vector<1000x1xf32>
    %add3A_16 = arith.constant 1.000000e+00 : f32
    %add3A_17 = vector.broadcast %add3A_16 : f32 to vector<1000x1xf32>
    %add3A_18 = arith.addf %add3A_15, %add3A_17 : vector<1000x1xf32>
    %div3A = arith.constant 1.000000e+00 : f32
    %div3A_19 = vector.broadcast %div3A : f32 to vector<1000x1xf32>
    %div3A_20 = arith.divf %div3A_19, %add3A_18 : vector<1000x1xf32>
    %get3A_21 = arith.constant 0 : index
    %get3A_22 = arith.constant 0 : index
    %get3A_23 = vector.load %arg1[%get3A_21, %get3A_22] : memref<1000x128xf32, #tpu.memory_space<vmem>>, vector<1000x128xf32>
    %get3A_24 = arith.constant 0 : index
    %get3A_25 = arith.constant 0 : index
    %get3A_26 = vector.load %arg6[%get3A_24, %get3A_25] : memref<128x128xf32, #tpu.memory_space<vmem>>, vector<128x128xf32>
    %dot_general3A_27 = arith.constant dense<0.000000e+00> : vector<1000x128xf32>
    %dot_general3A_28 = tpu.matmul %get3A_23, %get3A_26, %dot_general3A_27 {dimension_numbers = #tpu.dot_dimension_numbers<[1], [0], [0], [1], [0, 0, 1, 1], [], []>, transpose_lhs_hint = false} : vector<1000x128xf32>, vector<128x128xf32>, vector<1000x128xf32> -> vector<1000x128xf32>
    %mul3A = vector.broadcast %div3A_20 : vector<1000x1xf32> to vector<1000x128xf32>
    %mul3A_29 = arith.mulf %dot_general3A_8, %mul3A : vector<1000x128xf32>
    %add3A_30 = arith.addf %dot_general3A_28, %mul3A_29 : vector<1000x128xf32>
    %swap3A = arith.constant 0 : index
    %swap3A_31 = arith.constant 0 : index
    %swap3A_32 = vector.load %arg8[%swap3A, %swap3A_31] : memref<1000x128xf32, #tpu.memory_space<vmem>>, vector<1000x128xf32>
    tpu.vector_store %arg8[%swap3A, %swap3A_31], %add3A_30 {strides = array<i32>} : memref<1000x128xf32, #tpu.memory_space<vmem>>, vector<1000x128xf32>,
    %convert_element_type3A = arith.truncf %add3A_30 : vector<1000x128xf32> to vector<1000x128xbf16>
    %swap3A_33 = arith.constant 0 : index
    %swap3A_34 = arith.constant 0 : index
    %swap3A_35 = vector.load %arg9[%swap3A_33, %swap3A_34] : memref<1000x128xbf16, #tpu.memory_space<vmem>>, vector<1000x128xbf16>
    tpu.vector_store %arg9[%swap3A_33, %swap3A_34], %convert_element_type3A {strides = array<i32>} : memref<1000x128xbf16, #tpu.memory_space<vmem>>, vector<1000x128xbf16>,
    return
  }
  func.func @transform_0(%arg0: i32) -> (i32, i32) {
    %c0_i32 = arith.constant 0 : i32
    %c0_i32_0 = arith.constant 0 : i32
    return %arg0, %c0_i32 : i32, i32
  }
  func.func @transform_1(%arg0: i32) -> (i32, i32) {
    %c0_i32 = arith.constant 0 : i32
    %c0_i32_0 = arith.constant 0 : i32
    return %arg0, %c0_i32 : i32, i32
  }
  func.func @transform_2(%arg0: i32) -> (i32, i32) {
    %c0_i32 = arith.constant 0 : i32
    %c0_i32_0 = arith.constant 0 : i32
    return %arg0, %c0_i32 : i32, i32
  }
  func.func @transform_3(%arg0: i32) -> (i32, i32) {
    %c0_i32 = arith.constant 0 : i32
    %c0_i32_0 = arith.constant 0 : i32
    return %arg0, %c0_i32 : i32, i32
  }
  func.func @transform_4(%arg0: i32) -> (i32, i32) {
    %c0_i32 = arith.constant 0 : i32
    %c0_i32_0 = arith.constant 0 : i32
    return %arg0, %c0_i32 : i32, i32
  }
  func.func @transform_5(%arg0: i32) -> (i32, i32) {
    %c0_i32 = arith.constant 0 : i32
    %c0_i32_0 = arith.constant 0 : i32
    %c0_i32_1 = arith.constant 0 : i32
    return %c0_i32, %c0_i32_0 : i32, i32
  }
  func.func @transform_6(%arg0: i32) -> (i32, i32) {
    %c0_i32 = arith.constant 0 : i32
    %c0_i32_0 = arith.constant 0 : i32
    %c0_i32_1 = arith.constant 0 : i32
    return %c0_i32, %c0_i32_0 : i32, i32
  }
  func.func @transform_7(%arg0: i32) -> (i32, i32) {
    %c0_i32 = arith.constant 0 : i32
    %c0_i32_0 = arith.constant 0 : i32
    return %arg0, %c0_i32 : i32, i32
  }
  func.func @transform_8(%arg0: i32) -> (i32, i32) {
    %c0_i32 = arith.constant 0 : i32
    %c0_i32_0 = arith.constant 0 : i32
    return %arg0, %c0_i32 : i32, i32
  }
}

module attributes {stable_mosaic.version = 14 : i64} {
  func.func @_leaky_body(%arg0: i32, %arg1: memref<1000x128xf32, #tpu.memory_space<vmem>>, %arg2: memref<1000x128xf32, #tpu.memory_space<vmem>>, %arg3: memref<1000x128xf32, #tpu.memory_space<vmem>>, %arg4: memref<1000x128xf32, #tpu.memory_space<vmem>>) attributes {dimension_semantics = [#tpu.dimension_semantics<arbitrary>], iteration_bounds = array<i64: 10>, scalar_prefetch = 0 : i64, scratch_operands = 0 : i64, tpu.core_type = #tpu.core_type<tc>, window_params = [{transform_indices = @transform_0, window_bounds = array<i64: 1000, 128>}, {transform_indices = @transform_1, window_bounds = array<i64: 1000, 128>}, {transform_indices = @transform_2, window_bounds = array<i64: 1000, 128>}, {transform_indices = @transform_3, window_bounds = array<i64: 1000, 128>}]} {
    %get3A = arith.constant 0 : index
    %get3A_0 = arith.constant 0 : index
    %get3A_1 = vector.load %arg1[%get3A, %get3A_0] : memref<1000x128xf32, #tpu.memory_space<vmem>>, vector<1000x128xf32>
    %get3A_2 = arith.constant 0 : index
    %get3A_3 = arith.constant 0 : index
    %get3A_4 = vector.load %arg2[%get3A_2, %get3A_3] : memref<1000x128xf32, #tpu.memory_space<vmem>>, vector<1000x128xf32>
    %ge3A = arith.constant 0.000000e+00 : f32
    %ge3A_5 = vector.broadcast %ge3A : f32 to vector<1000x128xf32>
    %ge3A_6 = arith.cmpf oge, %get3A_1, %ge3A_5 : vector<1000x128xf32>
    %mul3A = arith.constant 0.00999999977 : f32
    %mul3A_7 = vector.broadcast %mul3A : f32 to vector<1000x128xf32>
    %mul3A_8 = arith.mulf %mul3A_7, %get3A_1 : vector<1000x128xf32>
    %select_n3A = arith.select %ge3A_6, %get3A_1, %mul3A_8 : vector<1000x128xi1>, vector<1000x128xf32>
    %swap3A = arith.constant 0 : index
    %swap3A_9 = arith.constant 0 : index
    %swap3A_10 = vector.load %arg3[%swap3A, %swap3A_9] : memref<1000x128xf32, #tpu.memory_space<vmem>>, vector<1000x128xf32>
    tpu.vector_store %arg3[%swap3A, %swap3A_9], %select_n3A {strides = array<i32>} : memref<1000x128xf32, #tpu.memory_space<vmem>>, vector<1000x128xf32>,
    %ge3A_11 = arith.constant 0.000000e+00 : f32
    %ge3A_12 = vector.broadcast %ge3A_11 : f32 to vector<1000x128xf32>
    %ge3A_13 = arith.cmpf oge, %get3A_4, %ge3A_12 : vector<1000x128xf32>
    %mul3A_14 = arith.constant 0.00999999977 : f32
    %mul3A_15 = vector.broadcast %mul3A_14 : f32 to vector<1000x128xf32>
    %mul3A_16 = arith.mulf %mul3A_15, %get3A_4 : vector<1000x128xf32>
    %select_n3A_17 = arith.select %ge3A_13, %get3A_4, %mul3A_16 : vector<1000x128xi1>, vector<1000x128xf32>
    %swap3A_18 = arith.constant 0 : index
    %swap3A_19 = arith.constant 0 : index
    %swap3A_20 = vector.load %arg4[%swap3A_18, %swap3A_19] : memref<1000x128xf32, #tpu.memory_space<vmem>>, vector<1000x128xf32>
    tpu.vector_store %arg4[%swap3A_18, %swap3A_19], %select_n3A_17 {strides = array<i32>} : memref<1000x128xf32, #tpu.memory_space<vmem>>, vector<1000x128xf32>,
    return
  }
  func.func @transform_0(%arg0: i32) -> (i32, i32) {
    %c0_i32 = arith.constant 0 : i32
    %c0_i32_0 = arith.constant 0 : i32
    return %arg0, %c0_i32 : i32, i32
  }
  func.func @transform_1(%arg0: i32) -> (i32, i32) {
    %c0_i32 = arith.constant 0 : i32
    %c0_i32_0 = arith.constant 0 : i32
    return %arg0, %c0_i32 : i32, i32
  }
  func.func @transform_2(%arg0: i32) -> (i32, i32) {
    %c0_i32 = arith.constant 0 : i32
    %c0_i32_0 = arith.constant 0 : i32
    return %arg0, %c0_i32 : i32, i32
  }
  func.func @transform_3(%arg0: i32) -> (i32, i32) {
    %c0_i32 = arith.constant 0 : i32
    %c0_i32_0 = arith.constant 0 : i32
    return %arg0, %c0_i32 : i32, i32
  }
}

</mosaic_0001>

<sc_bundles>
// kernel: kernel.15.cloned.1.call-start
scs
__scs_entry_jumppad:
0x0: {  	(pc) =	sbr.rel $0x88, $3  }
0x1: {  	(tag) =	ssettag $0x0;
	lr =	simm.s32 $0x1  }
0x2: {  	[smem:$0x3F94] =	sst lr;
	_ =	strace $0xD0000000  }
0x3: {  	_ = 	snop  }
0x4: {  	_ = 	snop  }
0x5: {  	_ = 	snop  }
0x6: {  	_ = 	snop  }
0x7: {  	_ = 	snop  }
__scs_overlays_trampoline_lowered:
0x8: {  	[smem:$0x3FA3] =	sst s0  }
0x9: {  	[smem:$0x3FA4] =	sst s1  }
0xa: {  	[smem:$0x3FA5] =	sst s2  }
0xb: {  	[smem:$0x3FA6] =	sst s3  }
0xc: {  	[smem:$0x3FA7] =	sst s4  }
0xd: {  	[smem:$0x3FA8] =	sst s5  }
0xe: {  	[smem:$0x3FA9] =	sst s6  }
0xf: {  	[smem:$0x3FAA] =	sst s7  }
0x10: {  	[smem:$0x3FAB] =	sst s8  }
0x11: {  	[smem:$0x3FAC] =	sst s9;
	s0 =	simm.s32 @!p0 $0x0  }
0x12: {  	s1 =	sld [smem:$0x3F92];
	s0 =	simm.s32 @p0 $0x1  }
0x13: {  	[smem:$0x3FAD] =	sst s0;
	s0 =	simm.s32 @!p1 $0x0  }
0x14: {  	s2 =	sld [smem:$0x3F91];
	s0 =	simm.s32 @p1 $0x1  }
0x15: {  	[smem:$0x3FAE] =	sst s0;
	s0 =	simm.s32 @!p2 $0x0  }
0x16: {  	s3 =	sld [smem:$0x3FDB];
	s0 =	simm.s32 @p2 $0x1  }
0x17: {  	s4 =	simm.s32 $0x1BF5;
	[smem:$0x3FB0] =	sst s0  }
0x18: {  	s0 =	sld [smem:$0x3F93];
	_ =	swait.ge [sflag:s4], $0x0  }
0x19: {  	s7 =	sld [smem:$0x3F94]  }
0x1a: {  	s8 =	sadd.s32 $0xFFFFE003, lr  }
0x1b: {  	s9 =	sadd.s32 $0xFFFFFEF7, lr;
	s5 =	simm.s32 $0xFFFFFFFF;
	p2 =	slt.u32 s8, $0xFFFFF086  }
0x1c: {  	p1 =	slt.u32 s9, $0xF7A;
	s5 =	simm.s32 @!p2 $0x0  }
0x1d: {  	s5 =	simm.s32 @p1 $0x1;
	p0 =	seq.s32 s7, s2  }
0x1e: {  	s7 =	smul.u32 @!p0 $0xF7A, s2;
	p2 =	seq.s32 @!p0 s5, $0x0  }
0x1f: {  	s9 =	smul.u32 $0xF7A, s1;
	s8 =	simm.s32 @!p0 $0x1BF5;
	p2 =	por !p2, p0  }
0x20: {  	[sflag:s8] =	ssyncset.s32 @!p0 $0xFFFFF086;
	s6 =	sadd.s32 @!p0 s3, s7;
	s7 =	simm.s32 @!p0 $0x108  }
0x21: {  	s3 =	sadd.s32 s3, s9;
	s6 =	sadd.s32 @!p0 $0x88, s6;
	s7 =	simm.s32 @p2 $0x1082  }
0x22: {  	[simem:s7], [sflag:s8] =	dma.local @!p0 [hbm:s6], $0xF7A  }
0x23: {  	s9 =	sor.u32 $0xD0000000, s2;
	s6 =	simm.s32 $0x108;
	_ =	swait.ge @!p0 [sflag:s8], $0x0  }
0x24: {  	s3 =	sadd.s32 $0x88, s3;
	s6 =	simm.s32 @!p1 $0x1082;
	[sflag:s4] =	ssyncset.s32 $0xFFFFF086  }
0x25: {  	[simem:s6], [sflag:s4] =	dma.local [hbm:s3], $0xF7A  }
0x26: {  	[smem:$0x3F94] =	sst s1;
	(tag) =	ssettag s2;
	_ =	strace s9  }
0x27: {  	s1 =	sld [smem:$0x3FA4]  }
0x28: {  	s2 =	sld [smem:$0x3FA5]  }
0x29: {  	s4 =	sld [smem:$0x3FA7]  }
0x2a: {  	p0 =	seq.s32 s5, $0x0;
	s5 =	sld [smem:$0x3FA8]  }
0x2b: {  	s6 =	sld [smem:$0x3FA9]  }
0x2c: {  	s7 =	sld [smem:$0x3FAA]  }
0x2d: {  	s3 =	simm.s32 $0x108;
	s8 =	sld [smem:$0x3FAB]  }
0x2e: {  	s3 =	simm.s32 @!p0 $0x1082;
	s9 =	sld [smem:$0x3FAC]  }
0x2f: {  	lr =	sadd.s32 s0, s3;
	s0 =	sld [smem:$0x3FA3]  }
0x30: {  	s3 =	sld [smem:$0x3FA6]  }
0x31: {  	[smem:$0x3FAF] =	sst s10  }
0x32: {  	s10 =	sld [smem:$0x3FAD];
	_ =	sdelay $0x3  }
0x33: {  	p0 =	seq.s32 s10, $0x1;
	s10 =	sld [smem:$0x3FAF];
	_ =	sdelay $0x3  }
0x34: {  	[smem:$0x3FAF] =	sst s10  }
0x35: {  	s10 =	sld [smem:$0x3FAE];
	_ =	sdelay $0x3  }
0x36: {  	p1 =	seq.s32 s10, $0x1;
	s10 =	sld [smem:$0x3FAF];
	_ =	sdelay $0x3  }
0x37: {  	[smem:$0x3FAF] =	sst s10  }
0x38: {  	s10 =	sld [smem:$0x3FB0]  }
0x39: {  	_ = 	snop;
	(pc) =	sbr.ind lr, $3  }
0x3a: {  	_ = 	snop  }
0x3b: {  	_ = 	snop  }
0x3c: {  	p2 =	seq.s32 s10, $0x1;
	s10 =	sld [smem:$0x3FAF]  }
0x3d: {  	_ =	shalt  }
0x3e: {  	_ =	shalt  }
0x3f: {  	_ =	shalt  }
0x40: {  	_ =	shalt  }
0x41: {  	_ =	shalt  }
0x42: {  	_ =	shalt  }
0x43: {  	_ =	shalt  }
0x44: {  	_ =	shalt  }
0x45: {  	_ =	shalt  }
0x46: {  	_ =	shalt  }
0x47: {  	_ =	shalt  }
0x48: {  	_ =	shalt  }
0x49: {  	_ =	shalt  }
0x4a: {  	_ =	shalt  }
0x4b: {  	_ =	shalt  }
0x4c: {  	_ =	shalt  }
0x4d: {  	_ =	shalt  }
0x4e: {  	_ =	shalt  }
0x4f: {  	_ =	shalt  }
0x50: {  	_ =	shalt  }
0x51: {  	_ =	shalt  }
0x52: {  	_ =	shalt  }
0x53: {  	_ =	shalt  }
0x54: {  	_ =	shalt  }
0x55: {  	_ =	shalt  }
0x56: {  	_ =	shalt  }
0x57: {  	_ =	shalt  }
0x58: {  	_ =	shalt  }
0x59: {  	_ =	shalt  }
0x5a: {  	_ =	shalt  }
0x5b: {  	_ =	shalt  }
0x5c: {  	_ =	shalt  }
0x5d: {  	_ =	shalt  }
0x5e: {  	_ =	shalt  }
0x5f: {  	_ =	shalt  }
0x60: {  	_ =	shalt  }
0x61: {  	_ =	shalt  }
0x62: {  	_ =	shalt  }
0x63: {  	_ =	shalt  }
0x64: {  	_ =	shalt  }
0x65: {  	_ =	shalt  }
0x66: {  	_ =	shalt  }
0x67: {  	_ =	shalt  }
0x68: {  	_ =	shalt  }
0x69: {  	_ =	shalt  }
0x6a: {  	_ =	shalt  }
0x6b: {  	_ =	shalt  }
0x6c: {  	_ =	shalt  }
0x6d: {  	_ =	shalt  }
0x6e: {  	_ =	shalt  }
0x6f: {  	_ =	shalt  }
0x70: {  	_ =	shalt  }
0x71: {  	_ =	shalt  }
0x72: {  	_ =	shalt  }
0x73: {  	_ =	shalt  }
0x74: {  	_ =	shalt  }
0x75: {  	_ =	shalt  }
0x76: {  	_ =	shalt  }
0x77: {  	_ =	shalt  }
0x78: {  	_ =	shalt  }
0x79: {  	_ =	shalt  }
0x7a: {  	_ =	shalt  }
0x7b: {  	_ =	shalt  }
0x7c: {  	_ =	shalt  }
0x7d: {  	_ =	shalt  }
0x7e: {  	_ =	shalt  }
0x7f: {  	_ =	shalt  }
0x80: {  	_ =	shalt  }
0x81: {  	_ =	shalt  }
0x82: {  	_ =	shalt  }
0x83: {  	_ =	shalt  }
0x84: {  	_ =	shalt  }
0x85: {  	_ =	shalt  }
0x86: {  	_ =	shalt  }
0x87: {  	_ =	shalt  }
.Lfunc_end0:
.L_simem_size_0:
called_computation_lowered:
.L_overlay_start_0:
0x88: {  	s2 =	sld [smem:$0x3FD9]  }
0x89: {  	s3 =	sld [smem:$0x3FFE];
	_ =	sdelay $0x1  }
0x8a: {  	s1 =	srdreg.scid  }
0x8b: {  	s0 =	sand.u32 $0x1, s1  }
0x8c: {  	s14 =	sshll.u32 s0, $0xA;
	s2 =	sadd.s32 s3, s2  }
0x8d: {  	s2 =	sadd.s32 s2, s14  }
0x8e: {  	[smem:$0x3FBB] =	sst s2  }
0x8f: {  	_ = 	snop  }
0x90: {  	s2 =	sld [smem:$0x3FD0];
	_ =	sdelay $0x2  }
0x91: {  	s15 =	simm.s32 $0xA;
	s4 =	simm.s32 $0x10  }
0x92: {  	[smem:s4], [sflag:s15] =	dma.local [hbm:s2], $0x1  }
0x93: {  	_ =	swait.eq [sflag:s15], $0x1  }
0x94: {  	[sflag:s15] =	ssyncset.done $0x0  }
0x95: {  	s16 =	sld [smem:$0x10];
	[sflag:s15] =	ssyncadd.s32 $0xFFFFFFFF  }
0x96: {  	s17 =	sld [smem:$0x11];
	(tm) =	ssettm $0x1  }
0x97: {  	s18 =	sld [smem:$0x3FFB];
	_ =	sdelay $0x3  }
0x98: {  	_ =	strace s18  }
0x99: {  	s4 =	sld [smem:$0x3FFC];
	_ =	sdelay $0x3  }
0x9a: {  	_ =	strace s4  }
0x9b: {  	s4 =	sld [smem:$0x3FFD];
	_ =	sdelay $0x3  }
0x9c: {  	_ =	strace s4  }
0x9d: {  	_ =	strace $0x8FFFFFFF  }
0x9e: {  	s19 =	sld [smem:$0x3FDB];
	_ =	sdelay $0x1  }
0x9f: {  	s5 =	simm.s32 $_scs_section_size  }
0xa0: {  	s6 =	simm.s32 $_size__tile_overlayer_lowered;
	s7 =	simm.s32 $_tile_overlayer_lowered  }
0xa1: {  	s22 =	simm.s32 $0x1BFF;
	s21 =	sshll.u32 s7, $0x1;
	s4 =	sadd.s32 s5, s19  }
0xa2: {  	s8 =	simm.s32 $0x0;
	s20 =	sshll.u32 s6, $0x1;
	s6 =	sadd.s32 s21, s4  }
0xa3: {  	[timem:s8], [sflag:s22] =	dma.local [hbm:s6], s20  }
0xa4: {  	_ =	swait.ge [sflag:s22], s20  }
0xa5: {  	s5 =	ssub.s32 $0x0, s20;
	[sflag:s22] =	ssyncset.done $0x0  }
0xa6: {  	[sflag:s22] =	ssyncadd.s32 s5;
	_ =	sdelay $0x1  }
0xa7: {  	s23 =	simm.s32 $0x1B8B  }
0xa8: {  	_ =	swait.ge [sflag:s23], $0x1  }
0xa9: {  	[sflag:s23] =	ssyncset.done $0x0  }
0xaa: {  	s25 =	simm.s32 $0x1B8E;
	s24 =	sld [smem:$0x3FFE];
	[sflag:s23] =	ssyncadd.s32 $0xFFFFFFFF  }
0xab: {  	s26 =	simm.s32 $execute0_lowered;
	[smem:$0x3FD2] =	sst s25  }
0xac: {  	s6 =	sshll.u32 s26, $0x1;
	_ =	strace $0x80000046;
	[dreg:$0x1] =	wrdreg $0xFFFFFFFF  }
0xad: {  	s28 =	simm.s32 $_size_execute0_lowered;
	s4 =	sadd.s32 s4, s6;
	[dreg:$0x0] =	wrdreg $0x0  }
0xae: {  	s6 =	sshll.u32 s28, $0x1;
	[dreg:$0x2] =	wrdreg s4  }
0xaf: {  	[dreg:$0x3] =	wrdreg s6  }
0xb0: {  	[dreg:$0x4] =	wrdreg $0xC0  }
0xb1: {  	_ =	task [dreg:s8], $0x5FFFF  }
0xb2: {  	[dreg:$0x1] =	wrdreg $0xFFFFFFFF  }
0xb3: {  	[dreg:$0x0] =	wrdreg $0x60  }
0xb4: {  	[dreg:$0x2] =	wrdreg s17  }
0xb5: {  	[dreg:$0x3] =	wrdreg s24  }
0xb6: {  	[dreg:$0x4] =	wrdreg s16  }
0xb7: {  	[dreg:$0x5] =	wrdreg $0x0  }
0xb8: {  	[dreg:$0x6] =	wrdreg $0x140000  }
0xb9: {  	[dreg:$0x7] =	wrdreg $0x9  }
0xba: {  	_ =	task.clear_ibuf [dreg:s8], $0x8FFFF;
	_ =	strace $0x90000046  }
0xbb: {  	s29 =	simm.s32 $0x9;
	_ =	strace $0x80000048  }
0xbc: {  	_ =	swait.ge [sflag:s29], $0x1  }
0xbd: {  	[sflag:s29] =	ssyncadd.s32 $0xFFFFFFFF  }
0xbe: {  	_ =	strace $0x90000048  }
0xbf: {  	_ =	sfence  }
0xc0: {  	s30 =	sld [smem:$0x0];
	_ =	sdelay $0x2  }
0xc1: {  	s31 =	sshll.u32 s1, $0xD;
	s1 =	sshrl.u32 s1, $0x2  }
0xc2: {  	s3 =	sand.u32 $0x4000, s31;
	s1 =	sadd.s32 s1, s30  }
0xc3: {  	s0 =	sor.u32 s3, s0;
	s1 =	sshll.u32 s1, $0x11  }
0xc4: {  	s0 =	sor.u32 s1, s0  }
0xc5: {  	s0 =	sadd.s32 $0x8F2B, s0  }
0xc6: {  	[sflag:s0] =	ssyncadd.remote.s32 $0x1  }
0xc7: {  	_ =	sfence.sel $0xFFFF  }
0xc8: {  	[dreg:$0x0] =	wrdreg $0xFFFFFFFF;
	(pc) =	sbr.abs _section_cstart, $3  }
0xc9: {  	[dreg:$0x1] =	wrdreg $0xFFFFFFFF  }
0xca: {  	_ =	task.clear_ibuf [dreg:s8], $0x2FFFF;
	_ =	strace $0x9FFFFFFF  }
0xcb: {  	(tm) =	ssettm $0x7FFFFFFF  }
tec
execute0_lowered:
.L_overlay_start_1:
0x0: {  	(tag) =	ssettag $0x1  }
0x1: {  	s1 =	rddreg [dreg:$0x0]  }
0x2: {  	s0 =	rddreg [dreg:$0x1]  }
0x3: {  	s2 =	rddreg [dreg:$0x2]  }
0x4: {  	s3 =	rddreg [dreg:$0x3]  }
0x5: {  	s4 =	rddreg [dreg:$0x4];
	s17 =	stileid.u32;
	s5 =	simm.s32 $0x0  }
0x6: {  	s6 =	srdreg.scid;
	s28 =	simm.s32 $0x14300;
	s29 =	simm.s32 $0x14400  }
0x7: {  	s30 =	simm.s32 $0x14500;
	s31 =	simm.s32 $0x1;
	s9 =	smul.u32 $0x14000, s17  }
0x8: {  	[smem:$0x7FF] =	sst s5;
	s10 =	smul.u32 $0x280, s17;
	s12 =	sand.u32 $0x1, s6  }
0x9: {  	s6 =	sadd.s32 $0x1C800, s0;
	s7 =	sadd.s32 $0x12800, s0;
	s8 =	sadd.s32 $0x8800, s0  }
0xa: {  	s21 =	sshll.u32 s17, $0x6;
	_ =	strace $0x80000047;
	s11 =	smul.u32 $0x140000, s12  }
0xb: {  	s15 =	ssub.s32 $0x2, s12;
	s16 =	sshll.u32 s12, $0x4;
	s24 =	smul.u32 $0x2800, s12  }
0xc: {  	s12 =	smul.u32 $0x5000, s12;
	s13 =	sshrl.u32 s9, $0x3;
	s14 =	sshrl.u32 s10, $0x3  }
0xd: {  	s18 =	sshrl.u32 s15, $0x1;
	s19 =	sor.u32 s17, s16;
	s23 =	sadd.s32 s10, s4  }
0xe: {  	s16 =	smul.u32 $0x500, s17;
	s13 =	sadd.s32 s13, s0;
	s11 =	sadd.s32 s9, s11  }
0xf: {  	s14 =	sadd.s32 s14, s0;
	s15 =	ssub.s32 s15, s18;
	s9 =	sadd.s32 s9, s3  }
0x10: {  	s22 =	smul.u32 $0x50, s19;
	[dreg:$0xd] =	wrdreg s23;
	s18 =	sadd.s32 s12, s7  }
0x11: {  	s11 =	sshrl.u32 s11, $0x3;
	[dreg:$0xb] =	wrdreg s9;
	s20 =	sadd.s32 $0x26800, s13  }
0x12: {  	s9 =	smul.u32 $0x500, s19;
	s14 =	sadd.s32 $0x4E800, s14;
	[dreg:$0xc] =	wrdreg s20  }
0x13: {  	s19 =	sadd.s32 s16, s18;
	s0 =	sadd.s32 s11, s0;
	[dreg:$0xe] =	wrdreg s14  }
0x14: {  	s11 =	sor.u32 $0x1C05, s21;
	[dreg:$0x6] =	wrdreg s22;
	s14 =	sadd.s32 s10, s24  }
0x15: {  	s20 =	sadd.s32 s12, s6;
	s21 =	sadd.s32 s12, s8;
	s24 =	smax.u32 s15, $0x1  }
0x16: {  	s10 =	simm.s32 $0x0;
	s25 =	sadd.s32 s6, s9;
	[dreg:$0x14] =	wrdreg s24  }
0x17: {  	s26 =	sadd.s32 s7, s9;
	s9 =	sadd.s32 s8, s9;
	[dreg:$0xf] =	wrdreg s25  }
0x18: {  	s0 =	sadd.s32 $0x4EE00, s0;
	s17 =	sshrl.u32 s14, $0x3;
	[dreg:$0x10] =	wrdreg s26  }
0x19: {  	s23 =	sadd.s32 s16, s21;
	s21 =	simm.s32 $0x14280;
	[dreg:$0x11] =	wrdreg s9  }
0x1a: {  	s24 =	simm.s32 $0x3;
	[dreg:$0x12] =	wrdreg s0;
	s0 =	sadd.s32 s2, s17  }
0x1b: {  	s2 =	sadd.s32 s16, s20;
	s25 =	sadd.s32 $0x10, s23;
	s20 =	simm.s32 $0x5  }
0x1c: {  	s23 =	simm.s32 $0x14480;
	s26 =	simm.s32 $0x16580;
	[dreg:$0x13] =	wrdreg s0  }
0x1d: {  	s9 =	simm.s32 $0x2;
	s0 =	sadd.s32 $0x10, s19;
	[dreg:$0x9] =	wrdreg s25  }
0x1e: {  	s22 =	sadd.s32 $0x10, s2;
	[dreg:$0xa] =	wrdreg s26;
	s25 =	simm.s32 $0x80  }
0x1f: {  	s26 =	simm.s32 $0x14580;
	s2 =	simm.s32 $0x18580;
	[dreg:$0x7] =	wrdreg s0  }
0x20: {  	[dreg:$0x8] =	wrdreg s22;
	s22 =	simm.s32 $0x14380;
	s0 =	simm.s32 $0x4  }
.LBB2_1:
0x21: {  	s12 =	rddreg [dreg:$0xb]  }
0x22: {  	s14 =	rddreg [dreg:$0xc];
	s13 =	sshrl.u32 s12, $0x3  }
0x23: {  	[dreg:$0x15] =	wrdreg s13  }
0x24: {  	[spmem:s13], [sflag:s11] =	dma.local [hbm:s14], $0x2800  }
0x25: {  	_ =	swait.ge [sflag:s20], $0x2800  }
0x26: {  	[sflag:s20] =	ssyncset.done $0x0;
	s15 =	rddreg [dreg:$0xd]  }
0x27: {  	s16 =	rddreg [dreg:$0xe];
	[sflag:s20] =	ssyncadd.s32 $0xFFFFD800;
	s13 =	sshrl.u32 s15, $0x3  }
0x28: {  	[spmem:s13], [sflag:s11] =	dma.local [hbm:s16], $0x50  }
0x29: {  	_ =	swait.ge [sflag:s20], $0x50  }
0x2a: {  	[sflag:s20] =	ssyncset.done $0x0  }
0x2b: {  	[sflag:s20] =	ssyncadd.s32 $0xFFFFFFB0  }
0x2c: {  	[bflag:$0x0] =	sbarrier.arrive $0xFFFF  }
0x2d: {  	s17 =	rddreg [dreg:$0xf]  }
0x2e: {  	[tilespmem:s21], [sflag:$0x3] =	stream.linear.gather [hbm4b:s17+s5], $0x80, $0x38;
	[tilespmem:$0x1C580] =	vst v63  }
0x2f: {  	s18 =	rddreg [dreg:$0x10]  }
0x30: {  	[tilespmem:s22], [sflag:$0x3] =	stream.linear.gather [hbm4b:s18+s5], $0x80, $0x38;
	[tilespmem:$0x1C580] =	vst v63  }
0x31: {  	s19 =	rddreg [dreg:$0x11]  }
0x32: {  	[tilespmem:s23], [sflag:$0x3] =	stream.linear.gather [hbm4b:s19+s5], $0x80, $0x38;
	[tilespmem:$0x1C580] =	vst v63  }
0x33: {  	_ =	swait.ge [sflag:s24], $0x80  }
0x34: {  	[sflag:s24] =	ssyncset.done $0x0  }
0x35: {  	[sflag:s24] =	ssyncadd.s32 $0xFFFFFF80  }
0x36: {  	_ =	swait.ge [sflag:s24], $0x80  }
0x37: {  	[sflag:s24] =	ssyncset.done $0x0  }
0x38: {  	[sflag:s24] =	ssyncadd.s32 $0xFFFFFF80  }
0x39: {  	_ =	swait.ge [sflag:s24], $0x80  }
0x3a: {  	[sflag:s24] =	ssyncset.done $0x0  }
0x3b: {  	s14 =	rddreg [dreg:$0x8];
	[sflag:s24] =	ssyncadd.s32 $0xFFFFFF80  }
0x3c: {  	[tilespmem:s26], [sflag:$0x1] =	stream.indirect.gather [hbm4b:s1+s25], $0x40, s21, s25, $0xb8;
	[tilespmem:$0x1C580] =	vst v63  }
0x3d: {  	s15 =	rddreg [dreg:$0x7];
	s14 =	sadd.s32 $0x0, s14  }
0x3e: {  	[tilespmem:s28], [sflag:$0x4] =	stream.linear.gather [hbm4b:s14+s5], $0x80, $0x38;
	[tilespmem:$0x1C580] =	vst v63  }
0x3f: {  	s16 =	rddreg [dreg:$0x9];
	s12 =	sadd.s32 $0x0, s15  }
0x40: {  	[tilespmem:s29], [sflag:$0x4] =	stream.linear.gather [hbm4b:s12+s5], $0x80, $0x38;
	[tilespmem:$0x1C580] =	vst v63  }
0x41: {  	s15 =	sadd.s32 $0x0, s16  }
0x42: {  	[tilespmem:s30], [sflag:$0x4] =	stream.linear.gather [hbm4b:s15+s5], $0x80, $0x38;
	[tilespmem:$0x1C580] =	vst v63  }
0x43: {  	_ =	swait.ge [sflag:s31], $0x2000  }
0x44: {  	[sflag:s31] =	ssyncset.done $0x0  }
0x45: {  	[sflag:s31] =	ssyncadd.s32 $0xFFFFE000  }
0x46: {  	_ =	swait.ge [sflag:s0], $0x80  }
0x47: {  	[sflag:s0] =	ssyncset.done $0x0  }
0x48: {  	[sflag:s0] =	ssyncadd.s32 $0xFFFFFF80  }
0x49: {  	_ =	swait.ge [sflag:s0], $0x80  }
0x4a: {  	[sflag:s0] =	ssyncset.done $0x0  }
0x4b: {  	[sflag:s0] =	ssyncadd.s32 $0xFFFFFF80  }
0x4c: {  	_ =	swait.ge [sflag:s0], $0x80  }
0x4d: {  	[sflag:s0] =	ssyncset.done $0x0  }
0x4e: {  	s16 =	rddreg [dreg:$0xa];
	[sflag:s0] =	ssyncadd.s32 $0xFFFFFF80  }
0x4f: {  	[tilespmem:s16], [sflag:$0x2] =	stream.indirect.gather [hbm4b:s1+s25], $0x40, s28, s25, $0xb8;
	[tilespmem:$0x1C580] =	vst v63  }
0x50: {  	_ = 	snop  }
0x51: {  	[spmem:s3] =	stream.indirect.scatter.add.f32 [tilespmem:s2], [sflag:$0x5], $0x80, s22, s25, $0xb8;
	[tilespmem:$0x1C580] =	vst v63  }
0x52: {  	_ =	swait.ge [sflag:s20], $0x4000  }
0x53: {  	[sflag:s20] =	ssyncset.done $0x0  }
0x54: {  	[sflag:s20] =	ssyncadd.s32 $0xFFFFC000  }
0x55: {  	[spmem:s4] =	stream.indirect.scatter.add.f32 [tilespmem:s23], [sflag:$0x5], $0x1, s22, s25, $0xb8;
	[tilespmem:$0x1C580] =	vst v63  }
0x56: {  	p0 =	por $0x0, $0x0;
	s15 =	simm.s32 $0x2;
	_ =	swait.ge [sflag:s20], $0x80  }
0x57: {  	s15 =	simm.s32 @p0 $0x0;
	s17 =	rddreg [dreg:$0x6]  }
0x58: {  	s14 =	sadd.s32 s17, s15  }
0x59: {  	[sflag:s20] =	ssyncset.done $0x0;
	s14 =	sshll.u32 s14, $0x4  }
0x5a: {  	[sflag:s20] =	ssyncadd.s32 $0xFFFFFF80;
	s18 =	sadd.s32 s6, s14  }
0x5b: {  	[tilespmem:s21], [sflag:$0x3] =	stream.linear.gather [hbm4b:s18+s5], $0x80, $0x38;
	[tilespmem:$0x1C580] =	vst v63  }
0x5c: {  	s19 =	sadd.s32 s7, s14  }
0x5d: {  	[tilespmem:s22], [sflag:$0x3] =	stream.linear.gather [hbm4b:s19+s5], $0x80, $0x38;
	[tilespmem:$0x1C580] =	vst v63  }
0x5e: {  	s14 =	sadd.s32 s8, s14  }
0x5f: {  	[tilespmem:s23], [sflag:$0x3] =	stream.linear.gather [hbm4b:s14+s5], $0x80, $0x38;
	[tilespmem:$0x1C580] =	vst v63  }
0x60: {  	_ =	swait.ge [sflag:s9], $0x2000  }
0x61: {  	[sflag:s9] =	ssyncset.done $0x0  }
0x62: {  	[sflag:s9] =	ssyncadd.s32 $0xFFFFE000  }
0x63: {  	_ =	swait.ge [sflag:s24], $0x80  }
0x64: {  	[sflag:s24] =	ssyncset.done $0x0  }
0x65: {  	[sflag:s24] =	ssyncadd.s32 $0xFFFFFF80  }
0x66: {  	_ =	swait.ge [sflag:s24], $0x80  }
0x67: {  	[sflag:s24] =	ssyncset.done $0x0  }
0x68: {  	[sflag:s24] =	ssyncadd.s32 $0xFFFFFF80  }
0x69: {  	_ =	swait.ge [sflag:s24], $0x80  }
0x6a: {  	[sflag:s24] =	ssyncset.done $0x0  }
0x6b: {  	[sflag:s24] =	ssyncadd.s32 $0xFFFFFF80  }
0x6c: {  	[tilespmem:s26], [sflag:$0x1] =	stream.indirect.gather [hbm4b:s1+s25], $0x40, s21, s25, $0xb8;
	[tilespmem:$0x1C580] =	vst v63  }
0x6d: {  	_ = 	snop  }
0x6e: {  	[spmem:s3] =	stream.indirect.scatter.add.f32 [tilespmem:s2], [sflag:$0x5], $0x80, s29, s25, $0xb8;
	[tilespmem:$0x1C580] =	vst v63  }
0x6f: {  	_ =	swait.ge [sflag:s20], $0x4000  }
0x70: {  	[sflag:s20] =	ssyncset.done $0x0  }
0x71: {  	[sflag:s20] =	ssyncadd.s32 $0xFFFFC000  }
0x72: {  	[spmem:s4] =	stream.indirect.scatter.add.f32 [tilespmem:s30], [sflag:$0x5], $0x1, s29, s25, $0xb8;
	[tilespmem:$0x1C580] =	vst v63  }
0x73: {  	s16 =	simm.s32 $0x40;
	s15 =	simm.s32 $0x4;
	_ =	swait.ge [sflag:s20], $0x80  }
0x74: {  	s14 =	simm.s32 $0x20;
	s17 =	rddreg [dreg:$0x8];
	[sflag:s20] =	ssyncset.done $0x0  }
.LBB2_2:
0x75: {  	[sflag:s20] =	ssyncadd.s32 $0xFFFFFF80;
	s19 =	rddreg [dreg:$0x7];
	s17 =	sadd.s32 s14, s17  }
0x76: {  	[tilespmem:s28], [sflag:$0x4] =	stream.linear.gather [hbm4b:s17+s5], $0x80, $0x38;
	[tilespmem:$0x1C580] =	vst v63  }
0x77: {  	s12 =	rddreg [dreg:$0x9];
	s19 =	sadd.s32 s14, s19  }
0x78: {  	[tilespmem:s29], [sflag:$0x4] =	stream.linear.gather [hbm4b:s19+s5], $0x80, $0x38;
	[tilespmem:$0x1C580] =	vst v63  }
0x79: {  	s12 =	sadd.s32 s14, s12  }
0x7a: {  	[tilespmem:s30], [sflag:$0x4] =	stream.linear.gather [hbm4b:s12+s5], $0x80, $0x38;
	[tilespmem:$0x1C580] =	vst v63  }
0x7b: {  	_ =	swait.ge [sflag:s31], $0x2000  }
0x7c: {  	[sflag:s31] =	ssyncset.done $0x0  }
0x7d: {  	[sflag:s31] =	ssyncadd.s32 $0xFFFFE000  }
0x7e: {  	_ =	swait.ge [sflag:s0], $0x80  }
0x7f: {  	[sflag:s0] =	ssyncset.done $0x0  }
0x80: {  	[sflag:s0] =	ssyncadd.s32 $0xFFFFFF80  }
0x81: {  	_ =	swait.ge [sflag:s0], $0x80  }
0x82: {  	[sflag:s0] =	ssyncset.done $0x0  }
0x83: {  	[sflag:s0] =	ssyncadd.s32 $0xFFFFFF80  }
0x84: {  	_ =	swait.ge [sflag:s0], $0x80  }
0x85: {  	[sflag:s0] =	ssyncset.done $0x0  }
0x86: {  	s17 =	rddreg [dreg:$0xa];
	[sflag:s0] =	ssyncadd.s32 $0xFFFFFF80  }
0x87: {  	[tilespmem:s17], [sflag:$0x2] =	stream.indirect.gather [hbm4b:s1+s25], $0x40, s28, s25, $0xb8;
	[tilespmem:$0x1C580] =	vst v63  }
0x88: {  	_ = 	snop  }
0x89: {  	[spmem:s3] =	stream.indirect.scatter.add.f32 [tilespmem:s2], [sflag:$0x5], $0x80, s22, s25, $0xb8;
	[tilespmem:$0x1C580] =	vst v63  }
0x8a: {  	_ =	swait.ge [sflag:s20], $0x4000  }
0x8b: {  	[sflag:s20] =	ssyncset.done $0x0  }
0x8c: {  	[sflag:s20] =	ssyncadd.s32 $0xFFFFC000  }
0x8d: {  	[spmem:s4] =	stream.indirect.scatter.add.f32 [tilespmem:s23], [sflag:$0x5], $0x1, s22, s25, $0xb8;
	[tilespmem:$0x1C580] =	vst v63  }
0x8e: {  	p1 =	seq.s32 s14, $0x4E0;
	s17 =	smov.u32 s15;
	_ =	swait.ge [sflag:s20], $0x80  }
0x8f: {  	s17 =	simm.s32 @p1 $0x0;
	s19 =	rddreg [dreg:$0x6]  }
0x90: {  	s12 =	sadd.s32 s19, s17  }
0x91: {  	s18 =	smov.u32 s16;
	[sflag:s20] =	ssyncset.done $0x0;
	s12 =	sshll.u32 s12, $0x4  }
0x92: {  	s14 =	smov.u32 s18;
	[sflag:s20] =	ssyncadd.s32 $0xFFFFFF80;
	s18 =	sadd.s32 s6, s12  }
0x93: {  	[tilespmem:s21], [sflag:$0x3] =	stream.linear.gather [hbm4b:s18+s5], $0x80, $0x38;
	[tilespmem:$0x1C580] =	vst v63  }
0x94: {  	s19 =	sadd.s32 s7, s12  }
0x95: {  	[tilespmem:s22], [sflag:$0x3] =	stream.linear.gather [hbm4b:s19+s5], $0x80, $0x38;
	[tilespmem:$0x1C580] =	vst v63  }
0x96: {  	s12 =	sadd.s32 s8, s12  }
0x97: {  	[tilespmem:s23], [sflag:$0x3] =	stream.linear.gather [hbm4b:s12+s5], $0x80, $0x38;
	[tilespmem:$0x1C580] =	vst v63  }
0x98: {  	_ =	swait.ge [sflag:s9], $0x2000  }
0x99: {  	[sflag:s9] =	ssyncset.done $0x0  }
0x9a: {  	[sflag:s9] =	ssyncadd.s32 $0xFFFFE000  }
0x9b: {  	_ =	swait.ge [sflag:s24], $0x80  }
0x9c: {  	[sflag:s24] =	ssyncset.done $0x0  }
0x9d: {  	[sflag:s24] =	ssyncadd.s32 $0xFFFFFF80  }
0x9e: {  	_ =	swait.ge [sflag:s24], $0x80  }
0x9f: {  	[sflag:s24] =	ssyncset.done $0x0  }
0xa0: {  	[sflag:s24] =	ssyncadd.s32 $0xFFFFFF80  }
0xa1: {  	_ =	swait.ge [sflag:s24], $0x80  }
0xa2: {  	[sflag:s24] =	ssyncset.done $0x0  }
0xa3: {  	[sflag:s24] =	ssyncadd.s32 $0xFFFFFF80  }
0xa4: {  	[tilespmem:s26], [sflag:$0x1] =	stream.indirect.gather [hbm4b:s1+s25], $0x40, s21, s25, $0xb8;
	[tilespmem:$0x1C580] =	vst v63  }
0xa5: {  	_ = 	snop  }
0xa6: {  	[spmem:s3] =	stream.indirect.scatter.add.f32 [tilespmem:s2], [sflag:$0x5], $0x80, s29, s25, $0xb8;
	[tilespmem:$0x1C580] =	vst v63  }
0xa7: {  	p0 =	sne.s32 s16, $0x4E0;
	_ =	swait.ge [sflag:s20], $0x4000  }
.Ltmp0:
0xa8: {  	[sflag:s20] =	ssyncset.done $0x0;
	(pc) =	sbr.rel @p0 .LBB2_2-.Ltmp0, $4  }
0xa9: {  	[sflag:s20] =	ssyncadd.s32 $0xFFFFC000  }
0xaa: {  	[spmem:s4] =	stream.indirect.scatter.add.f32 [tilespmem:s30], [sflag:$0x5], $0x1, s29, s25, $0xb8;
	[tilespmem:$0x1C580] =	vst v63  }
0xab: {  	s16 =	sadd.s32 $0x20, s16;
	_ =	swait.ge [sflag:s20], $0x80  }
0xac: {  	s15 =	sadd.s32 $0x2, s15;
	s17 =	rddreg [dreg:$0x8];
	[sflag:s20] =	ssyncset.done $0x0  }
0xad: {  	[sflag:s20] =	ssyncadd.s32 $0xFFFFFF80;
	s12 =	rddreg [dreg:$0x7];
	s16 =	sadd.s32 s14, s17  }
0xae: {  	[tilespmem:s28], [sflag:$0x4] =	stream.linear.gather [hbm4b:s16+s5], $0x80, $0x38;
	[tilespmem:$0x1C580] =	vst v63  }
0xaf: {  	s19 =	rddreg [dreg:$0x9];
	s12 =	sadd.s32 s14, s12  }
0xb0: {  	[tilespmem:s29], [sflag:$0x4] =	stream.linear.gather [hbm4b:s12+s5], $0x80, $0x38;
	[tilespmem:$0x1C580] =	vst v63  }
0xb1: {  	s16 =	sadd.s32 s14, s19  }
0xb2: {  	[tilespmem:s30], [sflag:$0x4] =	stream.linear.gather [hbm4b:s16+s5], $0x80, $0x38;
	[tilespmem:$0x1C580] =	vst v63  }
0xb3: {  	_ =	swait.ge [sflag:s31], $0x2000  }
0xb4: {  	[sflag:s31] =	ssyncset.done $0x0  }
0xb5: {  	[sflag:s31] =	ssyncadd.s32 $0xFFFFE000  }
0xb6: {  	_ =	swait.ge [sflag:s0], $0x80  }
0xb7: {  	[sflag:s0] =	ssyncset.done $0x0  }
0xb8: {  	[sflag:s0] =	ssyncadd.s32 $0xFFFFFF80  }
0xb9: {  	_ =	swait.ge [sflag:s0], $0x80  }
0xba: {  	[sflag:s0] =	ssyncset.done $0x0  }
0xbb: {  	[sflag:s0] =	ssyncadd.s32 $0xFFFFFF80  }
0xbc: {  	_ =	swait.ge [sflag:s0], $0x80  }
0xbd: {  	[sflag:s0] =	ssyncset.done $0x0  }
0xbe: {  	s17 =	rddreg [dreg:$0xa];
	[sflag:s0] =	ssyncadd.s32 $0xFFFFFF80  }
0xbf: {  	[tilespmem:s17], [sflag:$0x2] =	stream.indirect.gather [hbm4b:s1+s25], $0x40, s28, s25, $0xb8;
	[tilespmem:$0x1C580] =	vst v63  }
0xc0: {  	_ = 	snop  }
0xc1: {  	[spmem:s3] =	stream.indirect.scatter.add.f32 [tilespmem:s2], [sflag:$0x5], $0x80, s22, s25, $0xb8;
	[tilespmem:$0x1C580] =	vst v63  }
0xc2: {  	_ =	swait.ge [sflag:s20], $0x4000  }
0xc3: {  	[sflag:s20] =	ssyncset.done $0x0  }
0xc4: {  	[sflag:s20] =	ssyncadd.s32 $0xFFFFC000  }
0xc5: {  	[spmem:s4] =	stream.indirect.scatter.add.f32 [tilespmem:s23], [sflag:$0x5], $0x1, s22, s25, $0xb8;
	[tilespmem:$0x1C580] =	vst v63  }
0xc6: {  	p0 =	seq.s32 s14, $0x4E0;
	_ =	swait.ge [sflag:s20], $0x80  }
0xc7: {  	s15 =	simm.s32 @p0 $0x0;
	s18 =	rddreg [dreg:$0x6]  }
0xc8: {  	s12 =	sadd.s32 s18, s15  }
0xc9: {  	[sflag:s20] =	ssyncset.done $0x0;
	s12 =	sshll.u32 s12, $0x4  }
0xca: {  	[sflag:s20] =	ssyncadd.s32 $0xFFFFFF80;
	s19 =	sadd.s32 s6, s12  }
0xcb: {  	[tilespmem:s21], [sflag:$0x3] =	stream.linear.gather [hbm4b:s19+s5], $0x80, $0x38;
	[tilespmem:$0x1C580] =	vst v63  }
0xcc: {  	s15 =	sadd.s32 s7, s12  }
0xcd: {  	[tilespmem:s22], [sflag:$0x3] =	stream.linear.gather [hbm4b:s15+s5], $0x80, $0x38;
	[tilespmem:$0x1C580] =	vst v63  }
0xce: {  	s12 =	sadd.s32 s8, s12  }
0xcf: {  	[tilespmem:s23], [sflag:$0x3] =	stream.linear.gather [hbm4b:s12+s5], $0x80, $0x38;
	[tilespmem:$0x1C580] =	vst v63  }
0xd0: {  	_ =	swait.ge [sflag:s9], $0x2000  }
0xd1: {  	[sflag:s9] =	ssyncset.done $0x0  }
0xd2: {  	[sflag:s9] =	ssyncadd.s32 $0xFFFFE000  }
0xd3: {  	_ =	swait.ge [sflag:s24], $0x80  }
0xd4: {  	[sflag:s24] =	ssyncset.done $0x0  }
0xd5: {  	[sflag:s24] =	ssyncadd.s32 $0xFFFFFF80  }
0xd6: {  	_ =	swait.ge [sflag:s24], $0x80  }
0xd7: {  	[sflag:s24] =	ssyncset.done $0x0  }
0xd8: {  	[sflag:s24] =	ssyncadd.s32 $0xFFFFFF80  }
0xd9: {  	_ =	swait.ge [sflag:s24], $0x80  }
0xda: {  	[sflag:s24] =	ssyncset.done $0x0  }
0xdb: {  	[sflag:s24] =	ssyncadd.s32 $0xFFFFFF80  }
0xdc: {  	[tilespmem:s26], [sflag:$0x1] =	stream.indirect.gather [hbm4b:s1+s25], $0x40, s21, s25, $0xb8;
	[tilespmem:$0x1C580] =	vst v63  }
0xdd: {  	_ = 	snop  }
0xde: {  	[spmem:s3] =	stream.indirect.scatter.add.f32 [tilespmem:s2], [sflag:$0x5], $0x80, s29, s25, $0xb8;
	[tilespmem:$0x1C580] =	vst v63  }
0xdf: {  	_ =	swait.ge [sflag:s20], $0x4000  }
0xe0: {  	[sflag:s20] =	ssyncset.done $0x0  }
0xe1: {  	[sflag:s20] =	ssyncadd.s32 $0xFFFFC000  }
0xe2: {  	[spmem:s4] =	stream.indirect.scatter.add.f32 [tilespmem:s30], [sflag:$0x5], $0x1, s29, s25, $0xb8;
	[tilespmem:$0x1C580] =	vst v63  }
0xe3: {  	_ =	swait.ge [sflag:s20], $0x80  }
0xe4: {  	[sflag:s20] =	ssyncset.done $0x0  }
0xe5: {  	[sflag:s20] =	ssyncadd.s32 $0xFFFFFF80  }
0xe6: {  	_ =	swait.ge [sflag:s31], $0x2000  }
0xe7: {  	[sflag:s31] =	ssyncset.done $0x0  }
0xe8: {  	[sflag:s31] =	ssyncadd.s32 $0xFFFFE000  }
0xe9: {  	[bflag:$0x0] =	sbarrier.arrive $0xFFFF  }
0xea: {  	s16 =	rddreg [dreg:$0x12]  }
0xeb: {  	s17 =	rddreg [dreg:$0x15]  }
0xec: {  	[hbm:s16], [sflag:s11] =	dma.local [spmem:s17], $0x2800  }
0xed: {  	_ =	swait.ge [sflag:s20], $0x2800  }
0xee: {  	[sflag:s20] =	ssyncset.done $0x0  }
0xef: {  	s18 =	rddreg [dreg:$0x13];
	[sflag:s20] =	ssyncadd.s32 $0xFFFFD800  }
0xf0: {  	[hbm:s18], [sflag:s11] =	dma.local [spmem:s13], $0x50  }
0xf1: {  	_ =	swait.ge [sflag:s20], $0x50  }
0xf2: {  	s10 =	sadd.s32 $0x1, s10;
	s19 =	rddreg [dreg:$0x14]  }
0xf3: {  	p0 =	sne.s32 s10, s19  }
.Ltmp1:
0xf4: {  	_ = 	snop;
	(pc) =	sbr.rel @p0 .LBB2_1-.Ltmp1, $3  }
0xf5: {  	_ =	sdelay $0x1  }
0xf6: {  	[sflag:s20] =	ssyncset.done $0x0  }
0xf7: {  	[sflag:s20] =	ssyncadd.s32 $0xFFFFFFB0  }
0xf8: {  	_ =	sfence.sel $0x180000  }
0xf9: {  	[bflag:$0x0] =	sbarrier.arrive $0xFFFF  }
0xfa: {  	_ =	strace $0x90000047  }
0xfb: {  	s0 =	stileid.u32;
	[bflag:$0x2] =	sbarrier.arrive $0xFFFF  }
0xfc: {  	p0 =	sne.s32 s0, $0x0;
	s0 =	rddreg [dreg:$0x5]  }
0xfd: {  	s0 =	sadd.s32 @!p0 $0x100000, s0  }
0xfe: {  	[sflag:s0] =	ssyncadd.tile.s32 @!p0 $0x1;
	_ =	shalt  }
.Lfunc_end2:
_tile_overlayer_lowered:
.L_overlay_start_2:
0xff: {  	(tag) =	ssettag $0x2  }
0x100: {  	s0 =	rddreg [dreg:$0x0];
	s2 =	stileid.u32  }
0x101: {  	s1 =	rddreg [dreg:$0x1];
	p0 =	sne.s32 s2, $0x0  }
0x102: {  	s3 =	rddreg [dreg:$0x2];
	[bflag:$0x3] =	sbarrier.arrive $0xFFFF;
	s2 =	simm.s32 @!p0 $0x1C05  }
0x103: {  	[timem:s3], [sflag:s2] =	dma.local @!p0 [hbm:s0], s1  }
0x104: {  	s0 =	simm.s32 @!p0 $0x5  }
0x105: {  	_ =	swait.ge @!p0 [sflag:s0], s1  }
0x106: {  	s1 =	ssub.s32 @!p0 $0x0, s1;
	[sflag:s0] =	ssyncset.done @!p0 $0x0  }
0x107: {  	[sflag:s0] =	ssyncadd.s32 @!p0 s1  }
0x108: {  	[bflag:$0x3] =	sbarrier.arrive $0xFFFF  }
0x109: {  	_ =	shalt  }

// kernel: kernel.18.cloned.1.call-start
scs
__scs_entry_jumppad:
0x0: {  	(pc) =	sbr.rel $0x88, $3  }
0x1: {  	(tag) =	ssettag $0x0;
	lr =	simm.s32 $0x1  }
0x2: {  	[smem:$0x3F94] =	sst lr;
	_ =	strace $0xD0000000  }
0x3: {  	_ = 	snop  }
0x4: {  	_ = 	snop  }
0x5: {  	_ = 	snop  }
0x6: {  	_ = 	snop  }
0x7: {  	_ = 	snop  }
__scs_overlays_trampoline_lowered:
0x8: {  	[smem:$0x3FA3] =	sst s0  }
0x9: {  	[smem:$0x3FA4] =	sst s1  }
0xa: {  	[smem:$0x3FA5] =	sst s2  }
0xb: {  	[smem:$0x3FA6] =	sst s3  }
0xc: {  	[smem:$0x3FA7] =	sst s4  }
0xd: {  	[smem:$0x3FA8] =	sst s5  }
0xe: {  	[smem:$0x3FA9] =	sst s6  }
0xf: {  	[smem:$0x3FAA] =	sst s7  }
0x10: {  	[smem:$0x3FAB] =	sst s8  }
0x11: {  	[smem:$0x3FAC] =	sst s9;
	s0 =	simm.s32 @!p0 $0x0  }
0x12: {  	s1 =	sld [smem:$0x3F92];
	s0 =	simm.s32 @p0 $0x1  }
0x13: {  	[smem:$0x3FAD] =	sst s0;
	s0 =	simm.s32 @!p1 $0x0  }
0x14: {  	s2 =	sld [smem:$0x3F91];
	s0 =	simm.s32 @p1 $0x1  }
0x15: {  	[smem:$0x3FAE] =	sst s0;
	s0 =	simm.s32 @!p2 $0x0  }
0x16: {  	s3 =	sld [smem:$0x3FDB];
	s0 =	simm.s32 @p2 $0x1  }
0x17: {  	s4 =	simm.s32 $0x1BF5;
	[smem:$0x3FB0] =	sst s0  }
0x18: {  	s0 =	sld [smem:$0x3F93];
	_ =	swait.ge [sflag:s4], $0x0  }
0x19: {  	s7 =	sld [smem:$0x3F94]  }
0x1a: {  	s8 =	sadd.s32 $0xFFFFE003, lr  }
0x1b: {  	s9 =	sadd.s32 $0xFFFFFEF7, lr;
	s5 =	simm.s32 $0xFFFFFFFF;
	p2 =	slt.u32 s8, $0xFFFFF086  }
0x1c: {  	p1 =	slt.u32 s9, $0xF7A;
	s5 =	simm.s32 @!p2 $0x0  }
0x1d: {  	s5 =	simm.s32 @p1 $0x1;
	p0 =	seq.s32 s7, s2  }
0x1e: {  	s7 =	smul.u32 @!p0 $0xF7A, s2;
	p2 =	seq.s32 @!p0 s5, $0x0  }
0x1f: {  	s9 =	smul.u32 $0xF7A, s1;
	s8 =	simm.s32 @!p0 $0x1BF5;
	p2 =	por !p2, p0  }
0x20: {  	[sflag:s8] =	ssyncset.s32 @!p0 $0xFFFFF086;
	s6 =	sadd.s32 @!p0 s3, s7;
	s7 =	simm.s32 @!p0 $0x108  }
0x21: {  	s3 =	sadd.s32 s3, s9;
	s6 =	sadd.s32 @!p0 $0x88, s6;
	s7 =	simm.s32 @p2 $0x1082  }
0x22: {  	[simem:s7], [sflag:s8] =	dma.local @!p0 [hbm:s6], $0xF7A  }
0x23: {  	s9 =	sor.u32 $0xD0000000, s2;
	s6 =	simm.s32 $0x108;
	_ =	swait.ge @!p0 [sflag:s8], $0x0  }
0x24: {  	s3 =	sadd.s32 $0x88, s3;
	s6 =	simm.s32 @!p1 $0x1082;
	[sflag:s4] =	ssyncset.s32 $0xFFFFF086  }
0x25: {  	[simem:s6], [sflag:s4] =	dma.local [hbm:s3], $0xF7A  }
0x26: {  	[smem:$0x3F94] =	sst s1;
	(tag) =	ssettag s2;
	_ =	strace s9  }
0x27: {  	s1 =	sld [smem:$0x3FA4]  }
0x28: {  	s2 =	sld [smem:$0x3FA5]  }
0x29: {  	s4 =	sld [smem:$0x3FA7]  }
0x2a: {  	p0 =	seq.s32 s5, $0x0;
	s5 =	sld [smem:$0x3FA8]  }
0x2b: {  	s6 =	sld [smem:$0x3FA9]  }
0x2c: {  	s7 =	sld [smem:$0x3FAA]  }
0x2d: {  	s3 =	simm.s32 $0x108;
	s8 =	sld [smem:$0x3FAB]  }
0x2e: {  	s3 =	simm.s32 @!p0 $0x1082;
	s9 =	sld [smem:$0x3FAC]  }
0x2f: {  	lr =	sadd.s32 s0, s3;
	s0 =	sld [smem:$0x3FA3]  }
0x30: {  	s3 =	sld [smem:$0x3FA6]  }
0x31: {  	[smem:$0x3FAF] =	sst s10  }
0x32: {  	s10 =	sld [smem:$0x3FAD];
	_ =	sdelay $0x3  }
0x33: {  	p0 =	seq.s32 s10, $0x1;
	s10 =	sld [smem:$0x3FAF];
	_ =	sdelay $0x3  }
0x34: {  	[smem:$0x3FAF] =	sst s10  }
0x35: {  	s10 =	sld [smem:$0x3FAE];
	_ =	sdelay $0x3  }
0x36: {  	p1 =	seq.s32 s10, $0x1;
	s10 =	sld [smem:$0x3FAF];
	_ =	sdelay $0x3  }
0x37: {  	[smem:$0x3FAF] =	sst s10  }
0x38: {  	s10 =	sld [smem:$0x3FB0]  }
0x39: {  	_ = 	snop;
	(pc) =	sbr.ind lr, $3  }
0x3a: {  	_ = 	snop  }
0x3b: {  	_ = 	snop  }
0x3c: {  	p2 =	seq.s32 s10, $0x1;
	s10 =	sld [smem:$0x3FAF]  }
0x3d: {  	_ =	shalt  }
0x3e: {  	_ =	shalt  }
0x3f: {  	_ =	shalt  }
0x40: {  	_ =	shalt  }
0x41: {  	_ =	shalt  }
0x42: {  	_ =	shalt  }
0x43: {  	_ =	shalt  }
0x44: {  	_ =	shalt  }
0x45: {  	_ =	shalt  }
0x46: {  	_ =	shalt  }
0x47: {  	_ =	shalt  }
0x48: {  	_ =	shalt  }
0x49: {  	_ =	shalt  }
0x4a: {  	_ =	shalt  }
0x4b: {  	_ =	shalt  }
0x4c: {  	_ =	shalt  }
0x4d: {  	_ =	shalt  }
0x4e: {  	_ =	shalt  }
0x4f: {  	_ =	shalt  }
0x50: {  	_ =	shalt  }
0x51: {  	_ =	shalt  }
0x52: {  	_ =	shalt  }
0x53: {  	_ =	shalt  }
0x54: {  	_ =	shalt  }
0x55: {  	_ =	shalt  }
0x56: {  	_ =	shalt  }
0x57: {  	_ =	shalt  }
0x58: {  	_ =	shalt  }
0x59: {  	_ =	shalt  }
0x5a: {  	_ =	shalt  }
0x5b: {  	_ =	shalt  }
0x5c: {  	_ =	shalt  }
0x5d: {  	_ =	shalt  }
0x5e: {  	_ =	shalt  }
0x5f: {  	_ =	shalt  }
0x60: {  	_ =	shalt  }
0x61: {  	_ =	shalt  }
0x62: {  	_ =	shalt  }
0x63: {  	_ =	shalt  }
0x64: {  	_ =	shalt  }
0x65: {  	_ =	shalt  }
0x66: {  	_ =	shalt  }
0x67: {  	_ =	shalt  }
0x68: {  	_ =	shalt  }
0x69: {  	_ =	shalt  }
0x6a: {  	_ =	shalt  }
0x6b: {  	_ =	shalt  }
0x6c: {  	_ =	shalt  }
0x6d: {  	_ =	shalt  }
0x6e: {  	_ =	shalt  }
0x6f: {  	_ =	shalt  }
0x70: {  	_ =	shalt  }
0x71: {  	_ =	shalt  }
0x72: {  	_ =	shalt  }
0x73: {  	_ =	shalt  }
0x74: {  	_ =	shalt  }
0x75: {  	_ =	shalt  }
0x76: {  	_ =	shalt  }
0x77: {  	_ =	shalt  }
0x78: {  	_ =	shalt  }
0x79: {  	_ =	shalt  }
0x7a: {  	_ =	shalt  }
0x7b: {  	_ =	shalt  }
0x7c: {  	_ =	shalt  }
0x7d: {  	_ =	shalt  }
0x7e: {  	_ =	shalt  }
0x7f: {  	_ =	shalt  }
0x80: {  	_ =	shalt  }
0x81: {  	_ =	shalt  }
0x82: {  	_ =	shalt  }
0x83: {  	_ =	shalt  }
0x84: {  	_ =	shalt  }
0x85: {  	_ =	shalt  }
0x86: {  	_ =	shalt  }
0x87: {  	_ =	shalt  }
.Lfunc_end0:
.L_simem_size_0:
called_computation.1_lowered:
.L_overlay_start_0:
0x88: {  	s2 =	sld [smem:$0x3FD9]  }
0x89: {  	s3 =	sld [smem:$0x3FFE];
	_ =	sdelay $0x1  }
0x8a: {  	s1 =	srdreg.scid  }
0x8b: {  	s0 =	sand.u32 $0x1, s1  }
0x8c: {  	s14 =	sshll.u32 s0, $0xA;
	s2 =	sadd.s32 s3, s2  }
0x8d: {  	s2 =	sadd.s32 s2, s14  }
0x8e: {  	[smem:$0x3FBB] =	sst s2  }
0x8f: {  	_ = 	snop  }
0x90: {  	s2 =	sld [smem:$0x3FD0];
	_ =	sdelay $0x2  }
0x91: {  	s15 =	simm.s32 $0xA;
	s4 =	simm.s32 $0x10  }
0x92: {  	[smem:s4], [sflag:s15] =	dma.local [hbm:s2], $0x1  }
0x93: {  	_ =	swait.eq [sflag:s15], $0x1  }
0x94: {  	[sflag:s15] =	ssyncset.done $0x0  }
0x95: {  	s16 =	sld [smem:$0x10];
	[sflag:s15] =	ssyncadd.s32 $0xFFFFFFFF  }
0x96: {  	s17 =	sld [smem:$0x11];
	(tm) =	ssettm $0x1  }
0x97: {  	s18 =	sld [smem:$0x3FFB];
	_ =	sdelay $0x3  }
0x98: {  	_ =	strace s18  }
0x99: {  	s4 =	sld [smem:$0x3FFC];
	_ =	sdelay $0x3  }
0x9a: {  	_ =	strace s4  }
0x9b: {  	s4 =	sld [smem:$0x3FFD];
	_ =	sdelay $0x3  }
0x9c: {  	_ =	strace s4  }
0x9d: {  	_ =	strace $0x8FFFFFFF  }
0x9e: {  	s19 =	sld [smem:$0x3FDB];
	_ =	sdelay $0x1  }
0x9f: {  	s5 =	simm.s32 $_scs_section_size  }
0xa0: {  	s6 =	simm.s32 $_size__tile_overlayer_lowered;
	s7 =	simm.s32 $_tile_overlayer_lowered  }
0xa1: {  	s22 =	simm.s32 $0x1BFF;
	s21 =	sshll.u32 s7, $0x1;
	s4 =	sadd.s32 s5, s19  }
0xa2: {  	s8 =	simm.s32 $0x0;
	s20 =	sshll.u32 s6, $0x1;
	s6 =	sadd.s32 s21, s4  }
0xa3: {  	[timem:s8], [sflag:s22] =	dma.local [hbm:s6], s20  }
0xa4: {  	_ =	swait.ge [sflag:s22], s20  }
0xa5: {  	s5 =	ssub.s32 $0x0, s20;
	[sflag:s22] =	ssyncset.done $0x0  }
0xa6: {  	[sflag:s22] =	ssyncadd.s32 s5;
	_ =	sdelay $0x1  }
0xa7: {  	s23 =	simm.s32 $0x1B8B  }
0xa8: {  	_ =	swait.ge [sflag:s23], $0x1  }
0xa9: {  	[sflag:s23] =	ssyncset.done $0x0  }
0xaa: {  	s25 =	simm.s32 $0x1B8E;
	s24 =	sld [smem:$0x3FFE];
	[sflag:s23] =	ssyncadd.s32 $0xFFFFFFFF  }
0xab: {  	s26 =	simm.s32 $execute0_lowered;
	[smem:$0x3FD2] =	sst s25  }
0xac: {  	s6 =	sshll.u32 s26, $0x1;
	_ =	strace $0x80000049;
	[dreg:$0x1] =	wrdreg $0xFFFFFFFF  }
0xad: {  	s28 =	simm.s32 $_size_execute0_lowered;
	s4 =	sadd.s32 s4, s6;
	[dreg:$0x0] =	wrdreg $0x0  }
0xae: {  	s6 =	sshll.u32 s28, $0x1;
	[dreg:$0x2] =	wrdreg s4  }
0xaf: {  	[dreg:$0x3] =	wrdreg s6  }
0xb0: {  	[dreg:$0x4] =	wrdreg $0xC0  }
0xb1: {  	_ =	task [dreg:s8], $0x5FFFF  }
0xb2: {  	[dreg:$0x1] =	wrdreg $0xFFFFFFFF  }
0xb3: {  	[dreg:$0x0] =	wrdreg $0x60  }
0xb4: {  	[dreg:$0x2] =	wrdreg s17  }
0xb5: {  	[dreg:$0x3] =	wrdreg s24  }
0xb6: {  	[dreg:$0x4] =	wrdreg s16  }
0xb7: {  	[dreg:$0x5] =	wrdreg $0x0  }
0xb8: {  	[dreg:$0x6] =	wrdreg $0x140000  }
0xb9: {  	[dreg:$0x7] =	wrdreg $0x9  }
0xba: {  	_ =	task.clear_ibuf [dreg:s8], $0x8FFFF;
	_ =	strace $0x90000049  }
0xbb: {  	s29 =	simm.s32 $0x9;
	_ =	strace $0x8000004B  }
0xbc: {  	_ =	swait.ge [sflag:s29], $0x1  }
0xbd: {  	[sflag:s29] =	ssyncadd.s32 $0xFFFFFFFF  }
0xbe: {  	_ =	strace $0x9000004B  }
0xbf: {  	_ =	sfence  }
0xc0: {  	s30 =	sld [smem:$0x0];
	_ =	sdelay $0x2  }
0xc1: {  	s31 =	sshll.u32 s1, $0xD;
	s1 =	sshrl.u32 s1, $0x2  }
0xc2: {  	s3 =	sand.u32 $0x4000, s31;
	s1 =	sadd.s32 s1, s30  }
0xc3: {  	s0 =	sor.u32 s3, s0;
	s1 =	sshll.u32 s1, $0x11  }
0xc4: {  	s0 =	sor.u32 s1, s0  }
0xc5: {  	s0 =	sadd.s32 $0x8F2B, s0  }
0xc6: {  	[sflag:s0] =	ssyncadd.remote.s32 $0x1  }
0xc7: {  	_ =	sfence.sel $0xFFFF  }
0xc8: {  	[dreg:$0x0] =	wrdreg $0xFFFFFFFF;
	(pc) =	sbr.abs _section_cstart, $3  }
0xc9: {  	[dreg:$0x1] =	wrdreg $0xFFFFFFFF  }
0xca: {  	_ =	task.clear_ibuf [dreg:s8], $0x2FFFF;
	_ =	strace $0x9FFFFFFF  }
0xcb: {  	(tm) =	ssettm $0x7FFFFFFF  }
tec
execute0_lowered:
.L_overlay_start_1:
0x0: {  	(tag) =	ssettag $0x1  }
0x1: {  	s1 =	rddreg [dreg:$0x0]  }
0x2: {  	s0 =	rddreg [dreg:$0x1]  }
0x3: {  	s2 =	rddreg [dreg:$0x2]  }
0x4: {  	s3 =	rddreg [dreg:$0x3]  }
0x5: {  	s4 =	rddreg [dreg:$0x4];
	s17 =	stileid.u32;
	s5 =	simm.s32 $0x0  }
0x6: {  	s6 =	srdreg.scid;
	s28 =	simm.s32 $0x14300;
	s29 =	simm.s32 $0x14400  }
0x7: {  	s30 =	simm.s32 $0x14500;
	s31 =	simm.s32 $0x1;
	s9 =	smul.u32 $0x14000, s17  }
0x8: {  	[smem:$0x7FF] =	sst s5;
	s10 =	smul.u32 $0x280, s17;
	s12 =	sand.u32 $0x1, s6  }
0x9: {  	s6 =	sadd.s32 $0x12800, s0;
	s7 =	sadd.s32 $0x1C800, s0;
	s8 =	sadd.s32 $0x8800, s0  }
0xa: {  	s21 =	sshll.u32 s17, $0x6;
	_ =	strace $0x8000004A;
	s11 =	smul.u32 $0x140000, s12  }
0xb: {  	s15 =	ssub.s32 $0x2, s12;
	s16 =	sshll.u32 s12, $0x4;
	s24 =	smul.u32 $0x2800, s12  }
0xc: {  	s12 =	smul.u32 $0x5000, s12;
	s13 =	sshrl.u32 s9, $0x3;
	s14 =	sshrl.u32 s10, $0x3  }
0xd: {  	s18 =	sshrl.u32 s15, $0x1;
	s19 =	sor.u32 s17, s16;
	s23 =	sadd.s32 s10, s4  }
0xe: {  	s16 =	smul.u32 $0x500, s17;
	s13 =	sadd.s32 s13, s0;
	s11 =	sadd.s32 s9, s11  }
0xf: {  	s14 =	sadd.s32 s14, s0;
	s15 =	ssub.s32 s15, s18;
	s9 =	sadd.s32 s9, s3  }
0x10: {  	s22 =	smul.u32 $0x50, s19;
	[dreg:$0xd] =	wrdreg s23;
	s18 =	sadd.s32 s12, s7  }
0x11: {  	s11 =	sshrl.u32 s11, $0x3;
	[dreg:$0xb] =	wrdreg s9;
	s20 =	sadd.s32 $0x26800, s13  }
0x12: {  	s9 =	smul.u32 $0x500, s19;
	s14 =	sadd.s32 $0x4E800, s14;
	[dreg:$0xc] =	wrdreg s20  }
0x13: {  	s19 =	sadd.s32 s16, s18;
	s0 =	sadd.s32 s11, s0;
	[dreg:$0xe] =	wrdreg s14  }
0x14: {  	s11 =	sor.u32 $0x1C05, s21;
	[dreg:$0x6] =	wrdreg s22;
	s14 =	sadd.s32 s10, s24  }
0x15: {  	s20 =	sadd.s32 s12, s6;
	s21 =	sadd.s32 s12, s8;
	s24 =	smax.u32 s15, $0x1  }
0x16: {  	s10 =	simm.s32 $0x0;
	s25 =	sadd.s32 s6, s9;
	[dreg:$0x14] =	wrdreg s24  }
0x17: {  	s26 =	sadd.s32 s7, s9;
	s9 =	sadd.s32 s8, s9;
	[dreg:$0xf] =	wrdreg s25  }
0x18: {  	s0 =	sadd.s32 $0x4EE00, s0;
	s17 =	sshrl.u32 s14, $0x3;
	[dreg:$0x10] =	wrdreg s26  }
0x19: {  	s23 =	sadd.s32 s16, s21;
	s21 =	simm.s32 $0x14280;
	[dreg:$0x11] =	wrdreg s9  }
0x1a: {  	s24 =	simm.s32 $0x3;
	[dreg:$0x12] =	wrdreg s0;
	s0 =	sadd.s32 s2, s17  }
0x1b: {  	s2 =	sadd.s32 s16, s20;
	s25 =	sadd.s32 $0x10, s23;
	s20 =	simm.s32 $0x5  }
0x1c: {  	s23 =	simm.s32 $0x14480;
	s26 =	simm.s32 $0x16580;
	[dreg:$0x13] =	wrdreg s0  }
0x1d: {  	s9 =	simm.s32 $0x2;
	s0 =	sadd.s32 $0x10, s19;
	[dreg:$0x9] =	wrdreg s25  }
0x1e: {  	s22 =	sadd.s32 $0x10, s2;
	[dreg:$0xa] =	wrdreg s26;
	s25 =	simm.s32 $0x80  }
0x1f: {  	s26 =	simm.s32 $0x14580;
	s2 =	simm.s32 $0x18580;
	[dreg:$0x7] =	wrdreg s0  }
0x20: {  	[dreg:$0x8] =	wrdreg s22;
	s22 =	simm.s32 $0x14380;
	s0 =	simm.s32 $0x4  }
.LBB2_1:
0x21: {  	s12 =	rddreg [dreg:$0xb]  }
0x22: {  	s14 =	rddreg [dreg:$0xc];
	s13 =	sshrl.u32 s12, $0x3  }
0x23: {  	[dreg:$0x15] =	wrdreg s13  }
0x24: {  	[spmem:s13], [sflag:s11] =	dma.local [hbm:s14], $0x2800  }
0x25: {  	_ =	swait.ge [sflag:s20], $0x2800  }
0x26: {  	[sflag:s20] =	ssyncset.done $0x0;
	s15 =	rddreg [dreg:$0xd]  }
0x27: {  	s16 =	rddreg [dreg:$0xe];
	[sflag:s20] =	ssyncadd.s32 $0xFFFFD800;
	s13 =	sshrl.u32 s15, $0x3  }
0x28: {  	[spmem:s13], [sflag:s11] =	dma.local [hbm:s16], $0x50  }
0x29: {  	_ =	swait.ge [sflag:s20], $0x50  }
0x2a: {  	[sflag:s20] =	ssyncset.done $0x0  }
0x2b: {  	[sflag:s20] =	ssyncadd.s32 $0xFFFFFFB0  }
0x2c: {  	[bflag:$0x0] =	sbarrier.arrive $0xFFFF  }
0x2d: {  	s17 =	rddreg [dreg:$0xf]  }
0x2e: {  	[tilespmem:s21], [sflag:$0x3] =	stream.linear.gather [hbm4b:s17+s5], $0x80, $0x38;
	[tilespmem:$0x1C580] =	vst v63  }
0x2f: {  	s18 =	rddreg [dreg:$0x10]  }
0x30: {  	[tilespmem:s22], [sflag:$0x3] =	stream.linear.gather [hbm4b:s18+s5], $0x80, $0x38;
	[tilespmem:$0x1C580] =	vst v63  }
0x31: {  	s19 =	rddreg [dreg:$0x11]  }
0x32: {  	[tilespmem:s23], [sflag:$0x3] =	stream.linear.gather [hbm4b:s19+s5], $0x80, $0x38;
	[tilespmem:$0x1C580] =	vst v63  }
0x33: {  	_ =	swait.ge [sflag:s24], $0x80  }
0x34: {  	[sflag:s24] =	ssyncset.done $0x0  }
0x35: {  	[sflag:s24] =	ssyncadd.s32 $0xFFFFFF80  }
0x36: {  	_ =	swait.ge [sflag:s24], $0x80  }
0x37: {  	[sflag:s24] =	ssyncset.done $0x0  }
0x38: {  	[sflag:s24] =	ssyncadd.s32 $0xFFFFFF80  }
0x39: {  	_ =	swait.ge [sflag:s24], $0x80  }
0x3a: {  	[sflag:s24] =	ssyncset.done $0x0  }
0x3b: {  	s14 =	rddreg [dreg:$0x8];
	[sflag:s24] =	ssyncadd.s32 $0xFFFFFF80  }
0x3c: {  	[tilespmem:s26], [sflag:$0x1] =	stream.indirect.gather [hbm4b:s1+s25], $0x40, s21, s25, $0xb8;
	[tilespmem:$0x1C580] =	vst v63  }
0x3d: {  	s15 =	rddreg [dreg:$0x7];
	s14 =	sadd.s32 $0x0, s14  }
0x3e: {  	[tilespmem:s28], [sflag:$0x4] =	stream.linear.gather [hbm4b:s14+s5], $0x80, $0x38;
	[tilespmem:$0x1C580] =	vst v63  }
0x3f: {  	s16 =	rddreg [dreg:$0x9];
	s12 =	sadd.s32 $0x0, s15  }
0x40: {  	[tilespmem:s29], [sflag:$0x4] =	stream.linear.gather [hbm4b:s12+s5], $0x80, $0x38;
	[tilespmem:$0x1C580] =	vst v63  }
0x41: {  	s15 =	sadd.s32 $0x0, s16  }
0x42: {  	[tilespmem:s30], [sflag:$0x4] =	stream.linear.gather [hbm4b:s15+s5], $0x80, $0x38;
	[tilespmem:$0x1C580] =	vst v63  }
0x43: {  	_ =	swait.ge [sflag:s31], $0x2000  }
0x44: {  	[sflag:s31] =	ssyncset.done $0x0  }
0x45: {  	[sflag:s31] =	ssyncadd.s32 $0xFFFFE000  }
0x46: {  	_ =	swait.ge [sflag:s0], $0x80  }
0x47: {  	[sflag:s0] =	ssyncset.done $0x0  }
0x48: {  	[sflag:s0] =	ssyncadd.s32 $0xFFFFFF80  }
0x49: {  	_ =	swait.ge [sflag:s0], $0x80  }
0x4a: {  	[sflag:s0] =	ssyncset.done $0x0  }
0x4b: {  	[sflag:s0] =	ssyncadd.s32 $0xFFFFFF80  }
0x4c: {  	_ =	swait.ge [sflag:s0], $0x80  }
0x4d: {  	[sflag:s0] =	ssyncset.done $0x0  }
0x4e: {  	s16 =	rddreg [dreg:$0xa];
	[sflag:s0] =	ssyncadd.s32 $0xFFFFFF80  }
0x4f: {  	[tilespmem:s16], [sflag:$0x2] =	stream.indirect.gather [hbm4b:s1+s25], $0x40, s28, s25, $0xb8;
	[tilespmem:$0x1C580] =	vst v63  }
0x50: {  	_ = 	snop  }
0x51: {  	[spmem:s3] =	stream.indirect.scatter.add.f32 [tilespmem:s2], [sflag:$0x5], $0x80, s22, s25, $0xb8;
	[tilespmem:$0x1C580] =	vst v63  }
0x52: {  	_ =	swait.ge [sflag:s20], $0x4000  }
0x53: {  	[sflag:s20] =	ssyncset.done $0x0  }
0x54: {  	[sflag:s20] =	ssyncadd.s32 $0xFFFFC000  }
0x55: {  	[spmem:s4] =	stream.indirect.scatter.add.f32 [tilespmem:s23], [sflag:$0x5], $0x1, s22, s25, $0xb8;
	[tilespmem:$0x1C580] =	vst v63  }
0x56: {  	p0 =	por $0x0, $0x0;
	s15 =	simm.s32 $0x2;
	_ =	swait.ge [sflag:s20], $0x80  }
0x57: {  	s15 =	simm.s32 @p0 $0x0;
	s17 =	rddreg [dreg:$0x6]  }
0x58: {  	s14 =	sadd.s32 s17, s15  }
0x59: {  	[sflag:s20] =	ssyncset.done $0x0;
	s14 =	sshll.u32 s14, $0x4  }
0x5a: {  	[sflag:s20] =	ssyncadd.s32 $0xFFFFFF80;
	s18 =	sadd.s32 s6, s14  }
0x5b: {  	[tilespmem:s21], [sflag:$0x3] =	stream.linear.gather [hbm4b:s18+s5], $0x80, $0x38;
	[tilespmem:$0x1C580] =	vst v63  }
0x5c: {  	s19 =	sadd.s32 s7, s14  }
0x5d: {  	[tilespmem:s22], [sflag:$0x3] =	stream.linear.gather [hbm4b:s19+s5], $0x80, $0x38;
	[tilespmem:$0x1C580] =	vst v63  }
0x5e: {  	s14 =	sadd.s32 s8, s14  }
0x5f: {  	[tilespmem:s23], [sflag:$0x3] =	stream.linear.gather [hbm4b:s14+s5], $0x80, $0x38;
	[tilespmem:$0x1C580] =	vst v63  }
0x60: {  	_ =	swait.ge [sflag:s9], $0x2000  }
0x61: {  	[sflag:s9] =	ssyncset.done $0x0  }
0x62: {  	[sflag:s9] =	ssyncadd.s32 $0xFFFFE000  }
0x63: {  	_ =	swait.ge [sflag:s24], $0x80  }
0x64: {  	[sflag:s24] =	ssyncset.done $0x0  }
0x65: {  	[sflag:s24] =	ssyncadd.s32 $0xFFFFFF80  }
0x66: {  	_ =	swait.ge [sflag:s24], $0x80  }
0x67: {  	[sflag:s24] =	ssyncset.done $0x0  }
0x68: {  	[sflag:s24] =	ssyncadd.s32 $0xFFFFFF80  }
0x69: {  	_ =	swait.ge [sflag:s24], $0x80  }
0x6a: {  	[sflag:s24] =	ssyncset.done $0x0  }
0x6b: {  	[sflag:s24] =	ssyncadd.s32 $0xFFFFFF80  }
0x6c: {  	[tilespmem:s26], [sflag:$0x1] =	stream.indirect.gather [hbm4b:s1+s25], $0x40, s21, s25, $0xb8;
	[tilespmem:$0x1C580] =	vst v63  }
0x6d: {  	_ = 	snop  }
0x6e: {  	[spmem:s3] =	stream.indirect.scatter.add.f32 [tilespmem:s2], [sflag:$0x5], $0x80, s29, s25, $0xb8;
	[tilespmem:$0x1C580] =	vst v63  }
0x6f: {  	_ =	swait.ge [sflag:s20], $0x4000  }
0x70: {  	[sflag:s20] =	ssyncset.done $0x0  }
0x71: {  	[sflag:s20] =	ssyncadd.s32 $0xFFFFC000  }
0x72: {  	[spmem:s4] =	stream.indirect.scatter.add.f32 [tilespmem:s30], [sflag:$0x5], $0x1, s29, s25, $0xb8;
	[tilespmem:$0x1C580] =	vst v63  }
0x73: {  	s16 =	simm.s32 $0x40;
	s15 =	simm.s32 $0x4;
	_ =	swait.ge [sflag:s20], $0x80  }
0x74: {  	s14 =	simm.s32 $0x20;
	s17 =	rddreg [dreg:$0x8];
	[sflag:s20] =	ssyncset.done $0x0  }
.LBB2_2:
0x75: {  	[sflag:s20] =	ssyncadd.s32 $0xFFFFFF80;
	s19 =	rddreg [dreg:$0x7];
	s17 =	sadd.s32 s14, s17  }
0x76: {  	[tilespmem:s28], [sflag:$0x4] =	stream.linear.gather [hbm4b:s17+s5], $0x80, $0x38;
	[tilespmem:$0x1C580] =	vst v63  }
0x77: {  	s12 =	rddreg [dreg:$0x9];
	s19 =	sadd.s32 s14, s19  }
0x78: {  	[tilespmem:s29], [sflag:$0x4] =	stream.linear.gather [hbm4b:s19+s5], $0x80, $0x38;
	[tilespmem:$0x1C580] =	vst v63  }
0x79: {  	s12 =	sadd.s32 s14, s12  }
0x7a: {  	[tilespmem:s30], [sflag:$0x4] =	stream.linear.gather [hbm4b:s12+s5], $0x80, $0x38;
	[tilespmem:$0x1C580] =	vst v63  }
0x7b: {  	_ =	swait.ge [sflag:s31], $0x2000  }
0x7c: {  	[sflag:s31] =	ssyncset.done $0x0  }
0x7d: {  	[sflag:s31] =	ssyncadd.s32 $0xFFFFE000  }
0x7e: {  	_ =	swait.ge [sflag:s0], $0x80  }
0x7f: {  	[sflag:s0] =	ssyncset.done $0x0  }
0x80: {  	[sflag:s0] =	ssyncadd.s32 $0xFFFFFF80  }
0x81: {  	_ =	swait.ge [sflag:s0], $0x80  }
0x82: {  	[sflag:s0] =	ssyncset.done $0x0  }
0x83: {  	[sflag:s0] =	ssyncadd.s32 $0xFFFFFF80  }
0x84: {  	_ =	swait.ge [sflag:s0], $0x80  }
0x85: {  	[sflag:s0] =	ssyncset.done $0x0  }
0x86: {  	s17 =	rddreg [dreg:$0xa];
	[sflag:s0] =	ssyncadd.s32 $0xFFFFFF80  }
0x87: {  	[tilespmem:s17], [sflag:$0x2] =	stream.indirect.gather [hbm4b:s1+s25], $0x40, s28, s25, $0xb8;
	[tilespmem:$0x1C580] =	vst v63  }
0x88: {  	_ = 	snop  }
0x89: {  	[spmem:s3] =	stream.indirect.scatter.add.f32 [tilespmem:s2], [sflag:$0x5], $0x80, s22, s25, $0xb8;
	[tilespmem:$0x1C580] =	vst v63  }
0x8a: {  	_ =	swait.ge [sflag:s20], $0x4000  }
0x8b: {  	[sflag:s20] =	ssyncset.done $0x0  }
0x8c: {  	[sflag:s20] =	ssyncadd.s32 $0xFFFFC000  }
0x8d: {  	[spmem:s4] =	stream.indirect.scatter.add.f32 [tilespmem:s23], [sflag:$0x5], $0x1, s22, s25, $0xb8;
	[tilespmem:$0x1C580] =	vst v63  }
0x8e: {  	p1 =	seq.s32 s14, $0x4E0;
	s17 =	smov.u32 s15;
	_ =	swait.ge [sflag:s20], $0x80  }
0x8f: {  	s17 =	simm.s32 @p1 $0x0;
	s19 =	rddreg [dreg:$0x6]  }
0x90: {  	s12 =	sadd.s32 s19, s17  }
0x91: {  	s18 =	smov.u32 s16;
	[sflag:s20] =	ssyncset.done $0x0;
	s12 =	sshll.u32 s12, $0x4  }
0x92: {  	s14 =	smov.u32 s18;
	[sflag:s20] =	ssyncadd.s32 $0xFFFFFF80;
	s18 =	sadd.s32 s6, s12  }
0x93: {  	[tilespmem:s21], [sflag:$0x3] =	stream.linear.gather [hbm4b:s18+s5], $0x80, $0x38;
	[tilespmem:$0x1C580] =	vst v63  }
0x94: {  	s19 =	sadd.s32 s7, s12  }
0x95: {  	[tilespmem:s22], [sflag:$0x3] =	stream.linear.gather [hbm4b:s19+s5], $0x80, $0x38;
	[tilespmem:$0x1C580] =	vst v63  }
0x96: {  	s12 =	sadd.s32 s8, s12  }
0x97: {  	[tilespmem:s23], [sflag:$0x3] =	stream.linear.gather [hbm4b:s12+s5], $0x80, $0x38;
	[tilespmem:$0x1C580] =	vst v63  }
0x98: {  	_ =	swait.ge [sflag:s9], $0x2000  }
0x99: {  	[sflag:s9] =	ssyncset.done $0x0  }
0x9a: {  	[sflag:s9] =	ssyncadd.s32 $0xFFFFE000  }
0x9b: {  	_ =	swait.ge [sflag:s24], $0x80  }
0x9c: {  	[sflag:s24] =	ssyncset.done $0x0  }
0x9d: {  	[sflag:s24] =	ssyncadd.s32 $0xFFFFFF80  }
0x9e: {  	_ =	swait.ge [sflag:s24], $0x80  }
0x9f: {  	[sflag:s24] =	ssyncset.done $0x0  }
0xa0: {  	[sflag:s24] =	ssyncadd.s32 $0xFFFFFF80  }
0xa1: {  	_ =	swait.ge [sflag:s24], $0x80  }
0xa2: {  	[sflag:s24] =	ssyncset.done $0x0  }
0xa3: {  	[sflag:s24] =	ssyncadd.s32 $0xFFFFFF80  }
0xa4: {  	[tilespmem:s26], [sflag:$0x1] =	stream.indirect.gather [hbm4b:s1+s25], $0x40, s21, s25, $0xb8;
	[tilespmem:$0x1C580] =	vst v63  }
0xa5: {  	_ = 	snop  }
0xa6: {  	[spmem:s3] =	stream.indirect.scatter.add.f32 [tilespmem:s2], [sflag:$0x5], $0x80, s29, s25, $0xb8;
	[tilespmem:$0x1C580] =	vst v63  }
0xa7: {  	p0 =	sne.s32 s16, $0x4E0;
	_ =	swait.ge [sflag:s20], $0x4000  }
.Ltmp0:
0xa8: {  	[sflag:s20] =	ssyncset.done $0x0;
	(pc) =	sbr.rel @p0 .LBB2_2-.Ltmp0, $4  }
0xa9: {  	[sflag:s20] =	ssyncadd.s32 $0xFFFFC000  }
0xaa: {  	[spmem:s4] =	stream.indirect.scatter.add.f32 [tilespmem:s30], [sflag:$0x5], $0x1, s29, s25, $0xb8;
	[tilespmem:$0x1C580] =	vst v63  }
0xab: {  	s16 =	sadd.s32 $0x20, s16;
	_ =	swait.ge [sflag:s20], $0x80  }
0xac: {  	s15 =	sadd.s32 $0x2, s15;
	s17 =	rddreg [dreg:$0x8];
	[sflag:s20] =	ssyncset.done $0x0  }
0xad: {  	[sflag:s20] =	ssyncadd.s32 $0xFFFFFF80;
	s12 =	rddreg [dreg:$0x7];
	s16 =	sadd.s32 s14, s17  }
0xae: {  	[tilespmem:s28], [sflag:$0x4] =	stream.linear.gather [hbm4b:s16+s5], $0x80, $0x38;
	[tilespmem:$0x1C580] =	vst v63  }
0xaf: {  	s19 =	rddreg [dreg:$0x9];
	s12 =	sadd.s32 s14, s12  }
0xb0: {  	[tilespmem:s29], [sflag:$0x4] =	stream.linear.gather [hbm4b:s12+s5], $0x80, $0x38;
	[tilespmem:$0x1C580] =	vst v63  }
0xb1: {  	s16 =	sadd.s32 s14, s19  }
0xb2: {  	[tilespmem:s30], [sflag:$0x4] =	stream.linear.gather [hbm4b:s16+s5], $0x80, $0x38;
	[tilespmem:$0x1C580] =	vst v63  }
0xb3: {  	_ =	swait.ge [sflag:s31], $0x2000  }
0xb4: {  	[sflag:s31] =	ssyncset.done $0x0  }
0xb5: {  	[sflag:s31] =	ssyncadd.s32 $0xFFFFE000  }
0xb6: {  	_ =	swait.ge [sflag:s0], $0x80  }
0xb7: {  	[sflag:s0] =	ssyncset.done $0x0  }
0xb8: {  	[sflag:s0] =	ssyncadd.s32 $0xFFFFFF80  }
0xb9: {  	_ =	swait.ge [sflag:s0], $0x80  }
0xba: {  	[sflag:s0] =	ssyncset.done $0x0  }
0xbb: {  	[sflag:s0] =	ssyncadd.s32 $0xFFFFFF80  }
0xbc: {  	_ =	swait.ge [sflag:s0], $0x80  }
0xbd: {  	[sflag:s0] =	ssyncset.done $0x0  }
0xbe: {  	s17 =	rddreg [dreg:$0xa];
	[sflag:s0] =	ssyncadd.s32 $0xFFFFFF80  }
0xbf: {  	[tilespmem:s17], [sflag:$0x2] =	stream.indirect.gather [hbm4b:s1+s25], $0x40, s28, s25, $0xb8;
	[tilespmem:$0x1C580] =	vst v63  }
0xc0: {  	_ = 	snop  }
0xc1: {  	[spmem:s3] =	stream.indirect.scatter.add.f32 [tilespmem:s2], [sflag:$0x5], $0x80, s22, s25, $0xb8;
	[tilespmem:$0x1C580] =	vst v63  }
0xc2: {  	_ =	swait.ge [sflag:s20], $0x4000  }
0xc3: {  	[sflag:s20] =	ssyncset.done $0x0  }
0xc4: {  	[sflag:s20] =	ssyncadd.s32 $0xFFFFC000  }
0xc5: {  	[spmem:s4] =	stream.indirect.scatter.add.f32 [tilespmem:s23], [sflag:$0x5], $0x1, s22, s25, $0xb8;
	[tilespmem:$0x1C580] =	vst v63  }
0xc6: {  	p0 =	seq.s32 s14, $0x4E0;
	_ =	swait.ge [sflag:s20], $0x80  }
0xc7: {  	s15 =	simm.s32 @p0 $0x0;
	s18 =	rddreg [dreg:$0x6]  }
0xc8: {  	s12 =	sadd.s32 s18, s15  }
0xc9: {  	[sflag:s20] =	ssyncset.done $0x0;
	s12 =	sshll.u32 s12, $0x4  }
0xca: {  	[sflag:s20] =	ssyncadd.s32 $0xFFFFFF80;
	s19 =	sadd.s32 s6, s12  }
0xcb: {  	[tilespmem:s21], [sflag:$0x3] =	stream.linear.gather [hbm4b:s19+s5], $0x80, $0x38;
	[tilespmem:$0x1C580] =	vst v63  }
0xcc: {  	s15 =	sadd.s32 s7, s12  }
0xcd: {  	[tilespmem:s22], [sflag:$0x3] =	stream.linear.gather [hbm4b:s15+s5], $0x80, $0x38;
	[tilespmem:$0x1C580] =	vst v63  }
0xce: {  	s12 =	sadd.s32 s8, s12  }
0xcf: {  	[tilespmem:s23], [sflag:$0x3] =	stream.linear.gather [hbm4b:s12+s5], $0x80, $0x38;
	[tilespmem:$0x1C580] =	vst v63  }
0xd0: {  	_ =	swait.ge [sflag:s9], $0x2000  }
0xd1: {  	[sflag:s9] =	ssyncset.done $0x0  }
0xd2: {  	[sflag:s9] =	ssyncadd.s32 $0xFFFFE000  }
0xd3: {  	_ =	swait.ge [sflag:s24], $0x80  }
0xd4: {  	[sflag:s24] =	ssyncset.done $0x0  }
0xd5: {  	[sflag:s24] =	ssyncadd.s32 $0xFFFFFF80  }
0xd6: {  	_ =	swait.ge [sflag:s24], $0x80  }
0xd7: {  	[sflag:s24] =	ssyncset.done $0x0  }
0xd8: {  	[sflag:s24] =	ssyncadd.s32 $0xFFFFFF80  }
0xd9: {  	_ =	swait.ge [sflag:s24], $0x80  }
0xda: {  	[sflag:s24] =	ssyncset.done $0x0  }
0xdb: {  	[sflag:s24] =	ssyncadd.s32 $0xFFFFFF80  }
0xdc: {  	[tilespmem:s26], [sflag:$0x1] =	stream.indirect.gather [hbm4b:s1+s25], $0x40, s21, s25, $0xb8;
	[tilespmem:$0x1C580] =	vst v63  }
0xdd: {  	_ = 	snop  }
0xde: {  	[spmem:s3] =	stream.indirect.scatter.add.f32 [tilespmem:s2], [sflag:$0x5], $0x80, s29, s25, $0xb8;
	[tilespmem:$0x1C580] =	vst v63  }
0xdf: {  	_ =	swait.ge [sflag:s20], $0x4000  }
0xe0: {  	[sflag:s20] =	ssyncset.done $0x0  }
0xe1: {  	[sflag:s20] =	ssyncadd.s32 $0xFFFFC000  }
0xe2: {  	[spmem:s4] =	stream.indirect.scatter.add.f32 [tilespmem:s30], [sflag:$0x5], $0x1, s29, s25, $0xb8;
	[tilespmem:$0x1C580] =	vst v63  }
0xe3: {  	_ =	swait.ge [sflag:s20], $0x80  }
0xe4: {  	[sflag:s20] =	ssyncset.done $0x0  }
0xe5: {  	[sflag:s20] =	ssyncadd.s32 $0xFFFFFF80  }
0xe6: {  	_ =	swait.ge [sflag:s31], $0x2000  }
0xe7: {  	[sflag:s31] =	ssyncset.done $0x0  }
0xe8: {  	[sflag:s31] =	ssyncadd.s32 $0xFFFFE000  }
0xe9: {  	[bflag:$0x0] =	sbarrier.arrive $0xFFFF  }
0xea: {  	s16 =	rddreg [dreg:$0x12]  }
0xeb: {  	s17 =	rddreg [dreg:$0x15]  }
0xec: {  	[hbm:s16], [sflag:s11] =	dma.local [spmem:s17], $0x2800  }
0xed: {  	_ =	swait.ge [sflag:s20], $0x2800  }
0xee: {  	[sflag:s20] =	ssyncset.done $0x0  }
0xef: {  	s18 =	rddreg [dreg:$0x13];
	[sflag:s20] =	ssyncadd.s32 $0xFFFFD800  }
0xf0: {  	[hbm:s18], [sflag:s11] =	dma.local [spmem:s13], $0x50  }
0xf1: {  	_ =	swait.ge [sflag:s20], $0x50  }
0xf2: {  	s10 =	sadd.s32 $0x1, s10;
	s19 =	rddreg [dreg:$0x14]  }
0xf3: {  	p0 =	sne.s32 s10, s19  }
.Ltmp1:
0xf4: {  	_ = 	snop;
	(pc) =	sbr.rel @p0 .LBB2_1-.Ltmp1, $3  }
0xf5: {  	_ =	sdelay $0x1  }
0xf6: {  	[sflag:s20] =	ssyncset.done $0x0  }
0xf7: {  	[sflag:s20] =	ssyncadd.s32 $0xFFFFFFB0  }
0xf8: {  	_ =	sfence.sel $0x180000  }
0xf9: {  	[bflag:$0x0] =	sbarrier.arrive $0xFFFF  }
0xfa: {  	_ =	strace $0x9000004A  }
0xfb: {  	s0 =	stileid.u32;
	[bflag:$0x2] =	sbarrier.arrive $0xFFFF  }
0xfc: {  	p0 =	sne.s32 s0, $0x0;
	s0 =	rddreg [dreg:$0x5]  }
0xfd: {  	s0 =	sadd.s32 @!p0 $0x100000, s0  }
0xfe: {  	[sflag:s0] =	ssyncadd.tile.s32 @!p0 $0x1;
	_ =	shalt  }
.Lfunc_end2:
_tile_overlayer_lowered:
.L_overlay_start_2:
0xff: {  	(tag) =	ssettag $0x2  }
0x100: {  	s0 =	rddreg [dreg:$0x0];
	s2 =	stileid.u32  }
0x101: {  	s1 =	rddreg [dreg:$0x1];
	p0 =	sne.s32 s2, $0x0  }
0x102: {  	s3 =	rddreg [dreg:$0x2];
	[bflag:$0x3] =	sbarrier.arrive $0xFFFF;
	s2 =	simm.s32 @!p0 $0x1C05  }
0x103: {  	[timem:s3], [sflag:s2] =	dma.local @!p0 [hbm:s0], s1  }
0x104: {  	s0 =	simm.s32 @!p0 $0x5  }
0x105: {  	_ =	swait.ge @!p0 [sflag:s0], s1  }
0x106: {  	s1 =	ssub.s32 @!p0 $0x0, s1;
	[sflag:s0] =	ssyncset.done @!p0 $0x0  }
0x107: {  	[sflag:s0] =	ssyncadd.s32 @!p0 s1  }
0x108: {  	[bflag:$0x3] =	sbarrier.arrive $0xFFFF  }
0x109: {  	_ =	shalt  }

// kernel: kernel.21.cloned.1.call-start
scs
__scs_entry_jumppad:
0x0: {  	(pc) =	sbr.rel $0x88, $3  }
0x1: {  	(tag) =	ssettag $0x0;
	lr =	simm.s32 $0x1  }
0x2: {  	[smem:$0x3F94] =	sst lr;
	_ =	strace $0xD0000000  }
0x3: {  	_ = 	snop  }
0x4: {  	_ = 	snop  }
0x5: {  	_ = 	snop  }
0x6: {  	_ = 	snop  }
0x7: {  	_ = 	snop  }
__scs_overlays_trampoline_lowered:
0x8: {  	[smem:$0x3FA3] =	sst s0  }
0x9: {  	[smem:$0x3FA4] =	sst s1  }
0xa: {  	[smem:$0x3FA5] =	sst s2  }
0xb: {  	[smem:$0x3FA6] =	sst s3  }
0xc: {  	[smem:$0x3FA7] =	sst s4  }
0xd: {  	[smem:$0x3FA8] =	sst s5  }
0xe: {  	[smem:$0x3FA9] =	sst s6  }
0xf: {  	[smem:$0x3FAA] =	sst s7  }
0x10: {  	[smem:$0x3FAB] =	sst s8  }
0x11: {  	[smem:$0x3FAC] =	sst s9;
	s0 =	simm.s32 @!p0 $0x0  }
0x12: {  	s1 =	sld [smem:$0x3F92];
	s0 =	simm.s32 @p0 $0x1  }
0x13: {  	[smem:$0x3FAD] =	sst s0;
	s0 =	simm.s32 @!p1 $0x0  }
0x14: {  	s2 =	sld [smem:$0x3F91];
	s0 =	simm.s32 @p1 $0x1  }
0x15: {  	[smem:$0x3FAE] =	sst s0;
	s0 =	simm.s32 @!p2 $0x0  }
0x16: {  	s3 =	sld [smem:$0x3FDB];
	s0 =	simm.s32 @p2 $0x1  }
0x17: {  	s4 =	simm.s32 $0x1BF5;
	[smem:$0x3FB0] =	sst s0  }
0x18: {  	s0 =	sld [smem:$0x3F93];
	_ =	swait.ge [sflag:s4], $0x0  }
0x19: {  	s7 =	sld [smem:$0x3F94]  }
0x1a: {  	s8 =	sadd.s32 $0xFFFFE003, lr  }
0x1b: {  	s9 =	sadd.s32 $0xFFFFFEF7, lr;
	s5 =	simm.s32 $0xFFFFFFFF;
	p2 =	slt.u32 s8, $0xFFFFF086  }
0x1c: {  	p1 =	slt.u32 s9, $0xF7A;
	s5 =	simm.s32 @!p2 $0x0  }
0x1d: {  	s5 =	simm.s32 @p1 $0x1;
	p0 =	seq.s32 s7, s2  }
0x1e: {  	s7 =	smul.u32 @!p0 $0xF7A, s2;
	p2 =	seq.s32 @!p0 s5, $0x0  }
0x1f: {  	s9 =	smul.u32 $0xF7A, s1;
	s8 =	simm.s32 @!p0 $0x1BF5;
	p2 =	por !p2, p0  }
0x20: {  	[sflag:s8] =	ssyncset.s32 @!p0 $0xFFFFF086;
	s6 =	sadd.s32 @!p0 s3, s7;
	s7 =	simm.s32 @!p0 $0x108  }
0x21: {  	s3 =	sadd.s32 s3, s9;
	s6 =	sadd.s32 @!p0 $0x88, s6;
	s7 =	simm.s32 @p2 $0x1082  }
0x22: {  	[simem:s7], [sflag:s8] =	dma.local @!p0 [hbm:s6], $0xF7A  }
0x23: {  	s9 =	sor.u32 $0xD0000000, s2;
	s6 =	simm.s32 $0x108;
	_ =	swait.ge @!p0 [sflag:s8], $0x0  }
0x24: {  	s3 =	sadd.s32 $0x88, s3;
	s6 =	simm.s32 @!p1 $0x1082;
	[sflag:s4] =	ssyncset.s32 $0xFFFFF086  }
0x25: {  	[simem:s6], [sflag:s4] =	dma.local [hbm:s3], $0xF7A  }
0x26: {  	[smem:$0x3F94] =	sst s1;
	(tag) =	ssettag s2;
	_ =	strace s9  }
0x27: {  	s1 =	sld [smem:$0x3FA4]  }
0x28: {  	s2 =	sld [smem:$0x3FA5]  }
0x29: {  	s4 =	sld [smem:$0x3FA7]  }
0x2a: {  	p0 =	seq.s32 s5, $0x0;
	s5 =	sld [smem:$0x3FA8]  }
0x2b: {  	s6 =	sld [smem:$0x3FA9]  }
0x2c: {  	s7 =	sld [smem:$0x3FAA]  }
0x2d: {  	s3 =	simm.s32 $0x108;
	s8 =	sld [smem:$0x3FAB]  }
0x2e: {  	s3 =	simm.s32 @!p0 $0x1082;
	s9 =	sld [smem:$0x3FAC]  }
0x2f: {  	lr =	sadd.s32 s0, s3;
	s0 =	sld [smem:$0x3FA3]  }
0x30: {  	s3 =	sld [smem:$0x3FA6]  }
0x31: {  	[smem:$0x3FAF] =	sst s10  }
0x32: {  	s10 =	sld [smem:$0x3FAD];
	_ =	sdelay $0x3  }
0x33: {  	p0 =	seq.s32 s10, $0x1;
	s10 =	sld [smem:$0x3FAF];
	_ =	sdelay $0x3  }
0x34: {  	[smem:$0x3FAF] =	sst s10  }
0x35: {  	s10 =	sld [smem:$0x3FAE];
	_ =	sdelay $0x3  }
0x36: {  	p1 =	seq.s32 s10, $0x1;
	s10 =	sld [smem:$0x3FAF];
	_ =	sdelay $0x3  }
0x37: {  	[smem:$0x3FAF] =	sst s10  }
0x38: {  	s10 =	sld [smem:$0x3FB0]  }
0x39: {  	_ = 	snop;
	(pc) =	sbr.ind lr, $3  }
0x3a: {  	_ = 	snop  }
0x3b: {  	_ = 	snop  }
0x3c: {  	p2 =	seq.s32 s10, $0x1;
	s10 =	sld [smem:$0x3FAF]  }
0x3d: {  	_ =	shalt  }
0x3e: {  	_ =	shalt  }
0x3f: {  	_ =	shalt  }
0x40: {  	_ =	shalt  }
0x41: {  	_ =	shalt  }
0x42: {  	_ =	shalt  }
0x43: {  	_ =	shalt  }
0x44: {  	_ =	shalt  }
0x45: {  	_ =	shalt  }
0x46: {  	_ =	shalt  }
0x47: {  	_ =	shalt  }
0x48: {  	_ =	shalt  }
0x49: {  	_ =	shalt  }
0x4a: {  	_ =	shalt  }
0x4b: {  	_ =	shalt  }
0x4c: {  	_ =	shalt  }
0x4d: {  	_ =	shalt  }
0x4e: {  	_ =	shalt  }
0x4f: {  	_ =	shalt  }
0x50: {  	_ =	shalt  }
0x51: {  	_ =	shalt  }
0x52: {  	_ =	shalt  }
0x53: {  	_ =	shalt  }
0x54: {  	_ =	shalt  }
0x55: {  	_ =	shalt  }
0x56: {  	_ =	shalt  }
0x57: {  	_ =	shalt  }
0x58: {  	_ =	shalt  }
0x59: {  	_ =	shalt  }
0x5a: {  	_ =	shalt  }
0x5b: {  	_ =	shalt  }
0x5c: {  	_ =	shalt  }
0x5d: {  	_ =	shalt  }
0x5e: {  	_ =	shalt  }
0x5f: {  	_ =	shalt  }
0x60: {  	_ =	shalt  }
0x61: {  	_ =	shalt  }
0x62: {  	_ =	shalt  }
0x63: {  	_ =	shalt  }
0x64: {  	_ =	shalt  }
0x65: {  	_ =	shalt  }
0x66: {  	_ =	shalt  }
0x67: {  	_ =	shalt  }
0x68: {  	_ =	shalt  }
0x69: {  	_ =	shalt  }
0x6a: {  	_ =	shalt  }
0x6b: {  	_ =	shalt  }
0x6c: {  	_ =	shalt  }
0x6d: {  	_ =	shalt  }
0x6e: {  	_ =	shalt  }
0x6f: {  	_ =	shalt  }
0x70: {  	_ =	shalt  }
0x71: {  	_ =	shalt  }
0x72: {  	_ =	shalt  }
0x73: {  	_ =	shalt  }
0x74: {  	_ =	shalt  }
0x75: {  	_ =	shalt  }
0x76: {  	_ =	shalt  }
0x77: {  	_ =	shalt  }
0x78: {  	_ =	shalt  }
0x79: {  	_ =	shalt  }
0x7a: {  	_ =	shalt  }
0x7b: {  	_ =	shalt  }
0x7c: {  	_ =	shalt  }
0x7d: {  	_ =	shalt  }
0x7e: {  	_ =	shalt  }
0x7f: {  	_ =	shalt  }
0x80: {  	_ =	shalt  }
0x81: {  	_ =	shalt  }
0x82: {  	_ =	shalt  }
0x83: {  	_ =	shalt  }
0x84: {  	_ =	shalt  }
0x85: {  	_ =	shalt  }
0x86: {  	_ =	shalt  }
0x87: {  	_ =	shalt  }
.Lfunc_end0:
.L_simem_size_0:
called_computation.2_lowered:
.L_overlay_start_0:
0x88: {  	s2 =	sld [smem:$0x3FD9]  }
0x89: {  	s3 =	sld [smem:$0x3FFE];
	_ =	sdelay $0x1  }
0x8a: {  	s1 =	srdreg.scid  }
0x8b: {  	s0 =	sand.u32 $0x1, s1  }
0x8c: {  	s14 =	sshll.u32 s0, $0xA;
	s2 =	sadd.s32 s3, s2  }
0x8d: {  	s2 =	sadd.s32 s2, s14  }
0x8e: {  	[smem:$0x3FBB] =	sst s2  }
0x8f: {  	_ = 	snop  }
0x90: {  	s2 =	sld [smem:$0x3FD0];
	_ =	sdelay $0x2  }
0x91: {  	s15 =	simm.s32 $0xA;
	s4 =	simm.s32 $0x10  }
0x92: {  	[smem:s4], [sflag:s15] =	dma.local [hbm:s2], $0x1  }
0x93: {  	_ =	swait.eq [sflag:s15], $0x1  }
0x94: {  	[sflag:s15] =	ssyncset.done $0x0  }
0x95: {  	s16 =	sld [smem:$0x10];
	[sflag:s15] =	ssyncadd.s32 $0xFFFFFFFF  }
0x96: {  	s17 =	sld [smem:$0x11];
	(tm) =	ssettm $0x1  }
0x97: {  	s18 =	sld [smem:$0x3FFB];
	_ =	sdelay $0x3  }
0x98: {  	_ =	strace s18  }
0x99: {  	s4 =	sld [smem:$0x3FFC];
	_ =	sdelay $0x3  }
0x9a: {  	_ =	strace s4  }
0x9b: {  	s4 =	sld [smem:$0x3FFD];
	_ =	sdelay $0x3  }
0x9c: {  	_ =	strace s4  }
0x9d: {  	_ =	strace $0x8FFFFFFF  }
0x9e: {  	s19 =	sld [smem:$0x3FDB];
	_ =	sdelay $0x1  }
0x9f: {  	s5 =	simm.s32 $_scs_section_size  }
0xa0: {  	s6 =	simm.s32 $_size__tile_overlayer_lowered;
	s7 =	simm.s32 $_tile_overlayer_lowered  }
0xa1: {  	s22 =	simm.s32 $0x1BFF;
	s21 =	sshll.u32 s7, $0x1;
	s4 =	sadd.s32 s5, s19  }
0xa2: {  	s8 =	simm.s32 $0x0;
	s20 =	sshll.u32 s6, $0x1;
	s6 =	sadd.s32 s21, s4  }
0xa3: {  	[timem:s8], [sflag:s22] =	dma.local [hbm:s6], s20  }
0xa4: {  	_ =	swait.ge [sflag:s22], s20  }
0xa5: {  	s5 =	ssub.s32 $0x0, s20;
	[sflag:s22] =	ssyncset.done $0x0  }
0xa6: {  	[sflag:s22] =	ssyncadd.s32 s5;
	_ =	sdelay $0x1  }
0xa7: {  	s23 =	simm.s32 $0x1B8B  }
0xa8: {  	_ =	swait.ge [sflag:s23], $0x1  }
0xa9: {  	[sflag:s23] =	ssyncset.done $0x0  }
0xaa: {  	s25 =	simm.s32 $0x1B8E;
	s24 =	sld [smem:$0x3FFE];
	[sflag:s23] =	ssyncadd.s32 $0xFFFFFFFF  }
0xab: {  	s26 =	simm.s32 $execute0_lowered;
	[smem:$0x3FD2] =	sst s25  }
0xac: {  	s6 =	sshll.u32 s26, $0x1;
	_ =	strace $0x8000004C;
	[dreg:$0x1] =	wrdreg $0xFFFFFFFF  }
0xad: {  	s28 =	simm.s32 $_size_execute0_lowered;
	s4 =	sadd.s32 s4, s6;
	[dreg:$0x0] =	wrdreg $0x0  }
0xae: {  	s6 =	sshll.u32 s28, $0x1;
	[dreg:$0x2] =	wrdreg s4  }
0xaf: {  	[dreg:$0x3] =	wrdreg s6  }
0xb0: {  	[dreg:$0x4] =	wrdreg $0xC0  }
0xb1: {  	_ =	task [dreg:s8], $0x5FFFF  }
0xb2: {  	[dreg:$0x1] =	wrdreg $0xFFFFFFFF  }
0xb3: {  	[dreg:$0x0] =	wrdreg $0x60  }
0xb4: {  	[dreg:$0x2] =	wrdreg s17  }
0xb5: {  	[dreg:$0x3] =	wrdreg s24  }
0xb6: {  	[dreg:$0x4] =	wrdreg s16  }
0xb7: {  	[dreg:$0x5] =	wrdreg $0x0  }
0xb8: {  	[dreg:$0x6] =	wrdreg $0x140000  }
0xb9: {  	[dreg:$0x7] =	wrdreg $0x9  }
0xba: {  	_ =	task.clear_ibuf [dreg:s8], $0x8FFFF;
	_ =	strace $0x9000004C  }
0xbb: {  	s29 =	simm.s32 $0x9;
	_ =	strace $0x8000004E  }
0xbc: {  	_ =	swait.ge [sflag:s29], $0x1  }
0xbd: {  	[sflag:s29] =	ssyncadd.s32 $0xFFFFFFFF  }
0xbe: {  	_ =	strace $0x9000004E  }
0xbf: {  	_ =	sfence  }
0xc0: {  	s30 =	sld [smem:$0x0];
	_ =	sdelay $0x2  }
0xc1: {  	s31 =	sshll.u32 s1, $0xD;
	s1 =	sshrl.u32 s1, $0x2  }
0xc2: {  	s3 =	sand.u32 $0x4000, s31;
	s1 =	sadd.s32 s1, s30  }
0xc3: {  	s0 =	sor.u32 s3, s0;
	s1 =	sshll.u32 s1, $0x11  }
0xc4: {  	s0 =	sor.u32 s1, s0  }
0xc5: {  	s0 =	sadd.s32 $0x8F2B, s0  }
0xc6: {  	[sflag:s0] =	ssyncadd.remote.s32 $0x1  }
0xc7: {  	_ =	sfence.sel $0xFFFF  }
0xc8: {  	[dreg:$0x0] =	wrdreg $0xFFFFFFFF;
	(pc) =	sbr.abs _section_cstart, $3  }
0xc9: {  	[dreg:$0x1] =	wrdreg $0xFFFFFFFF  }
0xca: {  	_ =	task.clear_ibuf [dreg:s8], $0x2FFFF;
	_ =	strace $0x9FFFFFFF  }
0xcb: {  	(tm) =	ssettm $0x7FFFFFFF  }
tec
execute0_lowered:
.L_overlay_start_1:
0x0: {  	(tag) =	ssettag $0x1  }
0x1: {  	s1 =	rddreg [dreg:$0x0]  }
0x2: {  	s0 =	rddreg [dreg:$0x1]  }
0x3: {  	s2 =	rddreg [dreg:$0x2]  }
0x4: {  	s3 =	rddreg [dreg:$0x3]  }
0x5: {  	s4 =	rddreg [dreg:$0x4];
	s17 =	stileid.u32;
	s5 =	simm.s32 $0x0  }
0x6: {  	s6 =	srdreg.scid;
	s28 =	simm.s32 $0x14300;
	s29 =	simm.s32 $0x14400  }
0x7: {  	s30 =	simm.s32 $0x14500;
	s31 =	simm.s32 $0x1;
	s9 =	smul.u32 $0x14000, s17  }
0x8: {  	[smem:$0x7FF] =	sst s5;
	s10 =	smul.u32 $0x280, s17;
	s12 =	sand.u32 $0x1, s6  }
0x9: {  	s6 =	sadd.s32 $0xB2E00, s0;
	s7 =	sadd.s32 $0xA8E00, s0;
	s8 =	sadd.s32 $0x9EE00, s0  }
0xa: {  	s21 =	sshll.u32 s17, $0x6;
	_ =	strace $0x8000004D;
	s11 =	smul.u32 $0x140000, s12  }
0xb: {  	s15 =	ssub.s32 $0x2, s12;
	s16 =	sshll.u32 s12, $0x4;
	s24 =	smul.u32 $0x2800, s12  }
0xc: {  	s12 =	smul.u32 $0x5000, s12;
	s13 =	sshrl.u32 s9, $0x3;
	s14 =	sshrl.u32 s10, $0x3  }
0xd: {  	s18 =	sshrl.u32 s15, $0x1;
	s19 =	sor.u32 s17, s16;
	s23 =	sadd.s32 s10, s4  }
0xe: {  	s16 =	smul.u32 $0x500, s17;
	s13 =	sadd.s32 s13, s0;
	s11 =	sadd.s32 s9, s11  }
0xf: {  	s14 =	sadd.s32 s14, s0;
	s15 =	ssub.s32 s15, s18;
	s9 =	sadd.s32 s9, s3  }
0x10: {  	s22 =	smul.u32 $0x50, s19;
	[dreg:$0xd] =	wrdreg s23;
	s18 =	sadd.s32 s12, s7  }
0x11: {  	s11 =	sshrl.u32 s11, $0x3;
	[dreg:$0xb] =	wrdreg s9;
	s20 =	sadd.s32 $0x26800, s13  }
0x12: {  	s9 =	smul.u32 $0x500, s19;
	s14 =	sadd.s32 $0x4E800, s14;
	[dreg:$0xc] =	wrdreg s20  }
0x13: {  	s19 =	sadd.s32 s16, s18;
	s0 =	sadd.s32 s11, s0;
	[dreg:$0xe] =	wrdreg s14  }
0x14: {  	s11 =	sor.u32 $0x1C05, s21;
	[dreg:$0x6] =	wrdreg s22;
	s14 =	sadd.s32 s10, s24  }
0x15: {  	s20 =	sadd.s32 s12, s6;
	s21 =	sadd.s32 s12, s8;
	s24 =	smax.u32 s15, $0x1  }
0x16: {  	s10 =	simm.s32 $0x0;
	s25 =	sadd.s32 s6, s9;
	[dreg:$0x14] =	wrdreg s24  }
0x17: {  	s26 =	sadd.s32 s7, s9;
	s9 =	sadd.s32 s8, s9;
	[dreg:$0xf] =	wrdreg s25  }
0x18: {  	s0 =	sadd.s32 $0x4EE00, s0;
	s17 =	sshrl.u32 s14, $0x3;
	[dreg:$0x10] =	wrdreg s26  }
0x19: {  	s23 =	sadd.s32 s16, s21;
	s21 =	simm.s32 $0x14280;
	[dreg:$0x11] =	wrdreg s9  }
0x1a: {  	s24 =	simm.s32 $0x3;
	[dreg:$0x12] =	wrdreg s0;
	s0 =	sadd.s32 s2, s17  }
0x1b: {  	s2 =	sadd.s32 s16, s20;
	s25 =	sadd.s32 $0x10, s23;
	s20 =	simm.s32 $0x5  }
0x1c: {  	s23 =	simm.s32 $0x14480;
	s26 =	simm.s32 $0x16580;
	[dreg:$0x13] =	wrdreg s0  }
0x1d: {  	s9 =	simm.s32 $0x2;
	s0 =	sadd.s32 $0x10, s19;
	[dreg:$0x9] =	wrdreg s25  }
0x1e: {  	s22 =	sadd.s32 $0x10, s2;
	[dreg:$0xa] =	wrdreg s26;
	s25 =	simm.s32 $0x80  }
0x1f: {  	s26 =	simm.s32 $0x14580;
	s2 =	simm.s32 $0x18580;
	[dreg:$0x7] =	wrdreg s0  }
0x20: {  	[dreg:$0x8] =	wrdreg s22;
	s22 =	simm.s32 $0x14380;
	s0 =	simm.s32 $0x4  }
.LBB2_1:
0x21: {  	s12 =	rddreg [dreg:$0xb]  }
0x22: {  	s14 =	rddreg [dreg:$0xc];
	s13 =	sshrl.u32 s12, $0x3  }
0x23: {  	[dreg:$0x15] =	wrdreg s13  }
0x24: {  	[spmem:s13], [sflag:s11] =	dma.local [hbm:s14], $0x2800  }
0x25: {  	_ =	swait.ge [sflag:s20], $0x2800  }
0x26: {  	[sflag:s20] =	ssyncset.done $0x0;
	s15 =	rddreg [dreg:$0xd]  }
0x27: {  	s16 =	rddreg [dreg:$0xe];
	[sflag:s20] =	ssyncadd.s32 $0xFFFFD800;
	s13 =	sshrl.u32 s15, $0x3  }
0x28: {  	[spmem:s13], [sflag:s11] =	dma.local [hbm:s16], $0x50  }
0x29: {  	_ =	swait.ge [sflag:s20], $0x50  }
0x2a: {  	[sflag:s20] =	ssyncset.done $0x0  }
0x2b: {  	[sflag:s20] =	ssyncadd.s32 $0xFFFFFFB0  }
0x2c: {  	[bflag:$0x0] =	sbarrier.arrive $0xFFFF  }
0x2d: {  	s17 =	rddreg [dreg:$0xf]  }
0x2e: {  	[tilespmem:s21], [sflag:$0x3] =	stream.linear.gather [hbm4b:s17+s5], $0x80, $0x38;
	[tilespmem:$0x1C580] =	vst v63  }
0x2f: {  	s18 =	rddreg [dreg:$0x10]  }
0x30: {  	[tilespmem:s22], [sflag:$0x3] =	stream.linear.gather [hbm4b:s18+s5], $0x80, $0x38;
	[tilespmem:$0x1C580] =	vst v63  }
0x31: {  	s19 =	rddreg [dreg:$0x11]  }
0x32: {  	[tilespmem:s23], [sflag:$0x3] =	stream.linear.gather [hbm4b:s19+s5], $0x80, $0x38;
	[tilespmem:$0x1C580] =	vst v63  }
0x33: {  	_ =	swait.ge [sflag:s24], $0x80  }
0x34: {  	[sflag:s24] =	ssyncset.done $0x0  }
0x35: {  	[sflag:s24] =	ssyncadd.s32 $0xFFFFFF80  }
0x36: {  	_ =	swait.ge [sflag:s24], $0x80  }
0x37: {  	[sflag:s24] =	ssyncset.done $0x0  }
0x38: {  	[sflag:s24] =	ssyncadd.s32 $0xFFFFFF80  }
0x39: {  	_ =	swait.ge [sflag:s24], $0x80  }
0x3a: {  	[sflag:s24] =	ssyncset.done $0x0  }
0x3b: {  	s14 =	rddreg [dreg:$0x8];
	[sflag:s24] =	ssyncadd.s32 $0xFFFFFF80  }
0x3c: {  	[tilespmem:s26], [sflag:$0x1] =	stream.indirect.gather [hbm4b:s1+s25], $0x40, s21, s25, $0xb8;
	[tilespmem:$0x1C580] =	vst v63  }
0x3d: {  	s15 =	rddreg [dreg:$0x7];
	s14 =	sadd.s32 $0x0, s14  }
0x3e: {  	[tilespmem:s28], [sflag:$0x4] =	stream.linear.gather [hbm4b:s14+s5], $0x80, $0x38;
	[tilespmem:$0x1C580] =	vst v63  }
0x3f: {  	s16 =	rddreg [dreg:$0x9];
	s12 =	sadd.s32 $0x0, s15  }
0x40: {  	[tilespmem:s29], [sflag:$0x4] =	stream.linear.gather [hbm4b:s12+s5], $0x80, $0x38;
	[tilespmem:$0x1C580] =	vst v63  }
0x41: {  	s15 =	sadd.s32 $0x0, s16  }
0x42: {  	[tilespmem:s30], [sflag:$0x4] =	stream.linear.gather [hbm4b:s15+s5], $0x80, $0x38;
	[tilespmem:$0x1C580] =	vst v63  }
0x43: {  	_ =	swait.ge [sflag:s31], $0x2000  }
0x44: {  	[sflag:s31] =	ssyncset.done $0x0  }
0x45: {  	[sflag:s31] =	ssyncadd.s32 $0xFFFFE000  }
0x46: {  	_ =	swait.ge [sflag:s0], $0x80  }
0x47: {  	[sflag:s0] =	ssyncset.done $0x0  }
0x48: {  	[sflag:s0] =	ssyncadd.s32 $0xFFFFFF80  }
0x49: {  	_ =	swait.ge [sflag:s0], $0x80  }
0x4a: {  	[sflag:s0] =	ssyncset.done $0x0  }
0x4b: {  	[sflag:s0] =	ssyncadd.s32 $0xFFFFFF80  }
0x4c: {  	_ =	swait.ge [sflag:s0], $0x80  }
0x4d: {  	[sflag:s0] =	ssyncset.done $0x0  }
0x4e: {  	s16 =	rddreg [dreg:$0xa];
	[sflag:s0] =	ssyncadd.s32 $0xFFFFFF80  }
0x4f: {  	[tilespmem:s16], [sflag:$0x2] =	stream.indirect.gather [hbm4b:s1+s25], $0x40, s28, s25, $0xb8;
	[tilespmem:$0x1C580] =	vst v63  }
0x50: {  	_ = 	snop  }
0x51: {  	[spmem:s3] =	stream.indirect.scatter.add.f32 [tilespmem:s2], [sflag:$0x5], $0x80, s22, s25, $0xb8;
	[tilespmem:$0x1C580] =	vst v63  }
0x52: {  	_ =	swait.ge [sflag:s20], $0x4000  }
0x53: {  	[sflag:s20] =	ssyncset.done $0x0  }
0x54: {  	[sflag:s20] =	ssyncadd.s32 $0xFFFFC000  }
0x55: {  	[spmem:s4] =	stream.indirect.scatter.add.f32 [tilespmem:s23], [sflag:$0x5], $0x1, s22, s25, $0xb8;
	[tilespmem:$0x1C580] =	vst v63  }
0x56: {  	p0 =	por $0x0, $0x0;
	s15 =	simm.s32 $0x2;
	_ =	swait.ge [sflag:s20], $0x80  }
0x57: {  	s15 =	simm.s32 @p0 $0x0;
	s17 =	rddreg [dreg:$0x6]  }
0x58: {  	s14 =	sadd.s32 s17, s15  }
0x59: {  	[sflag:s20] =	ssyncset.done $0x0;
	s14 =	sshll.u32 s14, $0x4  }
0x5a: {  	[sflag:s20] =	ssyncadd.s32 $0xFFFFFF80;
	s18 =	sadd.s32 s6, s14  }
0x5b: {  	[tilespmem:s21], [sflag:$0x3] =	stream.linear.gather [hbm4b:s18+s5], $0x80, $0x38;
	[tilespmem:$0x1C580] =	vst v63  }
0x5c: {  	s19 =	sadd.s32 s7, s14  }
0x5d: {  	[tilespmem:s22], [sflag:$0x3] =	stream.linear.gather [hbm4b:s19+s5], $0x80, $0x38;
	[tilespmem:$0x1C580] =	vst v63  }
0x5e: {  	s14 =	sadd.s32 s8, s14  }
0x5f: {  	[tilespmem:s23], [sflag:$0x3] =	stream.linear.gather [hbm4b:s14+s5], $0x80, $0x38;
	[tilespmem:$0x1C580] =	vst v63  }
0x60: {  	_ =	swait.ge [sflag:s9], $0x2000  }
0x61: {  	[sflag:s9] =	ssyncset.done $0x0  }
0x62: {  	[sflag:s9] =	ssyncadd.s32 $0xFFFFE000  }
0x63: {  	_ =	swait.ge [sflag:s24], $0x80  }
0x64: {  	[sflag:s24] =	ssyncset.done $0x0  }
0x65: {  	[sflag:s24] =	ssyncadd.s32 $0xFFFFFF80  }
0x66: {  	_ =	swait.ge [sflag:s24], $0x80  }
0x67: {  	[sflag:s24] =	ssyncset.done $0x0  }
0x68: {  	[sflag:s24] =	ssyncadd.s32 $0xFFFFFF80  }
0x69: {  	_ =	swait.ge [sflag:s24], $0x80  }
0x6a: {  	[sflag:s24] =	ssyncset.done $0x0  }
0x6b: {  	[sflag:s24] =	ssyncadd.s32 $0xFFFFFF80  }
0x6c: {  	[tilespmem:s26], [sflag:$0x1] =	stream.indirect.gather [hbm4b:s1+s25], $0x40, s21, s25, $0xb8;
	[tilespmem:$0x1C580] =	vst v63  }
0x6d: {  	_ = 	snop  }
0x6e: {  	[spmem:s3] =	stream.indirect.scatter.add.f32 [tilespmem:s2], [sflag:$0x5], $0x80, s29, s25, $0xb8;
	[tilespmem:$0x1C580] =	vst v63  }
0x6f: {  	_ =	swait.ge [sflag:s20], $0x4000  }
0x70: {  	[sflag:s20] =	ssyncset.done $0x0  }
0x71: {  	[sflag:s20] =	ssyncadd.s32 $0xFFFFC000  }
0x72: {  	[spmem:s4] =	stream.indirect.scatter.add.f32 [tilespmem:s30], [sflag:$0x5], $0x1, s29, s25, $0xb8;
	[tilespmem:$0x1C580] =	vst v63  }
0x73: {  	s16 =	simm.s32 $0x40;
	s15 =	simm.s32 $0x4;
	_ =	swait.ge [sflag:s20], $0x80  }
0x74: {  	s14 =	simm.s32 $0x20;
	s17 =	rddreg [dreg:$0x8];
	[sflag:s20] =	ssyncset.done $0x0  }
.LBB2_2:
0x75: {  	[sflag:s20] =	ssyncadd.s32 $0xFFFFFF80;
	s19 =	rddreg [dreg:$0x7];
	s17 =	sadd.s32 s14, s17  }
0x76: {  	[tilespmem:s28], [sflag:$0x4] =	stream.linear.gather [hbm4b:s17+s5], $0x80, $0x38;
	[tilespmem:$0x1C580] =	vst v63  }
0x77: {  	s12 =	rddreg [dreg:$0x9];
	s19 =	sadd.s32 s14, s19  }
0x78: {  	[tilespmem:s29], [sflag:$0x4] =	stream.linear.gather [hbm4b:s19+s5], $0x80, $0x38;
	[tilespmem:$0x1C580] =	vst v63  }
0x79: {  	s12 =	sadd.s32 s14, s12  }
0x7a: {  	[tilespmem:s30], [sflag:$0x4] =	stream.linear.gather [hbm4b:s12+s5], $0x80, $0x38;
	[tilespmem:$0x1C580] =	vst v63  }
0x7b: {  	_ =	swait.ge [sflag:s31], $0x2000  }
0x7c: {  	[sflag:s31] =	ssyncset.done $0x0  }
0x7d: {  	[sflag:s31] =	ssyncadd.s32 $0xFFFFE000  }
0x7e: {  	_ =	swait.ge [sflag:s0], $0x80  }
0x7f: {  	[sflag:s0] =	ssyncset.done $0x0  }
0x80: {  	[sflag:s0] =	ssyncadd.s32 $0xFFFFFF80  }
0x81: {  	_ =	swait.ge [sflag:s0], $0x80  }
0x82: {  	[sflag:s0] =	ssyncset.done $0x0  }
0x83: {  	[sflag:s0] =	ssyncadd.s32 $0xFFFFFF80  }
0x84: {  	_ =	swait.ge [sflag:s0], $0x80  }
0x85: {  	[sflag:s0] =	ssyncset.done $0x0  }
0x86: {  	s17 =	rddreg [dreg:$0xa];
	[sflag:s0] =	ssyncadd.s32 $0xFFFFFF80  }
0x87: {  	[tilespmem:s17], [sflag:$0x2] =	stream.indirect.gather [hbm4b:s1+s25], $0x40, s28, s25, $0xb8;
	[tilespmem:$0x1C580] =	vst v63  }
0x88: {  	_ = 	snop  }
0x89: {  	[spmem:s3] =	stream.indirect.scatter.add.f32 [tilespmem:s2], [sflag:$0x5], $0x80, s22, s25, $0xb8;
	[tilespmem:$0x1C580] =	vst v63  }
0x8a: {  	_ =	swait.ge [sflag:s20], $0x4000  }
0x8b: {  	[sflag:s20] =	ssyncset.done $0x0  }
0x8c: {  	[sflag:s20] =	ssyncadd.s32 $0xFFFFC000  }
0x8d: {  	[spmem:s4] =	stream.indirect.scatter.add.f32 [tilespmem:s23], [sflag:$0x5], $0x1, s22, s25, $0xb8;
	[tilespmem:$0x1C580] =	vst v63  }
0x8e: {  	p1 =	seq.s32 s14, $0x4E0;
	s17 =	smov.u32 s15;
	_ =	swait.ge [sflag:s20], $0x80  }
0x8f: {  	s17 =	simm.s32 @p1 $0x0;
	s19 =	rddreg [dreg:$0x6]  }
0x90: {  	s12 =	sadd.s32 s19, s17  }
0x91: {  	s18 =	smov.u32 s16;
	[sflag:s20] =	ssyncset.done $0x0;
	s12 =	sshll.u32 s12, $0x4  }
0x92: {  	s14 =	smov.u32 s18;
	[sflag:s20] =	ssyncadd.s32 $0xFFFFFF80;
	s18 =	sadd.s32 s6, s12  }
0x93: {  	[tilespmem:s21], [sflag:$0x3] =	stream.linear.gather [hbm4b:s18+s5], $0x80, $0x38;
	[tilespmem:$0x1C580] =	vst v63  }
0x94: {  	s19 =	sadd.s32 s7, s12  }
0x95: {  	[tilespmem:s22], [sflag:$0x3] =	stream.linear.gather [hbm4b:s19+s5], $0x80, $0x38;
	[tilespmem:$0x1C580] =	vst v63  }
0x96: {  	s12 =	sadd.s32 s8, s12  }
0x97: {  	[tilespmem:s23], [sflag:$0x3] =	stream.linear.gather [hbm4b:s12+s5], $0x80, $0x38;
	[tilespmem:$0x1C580] =	vst v63  }
0x98: {  	_ =	swait.ge [sflag:s9], $0x2000  }
0x99: {  	[sflag:s9] =	ssyncset.done $0x0  }
0x9a: {  	[sflag:s9] =	ssyncadd.s32 $0xFFFFE000  }
0x9b: {  	_ =	swait.ge [sflag:s24], $0x80  }
0x9c: {  	[sflag:s24] =	ssyncset.done $0x0  }
0x9d: {  	[sflag:s24] =	ssyncadd.s32 $0xFFFFFF80  }
0x9e: {  	_ =	swait.ge [sflag:s24], $0x80  }
0x9f: {  	[sflag:s24] =	ssyncset.done $0x0  }
0xa0: {  	[sflag:s24] =	ssyncadd.s32 $0xFFFFFF80  }
0xa1: {  	_ =	swait.ge [sflag:s24], $0x80  }
0xa2: {  	[sflag:s24] =	ssyncset.done $0x0  }
0xa3: {  	[sflag:s24] =	ssyncadd.s32 $0xFFFFFF80  }
0xa4: {  	[tilespmem:s26], [sflag:$0x1] =	stream.indirect.gather [hbm4b:s1+s25], $0x40, s21, s25, $0xb8;
	[tilespmem:$0x1C580] =	vst v63  }
0xa5: {  	_ = 	snop  }
0xa6: {  	[spmem:s3] =	stream.indirect.scatter.add.f32 [tilespmem:s2], [sflag:$0x5], $0x80, s29, s25, $0xb8;
	[tilespmem:$0x1C580] =	vst v63  }
0xa7: {  	p0 =	sne.s32 s16, $0x4E0;
	_ =	swait.ge [sflag:s20], $0x4000  }
.Ltmp0:
0xa8: {  	[sflag:s20] =	ssyncset.done $0x0;
	(pc) =	sbr.rel @p0 .LBB2_2-.Ltmp0, $4  }
0xa9: {  	[sflag:s20] =	ssyncadd.s32 $0xFFFFC000  }
0xaa: {  	[spmem:s4] =	stream.indirect.scatter.add.f32 [tilespmem:s30], [sflag:$0x5], $0x1, s29, s25, $0xb8;
	[tilespmem:$0x1C580] =	vst v63  }
0xab: {  	s16 =	sadd.s32 $0x20, s16;
	_ =	swait.ge [sflag:s20], $0x80  }
0xac: {  	s15 =	sadd.s32 $0x2, s15;
	s17 =	rddreg [dreg:$0x8];
	[sflag:s20] =	ssyncset.done $0x0  }
0xad: {  	[sflag:s20] =	ssyncadd.s32 $0xFFFFFF80;
	s12 =	rddreg [dreg:$0x7];
	s16 =	sadd.s32 s14, s17  }
0xae: {  	[tilespmem:s28], [sflag:$0x4] =	stream.linear.gather [hbm4b:s16+s5], $0x80, $0x38;
	[tilespmem:$0x1C580] =	vst v63  }
0xaf: {  	s19 =	rddreg [dreg:$0x9];
	s12 =	sadd.s32 s14, s12  }
0xb0: {  	[tilespmem:s29], [sflag:$0x4] =	stream.linear.gather [hbm4b:s12+s5], $0x80, $0x38;
	[tilespmem:$0x1C580] =	vst v63  }
0xb1: {  	s16 =	sadd.s32 s14, s19  }
0xb2: {  	[tilespmem:s30], [sflag:$0x4] =	stream.linear.gather [hbm4b:s16+s5], $0x80, $0x38;
	[tilespmem:$0x1C580] =	vst v63  }
0xb3: {  	_ =	swait.ge [sflag:s31], $0x2000  }
0xb4: {  	[sflag:s31] =	ssyncset.done $0x0  }
0xb5: {  	[sflag:s31] =	ssyncadd.s32 $0xFFFFE000  }
0xb6: {  	_ =	swait.ge [sflag:s0], $0x80  }
0xb7: {  	[sflag:s0] =	ssyncset.done $0x0  }
0xb8: {  	[sflag:s0] =	ssyncadd.s32 $0xFFFFFF80  }
0xb9: {  	_ =	swait.ge [sflag:s0], $0x80  }
0xba: {  	[sflag:s0] =	ssyncset.done $0x0  }
0xbb: {  	[sflag:s0] =	ssyncadd.s32 $0xFFFFFF80  }
0xbc: {  	_ =	swait.ge [sflag:s0], $0x80  }
0xbd: {  	[sflag:s0] =	ssyncset.done $0x0  }
0xbe: {  	s17 =	rddreg [dreg:$0xa];
	[sflag:s0] =	ssyncadd.s32 $0xFFFFFF80  }
0xbf: {  	[tilespmem:s17], [sflag:$0x2] =	stream.indirect.gather [hbm4b:s1+s25], $0x40, s28, s25, $0xb8;
	[tilespmem:$0x1C580] =	vst v63  }
0xc0: {  	_ = 	snop  }
0xc1: {  	[spmem:s3] =	stream.indirect.scatter.add.f32 [tilespmem:s2], [sflag:$0x5], $0x80, s22, s25, $0xb8;
	[tilespmem:$0x1C580] =	vst v63  }
0xc2: {  	_ =	swait.ge [sflag:s20], $0x4000  }
0xc3: {  	[sflag:s20] =	ssyncset.done $0x0  }
0xc4: {  	[sflag:s20] =	ssyncadd.s32 $0xFFFFC000  }
0xc5: {  	[spmem:s4] =	stream.indirect.scatter.add.f32 [tilespmem:s23], [sflag:$0x5], $0x1, s22, s25, $0xb8;
	[tilespmem:$0x1C580] =	vst v63  }
0xc6: {  	p0 =	seq.s32 s14, $0x4E0;
	_ =	swait.ge [sflag:s20], $0x80  }
0xc7: {  	s15 =	simm.s32 @p0 $0x0;
	s18 =	rddreg [dreg:$0x6]  }
0xc8: {  	s12 =	sadd.s32 s18, s15  }
0xc9: {  	[sflag:s20] =	ssyncset.done $0x0;
	s12 =	sshll.u32 s12, $0x4  }
0xca: {  	[sflag:s20] =	ssyncadd.s32 $0xFFFFFF80;
	s19 =	sadd.s32 s6, s12  }
0xcb: {  	[tilespmem:s21], [sflag:$0x3] =	stream.linear.gather [hbm4b:s19+s5], $0x80, $0x38;
	[tilespmem:$0x1C580] =	vst v63  }
0xcc: {  	s15 =	sadd.s32 s7, s12  }
0xcd: {  	[tilespmem:s22], [sflag:$0x3] =	stream.linear.gather [hbm4b:s15+s5], $0x80, $0x38;
	[tilespmem:$0x1C580] =	vst v63  }
0xce: {  	s12 =	sadd.s32 s8, s12  }
0xcf: {  	[tilespmem:s23], [sflag:$0x3] =	stream.linear.gather [hbm4b:s12+s5], $0x80, $0x38;
	[tilespmem:$0x1C580] =	vst v63  }
0xd0: {  	_ =	swait.ge [sflag:s9], $0x2000  }
0xd1: {  	[sflag:s9] =	ssyncset.done $0x0  }
0xd2: {  	[sflag:s9] =	ssyncadd.s32 $0xFFFFE000  }
0xd3: {  	_ =	swait.ge [sflag:s24], $0x80  }
0xd4: {  	[sflag:s24] =	ssyncset.done $0x0  }
0xd5: {  	[sflag:s24] =	ssyncadd.s32 $0xFFFFFF80  }
0xd6: {  	_ =	swait.ge [sflag:s24], $0x80  }
0xd7: {  	[sflag:s24] =	ssyncset.done $0x0  }
0xd8: {  	[sflag:s24] =	ssyncadd.s32 $0xFFFFFF80  }
0xd9: {  	_ =	swait.ge [sflag:s24], $0x80  }
0xda: {  	[sflag:s24] =	ssyncset.done $0x0  }
0xdb: {  	[sflag:s24] =	ssyncadd.s32 $0xFFFFFF80  }
0xdc: {  	[tilespmem:s26], [sflag:$0x1] =	stream.indirect.gather [hbm4b:s1+s25], $0x40, s21, s25, $0xb8;
	[tilespmem:$0x1C580] =	vst v63  }
0xdd: {  	_ = 	snop  }
0xde: {  	[spmem:s3] =	stream.indirect.scatter.add.f32 [tilespmem:s2], [sflag:$0x5], $0x80, s29, s25, $0xb8;
	[tilespmem:$0x1C580] =	vst v63  }
0xdf: {  	_ =	swait.ge [sflag:s20], $0x4000  }
0xe0: {  	[sflag:s20] =	ssyncset.done $0x0  }
0xe1: {  	[sflag:s20] =	ssyncadd.s32 $0xFFFFC000  }
0xe2: {  	[spmem:s4] =	stream.indirect.scatter.add.f32 [tilespmem:s30], [sflag:$0x5], $0x1, s29, s25, $0xb8;
	[tilespmem:$0x1C580] =	vst v63  }
0xe3: {  	_ =	swait.ge [sflag:s20], $0x80  }
0xe4: {  	[sflag:s20] =	ssyncset.done $0x0  }
0xe5: {  	[sflag:s20] =	ssyncadd.s32 $0xFFFFFF80  }
0xe6: {  	_ =	swait.ge [sflag:s31], $0x2000  }
0xe7: {  	[sflag:s31] =	ssyncset.done $0x0  }
0xe8: {  	[sflag:s31] =	ssyncadd.s32 $0xFFFFE000  }
0xe9: {  	[bflag:$0x0] =	sbarrier.arrive $0xFFFF  }
0xea: {  	s16 =	rddreg [dreg:$0x12]  }
0xeb: {  	s17 =	rddreg [dreg:$0x15]  }
0xec: {  	[hbm:s16], [sflag:s11] =	dma.local [spmem:s17], $0x2800  }
0xed: {  	_ =	swait.ge [sflag:s20], $0x2800  }
0xee: {  	[sflag:s20] =	ssyncset.done $0x0  }
0xef: {  	s18 =	rddreg [dreg:$0x13];
	[sflag:s20] =	ssyncadd.s32 $0xFFFFD800  }
0xf0: {  	[hbm:s18], [sflag:s11] =	dma.local [spmem:s13], $0x50  }
0xf1: {  	_ =	swait.ge [sflag:s20], $0x50  }
0xf2: {  	s10 =	sadd.s32 $0x1, s10;
	s19 =	rddreg [dreg:$0x14]  }
0xf3: {  	p0 =	sne.s32 s10, s19  }
.Ltmp1:
0xf4: {  	_ = 	snop;
	(pc) =	sbr.rel @p0 .LBB2_1-.Ltmp1, $3  }
0xf5: {  	_ =	sdelay $0x1  }
0xf6: {  	[sflag:s20] =	ssyncset.done $0x0  }
0xf7: {  	[sflag:s20] =	ssyncadd.s32 $0xFFFFFFB0  }
0xf8: {  	_ =	sfence.sel $0x180000  }
0xf9: {  	[bflag:$0x0] =	sbarrier.arrive $0xFFFF  }
0xfa: {  	_ =	strace $0x9000004D  }
0xfb: {  	s0 =	stileid.u32;
	[bflag:$0x2] =	sbarrier.arrive $0xFFFF  }
0xfc: {  	p0 =	sne.s32 s0, $0x0;
	s0 =	rddreg [dreg:$0x5]  }
0xfd: {  	s0 =	sadd.s32 @!p0 $0x100000, s0  }
0xfe: {  	[sflag:s0] =	ssyncadd.tile.s32 @!p0 $0x1;
	_ =	shalt  }
.Lfunc_end2:
_tile_overlayer_lowered:
.L_overlay_start_2:
0xff: {  	(tag) =	ssettag $0x2  }
0x100: {  	s0 =	rddreg [dreg:$0x0];
	s2 =	stileid.u32  }
0x101: {  	s1 =	rddreg [dreg:$0x1];
	p0 =	sne.s32 s2, $0x0  }
0x102: {  	s3 =	rddreg [dreg:$0x2];
	[bflag:$0x3] =	sbarrier.arrive $0xFFFF;
	s2 =	simm.s32 @!p0 $0x1C05  }
0x103: {  	[timem:s3], [sflag:s2] =	dma.local @!p0 [hbm:s0], s1  }
0x104: {  	s0 =	simm.s32 @!p0 $0x5  }
0x105: {  	_ =	swait.ge @!p0 [sflag:s0], s1  }
0x106: {  	s1 =	ssub.s32 @!p0 $0x0, s1;
	[sflag:s0] =	ssyncset.done @!p0 $0x0  }
0x107: {  	[sflag:s0] =	ssyncadd.s32 @!p0 s1  }
0x108: {  	[bflag:$0x3] =	sbarrier.arrive $0xFFFF  }
0x109: {  	_ =	shalt  }

// kernel: kernel.24.cloned.1.call-start
scs
__scs_entry_jumppad:
0x0: {  	(pc) =	sbr.rel $0x88, $3  }
0x1: {  	(tag) =	ssettag $0x0;
	lr =	simm.s32 $0x1  }
0x2: {  	[smem:$0x3F94] =	sst lr;
	_ =	strace $0xD0000000  }
0x3: {  	_ = 	snop  }
0x4: {  	_ = 	snop  }
0x5: {  	_ = 	snop  }
0x6: {  	_ = 	snop  }
0x7: {  	_ = 	snop  }
__scs_overlays_trampoline_lowered:
0x8: {  	[smem:$0x3FA3] =	sst s0  }
0x9: {  	[smem:$0x3FA4] =	sst s1  }
0xa: {  	[smem:$0x3FA5] =	sst s2  }
0xb: {  	[smem:$0x3FA6] =	sst s3  }
0xc: {  	[smem:$0x3FA7] =	sst s4  }
0xd: {  	[smem:$0x3FA8] =	sst s5  }
0xe: {  	[smem:$0x3FA9] =	sst s6  }
0xf: {  	[smem:$0x3FAA] =	sst s7  }
0x10: {  	[smem:$0x3FAB] =	sst s8  }
0x11: {  	[smem:$0x3FAC] =	sst s9;
	s0 =	simm.s32 @!p0 $0x0  }
0x12: {  	s1 =	sld [smem:$0x3F92];
	s0 =	simm.s32 @p0 $0x1  }
0x13: {  	[smem:$0x3FAD] =	sst s0;
	s0 =	simm.s32 @!p1 $0x0  }
0x14: {  	s2 =	sld [smem:$0x3F91];
	s0 =	simm.s32 @p1 $0x1  }
0x15: {  	[smem:$0x3FAE] =	sst s0;
	s0 =	simm.s32 @!p2 $0x0  }
0x16: {  	s3 =	sld [smem:$0x3FDB];
	s0 =	simm.s32 @p2 $0x1  }
0x17: {  	s4 =	simm.s32 $0x1BF5;
	[smem:$0x3FB0] =	sst s0  }
0x18: {  	s0 =	sld [smem:$0x3F93];
	_ =	swait.ge [sflag:s4], $0x0  }
0x19: {  	s7 =	sld [smem:$0x3F94]  }
0x1a: {  	s8 =	sadd.s32 $0xFFFFE003, lr  }
0x1b: {  	s9 =	sadd.s32 $0xFFFFFEF7, lr;
	s5 =	simm.s32 $0xFFFFFFFF;
	p2 =	slt.u32 s8, $0xFFFFF086  }
0x1c: {  	p1 =	slt.u32 s9, $0xF7A;
	s5 =	simm.s32 @!p2 $0x0  }
0x1d: {  	s5 =	simm.s32 @p1 $0x1;
	p0 =	seq.s32 s7, s2  }
0x1e: {  	s7 =	smul.u32 @!p0 $0xF7A, s2;
	p2 =	seq.s32 @!p0 s5, $0x0  }
0x1f: {  	s9 =	smul.u32 $0xF7A, s1;
	s8 =	simm.s32 @!p0 $0x1BF5;
	p2 =	por !p2, p0  }
0x20: {  	[sflag:s8] =	ssyncset.s32 @!p0 $0xFFFFF086;
	s6 =	sadd.s32 @!p0 s3, s7;
	s7 =	simm.s32 @!p0 $0x108  }
0x21: {  	s3 =	sadd.s32 s3, s9;
	s6 =	sadd.s32 @!p0 $0x88, s6;
	s7 =	simm.s32 @p2 $0x1082  }
0x22: {  	[simem:s7], [sflag:s8] =	dma.local @!p0 [hbm:s6], $0xF7A  }
0x23: {  	s9 =	sor.u32 $0xD0000000, s2;
	s6 =	simm.s32 $0x108;
	_ =	swait.ge @!p0 [sflag:s8], $0x0  }
0x24: {  	s3 =	sadd.s32 $0x88, s3;
	s6 =	simm.s32 @!p1 $0x1082;
	[sflag:s4] =	ssyncset.s32 $0xFFFFF086  }
0x25: {  	[simem:s6], [sflag:s4] =	dma.local [hbm:s3], $0xF7A  }
0x26: {  	[smem:$0x3F94] =	sst s1;
	(tag) =	ssettag s2;
	_ =	strace s9  }
0x27: {  	s1 =	sld [smem:$0x3FA4]  }
0x28: {  	s2 =	sld [smem:$0x3FA5]  }
0x29: {  	s4 =	sld [smem:$0x3FA7]  }
0x2a: {  	p0 =	seq.s32 s5, $0x0;
	s5 =	sld [smem:$0x3FA8]  }
0x2b: {  	s6 =	sld [smem:$0x3FA9]  }
0x2c: {  	s7 =	sld [smem:$0x3FAA]  }
0x2d: {  	s3 =	simm.s32 $0x108;
	s8 =	sld [smem:$0x3FAB]  }
0x2e: {  	s3 =	simm.s32 @!p0 $0x1082;
	s9 =	sld [smem:$0x3FAC]  }
0x2f: {  	lr =	sadd.s32 s0, s3;
	s0 =	sld [smem:$0x3FA3]  }
0x30: {  	s3 =	sld [smem:$0x3FA6]  }
0x31: {  	[smem:$0x3FAF] =	sst s10  }
0x32: {  	s10 =	sld [smem:$0x3FAD];
	_ =	sdelay $0x3  }
0x33: {  	p0 =	seq.s32 s10, $0x1;
	s10 =	sld [smem:$0x3FAF];
	_ =	sdelay $0x3  }
0x34: {  	[smem:$0x3FAF] =	sst s10  }
0x35: {  	s10 =	sld [smem:$0x3FAE];
	_ =	sdelay $0x3  }
0x36: {  	p1 =	seq.s32 s10, $0x1;
	s10 =	sld [smem:$0x3FAF];
	_ =	sdelay $0x3  }
0x37: {  	[smem:$0x3FAF] =	sst s10  }
0x38: {  	s10 =	sld [smem:$0x3FB0]  }
0x39: {  	_ = 	snop;
	(pc) =	sbr.ind lr, $3  }
0x3a: {  	_ = 	snop  }
0x3b: {  	_ = 	snop  }
0x3c: {  	p2 =	seq.s32 s10, $0x1;
	s10 =	sld [smem:$0x3FAF]  }
0x3d: {  	_ =	shalt  }
0x3e: {  	_ =	shalt  }
0x3f: {  	_ =	shalt  }
0x40: {  	_ =	shalt  }
0x41: {  	_ =	shalt  }
0x42: {  	_ =	shalt  }
0x43: {  	_ =	shalt  }
0x44: {  	_ =	shalt  }
0x45: {  	_ =	shalt  }
0x46: {  	_ =	shalt  }
0x47: {  	_ =	shalt  }
0x48: {  	_ =	shalt  }
0x49: {  	_ =	shalt  }
0x4a: {  	_ =	shalt  }
0x4b: {  	_ =	shalt  }
0x4c: {  	_ =	shalt  }
0x4d: {  	_ =	shalt  }
0x4e: {  	_ =	shalt  }
0x4f: {  	_ =	shalt  }
0x50: {  	_ =	shalt  }
0x51: {  	_ =	shalt  }
0x52: {  	_ =	shalt  }
0x53: {  	_ =	shalt  }
0x54: {  	_ =	shalt  }
0x55: {  	_ =	shalt  }
0x56: {  	_ =	shalt  }
0x57: {  	_ =	shalt  }
0x58: {  	_ =	shalt  }
0x59: {  	_ =	shalt  }
0x5a: {  	_ =	shalt  }
0x5b: {  	_ =	shalt  }
0x5c: {  	_ =	shalt  }
0x5d: {  	_ =	shalt  }
0x5e: {  	_ =	shalt  }
0x5f: {  	_ =	shalt  }
0x60: {  	_ =	shalt  }
0x61: {  	_ =	shalt  }
0x62: {  	_ =	shalt  }
0x63: {  	_ =	shalt  }
0x64: {  	_ =	shalt  }
0x65: {  	_ =	shalt  }
0x66: {  	_ =	shalt  }
0x67: {  	_ =	shalt  }
0x68: {  	_ =	shalt  }
0x69: {  	_ =	shalt  }
0x6a: {  	_ =	shalt  }
0x6b: {  	_ =	shalt  }
0x6c: {  	_ =	shalt  }
0x6d: {  	_ =	shalt  }
0x6e: {  	_ =	shalt  }
0x6f: {  	_ =	shalt  }
0x70: {  	_ =	shalt  }
0x71: {  	_ =	shalt  }
0x72: {  	_ =	shalt  }
0x73: {  	_ =	shalt  }
0x74: {  	_ =	shalt  }
0x75: {  	_ =	shalt  }
0x76: {  	_ =	shalt  }
0x77: {  	_ =	shalt  }
0x78: {  	_ =	shalt  }
0x79: {  	_ =	shalt  }
0x7a: {  	_ =	shalt  }
0x7b: {  	_ =	shalt  }
0x7c: {  	_ =	shalt  }
0x7d: {  	_ =	shalt  }
0x7e: {  	_ =	shalt  }
0x7f: {  	_ =	shalt  }
0x80: {  	_ =	shalt  }
0x81: {  	_ =	shalt  }
0x82: {  	_ =	shalt  }
0x83: {  	_ =	shalt  }
0x84: {  	_ =	shalt  }
0x85: {  	_ =	shalt  }
0x86: {  	_ =	shalt  }
0x87: {  	_ =	shalt  }
.Lfunc_end0:
.L_simem_size_0:
called_computation.3_lowered:
.L_overlay_start_0:
0x88: {  	s2 =	sld [smem:$0x3FD9]  }
0x89: {  	s3 =	sld [smem:$0x3FFE];
	_ =	sdelay $0x1  }
0x8a: {  	s1 =	srdreg.scid  }
0x8b: {  	s0 =	sand.u32 $0x1, s1  }
0x8c: {  	s14 =	sshll.u32 s0, $0xA;
	s2 =	sadd.s32 s3, s2  }
0x8d: {  	s2 =	sadd.s32 s2, s14  }
0x8e: {  	[smem:$0x3FBB] =	sst s2  }
0x8f: {  	_ = 	snop  }
0x90: {  	s2 =	sld [smem:$0x3FD0];
	_ =	sdelay $0x2  }
0x91: {  	s15 =	simm.s32 $0xA;
	s4 =	simm.s32 $0x10  }
0x92: {  	[smem:s4], [sflag:s15] =	dma.local [hbm:s2], $0x1  }
0x93: {  	_ =	swait.eq [sflag:s15], $0x1  }
0x94: {  	[sflag:s15] =	ssyncset.done $0x0  }
0x95: {  	s16 =	sld [smem:$0x10];
	[sflag:s15] =	ssyncadd.s32 $0xFFFFFFFF  }
0x96: {  	s17 =	sld [smem:$0x11];
	(tm) =	ssettm $0x1  }
0x97: {  	s18 =	sld [smem:$0x3FFB];
	_ =	sdelay $0x3  }
0x98: {  	_ =	strace s18  }
0x99: {  	s4 =	sld [smem:$0x3FFC];
	_ =	sdelay $0x3  }
0x9a: {  	_ =	strace s4  }
0x9b: {  	s4 =	sld [smem:$0x3FFD];
	_ =	sdelay $0x3  }
0x9c: {  	_ =	strace s4  }
0x9d: {  	_ =	strace $0x8FFFFFFF  }
0x9e: {  	s19 =	sld [smem:$0x3FDB];
	_ =	sdelay $0x1  }
0x9f: {  	s5 =	simm.s32 $_scs_section_size  }
0xa0: {  	s6 =	simm.s32 $_size__tile_overlayer_lowered;
	s7 =	simm.s32 $_tile_overlayer_lowered  }
0xa1: {  	s22 =	simm.s32 $0x1BFF;
	s21 =	sshll.u32 s7, $0x1;
	s4 =	sadd.s32 s5, s19  }
0xa2: {  	s8 =	simm.s32 $0x0;
	s20 =	sshll.u32 s6, $0x1;
	s6 =	sadd.s32 s21, s4  }
0xa3: {  	[timem:s8], [sflag:s22] =	dma.local [hbm:s6], s20  }
0xa4: {  	_ =	swait.ge [sflag:s22], s20  }
0xa5: {  	s5 =	ssub.s32 $0x0, s20;
	[sflag:s22] =	ssyncset.done $0x0  }
0xa6: {  	[sflag:s22] =	ssyncadd.s32 s5;
	_ =	sdelay $0x1  }
0xa7: {  	s23 =	simm.s32 $0x1B8B  }
0xa8: {  	_ =	swait.ge [sflag:s23], $0x1  }
0xa9: {  	[sflag:s23] =	ssyncset.done $0x0  }
0xaa: {  	s25 =	simm.s32 $0x1B8E;
	s24 =	sld [smem:$0x3FFE];
	[sflag:s23] =	ssyncadd.s32 $0xFFFFFFFF  }
0xab: {  	s26 =	simm.s32 $execute0_lowered;
	[smem:$0x3FD2] =	sst s25  }
0xac: {  	s6 =	sshll.u32 s26, $0x1;
	_ =	strace $0x8000004F;
	[dreg:$0x1] =	wrdreg $0xFFFFFFFF  }
0xad: {  	s28 =	simm.s32 $_size_execute0_lowered;
	s4 =	sadd.s32 s4, s6;
	[dreg:$0x0] =	wrdreg $0x0  }
0xae: {  	s6 =	sshll.u32 s28, $0x1;
	[dreg:$0x2] =	wrdreg s4  }
0xaf: {  	[dreg:$0x3] =	wrdreg s6  }
0xb0: {  	[dreg:$0x4] =	wrdreg $0xC0  }
0xb1: {  	_ =	task [dreg:s8], $0x5FFFF  }
0xb2: {  	[dreg:$0x1] =	wrdreg $0xFFFFFFFF  }
0xb3: {  	[dreg:$0x0] =	wrdreg $0x60  }
0xb4: {  	[dreg:$0x2] =	wrdreg s17  }
0xb5: {  	[dreg:$0x3] =	wrdreg s24  }
0xb6: {  	[dreg:$0x4] =	wrdreg s16  }
0xb7: {  	[dreg:$0x5] =	wrdreg $0x0  }
0xb8: {  	[dreg:$0x6] =	wrdreg $0x140000  }
0xb9: {  	[dreg:$0x7] =	wrdreg $0x9  }
0xba: {  	_ =	task.clear_ibuf [dreg:s8], $0x8FFFF;
	_ =	strace $0x9000004F  }
0xbb: {  	s29 =	simm.s32 $0x9;
	_ =	strace $0x80000051  }
0xbc: {  	_ =	swait.ge [sflag:s29], $0x1  }
0xbd: {  	[sflag:s29] =	ssyncadd.s32 $0xFFFFFFFF  }
0xbe: {  	_ =	strace $0x90000051  }
0xbf: {  	_ =	sfence  }
0xc0: {  	s30 =	sld [smem:$0x0];
	_ =	sdelay $0x2  }
0xc1: {  	s31 =	sshll.u32 s1, $0xD;
	s1 =	sshrl.u32 s1, $0x2  }
0xc2: {  	s3 =	sand.u32 $0x4000, s31;
	s1 =	sadd.s32 s1, s30  }
0xc3: {  	s0 =	sor.u32 s3, s0;
	s1 =	sshll.u32 s1, $0x11  }
0xc4: {  	s0 =	sor.u32 s1, s0  }
0xc5: {  	s0 =	sadd.s32 $0x8F2B, s0  }
0xc6: {  	[sflag:s0] =	ssyncadd.remote.s32 $0x1  }
0xc7: {  	_ =	sfence.sel $0xFFFF  }
0xc8: {  	[dreg:$0x0] =	wrdreg $0xFFFFFFFF;
	(pc) =	sbr.abs _section_cstart, $3  }
0xc9: {  	[dreg:$0x1] =	wrdreg $0xFFFFFFFF  }
0xca: {  	_ =	task.clear_ibuf [dreg:s8], $0x2FFFF;
	_ =	strace $0x9FFFFFFF  }
0xcb: {  	(tm) =	ssettm $0x7FFFFFFF  }
tec
execute0_lowered:
.L_overlay_start_1:
0x0: {  	(tag) =	ssettag $0x1  }
0x1: {  	s1 =	rddreg [dreg:$0x0]  }
0x2: {  	s0 =	rddreg [dreg:$0x1]  }
0x3: {  	s2 =	rddreg [dreg:$0x2]  }
0x4: {  	s3 =	rddreg [dreg:$0x3]  }
0x5: {  	s4 =	rddreg [dreg:$0x4];
	s17 =	stileid.u32;
	s5 =	simm.s32 $0x0  }
0x6: {  	s6 =	srdreg.scid;
	s28 =	simm.s32 $0x14300;
	s29 =	simm.s32 $0x14400  }
0x7: {  	s30 =	simm.s32 $0x14500;
	s31 =	simm.s32 $0x1;
	s9 =	smul.u32 $0x14000, s17  }
0x8: {  	[smem:$0x7FF] =	sst s5;
	s10 =	smul.u32 $0x280, s17;
	s12 =	sand.u32 $0x1, s6  }
0x9: {  	s6 =	sadd.s32 $0xA8E00, s0;
	s7 =	sadd.s32 $0xB2E00, s0;
	s8 =	sadd.s32 $0x9EE00, s0  }
0xa: {  	s21 =	sshll.u32 s17, $0x6;
	_ =	strace $0x80000050;
	s11 =	smul.u32 $0x140000, s12  }
0xb: {  	s15 =	ssub.s32 $0x2, s12;
	s16 =	sshll.u32 s12, $0x4;
	s24 =	smul.u32 $0x2800, s12  }
0xc: {  	s12 =	smul.u32 $0x5000, s12;
	s13 =	sshrl.u32 s9, $0x3;
	s14 =	sshrl.u32 s10, $0x3  }
0xd: {  	s18 =	sshrl.u32 s15, $0x1;
	s19 =	sor.u32 s17, s16;
	s23 =	sadd.s32 s10, s4  }
0xe: {  	s16 =	smul.u32 $0x500, s17;
	s13 =	sadd.s32 s13, s0;
	s11 =	sadd.s32 s9, s11  }
0xf: {  	s14 =	sadd.s32 s14, s0;
	s15 =	ssub.s32 s15, s18;
	s9 =	sadd.s32 s9, s3  }
0x10: {  	s22 =	smul.u32 $0x50, s19;
	[dreg:$0xd] =	wrdreg s23;
	s18 =	sadd.s32 s12, s7  }
0x11: {  	s11 =	sshrl.u32 s11, $0x3;
	[dreg:$0xb] =	wrdreg s9;
	s20 =	sadd.s32 $0x26800, s13  }
0x12: {  	s9 =	smul.u32 $0x500, s19;
	s14 =	sadd.s32 $0x4E800, s14;
	[dreg:$0xc] =	wrdreg s20  }
0x13: {  	s19 =	sadd.s32 s16, s18;
	s0 =	sadd.s32 s11, s0;
	[dreg:$0xe] =	wrdreg s14  }
0x14: {  	s11 =	sor.u32 $0x1C05, s21;
	[dreg:$0x6] =	wrdreg s22;
	s14 =	sadd.s32 s10, s24  }
0x15: {  	s20 =	sadd.s32 s12, s6;
	s21 =	sadd.s32 s12, s8;
	s24 =	smax.u32 s15, $0x1  }
0x16: {  	s10 =	simm.s32 $0x0;
	s25 =	sadd.s32 s6, s9;
	[dreg:$0x14] =	wrdreg s24  }
0x17: {  	s26 =	sadd.s32 s7, s9;
	s9 =	sadd.s32 s8, s9;
	[dreg:$0xf] =	wrdreg s25  }
0x18: {  	s0 =	sadd.s32 $0x4EE00, s0;
	s17 =	sshrl.u32 s14, $0x3;
	[dreg:$0x10] =	wrdreg s26  }
0x19: {  	s23 =	sadd.s32 s16, s21;
	s21 =	simm.s32 $0x14280;
	[dreg:$0x11] =	wrdreg s9  }
0x1a: {  	s24 =	simm.s32 $0x3;
	[dreg:$0x12] =	wrdreg s0;
	s0 =	sadd.s32 s2, s17  }
0x1b: {  	s2 =	sadd.s32 s16, s20;
	s25 =	sadd.s32 $0x10, s23;
	s20 =	simm.s32 $0x5  }
0x1c: {  	s23 =	simm.s32 $0x14480;
	s26 =	simm.s32 $0x16580;
	[dreg:$0x13] =	wrdreg s0  }
0x1d: {  	s9 =	simm.s32 $0x2;
	s0 =	sadd.s32 $0x10, s19;
	[dreg:$0x9] =	wrdreg s25  }
0x1e: {  	s22 =	sadd.s32 $0x10, s2;
	[dreg:$0xa] =	wrdreg s26;
	s25 =	simm.s32 $0x80  }
0x1f: {  	s26 =	simm.s32 $0x14580;
	s2 =	simm.s32 $0x18580;
	[dreg:$0x7] =	wrdreg s0  }
0x20: {  	[dreg:$0x8] =	wrdreg s22;
	s22 =	simm.s32 $0x14380;
	s0 =	simm.s32 $0x4  }
.LBB2_1:
0x21: {  	s12 =	rddreg [dreg:$0xb]  }
0x22: {  	s14 =	rddreg [dreg:$0xc];
	s13 =	sshrl.u32 s12, $0x3  }
0x23: {  	[dreg:$0x15] =	wrdreg s13  }
0x24: {  	[spmem:s13], [sflag:s11] =	dma.local [hbm:s14], $0x2800  }
0x25: {  	_ =	swait.ge [sflag:s20], $0x2800  }
0x26: {  	[sflag:s20] =	ssyncset.done $0x0;
	s15 =	rddreg [dreg:$0xd]  }
0x27: {  	s16 =	rddreg [dreg:$0xe];
	[sflag:s20] =	ssyncadd.s32 $0xFFFFD800;
	s13 =	sshrl.u32 s15, $0x3  }
0x28: {  	[spmem:s13], [sflag:s11] =	dma.local [hbm:s16], $0x50  }
0x29: {  	_ =	swait.ge [sflag:s20], $0x50  }
0x2a: {  	[sflag:s20] =	ssyncset.done $0x0  }
0x2b: {  	[sflag:s20] =	ssyncadd.s32 $0xFFFFFFB0  }
0x2c: {  	[bflag:$0x0] =	sbarrier.arrive $0xFFFF  }
0x2d: {  	s17 =	rddreg [dreg:$0xf]  }
0x2e: {  	[tilespmem:s21], [sflag:$0x3] =	stream.linear.gather [hbm4b:s17+s5], $0x80, $0x38;
	[tilespmem:$0x1C580] =	vst v63  }
0x2f: {  	s18 =	rddreg [dreg:$0x10]  }
0x30: {  	[tilespmem:s22], [sflag:$0x3] =	stream.linear.gather [hbm4b:s18+s5], $0x80, $0x38;
	[tilespmem:$0x1C580] =	vst v63  }
0x31: {  	s19 =	rddreg [dreg:$0x11]  }
0x32: {  	[tilespmem:s23], [sflag:$0x3] =	stream.linear.gather [hbm4b:s19+s5], $0x80, $0x38;
	[tilespmem:$0x1C580] =	vst v63  }
0x33: {  	_ =	swait.ge [sflag:s24], $0x80  }
0x34: {  	[sflag:s24] =	ssyncset.done $0x0  }
0x35: {  	[sflag:s24] =	ssyncadd.s32 $0xFFFFFF80  }
0x36: {  	_ =	swait.ge [sflag:s24], $0x80  }
0x37: {  	[sflag:s24] =	ssyncset.done $0x0  }
0x38: {  	[sflag:s24] =	ssyncadd.s32 $0xFFFFFF80  }
0x39: {  	_ =	swait.ge [sflag:s24], $0x80  }
0x3a: {  	[sflag:s24] =	ssyncset.done $0x0  }
0x3b: {  	s14 =	rddreg [dreg:$0x8];
	[sflag:s24] =	ssyncadd.s32 $0xFFFFFF80  }
0x3c: {  	[tilespmem:s26], [sflag:$0x1] =	stream.indirect.gather [hbm4b:s1+s25], $0x40, s21, s25, $0xb8;
	[tilespmem:$0x1C580] =	vst v63  }
0x3d: {  	s15 =	rddreg [dreg:$0x7];
	s14 =	sadd.s32 $0x0, s14  }
0x3e: {  	[tilespmem:s28], [sflag:$0x4] =	stream.linear.gather [hbm4b:s14+s5], $0x80, $0x38;
	[tilespmem:$0x1C580] =	vst v63  }
0x3f: {  	s16 =	rddreg [dreg:$0x9];
	s12 =	sadd.s32 $0x0, s15  }
0x40: {  	[tilespmem:s29], [sflag:$0x4] =	stream.linear.gather [hbm4b:s12+s5], $0x80, $0x38;
	[tilespmem:$0x1C580] =	vst v63  }
0x41: {  	s15 =	sadd.s32 $0x0, s16  }
0x42: {  	[tilespmem:s30], [sflag:$0x4] =	stream.linear.gather [hbm4b:s15+s5], $0x80, $0x38;
	[tilespmem:$0x1C580] =	vst v63  }
0x43: {  	_ =	swait.ge [sflag:s31], $0x2000  }
0x44: {  	[sflag:s31] =	ssyncset.done $0x0  }
0x45: {  	[sflag:s31] =	ssyncadd.s32 $0xFFFFE000  }
0x46: {  	_ =	swait.ge [sflag:s0], $0x80  }
0x47: {  	[sflag:s0] =	ssyncset.done $0x0  }
0x48: {  	[sflag:s0] =	ssyncadd.s32 $0xFFFFFF80  }
0x49: {  	_ =	swait.ge [sflag:s0], $0x80  }
0x4a: {  	[sflag:s0] =	ssyncset.done $0x0  }
0x4b: {  	[sflag:s0] =	ssyncadd.s32 $0xFFFFFF80  }
0x4c: {  	_ =	swait.ge [sflag:s0], $0x80  }
0x4d: {  	[sflag:s0] =	ssyncset.done $0x0  }
0x4e: {  	s16 =	rddreg [dreg:$0xa];
	[sflag:s0] =	ssyncadd.s32 $0xFFFFFF80  }
0x4f: {  	[tilespmem:s16], [sflag:$0x2] =	stream.indirect.gather [hbm4b:s1+s25], $0x40, s28, s25, $0xb8;
	[tilespmem:$0x1C580] =	vst v63  }
0x50: {  	_ = 	snop  }
0x51: {  	[spmem:s3] =	stream.indirect.scatter.add.f32 [tilespmem:s2], [sflag:$0x5], $0x80, s22, s25, $0xb8;
	[tilespmem:$0x1C580] =	vst v63  }
0x52: {  	_ =	swait.ge [sflag:s20], $0x4000  }
0x53: {  	[sflag:s20] =	ssyncset.done $0x0  }
0x54: {  	[sflag:s20] =	ssyncadd.s32 $0xFFFFC000  }
0x55: {  	[spmem:s4] =	stream.indirect.scatter.add.f32 [tilespmem:s23], [sflag:$0x5], $0x1, s22, s25, $0xb8;
	[tilespmem:$0x1C580] =	vst v63  }
0x56: {  	p0 =	por $0x0, $0x0;
	s15 =	simm.s32 $0x2;
	_ =	swait.ge [sflag:s20], $0x80  }
0x57: {  	s15 =	simm.s32 @p0 $0x0;
	s17 =	rddreg [dreg:$0x6]  }
0x58: {  	s14 =	sadd.s32 s17, s15  }
0x59: {  	[sflag:s20] =	ssyncset.done $0x0;
	s14 =	sshll.u32 s14, $0x4  }
0x5a: {  	[sflag:s20] =	ssyncadd.s32 $0xFFFFFF80;
	s18 =	sadd.s32 s6, s14  }
0x5b: {  	[tilespmem:s21], [sflag:$0x3] =	stream.linear.gather [hbm4b:s18+s5], $0x80, $0x38;
	[tilespmem:$0x1C580] =	vst v63  }
0x5c: {  	s19 =	sadd.s32 s7, s14  }
0x5d: {  	[tilespmem:s22], [sflag:$0x3] =	stream.linear.gather [hbm4b:s19+s5], $0x80, $0x38;
	[tilespmem:$0x1C580] =	vst v63  }
0x5e: {  	s14 =	sadd.s32 s8, s14  }
0x5f: {  	[tilespmem:s23], [sflag:$0x3] =	stream.linear.gather [hbm4b:s14+s5], $0x80, $0x38;
	[tilespmem:$0x1C580] =	vst v63  }
0x60: {  	_ =	swait.ge [sflag:s9], $0x2000  }
0x61: {  	[sflag:s9] =	ssyncset.done $0x0  }
0x62: {  	[sflag:s9] =	ssyncadd.s32 $0xFFFFE000  }
0x63: {  	_ =	swait.ge [sflag:s24], $0x80  }
0x64: {  	[sflag:s24] =	ssyncset.done $0x0  }
0x65: {  	[sflag:s24] =	ssyncadd.s32 $0xFFFFFF80  }
0x66: {  	_ =	swait.ge [sflag:s24], $0x80  }
0x67: {  	[sflag:s24] =	ssyncset.done $0x0  }
0x68: {  	[sflag:s24] =	ssyncadd.s32 $0xFFFFFF80  }
0x69: {  	_ =	swait.ge [sflag:s24], $0x80  }
0x6a: {  	[sflag:s24] =	ssyncset.done $0x0  }
0x6b: {  	[sflag:s24] =	ssyncadd.s32 $0xFFFFFF80  }
0x6c: {  	[tilespmem:s26], [sflag:$0x1] =	stream.indirect.gather [hbm4b:s1+s25], $0x40, s21, s25, $0xb8;
	[tilespmem:$0x1C580] =	vst v63  }
0x6d: {  	_ = 	snop  }
0x6e: {  	[spmem:s3] =	stream.indirect.scatter.add.f32 [tilespmem:s2], [sflag:$0x5], $0x80, s29, s25, $0xb8;
	[tilespmem:$0x1C580] =	vst v63  }
0x6f: {  	_ =	swait.ge [sflag:s20], $0x4000  }
0x70: {  	[sflag:s20] =	ssyncset.done $0x0  }
0x71: {  	[sflag:s20] =	ssyncadd.s32 $0xFFFFC000  }
0x72: {  	[spmem:s4] =	stream.indirect.scatter.add.f32 [tilespmem:s30], [sflag:$0x5], $0x1, s29, s25, $0xb8;
	[tilespmem:$0x1C580] =	vst v63  }
0x73: {  	s16 =	simm.s32 $0x40;
	s15 =	simm.s32 $0x4;
	_ =	swait.ge [sflag:s20], $0x80  }
0x74: {  	s14 =	simm.s32 $0x20;
	s17 =	rddreg [dreg:$0x8];
	[sflag:s20] =	ssyncset.done $0x0  }
.LBB2_2:
0x75: {  	[sflag:s20] =	ssyncadd.s32 $0xFFFFFF80;
	s19 =	rddreg [dreg:$0x7];
	s17 =	sadd.s32 s14, s17  }
0x76: {  	[tilespmem:s28], [sflag:$0x4] =	stream.linear.gather [hbm4b:s17+s5], $0x80, $0x38;
	[tilespmem:$0x1C580] =	vst v63  }
0x77: {  	s12 =	rddreg [dreg:$0x9];
	s19 =	sadd.s32 s14, s19  }
0x78: {  	[tilespmem:s29], [sflag:$0x4] =	stream.linear.gather [hbm4b:s19+s5], $0x80, $0x38;
	[tilespmem:$0x1C580] =	vst v63  }
0x79: {  	s12 =	sadd.s32 s14, s12  }
0x7a: {  	[tilespmem:s30], [sflag:$0x4] =	stream.linear.gather [hbm4b:s12+s5], $0x80, $0x38;
	[tilespmem:$0x1C580] =	vst v63  }
0x7b: {  	_ =	swait.ge [sflag:s31], $0x2000  }
0x7c: {  	[sflag:s31] =	ssyncset.done $0x0  }
0x7d: {  	[sflag:s31] =	ssyncadd.s32 $0xFFFFE000  }
0x7e: {  	_ =	swait.ge [sflag:s0], $0x80  }
0x7f: {  	[sflag:s0] =	ssyncset.done $0x0  }
0x80: {  	[sflag:s0] =	ssyncadd.s32 $0xFFFFFF80  }
0x81: {  	_ =	swait.ge [sflag:s0], $0x80  }
0x82: {  	[sflag:s0] =	ssyncset.done $0x0  }
0x83: {  	[sflag:s0] =	ssyncadd.s32 $0xFFFFFF80  }
0x84: {  	_ =	swait.ge [sflag:s0], $0x80  }
0x85: {  	[sflag:s0] =	ssyncset.done $0x0  }
0x86: {  	s17 =	rddreg [dreg:$0xa];
	[sflag:s0] =	ssyncadd.s32 $0xFFFFFF80  }
0x87: {  	[tilespmem:s17], [sflag:$0x2] =	stream.indirect.gather [hbm4b:s1+s25], $0x40, s28, s25, $0xb8;
	[tilespmem:$0x1C580] =	vst v63  }
0x88: {  	_ = 	snop  }
0x89: {  	[spmem:s3] =	stream.indirect.scatter.add.f32 [tilespmem:s2], [sflag:$0x5], $0x80, s22, s25, $0xb8;
	[tilespmem:$0x1C580] =	vst v63  }
0x8a: {  	_ =	swait.ge [sflag:s20], $0x4000  }
0x8b: {  	[sflag:s20] =	ssyncset.done $0x0  }
0x8c: {  	[sflag:s20] =	ssyncadd.s32 $0xFFFFC000  }
0x8d: {  	[spmem:s4] =	stream.indirect.scatter.add.f32 [tilespmem:s23], [sflag:$0x5], $0x1, s22, s25, $0xb8;
	[tilespmem:$0x1C580] =	vst v63  }
0x8e: {  	p1 =	seq.s32 s14, $0x4E0;
	s17 =	smov.u32 s15;
	_ =	swait.ge [sflag:s20], $0x80  }
0x8f: {  	s17 =	simm.s32 @p1 $0x0;
	s19 =	rddreg [dreg:$0x6]  }
0x90: {  	s12 =	sadd.s32 s19, s17  }
0x91: {  	s18 =	smov.u32 s16;
	[sflag:s20] =	ssyncset.done $0x0;
	s12 =	sshll.u32 s12, $0x4  }
0x92: {  	s14 =	smov.u32 s18;
	[sflag:s20] =	ssyncadd.s32 $0xFFFFFF80;
	s18 =	sadd.s32 s6, s12  }
0x93: {  	[tilespmem:s21], [sflag:$0x3] =	stream.linear.gather [hbm4b:s18+s5], $0x80, $0x38;
	[tilespmem:$0x1C580] =	vst v63  }
0x94: {  	s19 =	sadd.s32 s7, s12  }
0x95: {  	[tilespmem:s22], [sflag:$0x3] =	stream.linear.gather [hbm4b:s19+s5], $0x80, $0x38;
	[tilespmem:$0x1C580] =	vst v63  }
0x96: {  	s12 =	sadd.s32 s8, s12  }
0x97: {  	[tilespmem:s23], [sflag:$0x3] =	stream.linear.gather [hbm4b:s12+s5], $0x80, $0x38;
	[tilespmem:$0x1C580] =	vst v63  }
0x98: {  	_ =	swait.ge [sflag:s9], $0x2000  }
0x99: {  	[sflag:s9] =	ssyncset.done $0x0  }
0x9a: {  	[sflag:s9] =	ssyncadd.s32 $0xFFFFE000  }
0x9b: {  	_ =	swait.ge [sflag:s24], $0x80  }
0x9c: {  	[sflag:s24] =	ssyncset.done $0x0  }
0x9d: {  	[sflag:s24] =	ssyncadd.s32 $0xFFFFFF80  }
0x9e: {  	_ =	swait.ge [sflag:s24], $0x80  }
0x9f: {  	[sflag:s24] =	ssyncset.done $0x0  }
0xa0: {  	[sflag:s24] =	ssyncadd.s32 $0xFFFFFF80  }
0xa1: {  	_ =	swait.ge [sflag:s24], $0x80  }
0xa2: {  	[sflag:s24] =	ssyncset.done $0x0  }
0xa3: {  	[sflag:s24] =	ssyncadd.s32 $0xFFFFFF80  }
0xa4: {  	[tilespmem:s26], [sflag:$0x1] =	stream.indirect.gather [hbm4b:s1+s25], $0x40, s21, s25, $0xb8;
	[tilespmem:$0x1C580] =	vst v63  }
0xa5: {  	_ = 	snop  }
0xa6: {  	[spmem:s3] =	stream.indirect.scatter.add.f32 [tilespmem:s2], [sflag:$0x5], $0x80, s29, s25, $0xb8;
	[tilespmem:$0x1C580] =	vst v63  }
0xa7: {  	p0 =	sne.s32 s16, $0x4E0;
	_ =	swait.ge [sflag:s20], $0x4000  }
.Ltmp0:
0xa8: {  	[sflag:s20] =	ssyncset.done $0x0;
	(pc) =	sbr.rel @p0 .LBB2_2-.Ltmp0, $4  }
0xa9: {  	[sflag:s20] =	ssyncadd.s32 $0xFFFFC000  }
0xaa: {  	[spmem:s4] =	stream.indirect.scatter.add.f32 [tilespmem:s30], [sflag:$0x5], $0x1, s29, s25, $0xb8;
	[tilespmem:$0x1C580] =	vst v63  }
0xab: {  	s16 =	sadd.s32 $0x20, s16;
	_ =	swait.ge [sflag:s20], $0x80  }
0xac: {  	s15 =	sadd.s32 $0x2, s15;
	s17 =	rddreg [dreg:$0x8];
	[sflag:s20] =	ssyncset.done $0x0  }
0xad: {  	[sflag:s20] =	ssyncadd.s32 $0xFFFFFF80;
	s12 =	rddreg [dreg:$0x7];
	s16 =	sadd.s32 s14, s17  }
0xae: {  	[tilespmem:s28], [sflag:$0x4] =	stream.linear.gather [hbm4b:s16+s5], $0x80, $0x38;
	[tilespmem:$0x1C580] =	vst v63  }
0xaf: {  	s19 =	rddreg [dreg:$0x9];
	s12 =	sadd.s32 s14, s12  }
0xb0: {  	[tilespmem:s29], [sflag:$0x4] =	stream.linear.gather [hbm4b:s12+s5], $0x80, $0x38;
	[tilespmem:$0x1C580] =	vst v63  }
0xb1: {  	s16 =	sadd.s32 s14, s19  }
0xb2: {  	[tilespmem:s30], [sflag:$0x4] =	stream.linear.gather [hbm4b:s16+s5], $0x80, $0x38;
	[tilespmem:$0x1C580] =	vst v63  }
0xb3: {  	_ =	swait.ge [sflag:s31], $0x2000  }
0xb4: {  	[sflag:s31] =	ssyncset.done $0x0  }
0xb5: {  	[sflag:s31] =	ssyncadd.s32 $0xFFFFE000  }
0xb6: {  	_ =	swait.ge [sflag:s0], $0x80  }
0xb7: {  	[sflag:s0] =	ssyncset.done $0x0  }
0xb8: {  	[sflag:s0] =	ssyncadd.s32 $0xFFFFFF80  }
0xb9: {  	_ =	swait.ge [sflag:s0], $0x80  }
0xba: {  	[sflag:s0] =	ssyncset.done $0x0  }
0xbb: {  	[sflag:s0] =	ssyncadd.s32 $0xFFFFFF80  }
0xbc: {  	_ =	swait.ge [sflag:s0], $0x80  }
0xbd: {  	[sflag:s0] =	ssyncset.done $0x0  }
0xbe: {  	s17 =	rddreg [dreg:$0xa];
	[sflag:s0] =	ssyncadd.s32 $0xFFFFFF80  }
0xbf: {  	[tilespmem:s17], [sflag:$0x2] =	stream.indirect.gather [hbm4b:s1+s25], $0x40, s28, s25, $0xb8;
	[tilespmem:$0x1C580] =	vst v63  }
0xc0: {  	_ = 	snop  }
0xc1: {  	[spmem:s3] =	stream.indirect.scatter.add.f32 [tilespmem:s2], [sflag:$0x5], $0x80, s22, s25, $0xb8;
	[tilespmem:$0x1C580] =	vst v63  }
0xc2: {  	_ =	swait.ge [sflag:s20], $0x4000  }
0xc3: {  	[sflag:s20] =	ssyncset.done $0x0  }
0xc4: {  	[sflag:s20] =	ssyncadd.s32 $0xFFFFC000  }
0xc5: {  	[spmem:s4] =	stream.indirect.scatter.add.f32 [tilespmem:s23], [sflag:$0x5], $0x1, s22, s25, $0xb8;
	[tilespmem:$0x1C580] =	vst v63  }
0xc6: {  	p0 =	seq.s32 s14, $0x4E0;
	_ =	swait.ge [sflag:s20], $0x80  }
0xc7: {  	s15 =	simm.s32 @p0 $0x0;
	s18 =	rddreg [dreg:$0x6]  }
0xc8: {  	s12 =	sadd.s32 s18, s15  }
0xc9: {  	[sflag:s20] =	ssyncset.done $0x0;
	s12 =	sshll.u32 s12, $0x4  }
0xca: {  	[sflag:s20] =	ssyncadd.s32 $0xFFFFFF80;
	s19 =	sadd.s32 s6, s12  }
0xcb: {  	[tilespmem:s21], [sflag:$0x3] =	stream.linear.gather [hbm4b:s19+s5], $0x80, $0x38;
	[tilespmem:$0x1C580] =	vst v63  }
0xcc: {  	s15 =	sadd.s32 s7, s12  }
0xcd: {  	[tilespmem:s22], [sflag:$0x3] =	stream.linear.gather [hbm4b:s15+s5], $0x80, $0x38;
	[tilespmem:$0x1C580] =	vst v63  }
0xce: {  	s12 =	sadd.s32 s8, s12  }
0xcf: {  	[tilespmem:s23], [sflag:$0x3] =	stream.linear.gather [hbm4b:s12+s5], $0x80, $0x38;
	[tilespmem:$0x1C580] =	vst v63  }
0xd0: {  	_ =	swait.ge [sflag:s9], $0x2000  }
0xd1: {  	[sflag:s9] =	ssyncset.done $0x0  }
0xd2: {  	[sflag:s9] =	ssyncadd.s32 $0xFFFFE000  }
0xd3: {  	_ =	swait.ge [sflag:s24], $0x80  }
0xd4: {  	[sflag:s24] =	ssyncset.done $0x0  }
0xd5: {  	[sflag:s24] =	ssyncadd.s32 $0xFFFFFF80  }
0xd6: {  	_ =	swait.ge [sflag:s24], $0x80  }
0xd7: {  	[sflag:s24] =	ssyncset.done $0x0  }
0xd8: {  	[sflag:s24] =	ssyncadd.s32 $0xFFFFFF80  }
0xd9: {  	_ =	swait.ge [sflag:s24], $0x80  }
0xda: {  	[sflag:s24] =	ssyncset.done $0x0  }
0xdb: {  	[sflag:s24] =	ssyncadd.s32 $0xFFFFFF80  }
0xdc: {  	[tilespmem:s26], [sflag:$0x1] =	stream.indirect.gather [hbm4b:s1+s25], $0x40, s21, s25, $0xb8;
	[tilespmem:$0x1C580] =	vst v63  }
0xdd: {  	_ = 	snop  }
0xde: {  	[spmem:s3] =	stream.indirect.scatter.add.f32 [tilespmem:s2], [sflag:$0x5], $0x80, s29, s25, $0xb8;
	[tilespmem:$0x1C580] =	vst v63  }
0xdf: {  	_ =	swait.ge [sflag:s20], $0x4000  }
0xe0: {  	[sflag:s20] =	ssyncset.done $0x0  }
0xe1: {  	[sflag:s20] =	ssyncadd.s32 $0xFFFFC000  }
0xe2: {  	[spmem:s4] =	stream.indirect.scatter.add.f32 [tilespmem:s30], [sflag:$0x5], $0x1, s29, s25, $0xb8;
	[tilespmem:$0x1C580] =	vst v63  }
0xe3: {  	_ =	swait.ge [sflag:s20], $0x80  }
0xe4: {  	[sflag:s20] =	ssyncset.done $0x0  }
0xe5: {  	[sflag:s20] =	ssyncadd.s32 $0xFFFFFF80  }
0xe6: {  	_ =	swait.ge [sflag:s31], $0x2000  }
0xe7: {  	[sflag:s31] =	ssyncset.done $0x0  }
0xe8: {  	[sflag:s31] =	ssyncadd.s32 $0xFFFFE000  }
0xe9: {  	[bflag:$0x0] =	sbarrier.arrive $0xFFFF  }
0xea: {  	s16 =	rddreg [dreg:$0x12]  }
0xeb: {  	s17 =	rddreg [dreg:$0x15]  }
0xec: {  	[hbm:s16], [sflag:s11] =	dma.local [spmem:s17], $0x2800  }
0xed: {  	_ =	swait.ge [sflag:s20], $0x2800  }
0xee: {  	[sflag:s20] =	ssyncset.done $0x0  }
0xef: {  	s18 =	rddreg [dreg:$0x13];
	[sflag:s20] =	ssyncadd.s32 $0xFFFFD800  }
0xf0: {  	[hbm:s18], [sflag:s11] =	dma.local [spmem:s13], $0x50  }
0xf1: {  	_ =	swait.ge [sflag:s20], $0x50  }
0xf2: {  	s10 =	sadd.s32 $0x1, s10;
	s19 =	rddreg [dreg:$0x14]  }
0xf3: {  	p0 =	sne.s32 s10, s19  }
.Ltmp1:
0xf4: {  	_ = 	snop;
	(pc) =	sbr.rel @p0 .LBB2_1-.Ltmp1, $3  }
0xf5: {  	_ =	sdelay $0x1  }
0xf6: {  	[sflag:s20] =	ssyncset.done $0x0  }
0xf7: {  	[sflag:s20] =	ssyncadd.s32 $0xFFFFFFB0  }
0xf8: {  	_ =	sfence.sel $0x180000  }
0xf9: {  	[bflag:$0x0] =	sbarrier.arrive $0xFFFF  }
0xfa: {  	_ =	strace $0x90000050  }
0xfb: {  	s0 =	stileid.u32;
	[bflag:$0x2] =	sbarrier.arrive $0xFFFF  }
0xfc: {  	p0 =	sne.s32 s0, $0x0;
	s0 =	rddreg [dreg:$0x5]  }
0xfd: {  	s0 =	sadd.s32 @!p0 $0x100000, s0  }
0xfe: {  	[sflag:s0] =	ssyncadd.tile.s32 @!p0 $0x1;
	_ =	shalt  }
.Lfunc_end2:
_tile_overlayer_lowered:
.L_overlay_start_2:
0xff: {  	(tag) =	ssettag $0x2  }
0x100: {  	s0 =	rddreg [dreg:$0x0];
	s2 =	stileid.u32  }
0x101: {  	s1 =	rddreg [dreg:$0x1];
	p0 =	sne.s32 s2, $0x0  }
0x102: {  	s3 =	rddreg [dreg:$0x2];
	[bflag:$0x3] =	sbarrier.arrive $0xFFFF;
	s2 =	simm.s32 @!p0 $0x1C05  }
0x103: {  	[timem:s3], [sflag:s2] =	dma.local @!p0 [hbm:s0], s1  }
0x104: {  	s0 =	simm.s32 @!p0 $0x5  }
0x105: {  	_ =	swait.ge @!p0 [sflag:s0], s1  }
0x106: {  	s1 =	ssub.s32 @!p0 $0x0, s1;
	[sflag:s0] =	ssyncset.done @!p0 $0x0  }
0x107: {  	[sflag:s0] =	ssyncadd.s32 @!p0 s1  }
0x108: {  	[bflag:$0x3] =	sbarrier.arrive $0xFFFF  }
0x109: {  	_ =	shalt  }

// kernel: kernel.27.cloned.1.call-start
scs
__scs_entry_jumppad:
0x0: {  	(pc) =	sbr.rel $0x88, $3  }
0x1: {  	(tag) =	ssettag $0x0;
	lr =	simm.s32 $0x1  }
0x2: {  	[smem:$0x3F94] =	sst lr;
	_ =	strace $0xD0000000  }
0x3: {  	_ = 	snop  }
0x4: {  	_ = 	snop  }
0x5: {  	_ = 	snop  }
0x6: {  	_ = 	snop  }
0x7: {  	_ = 	snop  }
__scs_overlays_trampoline_lowered:
0x8: {  	[smem:$0x3FA3] =	sst s0  }
0x9: {  	[smem:$0x3FA4] =	sst s1  }
0xa: {  	[smem:$0x3FA5] =	sst s2  }
0xb: {  	[smem:$0x3FA6] =	sst s3  }
0xc: {  	[smem:$0x3FA7] =	sst s4  }
0xd: {  	[smem:$0x3FA8] =	sst s5  }
0xe: {  	[smem:$0x3FA9] =	sst s6  }
0xf: {  	[smem:$0x3FAA] =	sst s7  }
0x10: {  	[smem:$0x3FAB] =	sst s8  }
0x11: {  	[smem:$0x3FAC] =	sst s9;
	s0 =	simm.s32 @!p0 $0x0  }
0x12: {  	s1 =	sld [smem:$0x3F92];
	s0 =	simm.s32 @p0 $0x1  }
0x13: {  	[smem:$0x3FAD] =	sst s0;
	s0 =	simm.s32 @!p1 $0x0  }
0x14: {  	s2 =	sld [smem:$0x3F91];
	s0 =	simm.s32 @p1 $0x1  }
0x15: {  	[smem:$0x3FAE] =	sst s0;
	s0 =	simm.s32 @!p2 $0x0  }
0x16: {  	s3 =	sld [smem:$0x3FDB];
	s0 =	simm.s32 @p2 $0x1  }
0x17: {  	s4 =	simm.s32 $0x1BF5;
	[smem:$0x3FB0] =	sst s0  }
0x18: {  	s0 =	sld [smem:$0x3F93];
	_ =	swait.ge [sflag:s4], $0x0  }
0x19: {  	s7 =	sld [smem:$0x3F94]  }
0x1a: {  	s8 =	sadd.s32 $0xFFFFE003, lr  }
0x1b: {  	s9 =	sadd.s32 $0xFFFFFEF7, lr;
	s5 =	simm.s32 $0xFFFFFFFF;
	p2 =	slt.u32 s8, $0xFFFFF086  }
0x1c: {  	p1 =	slt.u32 s9, $0xF7A;
	s5 =	simm.s32 @!p2 $0x0  }
0x1d: {  	s5 =	simm.s32 @p1 $0x1;
	p0 =	seq.s32 s7, s2  }
0x1e: {  	s7 =	smul.u32 @!p0 $0xF7A, s2;
	p2 =	seq.s32 @!p0 s5, $0x0  }
0x1f: {  	s9 =	smul.u32 $0xF7A, s1;
	s8 =	simm.s32 @!p0 $0x1BF5;
	p2 =	por !p2, p0  }
0x20: {  	[sflag:s8] =	ssyncset.s32 @!p0 $0xFFFFF086;
	s6 =	sadd.s32 @!p0 s3, s7;
	s7 =	simm.s32 @!p0 $0x108  }
0x21: {  	s3 =	sadd.s32 s3, s9;
	s6 =	sadd.s32 @!p0 $0x88, s6;
	s7 =	simm.s32 @p2 $0x1082  }
0x22: {  	[simem:s7], [sflag:s8] =	dma.local @!p0 [hbm:s6], $0xF7A  }
0x23: {  	s9 =	sor.u32 $0xD0000000, s2;
	s6 =	simm.s32 $0x108;
	_ =	swait.ge @!p0 [sflag:s8], $0x0  }
0x24: {  	s3 =	sadd.s32 $0x88, s3;
	s6 =	simm.s32 @!p1 $0x1082;
	[sflag:s4] =	ssyncset.s32 $0xFFFFF086  }
0x25: {  	[simem:s6], [sflag:s4] =	dma.local [hbm:s3], $0xF7A  }
0x26: {  	[smem:$0x3F94] =	sst s1;
	(tag) =	ssettag s2;
	_ =	strace s9  }
0x27: {  	s1 =	sld [smem:$0x3FA4]  }
0x28: {  	s2 =	sld [smem:$0x3FA5]  }
0x29: {  	s4 =	sld [smem:$0x3FA7]  }
0x2a: {  	p0 =	seq.s32 s5, $0x0;
	s5 =	sld [smem:$0x3FA8]  }
0x2b: {  	s6 =	sld [smem:$0x3FA9]  }
0x2c: {  	s7 =	sld [smem:$0x3FAA]  }
0x2d: {  	s3 =	simm.s32 $0x108;
	s8 =	sld [smem:$0x3FAB]  }
0x2e: {  	s3 =	simm.s32 @!p0 $0x1082;
	s9 =	sld [smem:$0x3FAC]  }
0x2f: {  	lr =	sadd.s32 s0, s3;
	s0 =	sld [smem:$0x3FA3]  }
0x30: {  	s3 =	sld [smem:$0x3FA6]  }
0x31: {  	[smem:$0x3FAF] =	sst s10  }
0x32: {  	s10 =	sld [smem:$0x3FAD];
	_ =	sdelay $0x3  }
0x33: {  	p0 =	seq.s32 s10, $0x1;
	s10 =	sld [smem:$0x3FAF];
	_ =	sdelay $0x3  }
0x34: {  	[smem:$0x3FAF] =	sst s10  }
0x35: {  	s10 =	sld [smem:$0x3FAE];
	_ =	sdelay $0x3  }
0x36: {  	p1 =	seq.s32 s10, $0x1;
	s10 =	sld [smem:$0x3FAF];
	_ =	sdelay $0x3  }
0x37: {  	[smem:$0x3FAF] =	sst s10  }
0x38: {  	s10 =	sld [smem:$0x3FB0]  }
0x39: {  	_ = 	snop;
	(pc) =	sbr.ind lr, $3  }
0x3a: {  	_ = 	snop  }
0x3b: {  	_ = 	snop  }
0x3c: {  	p2 =	seq.s32 s10, $0x1;
	s10 =	sld [smem:$0x3FAF]  }
0x3d: {  	_ =	shalt  }
0x3e: {  	_ =	shalt  }
0x3f: {  	_ =	shalt  }
0x40: {  	_ =	shalt  }
0x41: {  	_ =	shalt  }
0x42: {  	_ =	shalt  }
0x43: {  	_ =	shalt  }
0x44: {  	_ =	shalt  }
0x45: {  	_ =	shalt  }
0x46: {  	_ =	shalt  }
0x47: {  	_ =	shalt  }
0x48: {  	_ =	shalt  }
0x49: {  	_ =	shalt  }
0x4a: {  	_ =	shalt  }
0x4b: {  	_ =	shalt  }
0x4c: {  	_ =	shalt  }
0x4d: {  	_ =	shalt  }
0x4e: {  	_ =	shalt  }
0x4f: {  	_ =	shalt  }
0x50: {  	_ =	shalt  }
0x51: {  	_ =	shalt  }
0x52: {  	_ =	shalt  }
0x53: {  	_ =	shalt  }
0x54: {  	_ =	shalt  }
0x55: {  	_ =	shalt  }
0x56: {  	_ =	shalt  }
0x57: {  	_ =	shalt  }
0x58: {  	_ =	shalt  }
0x59: {  	_ =	shalt  }
0x5a: {  	_ =	shalt  }
0x5b: {  	_ =	shalt  }
0x5c: {  	_ =	shalt  }
0x5d: {  	_ =	shalt  }
0x5e: {  	_ =	shalt  }
0x5f: {  	_ =	shalt  }
0x60: {  	_ =	shalt  }
0x61: {  	_ =	shalt  }
0x62: {  	_ =	shalt  }
0x63: {  	_ =	shalt  }
0x64: {  	_ =	shalt  }
0x65: {  	_ =	shalt  }
0x66: {  	_ =	shalt  }
0x67: {  	_ =	shalt  }
0x68: {  	_ =	shalt  }
0x69: {  	_ =	shalt  }
0x6a: {  	_ =	shalt  }
0x6b: {  	_ =	shalt  }
0x6c: {  	_ =	shalt  }
0x6d: {  	_ =	shalt  }
0x6e: {  	_ =	shalt  }
0x6f: {  	_ =	shalt  }
0x70: {  	_ =	shalt  }
0x71: {  	_ =	shalt  }
0x72: {  	_ =	shalt  }
0x73: {  	_ =	shalt  }
0x74: {  	_ =	shalt  }
0x75: {  	_ =	shalt  }
0x76: {  	_ =	shalt  }
0x77: {  	_ =	shalt  }
0x78: {  	_ =	shalt  }
0x79: {  	_ =	shalt  }
0x7a: {  	_ =	shalt  }
0x7b: {  	_ =	shalt  }
0x7c: {  	_ =	shalt  }
0x7d: {  	_ =	shalt  }
0x7e: {  	_ =	shalt  }
0x7f: {  	_ =	shalt  }
0x80: {  	_ =	shalt  }
0x81: {  	_ =	shalt  }
0x82: {  	_ =	shalt  }
0x83: {  	_ =	shalt  }
0x84: {  	_ =	shalt  }
0x85: {  	_ =	shalt  }
0x86: {  	_ =	shalt  }
0x87: {  	_ =	shalt  }
.Lfunc_end0:
.L_simem_size_0:
called_computation.4_lowered:
.L_overlay_start_0:
0x88: {  	s2 =	sld [smem:$0x3FD9]  }
0x89: {  	s3 =	sld [smem:$0x3FFE];
	_ =	sdelay $0x1  }
0x8a: {  	s1 =	srdreg.scid  }
0x8b: {  	s0 =	sand.u32 $0x1, s1  }
0x8c: {  	s14 =	sshll.u32 s0, $0xA;
	s2 =	sadd.s32 s3, s2  }
0x8d: {  	s2 =	sadd.s32 s2, s14  }
0x8e: {  	[smem:$0x3FBB] =	sst s2  }
0x8f: {  	_ = 	snop  }
0x90: {  	s2 =	sld [smem:$0x3FD0];
	_ =	sdelay $0x2  }
0x91: {  	s15 =	simm.s32 $0xA;
	s4 =	simm.s32 $0x10  }
0x92: {  	[smem:s4], [sflag:s15] =	dma.local [hbm:s2], $0x1  }
0x93: {  	_ =	swait.eq [sflag:s15], $0x1  }
0x94: {  	[sflag:s15] =	ssyncset.done $0x0  }
0x95: {  	s16 =	sld [smem:$0x10];
	[sflag:s15] =	ssyncadd.s32 $0xFFFFFFFF  }
0x96: {  	s17 =	sld [smem:$0x11];
	(tm) =	ssettm $0x1  }
0x97: {  	s18 =	sld [smem:$0x3FFB];
	_ =	sdelay $0x3  }
0x98: {  	_ =	strace s18  }
0x99: {  	s4 =	sld [smem:$0x3FFC];
	_ =	sdelay $0x3  }
0x9a: {  	_ =	strace s4  }
0x9b: {  	s4 =	sld [smem:$0x3FFD];
	_ =	sdelay $0x3  }
0x9c: {  	_ =	strace s4  }
0x9d: {  	_ =	strace $0x8FFFFFFF  }
0x9e: {  	s19 =	sld [smem:$0x3FDB];
	_ =	sdelay $0x1  }
0x9f: {  	s5 =	simm.s32 $_scs_section_size  }
0xa0: {  	s6 =	simm.s32 $_size__tile_overlayer_lowered;
	s7 =	simm.s32 $_tile_overlayer_lowered  }
0xa1: {  	s22 =	simm.s32 $0x1BFF;
	s21 =	sshll.u32 s7, $0x1;
	s4 =	sadd.s32 s5, s19  }
0xa2: {  	s8 =	simm.s32 $0x0;
	s20 =	sshll.u32 s6, $0x1;
	s6 =	sadd.s32 s21, s4  }
0xa3: {  	[timem:s8], [sflag:s22] =	dma.local [hbm:s6], s20  }
0xa4: {  	_ =	swait.ge [sflag:s22], s20  }
0xa5: {  	s5 =	ssub.s32 $0x0, s20;
	[sflag:s22] =	ssyncset.done $0x0  }
0xa6: {  	[sflag:s22] =	ssyncadd.s32 s5;
	_ =	sdelay $0x1  }
0xa7: {  	s23 =	simm.s32 $0x1B8B  }
0xa8: {  	_ =	swait.ge [sflag:s23], $0x1  }
0xa9: {  	[sflag:s23] =	ssyncset.done $0x0  }
0xaa: {  	s25 =	simm.s32 $0x1B8E;
	s24 =	sld [smem:$0x3FFE];
	[sflag:s23] =	ssyncadd.s32 $0xFFFFFFFF  }
0xab: {  	s26 =	simm.s32 $execute0_lowered;
	[smem:$0x3FD2] =	sst s25  }
0xac: {  	s6 =	sshll.u32 s26, $0x1;
	_ =	strace $0x80000052;
	[dreg:$0x1] =	wrdreg $0xFFFFFFFF  }
0xad: {  	s28 =	simm.s32 $_size_execute0_lowered;
	s4 =	sadd.s32 s4, s6;
	[dreg:$0x0] =	wrdreg $0x0  }
0xae: {  	s6 =	sshll.u32 s28, $0x1;
	[dreg:$0x2] =	wrdreg s4  }
0xaf: {  	[dreg:$0x3] =	wrdreg s6  }
0xb0: {  	[dreg:$0x4] =	wrdreg $0xC0  }
0xb1: {  	_ =	task [dreg:s8], $0x5FFFF  }
0xb2: {  	[dreg:$0x1] =	wrdreg $0xFFFFFFFF  }
0xb3: {  	[dreg:$0x0] =	wrdreg $0x60  }
0xb4: {  	[dreg:$0x2] =	wrdreg s17  }
0xb5: {  	[dreg:$0x3] =	wrdreg s24  }
0xb6: {  	[dreg:$0x4] =	wrdreg s16  }
0xb7: {  	[dreg:$0x5] =	wrdreg $0x0  }
0xb8: {  	[dreg:$0x6] =	wrdreg $0x140000  }
0xb9: {  	[dreg:$0x7] =	wrdreg $0x9  }
0xba: {  	_ =	task.clear_ibuf [dreg:s8], $0x8FFFF;
	_ =	strace $0x90000052  }
0xbb: {  	s29 =	simm.s32 $0x9;
	_ =	strace $0x80000054  }
0xbc: {  	_ =	swait.ge [sflag:s29], $0x1  }
0xbd: {  	[sflag:s29] =	ssyncadd.s32 $0xFFFFFFFF  }
0xbe: {  	_ =	strace $0x90000054  }
0xbf: {  	_ =	sfence  }
0xc0: {  	s30 =	sld [smem:$0x0];
	_ =	sdelay $0x2  }
0xc1: {  	s31 =	sshll.u32 s1, $0xD;
	s1 =	sshrl.u32 s1, $0x2  }
0xc2: {  	s3 =	sand.u32 $0x4000, s31;
	s1 =	sadd.s32 s1, s30  }
0xc3: {  	s0 =	sor.u32 s3, s0;
	s1 =	sshll.u32 s1, $0x11  }
0xc4: {  	s0 =	sor.u32 s1, s0  }
0xc5: {  	s0 =	sadd.s32 $0x8F2B, s0  }
0xc6: {  	[sflag:s0] =	ssyncadd.remote.s32 $0x1  }
0xc7: {  	_ =	sfence.sel $0xFFFF  }
0xc8: {  	[dreg:$0x0] =	wrdreg $0xFFFFFFFF;
	(pc) =	sbr.abs _section_cstart, $3  }
0xc9: {  	[dreg:$0x1] =	wrdreg $0xFFFFFFFF  }
0xca: {  	_ =	task.clear_ibuf [dreg:s8], $0x2FFFF;
	_ =	strace $0x9FFFFFFF  }
0xcb: {  	(tm) =	ssettm $0x7FFFFFFF  }
tec
execute0_lowered:
.L_overlay_start_1:
0x0: {  	(tag) =	ssettag $0x1  }
0x1: {  	s1 =	rddreg [dreg:$0x0]  }
0x2: {  	s0 =	rddreg [dreg:$0x1]  }
0x3: {  	s2 =	rddreg [dreg:$0x2]  }
0x4: {  	s3 =	rddreg [dreg:$0x3]  }
0x5: {  	s4 =	rddreg [dreg:$0x4];
	s17 =	stileid.u32;
	s5 =	simm.s32 $0x0  }
0x6: {  	s6 =	srdreg.scid;
	s28 =	simm.s32 $0x14300;
	s29 =	simm.s32 $0x14400  }
0x7: {  	s30 =	simm.s32 $0x14500;
	s31 =	simm.s32 $0x1;
	s9 =	smul.u32 $0x14000, s17  }
0x8: {  	[smem:$0x7FF] =	sst s5;
	s10 =	smul.u32 $0x280, s17;
	s12 =	sand.u32 $0x1, s6  }
0x9: {  	s6 =	sadd.s32 $0x1C800, s0;
	s7 =	sadd.s32 $0x12800, s0;
	s8 =	sadd.s32 $0x8800, s0  }
0xa: {  	s21 =	sshll.u32 s17, $0x6;
	_ =	strace $0x80000053;
	s11 =	smul.u32 $0x140000, s12  }
0xb: {  	s15 =	ssub.s32 $0x2, s12;
	s16 =	sshll.u32 s12, $0x4;
	s24 =	smul.u32 $0x2800, s12  }
0xc: {  	s12 =	smul.u32 $0x5000, s12;
	s13 =	sshrl.u32 s9, $0x3;
	s14 =	sshrl.u32 s10, $0x3  }
0xd: {  	s18 =	sshrl.u32 s15, $0x1;
	s19 =	sor.u32 s17, s16;
	s23 =	sadd.s32 s10, s4  }
0xe: {  	s16 =	smul.u32 $0x500, s17;
	s13 =	sadd.s32 s13, s0;
	s11 =	sadd.s32 s9, s11  }
0xf: {  	s14 =	sadd.s32 s14, s0;
	s15 =	ssub.s32 s15, s18;
	s9 =	sadd.s32 s9, s3  }
0x10: {  	s22 =	smul.u32 $0x50, s19;
	[dreg:$0xd] =	wrdreg s23;
	s18 =	sadd.s32 s12, s7  }
0x11: {  	s11 =	sshrl.u32 s11, $0x3;
	[dreg:$0xb] =	wrdreg s9;
	s20 =	sadd.s32 $0x26800, s13  }
0x12: {  	s9 =	smul.u32 $0x500, s19;
	s14 =	sadd.s32 $0x4E800, s14;
	[dreg:$0xc] =	wrdreg s20  }
0x13: {  	s19 =	sadd.s32 s16, s18;
	s0 =	sadd.s32 s11, s0;
	[dreg:$0xe] =	wrdreg s14  }
0x14: {  	s11 =	sor.u32 $0x1C05, s21;
	[dreg:$0x6] =	wrdreg s22;
	s14 =	sadd.s32 s10, s24  }
0x15: {  	s20 =	sadd.s32 s12, s6;
	s21 =	sadd.s32 s12, s8;
	s24 =	smax.u32 s15, $0x1  }
0x16: {  	s10 =	simm.s32 $0x0;
	s25 =	sadd.s32 s6, s9;
	[dreg:$0x14] =	wrdreg s24  }
0x17: {  	s26 =	sadd.s32 s7, s9;
	s9 =	sadd.s32 s8, s9;
	[dreg:$0xf] =	wrdreg s25  }
0x18: {  	s0 =	sadd.s32 $0x4EE00, s0;
	s17 =	sshrl.u32 s14, $0x3;
	[dreg:$0x10] =	wrdreg s26  }
0x19: {  	s23 =	sadd.s32 s16, s21;
	s21 =	simm.s32 $0x14280;
	[dreg:$0x11] =	wrdreg s9  }
0x1a: {  	s24 =	simm.s32 $0x3;
	[dreg:$0x12] =	wrdreg s0;
	s0 =	sadd.s32 s2, s17  }
0x1b: {  	s2 =	sadd.s32 s16, s20;
	s25 =	sadd.s32 $0x10, s23;
	s20 =	simm.s32 $0x5  }
0x1c: {  	s23 =	simm.s32 $0x14480;
	s26 =	simm.s32 $0x16580;
	[dreg:$0x13] =	wrdreg s0  }
0x1d: {  	s9 =	simm.s32 $0x2;
	s0 =	sadd.s32 $0x10, s19;
	[dreg:$0x9] =	wrdreg s25  }
0x1e: {  	s22 =	sadd.s32 $0x10, s2;
	[dreg:$0xa] =	wrdreg s26;
	s25 =	simm.s32 $0x80  }
0x1f: {  	s26 =	simm.s32 $0x14580;
	s2 =	simm.s32 $0x18580;
	[dreg:$0x7] =	wrdreg s0  }
0x20: {  	[dreg:$0x8] =	wrdreg s22;
	s22 =	simm.s32 $0x14380;
	s0 =	simm.s32 $0x4  }
.LBB2_1:
0x21: {  	s12 =	rddreg [dreg:$0xb]  }
0x22: {  	s14 =	rddreg [dreg:$0xc];
	s13 =	sshrl.u32 s12, $0x3  }
0x23: {  	[dreg:$0x15] =	wrdreg s13  }
0x24: {  	[spmem:s13], [sflag:s11] =	dma.local [hbm:s14], $0x2800  }
0x25: {  	_ =	swait.ge [sflag:s20], $0x2800  }
0x26: {  	[sflag:s20] =	ssyncset.done $0x0;
	s15 =	rddreg [dreg:$0xd]  }
0x27: {  	s16 =	rddreg [dreg:$0xe];
	[sflag:s20] =	ssyncadd.s32 $0xFFFFD800;
	s13 =	sshrl.u32 s15, $0x3  }
0x28: {  	[spmem:s13], [sflag:s11] =	dma.local [hbm:s16], $0x50  }
0x29: {  	_ =	swait.ge [sflag:s20], $0x50  }
0x2a: {  	[sflag:s20] =	ssyncset.done $0x0  }
0x2b: {  	[sflag:s20] =	ssyncadd.s32 $0xFFFFFFB0  }
0x2c: {  	[bflag:$0x0] =	sbarrier.arrive $0xFFFF  }
0x2d: {  	s17 =	rddreg [dreg:$0xf]  }
0x2e: {  	[tilespmem:s21], [sflag:$0x3] =	stream.linear.gather [hbm4b:s17+s5], $0x80, $0x38;
	[tilespmem:$0x1C580] =	vst v63  }
0x2f: {  	s18 =	rddreg [dreg:$0x10]  }
0x30: {  	[tilespmem:s22], [sflag:$0x3] =	stream.linear.gather [hbm4b:s18+s5], $0x80, $0x38;
	[tilespmem:$0x1C580] =	vst v63  }
0x31: {  	s19 =	rddreg [dreg:$0x11]  }
0x32: {  	[tilespmem:s23], [sflag:$0x3] =	stream.linear.gather [hbm4b:s19+s5], $0x80, $0x38;
	[tilespmem:$0x1C580] =	vst v63  }
0x33: {  	_ =	swait.ge [sflag:s24], $0x80  }
0x34: {  	[sflag:s24] =	ssyncset.done $0x0  }
0x35: {  	[sflag:s24] =	ssyncadd.s32 $0xFFFFFF80  }
0x36: {  	_ =	swait.ge [sflag:s24], $0x80  }
0x37: {  	[sflag:s24] =	ssyncset.done $0x0  }
0x38: {  	[sflag:s24] =	ssyncadd.s32 $0xFFFFFF80  }
0x39: {  	_ =	swait.ge [sflag:s24], $0x80  }
0x3a: {  	[sflag:s24] =	ssyncset.done $0x0  }
0x3b: {  	s14 =	rddreg [dreg:$0x8];
	[sflag:s24] =	ssyncadd.s32 $0xFFFFFF80  }
0x3c: {  	[tilespmem:s26], [sflag:$0x1] =	stream.indirect.gather [hbm4b:s1+s25], $0x40, s21, s25, $0xb8;
	[tilespmem:$0x1C580] =	vst v63  }
0x3d: {  	s15 =	rddreg [dreg:$0x7];
	s14 =	sadd.s32 $0x0, s14  }
0x3e: {  	[tilespmem:s28], [sflag:$0x4] =	stream.linear.gather [hbm4b:s14+s5], $0x80, $0x38;
	[tilespmem:$0x1C580] =	vst v63  }
0x3f: {  	s16 =	rddreg [dreg:$0x9];
	s12 =	sadd.s32 $0x0, s15  }
0x40: {  	[tilespmem:s29], [sflag:$0x4] =	stream.linear.gather [hbm4b:s12+s5], $0x80, $0x38;
	[tilespmem:$0x1C580] =	vst v63  }
0x41: {  	s15 =	sadd.s32 $0x0, s16  }
0x42: {  	[tilespmem:s30], [sflag:$0x4] =	stream.linear.gather [hbm4b:s15+s5], $0x80, $0x38;
	[tilespmem:$0x1C580] =	vst v63  }
0x43: {  	_ =	swait.ge [sflag:s31], $0x2000  }
0x44: {  	[sflag:s31] =	ssyncset.done $0x0  }
0x45: {  	[sflag:s31] =	ssyncadd.s32 $0xFFFFE000  }
0x46: {  	_ =	swait.ge [sflag:s0], $0x80  }
0x47: {  	[sflag:s0] =	ssyncset.done $0x0  }
0x48: {  	[sflag:s0] =	ssyncadd.s32 $0xFFFFFF80  }
0x49: {  	_ =	swait.ge [sflag:s0], $0x80  }
0x4a: {  	[sflag:s0] =	ssyncset.done $0x0  }
0x4b: {  	[sflag:s0] =	ssyncadd.s32 $0xFFFFFF80  }
0x4c: {  	_ =	swait.ge [sflag:s0], $0x80  }
0x4d: {  	[sflag:s0] =	ssyncset.done $0x0  }
0x4e: {  	s16 =	rddreg [dreg:$0xa];
	[sflag:s0] =	ssyncadd.s32 $0xFFFFFF80  }
0x4f: {  	[tilespmem:s16], [sflag:$0x2] =	stream.indirect.gather [hbm4b:s1+s25], $0x40, s28, s25, $0xb8;
	[tilespmem:$0x1C580] =	vst v63  }
0x50: {  	_ = 	snop  }
0x51: {  	[spmem:s3] =	stream.indirect.scatter.add.f32 [tilespmem:s2], [sflag:$0x5], $0x80, s22, s25, $0xb8;
	[tilespmem:$0x1C580] =	vst v63  }
0x52: {  	_ =	swait.ge [sflag:s20], $0x4000  }
0x53: {  	[sflag:s20] =	ssyncset.done $0x0  }
0x54: {  	[sflag:s20] =	ssyncadd.s32 $0xFFFFC000  }
0x55: {  	[spmem:s4] =	stream.indirect.scatter.add.f32 [tilespmem:s23], [sflag:$0x5], $0x1, s22, s25, $0xb8;
	[tilespmem:$0x1C580] =	vst v63  }
0x56: {  	p0 =	por $0x0, $0x0;
	s15 =	simm.s32 $0x2;
	_ =	swait.ge [sflag:s20], $0x80  }
0x57: {  	s15 =	simm.s32 @p0 $0x0;
	s17 =	rddreg [dreg:$0x6]  }
0x58: {  	s14 =	sadd.s32 s17, s15  }
0x59: {  	[sflag:s20] =	ssyncset.done $0x0;
	s14 =	sshll.u32 s14, $0x4  }
0x5a: {  	[sflag:s20] =	ssyncadd.s32 $0xFFFFFF80;
	s18 =	sadd.s32 s6, s14  }
0x5b: {  	[tilespmem:s21], [sflag:$0x3] =	stream.linear.gather [hbm4b:s18+s5], $0x80, $0x38;
	[tilespmem:$0x1C580] =	vst v63  }
0x5c: {  	s19 =	sadd.s32 s7, s14  }
0x5d: {  	[tilespmem:s22], [sflag:$0x3] =	stream.linear.gather [hbm4b:s19+s5], $0x80, $0x38;
	[tilespmem:$0x1C580] =	vst v63  }
0x5e: {  	s14 =	sadd.s32 s8, s14  }
0x5f: {  	[tilespmem:s23], [sflag:$0x3] =	stream.linear.gather [hbm4b:s14+s5], $0x80, $0x38;
	[tilespmem:$0x1C580] =	vst v63  }
0x60: {  	_ =	swait.ge [sflag:s9], $0x2000  }
0x61: {  	[sflag:s9] =	ssyncset.done $0x0  }
0x62: {  	[sflag:s9] =	ssyncadd.s32 $0xFFFFE000  }
0x63: {  	_ =	swait.ge [sflag:s24], $0x80  }
0x64: {  	[sflag:s24] =	ssyncset.done $0x0  }
0x65: {  	[sflag:s24] =	ssyncadd.s32 $0xFFFFFF80  }
0x66: {  	_ =	swait.ge [sflag:s24], $0x80  }
0x67: {  	[sflag:s24] =	ssyncset.done $0x0  }
0x68: {  	[sflag:s24] =	ssyncadd.s32 $0xFFFFFF80  }
0x69: {  	_ =	swait.ge [sflag:s24], $0x80  }
0x6a: {  	[sflag:s24] =	ssyncset.done $0x0  }
0x6b: {  	[sflag:s24] =	ssyncadd.s32 $0xFFFFFF80  }
0x6c: {  	[tilespmem:s26], [sflag:$0x1] =	stream.indirect.gather [hbm4b:s1+s25], $0x40, s21, s25, $0xb8;
	[tilespmem:$0x1C580] =	vst v63  }
0x6d: {  	_ = 	snop  }
0x6e: {  	[spmem:s3] =	stream.indirect.scatter.add.f32 [tilespmem:s2], [sflag:$0x5], $0x80, s29, s25, $0xb8;
	[tilespmem:$0x1C580] =	vst v63  }
0x6f: {  	_ =	swait.ge [sflag:s20], $0x4000  }
0x70: {  	[sflag:s20] =	ssyncset.done $0x0  }
0x71: {  	[sflag:s20] =	ssyncadd.s32 $0xFFFFC000  }
0x72: {  	[spmem:s4] =	stream.indirect.scatter.add.f32 [tilespmem:s30], [sflag:$0x5], $0x1, s29, s25, $0xb8;
	[tilespmem:$0x1C580] =	vst v63  }
0x73: {  	s16 =	simm.s32 $0x40;
	s15 =	simm.s32 $0x4;
	_ =	swait.ge [sflag:s20], $0x80  }
0x74: {  	s14 =	simm.s32 $0x20;
	s17 =	rddreg [dreg:$0x8];
	[sflag:s20] =	ssyncset.done $0x0  }
.LBB2_2:
0x75: {  	[sflag:s20] =	ssyncadd.s32 $0xFFFFFF80;
	s19 =	rddreg [dreg:$0x7];
	s17 =	sadd.s32 s14, s17  }
0x76: {  	[tilespmem:s28], [sflag:$0x4] =	stream.linear.gather [hbm4b:s17+s5], $0x80, $0x38;
	[tilespmem:$0x1C580] =	vst v63  }
0x77: {  	s12 =	rddreg [dreg:$0x9];
	s19 =	sadd.s32 s14, s19  }
0x78: {  	[tilespmem:s29], [sflag:$0x4] =	stream.linear.gather [hbm4b:s19+s5], $0x80, $0x38;
	[tilespmem:$0x1C580] =	vst v63  }
0x79: {  	s12 =	sadd.s32 s14, s12  }
0x7a: {  	[tilespmem:s30], [sflag:$0x4] =	stream.linear.gather [hbm4b:s12+s5], $0x80, $0x38;
	[tilespmem:$0x1C580] =	vst v63  }
0x7b: {  	_ =	swait.ge [sflag:s31], $0x2000  }
0x7c: {  	[sflag:s31] =	ssyncset.done $0x0  }
0x7d: {  	[sflag:s31] =	ssyncadd.s32 $0xFFFFE000  }
0x7e: {  	_ =	swait.ge [sflag:s0], $0x80  }
0x7f: {  	[sflag:s0] =	ssyncset.done $0x0  }
0x80: {  	[sflag:s0] =	ssyncadd.s32 $0xFFFFFF80  }
0x81: {  	_ =	swait.ge [sflag:s0], $0x80  }
0x82: {  	[sflag:s0] =	ssyncset.done $0x0  }
0x83: {  	[sflag:s0] =	ssyncadd.s32 $0xFFFFFF80  }
0x84: {  	_ =	swait.ge [sflag:s0], $0x80  }
0x85: {  	[sflag:s0] =	ssyncset.done $0x0  }
0x86: {  	s17 =	rddreg [dreg:$0xa];
	[sflag:s0] =	ssyncadd.s32 $0xFFFFFF80  }
0x87: {  	[tilespmem:s17], [sflag:$0x2] =	stream.indirect.gather [hbm4b:s1+s25], $0x40, s28, s25, $0xb8;
	[tilespmem:$0x1C580] =	vst v63  }
0x88: {  	_ = 	snop  }
0x89: {  	[spmem:s3] =	stream.indirect.scatter.add.f32 [tilespmem:s2], [sflag:$0x5], $0x80, s22, s25, $0xb8;
	[tilespmem:$0x1C580] =	vst v63  }
0x8a: {  	_ =	swait.ge [sflag:s20], $0x4000  }
0x8b: {  	[sflag:s20] =	ssyncset.done $0x0  }
0x8c: {  	[sflag:s20] =	ssyncadd.s32 $0xFFFFC000  }
0x8d: {  	[spmem:s4] =	stream.indirect.scatter.add.f32 [tilespmem:s23], [sflag:$0x5], $0x1, s22, s25, $0xb8;
	[tilespmem:$0x1C580] =	vst v63  }
0x8e: {  	p1 =	seq.s32 s14, $0x4E0;
	s17 =	smov.u32 s15;
	_ =	swait.ge [sflag:s20], $0x80  }
0x8f: {  	s17 =	simm.s32 @p1 $0x0;
	s19 =	rddreg [dreg:$0x6]  }
0x90: {  	s12 =	sadd.s32 s19, s17  }
0x91: {  	s18 =	smov.u32 s16;
	[sflag:s20] =	ssyncset.done $0x0;
	s12 =	sshll.u32 s12, $0x4  }
0x92: {  	s14 =	smov.u32 s18;
	[sflag:s20] =	ssyncadd.s32 $0xFFFFFF80;
	s18 =	sadd.s32 s6, s12  }
0x93: {  	[tilespmem:s21], [sflag:$0x3] =	stream.linear.gather [hbm4b:s18+s5], $0x80, $0x38;
	[tilespmem:$0x1C580] =	vst v63  }
0x94: {  	s19 =	sadd.s32 s7, s12  }
0x95: {  	[tilespmem:s22], [sflag:$0x3] =	stream.linear.gather [hbm4b:s19+s5], $0x80, $0x38;
	[tilespmem:$0x1C580] =	vst v63  }
0x96: {  	s12 =	sadd.s32 s8, s12  }
0x97: {  	[tilespmem:s23], [sflag:$0x3] =	stream.linear.gather [hbm4b:s12+s5], $0x80, $0x38;
	[tilespmem:$0x1C580] =	vst v63  }
0x98: {  	_ =	swait.ge [sflag:s9], $0x2000  }
0x99: {  	[sflag:s9] =	ssyncset.done $0x0  }
0x9a: {  	[sflag:s9] =	ssyncadd.s32 $0xFFFFE000  }
0x9b: {  	_ =	swait.ge [sflag:s24], $0x80  }
0x9c: {  	[sflag:s24] =	ssyncset.done $0x0  }
0x9d: {  	[sflag:s24] =	ssyncadd.s32 $0xFFFFFF80  }
0x9e: {  	_ =	swait.ge [sflag:s24], $0x80  }
0x9f: {  	[sflag:s24] =	ssyncset.done $0x0  }
0xa0: {  	[sflag:s24] =	ssyncadd.s32 $0xFFFFFF80  }
0xa1: {  	_ =	swait.ge [sflag:s24], $0x80  }
0xa2: {  	[sflag:s24] =	ssyncset.done $0x0  }
0xa3: {  	[sflag:s24] =	ssyncadd.s32 $0xFFFFFF80  }
0xa4: {  	[tilespmem:s26], [sflag:$0x1] =	stream.indirect.gather [hbm4b:s1+s25], $0x40, s21, s25, $0xb8;
	[tilespmem:$0x1C580] =	vst v63  }
0xa5: {  	_ = 	snop  }
0xa6: {  	[spmem:s3] =	stream.indirect.scatter.add.f32 [tilespmem:s2], [sflag:$0x5], $0x80, s29, s25, $0xb8;
	[tilespmem:$0x1C580] =	vst v63  }
0xa7: {  	p0 =	sne.s32 s16, $0x4E0;
	_ =	swait.ge [sflag:s20], $0x4000  }
.Ltmp0:
0xa8: {  	[sflag:s20] =	ssyncset.done $0x0;
	(pc) =	sbr.rel @p0 .LBB2_2-.Ltmp0, $4  }
0xa9: {  	[sflag:s20] =	ssyncadd.s32 $0xFFFFC000  }
0xaa: {  	[spmem:s4] =	stream.indirect.scatter.add.f32 [tilespmem:s30], [sflag:$0x5], $0x1, s29, s25, $0xb8;
	[tilespmem:$0x1C580] =	vst v63  }
0xab: {  	s16 =	sadd.s32 $0x20, s16;
	_ =	swait.ge [sflag:s20], $0x80  }
0xac: {  	s15 =	sadd.s32 $0x2, s15;
	s17 =	rddreg [dreg:$0x8];
	[sflag:s20] =	ssyncset.done $0x0  }
0xad: {  	[sflag:s20] =	ssyncadd.s32 $0xFFFFFF80;
	s12 =	rddreg [dreg:$0x7];
	s16 =	sadd.s32 s14, s17  }
0xae: {  	[tilespmem:s28], [sflag:$0x4] =	stream.linear.gather [hbm4b:s16+s5], $0x80, $0x38;
	[tilespmem:$0x1C580] =	vst v63  }
0xaf: {  	s19 =	rddreg [dreg:$0x9];
	s12 =	sadd.s32 s14, s12  }
0xb0: {  	[tilespmem:s29], [sflag:$0x4] =	stream.linear.gather [hbm4b:s12+s5], $0x80, $0x38;
	[tilespmem:$0x1C580] =	vst v63  }
0xb1: {  	s16 =	sadd.s32 s14, s19  }
0xb2: {  	[tilespmem:s30], [sflag:$0x4] =	stream.linear.gather [hbm4b:s16+s5], $0x80, $0x38;
	[tilespmem:$0x1C580] =	vst v63  }
0xb3: {  	_ =	swait.ge [sflag:s31], $0x2000  }
0xb4: {  	[sflag:s31] =	ssyncset.done $0x0  }
0xb5: {  	[sflag:s31] =	ssyncadd.s32 $0xFFFFE000  }
0xb6: {  	_ =	swait.ge [sflag:s0], $0x80  }
0xb7: {  	[sflag:s0] =	ssyncset.done $0x0  }
0xb8: {  	[sflag:s0] =	ssyncadd.s32 $0xFFFFFF80  }
0xb9: {  	_ =	swait.ge [sflag:s0], $0x80  }
0xba: {  	[sflag:s0] =	ssyncset.done $0x0  }
0xbb: {  	[sflag:s0] =	ssyncadd.s32 $0xFFFFFF80  }
0xbc: {  	_ =	swait.ge [sflag:s0], $0x80  }
0xbd: {  	[sflag:s0] =	ssyncset.done $0x0  }
0xbe: {  	s17 =	rddreg [dreg:$0xa];
	[sflag:s0] =	ssyncadd.s32 $0xFFFFFF80  }
0xbf: {  	[tilespmem:s17], [sflag:$0x2] =	stream.indirect.gather [hbm4b:s1+s25], $0x40, s28, s25, $0xb8;
	[tilespmem:$0x1C580] =	vst v63  }
0xc0: {  	_ = 	snop  }
0xc1: {  	[spmem:s3] =	stream.indirect.scatter.add.f32 [tilespmem:s2], [sflag:$0x5], $0x80, s22, s25, $0xb8;
	[tilespmem:$0x1C580] =	vst v63  }
0xc2: {  	_ =	swait.ge [sflag:s20], $0x4000  }
0xc3: {  	[sflag:s20] =	ssyncset.done $0x0  }
0xc4: {  	[sflag:s20] =	ssyncadd.s32 $0xFFFFC000  }
0xc5: {  	[spmem:s4] =	stream.indirect.scatter.add.f32 [tilespmem:s23], [sflag:$0x5], $0x1, s22, s25, $0xb8;
	[tilespmem:$0x1C580] =	vst v63  }
0xc6: {  	p0 =	seq.s32 s14, $0x4E0;
	_ =	swait.ge [sflag:s20], $0x80  }
0xc7: {  	s15 =	simm.s32 @p0 $0x0;
	s18 =	rddreg [dreg:$0x6]  }
0xc8: {  	s12 =	sadd.s32 s18, s15  }
0xc9: {  	[sflag:s20] =	ssyncset.done $0x0;
	s12 =	sshll.u32 s12, $0x4  }
0xca: {  	[sflag:s20] =	ssyncadd.s32 $0xFFFFFF80;
	s19 =	sadd.s32 s6, s12  }
0xcb: {  	[tilespmem:s21], [sflag:$0x3] =	stream.linear.gather [hbm4b:s19+s5], $0x80, $0x38;
	[tilespmem:$0x1C580] =	vst v63  }
0xcc: {  	s15 =	sadd.s32 s7, s12  }
0xcd: {  	[tilespmem:s22], [sflag:$0x3] =	stream.linear.gather [hbm4b:s15+s5], $0x80, $0x38;
	[tilespmem:$0x1C580] =	vst v63  }
0xce: {  	s12 =	sadd.s32 s8, s12  }
0xcf: {  	[tilespmem:s23], [sflag:$0x3] =	stream.linear.gather [hbm4b:s12+s5], $0x80, $0x38;
	[tilespmem:$0x1C580] =	vst v63  }
0xd0: {  	_ =	swait.ge [sflag:s9], $0x2000  }
0xd1: {  	[sflag:s9] =	ssyncset.done $0x0  }
0xd2: {  	[sflag:s9] =	ssyncadd.s32 $0xFFFFE000  }
0xd3: {  	_ =	swait.ge [sflag:s24], $0x80  }
0xd4: {  	[sflag:s24] =	ssyncset.done $0x0  }
0xd5: {  	[sflag:s24] =	ssyncadd.s32 $0xFFFFFF80  }
0xd6: {  	_ =	swait.ge [sflag:s24], $0x80  }
0xd7: {  	[sflag:s24] =	ssyncset.done $0x0  }
0xd8: {  	[sflag:s24] =	ssyncadd.s32 $0xFFFFFF80  }
0xd9: {  	_ =	swait.ge [sflag:s24], $0x80  }
0xda: {  	[sflag:s24] =	ssyncset.done $0x0  }
0xdb: {  	[sflag:s24] =	ssyncadd.s32 $0xFFFFFF80  }
0xdc: {  	[tilespmem:s26], [sflag:$0x1] =	stream.indirect.gather [hbm4b:s1+s25], $0x40, s21, s25, $0xb8;
	[tilespmem:$0x1C580] =	vst v63  }
0xdd: {  	_ = 	snop  }
0xde: {  	[spmem:s3] =	stream.indirect.scatter.add.f32 [tilespmem:s2], [sflag:$0x5], $0x80, s29, s25, $0xb8;
	[tilespmem:$0x1C580] =	vst v63  }
0xdf: {  	_ =	swait.ge [sflag:s20], $0x4000  }
0xe0: {  	[sflag:s20] =	ssyncset.done $0x0  }
0xe1: {  	[sflag:s20] =	ssyncadd.s32 $0xFFFFC000  }
0xe2: {  	[spmem:s4] =	stream.indirect.scatter.add.f32 [tilespmem:s30], [sflag:$0x5], $0x1, s29, s25, $0xb8;
	[tilespmem:$0x1C580] =	vst v63  }
0xe3: {  	_ =	swait.ge [sflag:s20], $0x80  }
0xe4: {  	[sflag:s20] =	ssyncset.done $0x0  }
0xe5: {  	[sflag:s20] =	ssyncadd.s32 $0xFFFFFF80  }
0xe6: {  	_ =	swait.ge [sflag:s31], $0x2000  }
0xe7: {  	[sflag:s31] =	ssyncset.done $0x0  }
0xe8: {  	[sflag:s31] =	ssyncadd.s32 $0xFFFFE000  }
0xe9: {  	[bflag:$0x0] =	sbarrier.arrive $0xFFFF  }
0xea: {  	s16 =	rddreg [dreg:$0x12]  }
0xeb: {  	s17 =	rddreg [dreg:$0x15]  }
0xec: {  	[hbm:s16], [sflag:s11] =	dma.local [spmem:s17], $0x2800  }
0xed: {  	_ =	swait.ge [sflag:s20], $0x2800  }
0xee: {  	[sflag:s20] =	ssyncset.done $0x0  }
0xef: {  	s18 =	rddreg [dreg:$0x13];
	[sflag:s20] =	ssyncadd.s32 $0xFFFFD800  }
0xf0: {  	[hbm:s18], [sflag:s11] =	dma.local [spmem:s13], $0x50  }
0xf1: {  	_ =	swait.ge [sflag:s20], $0x50  }
0xf2: {  	s10 =	sadd.s32 $0x1, s10;
	s19 =	rddreg [dreg:$0x14]  }
0xf3: {  	p0 =	sne.s32 s10, s19  }
.Ltmp1:
0xf4: {  	_ = 	snop;
	(pc) =	sbr.rel @p0 .LBB2_1-.Ltmp1, $3  }
0xf5: {  	_ =	sdelay $0x1  }
0xf6: {  	[sflag:s20] =	ssyncset.done $0x0  }
0xf7: {  	[sflag:s20] =	ssyncadd.s32 $0xFFFFFFB0  }
0xf8: {  	_ =	sfence.sel $0x180000  }
0xf9: {  	[bflag:$0x0] =	sbarrier.arrive $0xFFFF  }
0xfa: {  	_ =	strace $0x90000053  }
0xfb: {  	s0 =	stileid.u32;
	[bflag:$0x2] =	sbarrier.arrive $0xFFFF  }
0xfc: {  	p0 =	sne.s32 s0, $0x0;
	s0 =	rddreg [dreg:$0x5]  }
0xfd: {  	s0 =	sadd.s32 @!p0 $0x100000, s0  }
0xfe: {  	[sflag:s0] =	ssyncadd.tile.s32 @!p0 $0x1;
	_ =	shalt  }
.Lfunc_end2:
_tile_overlayer_lowered:
.L_overlay_start_2:
0xff: {  	(tag) =	ssettag $0x2  }
0x100: {  	s0 =	rddreg [dreg:$0x0];
	s2 =	stileid.u32  }
0x101: {  	s1 =	rddreg [dreg:$0x1];
	p0 =	sne.s32 s2, $0x0  }
0x102: {  	s3 =	rddreg [dreg:$0x2];
	[bflag:$0x3] =	sbarrier.arrive $0xFFFF;
	s2 =	simm.s32 @!p0 $0x1C05  }
0x103: {  	[timem:s3], [sflag:s2] =	dma.local @!p0 [hbm:s0], s1  }
0x104: {  	s0 =	simm.s32 @!p0 $0x5  }
0x105: {  	_ =	swait.ge @!p0 [sflag:s0], s1  }
0x106: {  	s1 =	ssub.s32 @!p0 $0x0, s1;
	[sflag:s0] =	ssyncset.done @!p0 $0x0  }
0x107: {  	[sflag:s0] =	ssyncadd.s32 @!p0 s1  }
0x108: {  	[bflag:$0x3] =	sbarrier.arrive $0xFFFF  }
0x109: {  	_ =	shalt  }

// kernel: kernel.30.cloned.1.call-start
scs
__scs_entry_jumppad:
0x0: {  	(pc) =	sbr.rel $0x88, $3  }
0x1: {  	(tag) =	ssettag $0x0;
	lr =	simm.s32 $0x1  }
0x2: {  	[smem:$0x3F94] =	sst lr;
	_ =	strace $0xD0000000  }
0x3: {  	_ = 	snop  }
0x4: {  	_ = 	snop  }
0x5: {  	_ = 	snop  }
0x6: {  	_ = 	snop  }
0x7: {  	_ = 	snop  }
__scs_overlays_trampoline_lowered:
0x8: {  	[smem:$0x3FA3] =	sst s0  }
0x9: {  	[smem:$0x3FA4] =	sst s1  }
0xa: {  	[smem:$0x3FA5] =	sst s2  }
0xb: {  	[smem:$0x3FA6] =	sst s3  }
0xc: {  	[smem:$0x3FA7] =	sst s4  }
0xd: {  	[smem:$0x3FA8] =	sst s5  }
0xe: {  	[smem:$0x3FA9] =	sst s6  }
0xf: {  	[smem:$0x3FAA] =	sst s7  }
0x10: {  	[smem:$0x3FAB] =	sst s8  }
0x11: {  	[smem:$0x3FAC] =	sst s9;
	s0 =	simm.s32 @!p0 $0x0  }
0x12: {  	s1 =	sld [smem:$0x3F92];
	s0 =	simm.s32 @p0 $0x1  }
0x13: {  	[smem:$0x3FAD] =	sst s0;
	s0 =	simm.s32 @!p1 $0x0  }
0x14: {  	s2 =	sld [smem:$0x3F91];
	s0 =	simm.s32 @p1 $0x1  }
0x15: {  	[smem:$0x3FAE] =	sst s0;
	s0 =	simm.s32 @!p2 $0x0  }
0x16: {  	s3 =	sld [smem:$0x3FDB];
	s0 =	simm.s32 @p2 $0x1  }
0x17: {  	s4 =	simm.s32 $0x1BF5;
	[smem:$0x3FB0] =	sst s0  }
0x18: {  	s0 =	sld [smem:$0x3F93];
	_ =	swait.ge [sflag:s4], $0x0  }
0x19: {  	s7 =	sld [smem:$0x3F94]  }
0x1a: {  	s8 =	sadd.s32 $0xFFFFE003, lr  }
0x1b: {  	s9 =	sadd.s32 $0xFFFFFEF7, lr;
	s5 =	simm.s32 $0xFFFFFFFF;
	p2 =	slt.u32 s8, $0xFFFFF086  }
0x1c: {  	p1 =	slt.u32 s9, $0xF7A;
	s5 =	simm.s32 @!p2 $0x0  }
0x1d: {  	s5 =	simm.s32 @p1 $0x1;
	p0 =	seq.s32 s7, s2  }
0x1e: {  	s7 =	smul.u32 @!p0 $0xF7A, s2;
	p2 =	seq.s32 @!p0 s5, $0x0  }
0x1f: {  	s9 =	smul.u32 $0xF7A, s1;
	s8 =	simm.s32 @!p0 $0x1BF5;
	p2 =	por !p2, p0  }
0x20: {  	[sflag:s8] =	ssyncset.s32 @!p0 $0xFFFFF086;
	s6 =	sadd.s32 @!p0 s3, s7;
	s7 =	simm.s32 @!p0 $0x108  }
0x21: {  	s3 =	sadd.s32 s3, s9;
	s6 =	sadd.s32 @!p0 $0x88, s6;
	s7 =	simm.s32 @p2 $0x1082  }
0x22: {  	[simem:s7], [sflag:s8] =	dma.local @!p0 [hbm:s6], $0xF7A  }
0x23: {  	s9 =	sor.u32 $0xD0000000, s2;
	s6 =	simm.s32 $0x108;
	_ =	swait.ge @!p0 [sflag:s8], $0x0  }
0x24: {  	s3 =	sadd.s32 $0x88, s3;
	s6 =	simm.s32 @!p1 $0x1082;
	[sflag:s4] =	ssyncset.s32 $0xFFFFF086  }
0x25: {  	[simem:s6], [sflag:s4] =	dma.local [hbm:s3], $0xF7A  }
0x26: {  	[smem:$0x3F94] =	sst s1;
	(tag) =	ssettag s2;
	_ =	strace s9  }
0x27: {  	s1 =	sld [smem:$0x3FA4]  }
0x28: {  	s2 =	sld [smem:$0x3FA5]  }
0x29: {  	s4 =	sld [smem:$0x3FA7]  }
0x2a: {  	p0 =	seq.s32 s5, $0x0;
	s5 =	sld [smem:$0x3FA8]  }
0x2b: {  	s6 =	sld [smem:$0x3FA9]  }
0x2c: {  	s7 =	sld [smem:$0x3FAA]  }
0x2d: {  	s3 =	simm.s32 $0x108;
	s8 =	sld [smem:$0x3FAB]  }
0x2e: {  	s3 =	simm.s32 @!p0 $0x1082;
	s9 =	sld [smem:$0x3FAC]  }
0x2f: {  	lr =	sadd.s32 s0, s3;
	s0 =	sld [smem:$0x3FA3]  }
0x30: {  	s3 =	sld [smem:$0x3FA6]  }
0x31: {  	[smem:$0x3FAF] =	sst s10  }
0x32: {  	s10 =	sld [smem:$0x3FAD];
	_ =	sdelay $0x3  }
0x33: {  	p0 =	seq.s32 s10, $0x1;
	s10 =	sld [smem:$0x3FAF];
	_ =	sdelay $0x3  }
0x34: {  	[smem:$0x3FAF] =	sst s10  }
0x35: {  	s10 =	sld [smem:$0x3FAE];
	_ =	sdelay $0x3  }
0x36: {  	p1 =	seq.s32 s10, $0x1;
	s10 =	sld [smem:$0x3FAF];
	_ =	sdelay $0x3  }
0x37: {  	[smem:$0x3FAF] =	sst s10  }
0x38: {  	s10 =	sld [smem:$0x3FB0]  }
0x39: {  	_ = 	snop;
	(pc) =	sbr.ind lr, $3  }
0x3a: {  	_ = 	snop  }
0x3b: {  	_ = 	snop  }
0x3c: {  	p2 =	seq.s32 s10, $0x1;
	s10 =	sld [smem:$0x3FAF]  }
0x3d: {  	_ =	shalt  }
0x3e: {  	_ =	shalt  }
0x3f: {  	_ =	shalt  }
0x40: {  	_ =	shalt  }
0x41: {  	_ =	shalt  }
0x42: {  	_ =	shalt  }
0x43: {  	_ =	shalt  }
0x44: {  	_ =	shalt  }
0x45: {  	_ =	shalt  }
0x46: {  	_ =	shalt  }
0x47: {  	_ =	shalt  }
0x48: {  	_ =	shalt  }
0x49: {  	_ =	shalt  }
0x4a: {  	_ =	shalt  }
0x4b: {  	_ =	shalt  }
0x4c: {  	_ =	shalt  }
0x4d: {  	_ =	shalt  }
0x4e: {  	_ =	shalt  }
0x4f: {  	_ =	shalt  }
0x50: {  	_ =	shalt  }
0x51: {  	_ =	shalt  }
0x52: {  	_ =	shalt  }
0x53: {  	_ =	shalt  }
0x54: {  	_ =	shalt  }
0x55: {  	_ =	shalt  }
0x56: {  	_ =	shalt  }
0x57: {  	_ =	shalt  }
0x58: {  	_ =	shalt  }
0x59: {  	_ =	shalt  }
0x5a: {  	_ =	shalt  }
0x5b: {  	_ =	shalt  }
0x5c: {  	_ =	shalt  }
0x5d: {  	_ =	shalt  }
0x5e: {  	_ =	shalt  }
0x5f: {  	_ =	shalt  }
0x60: {  	_ =	shalt  }
0x61: {  	_ =	shalt  }
0x62: {  	_ =	shalt  }
0x63: {  	_ =	shalt  }
0x64: {  	_ =	shalt  }
0x65: {  	_ =	shalt  }
0x66: {  	_ =	shalt  }
0x67: {  	_ =	shalt  }
0x68: {  	_ =	shalt  }
0x69: {  	_ =	shalt  }
0x6a: {  	_ =	shalt  }
0x6b: {  	_ =	shalt  }
0x6c: {  	_ =	shalt  }
0x6d: {  	_ =	shalt  }
0x6e: {  	_ =	shalt  }
0x6f: {  	_ =	shalt  }
0x70: {  	_ =	shalt  }
0x71: {  	_ =	shalt  }
0x72: {  	_ =	shalt  }
0x73: {  	_ =	shalt  }
0x74: {  	_ =	shalt  }
0x75: {  	_ =	shalt  }
0x76: {  	_ =	shalt  }
0x77: {  	_ =	shalt  }
0x78: {  	_ =	shalt  }
0x79: {  	_ =	shalt  }
0x7a: {  	_ =	shalt  }
0x7b: {  	_ =	shalt  }
0x7c: {  	_ =	shalt  }
0x7d: {  	_ =	shalt  }
0x7e: {  	_ =	shalt  }
0x7f: {  	_ =	shalt  }
0x80: {  	_ =	shalt  }
0x81: {  	_ =	shalt  }
0x82: {  	_ =	shalt  }
0x83: {  	_ =	shalt  }
0x84: {  	_ =	shalt  }
0x85: {  	_ =	shalt  }
0x86: {  	_ =	shalt  }
0x87: {  	_ =	shalt  }
.Lfunc_end0:
.L_simem_size_0:
called_computation.5_lowered:
.L_overlay_start_0:
0x88: {  	s2 =	sld [smem:$0x3FD9]  }
0x89: {  	s3 =	sld [smem:$0x3FFE];
	_ =	sdelay $0x1  }
0x8a: {  	s1 =	srdreg.scid  }
0x8b: {  	s0 =	sand.u32 $0x1, s1  }
0x8c: {  	s14 =	sshll.u32 s0, $0xA;
	s2 =	sadd.s32 s3, s2  }
0x8d: {  	s2 =	sadd.s32 s2, s14  }
0x8e: {  	[smem:$0x3FBB] =	sst s2  }
0x8f: {  	_ = 	snop  }
0x90: {  	s2 =	sld [smem:$0x3FD0];
	_ =	sdelay $0x2  }
0x91: {  	s15 =	simm.s32 $0xA;
	s4 =	simm.s32 $0x10  }
0x92: {  	[smem:s4], [sflag:s15] =	dma.local [hbm:s2], $0x1  }
0x93: {  	_ =	swait.eq [sflag:s15], $0x1  }
0x94: {  	[sflag:s15] =	ssyncset.done $0x0  }
0x95: {  	s16 =	sld [smem:$0x10];
	[sflag:s15] =	ssyncadd.s32 $0xFFFFFFFF  }
0x96: {  	s17 =	sld [smem:$0x11];
	(tm) =	ssettm $0x1  }
0x97: {  	s18 =	sld [smem:$0x3FFB];
	_ =	sdelay $0x3  }
0x98: {  	_ =	strace s18  }
0x99: {  	s4 =	sld [smem:$0x3FFC];
	_ =	sdelay $0x3  }
0x9a: {  	_ =	strace s4  }
0x9b: {  	s4 =	sld [smem:$0x3FFD];
	_ =	sdelay $0x3  }
0x9c: {  	_ =	strace s4  }
0x9d: {  	_ =	strace $0x8FFFFFFF  }
0x9e: {  	s19 =	sld [smem:$0x3FDB];
	_ =	sdelay $0x1  }
0x9f: {  	s5 =	simm.s32 $_scs_section_size  }
0xa0: {  	s6 =	simm.s32 $_size__tile_overlayer_lowered;
	s7 =	simm.s32 $_tile_overlayer_lowered  }
0xa1: {  	s22 =	simm.s32 $0x1BFF;
	s21 =	sshll.u32 s7, $0x1;
	s4 =	sadd.s32 s5, s19  }
0xa2: {  	s8 =	simm.s32 $0x0;
	s20 =	sshll.u32 s6, $0x1;
	s6 =	sadd.s32 s21, s4  }
0xa3: {  	[timem:s8], [sflag:s22] =	dma.local [hbm:s6], s20  }
0xa4: {  	_ =	swait.ge [sflag:s22], s20  }
0xa5: {  	s5 =	ssub.s32 $0x0, s20;
	[sflag:s22] =	ssyncset.done $0x0  }
0xa6: {  	[sflag:s22] =	ssyncadd.s32 s5;
	_ =	sdelay $0x1  }
0xa7: {  	s23 =	simm.s32 $0x1B8B  }
0xa8: {  	_ =	swait.ge [sflag:s23], $0x1  }
0xa9: {  	[sflag:s23] =	ssyncset.done $0x0  }
0xaa: {  	s25 =	simm.s32 $0x1B8E;
	s24 =	sld [smem:$0x3FFE];
	[sflag:s23] =	ssyncadd.s32 $0xFFFFFFFF  }
0xab: {  	s26 =	simm.s32 $execute0_lowered;
	[smem:$0x3FD2] =	sst s25  }
0xac: {  	s6 =	sshll.u32 s26, $0x1;
	_ =	strace $0x80000055;
	[dreg:$0x1] =	wrdreg $0xFFFFFFFF  }
0xad: {  	s28 =	simm.s32 $_size_execute0_lowered;
	s4 =	sadd.s32 s4, s6;
	[dreg:$0x0] =	wrdreg $0x0  }
0xae: {  	s6 =	sshll.u32 s28, $0x1;
	[dreg:$0x2] =	wrdreg s4  }
0xaf: {  	[dreg:$0x3] =	wrdreg s6  }
0xb0: {  	[dreg:$0x4] =	wrdreg $0xC0  }
0xb1: {  	_ =	task [dreg:s8], $0x5FFFF  }
0xb2: {  	[dreg:$0x1] =	wrdreg $0xFFFFFFFF  }
0xb3: {  	[dreg:$0x0] =	wrdreg $0x60  }
0xb4: {  	[dreg:$0x2] =	wrdreg s17  }
0xb5: {  	[dreg:$0x3] =	wrdreg s24  }
0xb6: {  	[dreg:$0x4] =	wrdreg s16  }
0xb7: {  	[dreg:$0x5] =	wrdreg $0x0  }
0xb8: {  	[dreg:$0x6] =	wrdreg $0x140000  }
0xb9: {  	[dreg:$0x7] =	wrdreg $0x9  }
0xba: {  	_ =	task.clear_ibuf [dreg:s8], $0x8FFFF;
	_ =	strace $0x90000055  }
0xbb: {  	s29 =	simm.s32 $0x9;
	_ =	strace $0x80000057  }
0xbc: {  	_ =	swait.ge [sflag:s29], $0x1  }
0xbd: {  	[sflag:s29] =	ssyncadd.s32 $0xFFFFFFFF  }
0xbe: {  	_ =	strace $0x90000057  }
0xbf: {  	_ =	sfence  }
0xc0: {  	s30 =	sld [smem:$0x0];
	_ =	sdelay $0x2  }
0xc1: {  	s31 =	sshll.u32 s1, $0xD;
	s1 =	sshrl.u32 s1, $0x2  }
0xc2: {  	s3 =	sand.u32 $0x4000, s31;
	s1 =	sadd.s32 s1, s30  }
0xc3: {  	s0 =	sor.u32 s3, s0;
	s1 =	sshll.u32 s1, $0x11  }
0xc4: {  	s0 =	sor.u32 s1, s0  }
0xc5: {  	s0 =	sadd.s32 $0x8F2B, s0  }
0xc6: {  	[sflag:s0] =	ssyncadd.remote.s32 $0x1  }
0xc7: {  	_ =	sfence.sel $0xFFFF  }
0xc8: {  	[dreg:$0x0] =	wrdreg $0xFFFFFFFF;
	(pc) =	sbr.abs _section_cstart, $3  }
0xc9: {  	[dreg:$0x1] =	wrdreg $0xFFFFFFFF  }
0xca: {  	_ =	task.clear_ibuf [dreg:s8], $0x2FFFF;
	_ =	strace $0x9FFFFFFF  }
0xcb: {  	(tm) =	ssettm $0x7FFFFFFF  }
tec
execute0_lowered:
.L_overlay_start_1:
0x0: {  	(tag) =	ssettag $0x1  }
0x1: {  	s1 =	rddreg [dreg:$0x0]  }
0x2: {  	s0 =	rddreg [dreg:$0x1]  }
0x3: {  	s2 =	rddreg [dreg:$0x2]  }
0x4: {  	s3 =	rddreg [dreg:$0x3]  }
0x5: {  	s4 =	rddreg [dreg:$0x4];
	s17 =	stileid.u32;
	s5 =	simm.s32 $0x0  }
0x6: {  	s6 =	srdreg.scid;
	s28 =	simm.s32 $0x14300;
	s29 =	simm.s32 $0x14400  }
0x7: {  	s30 =	simm.s32 $0x14500;
	s31 =	simm.s32 $0x1;
	s9 =	smul.u32 $0x14000, s17  }
0x8: {  	[smem:$0x7FF] =	sst s5;
	s10 =	smul.u32 $0x280, s17;
	s12 =	sand.u32 $0x1, s6  }
0x9: {  	s6 =	sadd.s32 $0x12800, s0;
	s7 =	sadd.s32 $0x1C800, s0;
	s8 =	sadd.s32 $0x8800, s0  }
0xa: {  	s21 =	sshll.u32 s17, $0x6;
	_ =	strace $0x80000056;
	s11 =	smul.u32 $0x140000, s12  }
0xb: {  	s15 =	ssub.s32 $0x2, s12;
	s16 =	sshll.u32 s12, $0x4;
	s24 =	smul.u32 $0x2800, s12  }
0xc: {  	s12 =	smul.u32 $0x5000, s12;
	s13 =	sshrl.u32 s9, $0x3;
	s14 =	sshrl.u32 s10, $0x3  }
0xd: {  	s18 =	sshrl.u32 s15, $0x1;
	s19 =	sor.u32 s17, s16;
	s23 =	sadd.s32 s10, s4  }
0xe: {  	s16 =	smul.u32 $0x500, s17;
	s13 =	sadd.s32 s13, s0;
	s11 =	sadd.s32 s9, s11  }
0xf: {  	s14 =	sadd.s32 s14, s0;
	s15 =	ssub.s32 s15, s18;
	s9 =	sadd.s32 s9, s3  }
0x10: {  	s22 =	smul.u32 $0x50, s19;
	[dreg:$0xd] =	wrdreg s23;
	s18 =	sadd.s32 s12, s7  }
0x11: {  	s11 =	sshrl.u32 s11, $0x3;
	[dreg:$0xb] =	wrdreg s9;
	s20 =	sadd.s32 $0x26800, s13  }
0x12: {  	s9 =	smul.u32 $0x500, s19;
	s14 =	sadd.s32 $0x4E800, s14;
	[dreg:$0xc] =	wrdreg s20  }
0x13: {  	s19 =	sadd.s32 s16, s18;
	s0 =	sadd.s32 s11, s0;
	[dreg:$0xe] =	wrdreg s14  }
0x14: {  	s11 =	sor.u32 $0x1C05, s21;
	[dreg:$0x6] =	wrdreg s22;
	s14 =	sadd.s32 s10, s24  }
0x15: {  	s20 =	sadd.s32 s12, s6;
	s21 =	sadd.s32 s12, s8;
	s24 =	smax.u32 s15, $0x1  }
0x16: {  	s10 =	simm.s32 $0x0;
	s25 =	sadd.s32 s6, s9;
	[dreg:$0x14] =	wrdreg s24  }
0x17: {  	s26 =	sadd.s32 s7, s9;
	s9 =	sadd.s32 s8, s9;
	[dreg:$0xf] =	wrdreg s25  }
0x18: {  	s0 =	sadd.s32 $0x4EE00, s0;
	s17 =	sshrl.u32 s14, $0x3;
	[dreg:$0x10] =	wrdreg s26  }
0x19: {  	s23 =	sadd.s32 s16, s21;
	s21 =	simm.s32 $0x14280;
	[dreg:$0x11] =	wrdreg s9  }
0x1a: {  	s24 =	simm.s32 $0x3;
	[dreg:$0x12] =	wrdreg s0;
	s0 =	sadd.s32 s2, s17  }
0x1b: {  	s2 =	sadd.s32 s16, s20;
	s25 =	sadd.s32 $0x10, s23;
	s20 =	simm.s32 $0x5  }
0x1c: {  	s23 =	simm.s32 $0x14480;
	s26 =	simm.s32 $0x16580;
	[dreg:$0x13] =	wrdreg s0  }
0x1d: {  	s9 =	simm.s32 $0x2;
	s0 =	sadd.s32 $0x10, s19;
	[dreg:$0x9] =	wrdreg s25  }
0x1e: {  	s22 =	sadd.s32 $0x10, s2;
	[dreg:$0xa] =	wrdreg s26;
	s25 =	simm.s32 $0x80  }
0x1f: {  	s26 =	simm.s32 $0x14580;
	s2 =	simm.s32 $0x18580;
	[dreg:$0x7] =	wrdreg s0  }
0x20: {  	[dreg:$0x8] =	wrdreg s22;
	s22 =	simm.s32 $0x14380;
	s0 =	simm.s32 $0x4  }
.LBB2_1:
0x21: {  	s12 =	rddreg [dreg:$0xb]  }
0x22: {  	s14 =	rddreg [dreg:$0xc];
	s13 =	sshrl.u32 s12, $0x3  }
0x23: {  	[dreg:$0x15] =	wrdreg s13  }
0x24: {  	[spmem:s13], [sflag:s11] =	dma.local [hbm:s14], $0x2800  }
0x25: {  	_ =	swait.ge [sflag:s20], $0x2800  }
0x26: {  	[sflag:s20] =	ssyncset.done $0x0;
	s15 =	rddreg [dreg:$0xd]  }
0x27: {  	s16 =	rddreg [dreg:$0xe];
	[sflag:s20] =	ssyncadd.s32 $0xFFFFD800;
	s13 =	sshrl.u32 s15, $0x3  }
0x28: {  	[spmem:s13], [sflag:s11] =	dma.local [hbm:s16], $0x50  }
0x29: {  	_ =	swait.ge [sflag:s20], $0x50  }
0x2a: {  	[sflag:s20] =	ssyncset.done $0x0  }
0x2b: {  	[sflag:s20] =	ssyncadd.s32 $0xFFFFFFB0  }
0x2c: {  	[bflag:$0x0] =	sbarrier.arrive $0xFFFF  }
0x2d: {  	s17 =	rddreg [dreg:$0xf]  }
0x2e: {  	[tilespmem:s21], [sflag:$0x3] =	stream.linear.gather [hbm4b:s17+s5], $0x80, $0x38;
	[tilespmem:$0x1C580] =	vst v63  }
0x2f: {  	s18 =	rddreg [dreg:$0x10]  }
0x30: {  	[tilespmem:s22], [sflag:$0x3] =	stream.linear.gather [hbm4b:s18+s5], $0x80, $0x38;
	[tilespmem:$0x1C580] =	vst v63  }
0x31: {  	s19 =	rddreg [dreg:$0x11]  }
0x32: {  	[tilespmem:s23], [sflag:$0x3] =	stream.linear.gather [hbm4b:s19+s5], $0x80, $0x38;
	[tilespmem:$0x1C580] =	vst v63  }
0x33: {  	_ =	swait.ge [sflag:s24], $0x80  }
0x34: {  	[sflag:s24] =	ssyncset.done $0x0  }
0x35: {  	[sflag:s24] =	ssyncadd.s32 $0xFFFFFF80  }
0x36: {  	_ =	swait.ge [sflag:s24], $0x80  }
0x37: {  	[sflag:s24] =	ssyncset.done $0x0  }
0x38: {  	[sflag:s24] =	ssyncadd.s32 $0xFFFFFF80  }
0x39: {  	_ =	swait.ge [sflag:s24], $0x80  }
0x3a: {  	[sflag:s24] =	ssyncset.done $0x0  }
0x3b: {  	s14 =	rddreg [dreg:$0x8];
	[sflag:s24] =	ssyncadd.s32 $0xFFFFFF80  }
0x3c: {  	[tilespmem:s26], [sflag:$0x1] =	stream.indirect.gather [hbm4b:s1+s25], $0x40, s21, s25, $0xb8;
	[tilespmem:$0x1C580] =	vst v63  }
0x3d: {  	s15 =	rddreg [dreg:$0x7];
	s14 =	sadd.s32 $0x0, s14  }
0x3e: {  	[tilespmem:s28], [sflag:$0x4] =	stream.linear.gather [hbm4b:s14+s5], $0x80, $0x38;
	[tilespmem:$0x1C580] =	vst v63  }
0x3f: {  	s16 =	rddreg [dreg:$0x9];
	s12 =	sadd.s32 $0x0, s15  }
0x40: {  	[tilespmem:s29], [sflag:$0x4] =	stream.linear.gather [hbm4b:s12+s5], $0x80, $0x38;
	[tilespmem:$0x1C580] =	vst v63  }
0x41: {  	s15 =	sadd.s32 $0x0, s16  }
0x42: {  	[tilespmem:s30], [sflag:$0x4] =	stream.linear.gather [hbm4b:s15+s5], $0x80, $0x38;
	[tilespmem:$0x1C580] =	vst v63  }
0x43: {  	_ =	swait.ge [sflag:s31], $0x2000  }
0x44: {  	[sflag:s31] =	ssyncset.done $0x0  }
0x45: {  	[sflag:s31] =	ssyncadd.s32 $0xFFFFE000  }
0x46: {  	_ =	swait.ge [sflag:s0], $0x80  }
0x47: {  	[sflag:s0] =	ssyncset.done $0x0  }
0x48: {  	[sflag:s0] =	ssyncadd.s32 $0xFFFFFF80  }
0x49: {  	_ =	swait.ge [sflag:s0], $0x80  }
0x4a: {  	[sflag:s0] =	ssyncset.done $0x0  }
0x4b: {  	[sflag:s0] =	ssyncadd.s32 $0xFFFFFF80  }
0x4c: {  	_ =	swait.ge [sflag:s0], $0x80  }
0x4d: {  	[sflag:s0] =	ssyncset.done $0x0  }
0x4e: {  	s16 =	rddreg [dreg:$0xa];
	[sflag:s0] =	ssyncadd.s32 $0xFFFFFF80  }
0x4f: {  	[tilespmem:s16], [sflag:$0x2] =	stream.indirect.gather [hbm4b:s1+s25], $0x40, s28, s25, $0xb8;
	[tilespmem:$0x1C580] =	vst v63  }
0x50: {  	_ = 	snop  }
0x51: {  	[spmem:s3] =	stream.indirect.scatter.add.f32 [tilespmem:s2], [sflag:$0x5], $0x80, s22, s25, $0xb8;
	[tilespmem:$0x1C580] =	vst v63  }
0x52: {  	_ =	swait.ge [sflag:s20], $0x4000  }
0x53: {  	[sflag:s20] =	ssyncset.done $0x0  }
0x54: {  	[sflag:s20] =	ssyncadd.s32 $0xFFFFC000  }
0x55: {  	[spmem:s4] =	stream.indirect.scatter.add.f32 [tilespmem:s23], [sflag:$0x5], $0x1, s22, s25, $0xb8;
	[tilespmem:$0x1C580] =	vst v63  }
0x56: {  	p0 =	por $0x0, $0x0;
	s15 =	simm.s32 $0x2;
	_ =	swait.ge [sflag:s20], $0x80  }
0x57: {  	s15 =	simm.s32 @p0 $0x0;
	s17 =	rddreg [dreg:$0x6]  }
0x58: {  	s14 =	sadd.s32 s17, s15  }
0x59: {  	[sflag:s20] =	ssyncset.done $0x0;
	s14 =	sshll.u32 s14, $0x4  }
0x5a: {  	[sflag:s20] =	ssyncadd.s32 $0xFFFFFF80;
	s18 =	sadd.s32 s6, s14  }
0x5b: {  	[tilespmem:s21], [sflag:$0x3] =	stream.linear.gather [hbm4b:s18+s5], $0x80, $0x38;
	[tilespmem:$0x1C580] =	vst v63  }
0x5c: {  	s19 =	sadd.s32 s7, s14  }
0x5d: {  	[tilespmem:s22], [sflag:$0x3] =	stream.linear.gather [hbm4b:s19+s5], $0x80, $0x38;
	[tilespmem:$0x1C580] =	vst v63  }
0x5e: {  	s14 =	sadd.s32 s8, s14  }
0x5f: {  	[tilespmem:s23], [sflag:$0x3] =	stream.linear.gather [hbm4b:s14+s5], $0x80, $0x38;
	[tilespmem:$0x1C580] =	vst v63  }
0x60: {  	_ =	swait.ge [sflag:s9], $0x2000  }
0x61: {  	[sflag:s9] =	ssyncset.done $0x0  }
0x62: {  	[sflag:s9] =	ssyncadd.s32 $0xFFFFE000  }
0x63: {  	_ =	swait.ge [sflag:s24], $0x80  }
0x64: {  	[sflag:s24] =	ssyncset.done $0x0  }
0x65: {  	[sflag:s24] =	ssyncadd.s32 $0xFFFFFF80  }
0x66: {  	_ =	swait.ge [sflag:s24], $0x80  }
0x67: {  	[sflag:s24] =	ssyncset.done $0x0  }
0x68: {  	[sflag:s24] =	ssyncadd.s32 $0xFFFFFF80  }
0x69: {  	_ =	swait.ge [sflag:s24], $0x80  }
0x6a: {  	[sflag:s24] =	ssyncset.done $0x0  }
0x6b: {  	[sflag:s24] =	ssyncadd.s32 $0xFFFFFF80  }
0x6c: {  	[tilespmem:s26], [sflag:$0x1] =	stream.indirect.gather [hbm4b:s1+s25], $0x40, s21, s25, $0xb8;
	[tilespmem:$0x1C580] =	vst v63  }
0x6d: {  	_ = 	snop  }
0x6e: {  	[spmem:s3] =	stream.indirect.scatter.add.f32 [tilespmem:s2], [sflag:$0x5], $0x80, s29, s25, $0xb8;
	[tilespmem:$0x1C580] =	vst v63  }
0x6f: {  	_ =	swait.ge [sflag:s20], $0x4000  }
0x70: {  	[sflag:s20] =	ssyncset.done $0x0  }
0x71: {  	[sflag:s20] =	ssyncadd.s32 $0xFFFFC000  }
0x72: {  	[spmem:s4] =	stream.indirect.scatter.add.f32 [tilespmem:s30], [sflag:$0x5], $0x1, s29, s25, $0xb8;
	[tilespmem:$0x1C580] =	vst v63  }
0x73: {  	s16 =	simm.s32 $0x40;
	s15 =	simm.s32 $0x4;
	_ =	swait.ge [sflag:s20], $0x80  }
0x74: {  	s14 =	simm.s32 $0x20;
	s17 =	rddreg [dreg:$0x8];
	[sflag:s20] =	ssyncset.done $0x0  }
.LBB2_2:
0x75: {  	[sflag:s20] =	ssyncadd.s32 $0xFFFFFF80;
	s19 =	rddreg [dreg:$0x7];
	s17 =	sadd.s32 s14, s17  }
0x76: {  	[tilespmem:s28], [sflag:$0x4] =	stream.linear.gather [hbm4b:s17+s5], $0x80, $0x38;
	[tilespmem:$0x1C580] =	vst v63  }
0x77: {  	s12 =	rddreg [dreg:$0x9];
	s19 =	sadd.s32 s14, s19  }
0x78: {  	[tilespmem:s29], [sflag:$0x4] =	stream.linear.gather [hbm4b:s19+s5], $0x80, $0x38;
	[tilespmem:$0x1C580] =	vst v63  }
0x79: {  	s12 =	sadd.s32 s14, s12  }
0x7a: {  	[tilespmem:s30], [sflag:$0x4] =	stream.linear.gather [hbm4b:s12+s5], $0x80, $0x38;
	[tilespmem:$0x1C580] =	vst v63  }
0x7b: {  	_ =	swait.ge [sflag:s31], $0x2000  }
0x7c: {  	[sflag:s31] =	ssyncset.done $0x0  }
0x7d: {  	[sflag:s31] =	ssyncadd.s32 $0xFFFFE000  }
0x7e: {  	_ =	swait.ge [sflag:s0], $0x80  }
0x7f: {  	[sflag:s0] =	ssyncset.done $0x0  }
0x80: {  	[sflag:s0] =	ssyncadd.s32 $0xFFFFFF80  }
0x81: {  	_ =	swait.ge [sflag:s0], $0x80  }
0x82: {  	[sflag:s0] =	ssyncset.done $0x0  }
0x83: {  	[sflag:s0] =	ssyncadd.s32 $0xFFFFFF80  }
0x84: {  	_ =	swait.ge [sflag:s0], $0x80  }
0x85: {  	[sflag:s0] =	ssyncset.done $0x0  }
0x86: {  	s17 =	rddreg [dreg:$0xa];
	[sflag:s0] =	ssyncadd.s32 $0xFFFFFF80  }
0x87: {  	[tilespmem:s17], [sflag:$0x2] =	stream.indirect.gather [hbm4b:s1+s25], $0x40, s28, s25, $0xb8;
	[tilespmem:$0x1C580] =	vst v63  }
0x88: {  	_ = 	snop  }
0x89: {  	[spmem:s3] =	stream.indirect.scatter.add.f32 [tilespmem:s2], [sflag:$0x5], $0x80, s22, s25, $0xb8;
	[tilespmem:$0x1C580] =	vst v63  }
0x8a: {  	_ =	swait.ge [sflag:s20], $0x4000  }
0x8b: {  	[sflag:s20] =	ssyncset.done $0x0  }
0x8c: {  	[sflag:s20] =	ssyncadd.s32 $0xFFFFC000  }
0x8d: {  	[spmem:s4] =	stream.indirect.scatter.add.f32 [tilespmem:s23], [sflag:$0x5], $0x1, s22, s25, $0xb8;
	[tilespmem:$0x1C580] =	vst v63  }
0x8e: {  	p1 =	seq.s32 s14, $0x4E0;
	s17 =	smov.u32 s15;
	_ =	swait.ge [sflag:s20], $0x80  }
0x8f: {  	s17 =	simm.s32 @p1 $0x0;
	s19 =	rddreg [dreg:$0x6]  }
0x90: {  	s12 =	sadd.s32 s19, s17  }
0x91: {  	s18 =	smov.u32 s16;
	[sflag:s20] =	ssyncset.done $0x0;
	s12 =	sshll.u32 s12, $0x4  }
0x92: {  	s14 =	smov.u32 s18;
	[sflag:s20] =	ssyncadd.s32 $0xFFFFFF80;
	s18 =	sadd.s32 s6, s12  }
0x93: {  	[tilespmem:s21], [sflag:$0x3] =	stream.linear.gather [hbm4b:s18+s5], $0x80, $0x38;
	[tilespmem:$0x1C580] =	vst v63  }
0x94: {  	s19 =	sadd.s32 s7, s12  }
0x95: {  	[tilespmem:s22], [sflag:$0x3] =	stream.linear.gather [hbm4b:s19+s5], $0x80, $0x38;
	[tilespmem:$0x1C580] =	vst v63  }
0x96: {  	s12 =	sadd.s32 s8, s12  }
0x97: {  	[tilespmem:s23], [sflag:$0x3] =	stream.linear.gather [hbm4b:s12+s5], $0x80, $0x38;
	[tilespmem:$0x1C580] =	vst v63  }
0x98: {  	_ =	swait.ge [sflag:s9], $0x2000  }
0x99: {  	[sflag:s9] =	ssyncset.done $0x0  }
0x9a: {  	[sflag:s9] =	ssyncadd.s32 $0xFFFFE000  }
0x9b: {  	_ =	swait.ge [sflag:s24], $0x80  }
0x9c: {  	[sflag:s24] =	ssyncset.done $0x0  }
0x9d: {  	[sflag:s24] =	ssyncadd.s32 $0xFFFFFF80  }
0x9e: {  	_ =	swait.ge [sflag:s24], $0x80  }
0x9f: {  	[sflag:s24] =	ssyncset.done $0x0  }
0xa0: {  	[sflag:s24] =	ssyncadd.s32 $0xFFFFFF80  }
0xa1: {  	_ =	swait.ge [sflag:s24], $0x80  }
0xa2: {  	[sflag:s24] =	ssyncset.done $0x0  }
0xa3: {  	[sflag:s24] =	ssyncadd.s32 $0xFFFFFF80  }
0xa4: {  	[tilespmem:s26], [sflag:$0x1] =	stream.indirect.gather [hbm4b:s1+s25], $0x40, s21, s25, $0xb8;
	[tilespmem:$0x1C580] =	vst v63  }
0xa5: {  	_ = 	snop  }
0xa6: {  	[spmem:s3] =	stream.indirect.scatter.add.f32 [tilespmem:s2], [sflag:$0x5], $0x80, s29, s25, $0xb8;
	[tilespmem:$0x1C580] =	vst v63  }
0xa7: {  	p0 =	sne.s32 s16, $0x4E0;
	_ =	swait.ge [sflag:s20], $0x4000  }
.Ltmp0:
0xa8: {  	[sflag:s20] =	ssyncset.done $0x0;
	(pc) =	sbr.rel @p0 .LBB2_2-.Ltmp0, $4  }
0xa9: {  	[sflag:s20] =	ssyncadd.s32 $0xFFFFC000  }
0xaa: {  	[spmem:s4] =	stream.indirect.scatter.add.f32 [tilespmem:s30], [sflag:$0x5], $0x1, s29, s25, $0xb8;
	[tilespmem:$0x1C580] =	vst v63  }
0xab: {  	s16 =	sadd.s32 $0x20, s16;
	_ =	swait.ge [sflag:s20], $0x80  }
0xac: {  	s15 =	sadd.s32 $0x2, s15;
	s17 =	rddreg [dreg:$0x8];
	[sflag:s20] =	ssyncset.done $0x0  }
0xad: {  	[sflag:s20] =	ssyncadd.s32 $0xFFFFFF80;
	s12 =	rddreg [dreg:$0x7];
	s16 =	sadd.s32 s14, s17  }
0xae: {  	[tilespmem:s28], [sflag:$0x4] =	stream.linear.gather [hbm4b:s16+s5], $0x80, $0x38;
	[tilespmem:$0x1C580] =	vst v63  }
0xaf: {  	s19 =	rddreg [dreg:$0x9];
	s12 =	sadd.s32 s14, s12  }
0xb0: {  	[tilespmem:s29], [sflag:$0x4] =	stream.linear.gather [hbm4b:s12+s5], $0x80, $0x38;
	[tilespmem:$0x1C580] =	vst v63  }
0xb1: {  	s16 =	sadd.s32 s14, s19  }
0xb2: {  	[tilespmem:s30], [sflag:$0x4] =	stream.linear.gather [hbm4b:s16+s5], $0x80, $0x38;
	[tilespmem:$0x1C580] =	vst v63  }
0xb3: {  	_ =	swait.ge [sflag:s31], $0x2000  }
0xb4: {  	[sflag:s31] =	ssyncset.done $0x0  }
0xb5: {  	[sflag:s31] =	ssyncadd.s32 $0xFFFFE000  }
0xb6: {  	_ =	swait.ge [sflag:s0], $0x80  }
0xb7: {  	[sflag:s0] =	ssyncset.done $0x0  }
0xb8: {  	[sflag:s0] =	ssyncadd.s32 $0xFFFFFF80  }
0xb9: {  	_ =	swait.ge [sflag:s0], $0x80  }
0xba: {  	[sflag:s0] =	ssyncset.done $0x0  }
0xbb: {  	[sflag:s0] =	ssyncadd.s32 $0xFFFFFF80  }
0xbc: {  	_ =	swait.ge [sflag:s0], $0x80  }
0xbd: {  	[sflag:s0] =	ssyncset.done $0x0  }
0xbe: {  	s17 =	rddreg [dreg:$0xa];
	[sflag:s0] =	ssyncadd.s32 $0xFFFFFF80  }
0xbf: {  	[tilespmem:s17], [sflag:$0x2] =	stream.indirect.gather [hbm4b:s1+s25], $0x40, s28, s25, $0xb8;
	[tilespmem:$0x1C580] =	vst v63  }
0xc0: {  	_ = 	snop  }
0xc1: {  	[spmem:s3] =	stream.indirect.scatter.add.f32 [tilespmem:s2], [sflag:$0x5], $0x80, s22, s25, $0xb8;
	[tilespmem:$0x1C580] =	vst v63  }
0xc2: {  	_ =	swait.ge [sflag:s20], $0x4000  }
0xc3: {  	[sflag:s20] =	ssyncset.done $0x0  }
0xc4: {  	[sflag:s20] =	ssyncadd.s32 $0xFFFFC000  }
0xc5: {  	[spmem:s4] =	stream.indirect.scatter.add.f32 [tilespmem:s23], [sflag:$0x5], $0x1, s22, s25, $0xb8;
	[tilespmem:$0x1C580] =	vst v63  }
0xc6: {  	p0 =	seq.s32 s14, $0x4E0;
	_ =	swait.ge [sflag:s20], $0x80  }
0xc7: {  	s15 =	simm.s32 @p0 $0x0;
	s18 =	rddreg [dreg:$0x6]  }
0xc8: {  	s12 =	sadd.s32 s18, s15  }
0xc9: {  	[sflag:s20] =	ssyncset.done $0x0;
	s12 =	sshll.u32 s12, $0x4  }
0xca: {  	[sflag:s20] =	ssyncadd.s32 $0xFFFFFF80;
	s19 =	sadd.s32 s6, s12  }
0xcb: {  	[tilespmem:s21], [sflag:$0x3] =	stream.linear.gather [hbm4b:s19+s5], $0x80, $0x38;
	[tilespmem:$0x1C580] =	vst v63  }
0xcc: {  	s15 =	sadd.s32 s7, s12  }
0xcd: {  	[tilespmem:s22], [sflag:$0x3] =	stream.linear.gather [hbm4b:s15+s5], $0x80, $0x38;
	[tilespmem:$0x1C580] =	vst v63  }
0xce: {  	s12 =	sadd.s32 s8, s12  }
0xcf: {  	[tilespmem:s23], [sflag:$0x3] =	stream.linear.gather [hbm4b:s12+s5], $0x80, $0x38;
	[tilespmem:$0x1C580] =	vst v63  }
0xd0: {  	_ =	swait.ge [sflag:s9], $0x2000  }
0xd1: {  	[sflag:s9] =	ssyncset.done $0x0  }
0xd2: {  	[sflag:s9] =	ssyncadd.s32 $0xFFFFE000  }
0xd3: {  	_ =	swait.ge [sflag:s24], $0x80  }
0xd4: {  	[sflag:s24] =	ssyncset.done $0x0  }
0xd5: {  	[sflag:s24] =	ssyncadd.s32 $0xFFFFFF80  }
0xd6: {  	_ =	swait.ge [sflag:s24], $0x80  }
0xd7: {  	[sflag:s24] =	ssyncset.done $0x0  }
0xd8: {  	[sflag:s24] =	ssyncadd.s32 $0xFFFFFF80  }
0xd9: {  	_ =	swait.ge [sflag:s24], $0x80  }
0xda: {  	[sflag:s24] =	ssyncset.done $0x0  }
0xdb: {  	[sflag:s24] =	ssyncadd.s32 $0xFFFFFF80  }
0xdc: {  	[tilespmem:s26], [sflag:$0x1] =	stream.indirect.gather [hbm4b:s1+s25], $0x40, s21, s25, $0xb8;
	[tilespmem:$0x1C580] =	vst v63  }
0xdd: {  	_ = 	snop  }
0xde: {  	[spmem:s3] =	stream.indirect.scatter.add.f32 [tilespmem:s2], [sflag:$0x5], $0x80, s29, s25, $0xb8;
	[tilespmem:$0x1C580] =	vst v63  }
0xdf: {  	_ =	swait.ge [sflag:s20], $0x4000  }
0xe0: {  	[sflag:s20] =	ssyncset.done $0x0  }
0xe1: {  	[sflag:s20] =	ssyncadd.s32 $0xFFFFC000  }
0xe2: {  	[spmem:s4] =	stream.indirect.scatter.add.f32 [tilespmem:s30], [sflag:$0x5], $0x1, s29, s25, $0xb8;
	[tilespmem:$0x1C580] =	vst v63  }
0xe3: {  	_ =	swait.ge [sflag:s20], $0x80  }
0xe4: {  	[sflag:s20] =	ssyncset.done $0x0  }
0xe5: {  	[sflag:s20] =	ssyncadd.s32 $0xFFFFFF80  }
0xe6: {  	_ =	swait.ge [sflag:s31], $0x2000  }
0xe7: {  	[sflag:s31] =	ssyncset.done $0x0  }
0xe8: {  	[sflag:s31] =	ssyncadd.s32 $0xFFFFE000  }
0xe9: {  	[bflag:$0x0] =	sbarrier.arrive $0xFFFF  }
0xea: {  	s16 =	rddreg [dreg:$0x12]  }
0xeb: {  	s17 =	rddreg [dreg:$0x15]  }
0xec: {  	[hbm:s16], [sflag:s11] =	dma.local [spmem:s17], $0x2800  }
0xed: {  	_ =	swait.ge [sflag:s20], $0x2800  }
0xee: {  	[sflag:s20] =	ssyncset.done $0x0  }
0xef: {  	s18 =	rddreg [dreg:$0x13];
	[sflag:s20] =	ssyncadd.s32 $0xFFFFD800  }
0xf0: {  	[hbm:s18], [sflag:s11] =	dma.local [spmem:s13], $0x50  }
0xf1: {  	_ =	swait.ge [sflag:s20], $0x50  }
0xf2: {  	s10 =	sadd.s32 $0x1, s10;
	s19 =	rddreg [dreg:$0x14]  }
0xf3: {  	p0 =	sne.s32 s10, s19  }
.Ltmp1:
0xf4: {  	_ = 	snop;
	(pc) =	sbr.rel @p0 .LBB2_1-.Ltmp1, $3  }
0xf5: {  	_ =	sdelay $0x1  }
0xf6: {  	[sflag:s20] =	ssyncset.done $0x0  }
0xf7: {  	[sflag:s20] =	ssyncadd.s32 $0xFFFFFFB0  }
0xf8: {  	_ =	sfence.sel $0x180000  }
0xf9: {  	[bflag:$0x0] =	sbarrier.arrive $0xFFFF  }
0xfa: {  	_ =	strace $0x90000056  }
0xfb: {  	s0 =	stileid.u32;
	[bflag:$0x2] =	sbarrier.arrive $0xFFFF  }
0xfc: {  	p0 =	sne.s32 s0, $0x0;
	s0 =	rddreg [dreg:$0x5]  }
0xfd: {  	s0 =	sadd.s32 @!p0 $0x100000, s0  }
0xfe: {  	[sflag:s0] =	ssyncadd.tile.s32 @!p0 $0x1;
	_ =	shalt  }
.Lfunc_end2:
_tile_overlayer_lowered:
.L_overlay_start_2:
0xff: {  	(tag) =	ssettag $0x2  }
0x100: {  	s0 =	rddreg [dreg:$0x0];
	s2 =	stileid.u32  }
0x101: {  	s1 =	rddreg [dreg:$0x1];
	p0 =	sne.s32 s2, $0x0  }
0x102: {  	s3 =	rddreg [dreg:$0x2];
	[bflag:$0x3] =	sbarrier.arrive $0xFFFF;
	s2 =	simm.s32 @!p0 $0x1C05  }
0x103: {  	[timem:s3], [sflag:s2] =	dma.local @!p0 [hbm:s0], s1  }
0x104: {  	s0 =	simm.s32 @!p0 $0x5  }
0x105: {  	_ =	swait.ge @!p0 [sflag:s0], s1  }
0x106: {  	s1 =	ssub.s32 @!p0 $0x0, s1;
	[sflag:s0] =	ssyncset.done @!p0 $0x0  }
0x107: {  	[sflag:s0] =	ssyncadd.s32 @!p0 s1  }
0x108: {  	[bflag:$0x3] =	sbarrier.arrive $0xFFFF  }
0x109: {  	_ =	shalt  }

</sc_bundles>
